<compile_context>
chip_gen: v7x
topology: tpu7x:2x2x1
jax: 0.10.2.dev20260603
libtpu: 0.0.44.dev20260713+nightly
codegen_flags: <defaults>
</compile_context>

<pallas_src>
import jax
import jax.numpy as jnp
from jax import lax
from jax.experimental import pallas as pl
from jax.experimental.pallas import tpu as pltpu
from jax.experimental.pallas import tpu_sc as plsc

B = 16384
D = 106
NC, NS = 2, 16
NW = NC * NS
RPW = B // NW
LANES = 16
NBATCH = RPW // LANES
TAB_ROWS = 23
EMB = 32
TSTRIDE = 33


def _sc_body(key_hbm, time_hbm, mode_hbm, s0, s1, s2, s3, s4, s5, s6, s7,
             s8, s9, tab_hbm, out_hbm, kv, tv, mv, tab_v, outb, sem):
    wid = lax.axis_index("c") * NS + lax.axis_index("s")
    base = wid * RPW

    c_tab = pltpu.async_copy(tab_hbm, tab_v, sem)
    c_k = pltpu.async_copy(key_hbm.at[pl.ds(base, RPW)], kv, sem)
    c_t = pltpu.async_copy(time_hbm.at[pl.ds(base, RPW)], tv, sem)
    c_m = pltpu.async_copy(mode_hbm.at[pl.ds(base, RPW)], mv, sem)
    scal_copies = []
    for j, s in enumerate((s0, s1, s2, s3, s4, s5, s6, s7, s8, s9)):
        scal_copies.append(pltpu.async_copy(
            s.at[pl.ds(base, RPW)], outb.at[2 * EMB + j], sem))
    c_tab.wait()
    c_k.wait()
    c_t.wait()
    c_m.wait()

    @plsc.parallel_loop(0, NBATCH, 1, unroll=1)
    def batch_k(i):
        b16 = i * LANES
        k = kv[pl.ds(b16, LANES)]
        kidx = jnp.where((k >= -1) & (k <= 11), k + 2, 0)
        kbase = kidx * TSTRIDE
        for c in range(EMB):
            outb[c, pl.ds(b16, LANES)] = plsc.load_gather(
                tab_v, [kbase + c])

    out0 = pltpu.async_copy(outb.at[pl.ds(0, EMB)],
                            out_hbm.at[pl.ds(0, EMB), pl.ds(base, RPW)],
                            sem)

    @plsc.parallel_loop(0, NBATCH, 1, unroll=1)
    def batch_t(i):
        b16 = i * LANES
        t = tv[pl.ds(b16, LANES)]
        tidx = jnp.where((t >= 3) & (t <= 7), t - 2, 0) + 14
        tbase = tidx * TSTRIDE
        for c in range(EMB):
            outb[EMB + c, pl.ds(b16, LANES)] = plsc.load_gather(
                tab_v, [tbase + c])

    out1 = pltpu.async_copy(outb.at[pl.ds(EMB, EMB)],
                            out_hbm.at[pl.ds(EMB, EMB), pl.ds(base, RPW)],
                            sem)

    @plsc.parallel_loop(0, NBATCH, 1, unroll=1)
    def batch_m(i):
        b16 = i * LANES
        m = mv[pl.ds(b16, LANES)]
        midx = jnp.where((m >= 0) & (m <= 1), m + 1, 0) + 20
        mbase = midx * TSTRIDE
        for c in range(EMB):
            outb[2 * EMB + 10 + c, pl.ds(b16, LANES)] = plsc.load_gather(
                tab_v, [mbase + c])

    for c in scal_copies:
        c.wait()
    out2 = pltpu.async_copy(
        outb.at[pl.ds(2 * EMB, D - 2 * EMB)],
        out_hbm.at[pl.ds(2 * EMB, D - 2 * EMB), pl.ds(base, RPW)], sem)
    out0.wait()
    out1.wait()
    out2.wait()


@jax.jit
def _run(key, time_signature, mode, s0, s1, s2, s3, s4, s5, s6, s7, s8, s9,
         tab):
    mesh = plsc.VectorSubcoreMesh(core_axis_name="c", subcore_axis_name="s",
                                  num_cores=NC, num_subcores=NS)
    f = pl.kernel(
        _sc_body,
        out_type=jax.ShapeDtypeStruct((D, B), jnp.float32),
        mesh=mesh,
        compiler_params=pltpu.CompilerParams(use_tc_tiling_on_sc=True,
                                             needs_layout_passes=False),
        scratch_types=(
            [pltpu.VMEM((RPW,), jnp.int32) for _ in range(3)]
            + [pltpu.VMEM((TAB_ROWS * TSTRIDE,), jnp.float32),
               pltpu.VMEM((D, RPW), jnp.float32),
               pltpu.SemaphoreType.DMA]
        ),
    )
    return f(key, time_signature, mode, s0, s1, s2, s3, s4, s5, s6, s7, s8,
             s9, tab).T


def kernel(key, time_signature, mode, danceability, energy, loudness,
           speechiness, acousticness, instrumentalness, liveness, valence,
           tempo, duration_ms, key_table, time_table, mode_table):
    tab = jnp.concatenate([key_table, time_table, mode_table])
    tab = jnp.pad(tab, ((0, 0), (0, TSTRIDE - EMB))).reshape(-1)
    return _run(key.astype(jnp.int32), time_signature.astype(jnp.int32),
                mode.astype(jnp.int32), danceability, energy, loudness,
                speechiness, acousticness, instrumentalness, liveness,
                valence, tempo, duration_ms, tab)

# --- scband reference (transcript-rebuilt; emitter-appended) ---
"""Pipeline reference for scband-song-model-47742856462415 (READ-ONLY COPY).

The authoritative reference and input builder live on the scoring server;
editing this copy changes nothing except your own understanding.
"""

import jax, jax.numpy as jnp
import numpy as np

KEY_VOCAB = jnp.array([-1, 0, 1, 2, 3, 4, 5, 6, 7, 8, 9, 10, 11], dtype=jnp.int64)
TIME_VOCAB = jnp.array([3, 4, 5, 6, 7], dtype=jnp.int64)
MODE_VOCAB = jnp.array([0, 1], dtype=jnp.int64)


def _int_lookup(values, vocab):
    # keras IntegerLookup(mask_token=None): known value -> position+1, OOV -> 0
    pos = jnp.searchsorted(vocab, values)
    pos = jnp.clip(pos, 0, vocab.shape[0] - 1)
    found = vocab[pos] == values
    return jnp.where(found, pos + 1, 0)


def _normalize(x, mean=0.0, var=1.0):
    # keras Normalization (un-adapted defaults): (x - mean) / sqrt(var)
    return ((x - mean) / jnp.sqrt(var)).reshape(-1, 1)


def setup_inputs(seed: int = 0) -> dict:
    key = jax.random.key(seed)
    ks = jax.random.split(key, 20)
    B = 16384
    inp = {}
    inp['key'] = jax.random.randint(ks[0], (B,), 0, 13, dtype=jnp.int32).astype(jnp.int64)
    inp['time_signature'] = jax.random.randint(ks[1], (B,), 0, 8, dtype=jnp.int32).astype(jnp.int64)
    inp['mode'] = jax.random.randint(ks[2], (B,), 0, 2, dtype=jnp.int32).astype(jnp.int64)
    names = ['danceability', 'energy', 'loudness', 'speechiness', 'acousticness',
             'instrumentalness', 'liveness', 'valence', 'tempo', 'duration_ms']
    for i, n in enumerate(names):
        inp[n] = jax.random.normal(ks[3 + i], (B,), dtype=jnp.float32)
    # Embedding tables: len(vocab)+1 rows, dim 32 (keras uniform init approximated)
    inp['key_table'] = jax.random.normal(ks[13], (14, 32), dtype=jnp.float32) * 0.05
    inp['time_table'] = jax.random.normal(ks[14], (6, 32), dtype=jnp.float32) * 0.05
    inp['mode_table'] = jax.random.normal(ks[15], (3, 32), dtype=jnp.float32) * 0.05
    return inp


def reference(key, time_signature, mode,
              danceability, energy, loudness, speechiness, acousticness,
              instrumentalness, liveness, valence, tempo, duration_ms,
              key_table, time_table, mode_table):
    key_idx = _int_lookup(key, KEY_VOCAB)
    time_idx = _int_lookup(time_signature, TIME_VOCAB)
    mode_idx = _int_lookup(mode, MODE_VOCAB)
    key_emb = jnp.take(key_table, key_idx, axis=0)
    time_emb = jnp.take(time_table, time_idx, axis=0)
    mode_emb = jnp.take(mode_table, mode_idx, axis=0)
    out = jnp.concatenate([
        key_emb,
        time_emb,
        _normalize(danceability),
        _normalize(energy),
        _normalize(loudness),
        _normalize(speechiness),
        _normalize(acousticness),
        _normalize(instrumentalness),
        _normalize(liveness),
        _normalize(valence),
        _normalize(tempo),
        _normalize(duration_ms),
        mode_emb,
    ], axis=-1)
    return out

if __name__ == "__main__":
    import jax
    _d = setup_inputs()
    print(jax.jit(kernel)(*tuple(_d.values())))

</pallas_src>

<mosaic_0001>
#map = affine_map<(d0, d1) -> (0)>
#map1 = affine_map<(d0, d1) -> (0, 0)>
module attributes {stable_mosaic.version = 14 : i64} {
  func.func @_sc_body(%arg0: i32, %arg1: i32, %arg2: memref<16384xi32, #tpu.memory_space<hbm>>, %arg3: memref<16384xi32, #tpu.memory_space<hbm>>, %arg4: memref<16384xi32, #tpu.memory_space<hbm>>, %arg5: memref<16384xf32, #tpu.memory_space<hbm>>, %arg6: memref<16384xf32, #tpu.memory_space<hbm>>, %arg7: memref<16384xf32, #tpu.memory_space<hbm>>, %arg8: memref<16384xf32, #tpu.memory_space<hbm>>, %arg9: memref<16384xf32, #tpu.memory_space<hbm>>, %arg10: memref<16384xf32, #tpu.memory_space<hbm>>, %arg11: memref<16384xf32, #tpu.memory_space<hbm>>, %arg12: memref<16384xf32, #tpu.memory_space<hbm>>, %arg13: memref<16384xf32, #tpu.memory_space<hbm>>, %arg14: memref<16384xf32, #tpu.memory_space<hbm>>, %arg15: memref<759xf32, #tpu.memory_space<hbm>>, %arg16: memref<106x16384xf32, #tpu.memory_space<hbm>>, %arg17: memref<512xi32, #tpu.memory_space<vmem>>, %arg18: memref<512xi32, #tpu.memory_space<vmem>>, %arg19: memref<512xi32, #tpu.memory_space<vmem>>, %arg20: memref<759xf32, #tpu.memory_space<vmem>>, %arg21: memref<106x512xf32, #tpu.memory_space<vmem>>, %arg22: memref<!tpu.dma_semaphore, #tpu.memory_space<semaphore_mem>>) attributes {dimension_semantics = [#tpu.dimension_semantics<core_parallel>, #tpu.dimension_semantics<subcore_parallel>], iteration_bounds = array<i64: 2, 16>, scalar_prefetch = 0 : i64, scratch_operands = 6 : i64, tpu.core_type = #tpu.core_type<sc_vector_subcore>, window_params = [{transform_indices = #map}, {transform_indices = #map}, {transform_indices = #map}, {transform_indices = #map}, {transform_indices = #map}, {transform_indices = #map}, {transform_indices = #map}, {transform_indices = #map}, {transform_indices = #map}, {transform_indices = #map}, {transform_indices = #map}, {transform_indices = #map}, {transform_indices = #map}, {transform_indices = #map}, {transform_indices = #map1}]} {
    %mul3A = arith.constant 16 : i32
    %mul3A_0 = arith.muli %arg0, %mul3A : i32
    %add3A = arith.addi %mul3A_0, %arg1 : i32
    %mul3A_1 = arith.constant 512 : i32
    %mul3A_2 = arith.muli %add3A, %mul3A_1 : i32
    tpu.enqueue_dma source(%arg15 : memref<759xf32, #tpu.memory_space<hbm>>) target(%arg20 : memref<759xf32, #tpu.memory_space<vmem>>) target_semaphore(%arg22 : memref<!tpu.dma_semaphore, #tpu.memory_space<semaphore_mem>>)
    %dma_start3A = tpu.memref_slice %arg2[%mul3A_2] : memref<16384xi32, #tpu.memory_space<hbm>> -> memref<512xi32, #tpu.memory_space<hbm>>
    %dma_start3A_3 = tpu.memref_slice %arg2[%mul3A_2] : memref<16384xi32, #tpu.memory_space<hbm>> -> memref<512xi32, #tpu.memory_space<hbm>>
    tpu.enqueue_dma source(%dma_start3A_3 : memref<512xi32, #tpu.memory_space<hbm>>) target(%arg17 : memref<512xi32, #tpu.memory_space<vmem>>) target_semaphore(%arg22 : memref<!tpu.dma_semaphore, #tpu.memory_space<semaphore_mem>>)
    %dma_start3A_4 = tpu.memref_slice %arg3[%mul3A_2] : memref<16384xi32, #tpu.memory_space<hbm>> -> memref<512xi32, #tpu.memory_space<hbm>>
    %dma_start3A_5 = tpu.memref_slice %arg3[%mul3A_2] : memref<16384xi32, #tpu.memory_space<hbm>> -> memref<512xi32, #tpu.memory_space<hbm>>
    tpu.enqueue_dma source(%dma_start3A_5 : memref<512xi32, #tpu.memory_space<hbm>>) target(%arg18 : memref<512xi32, #tpu.memory_space<vmem>>) target_semaphore(%arg22 : memref<!tpu.dma_semaphore, #tpu.memory_space<semaphore_mem>>)
    %dma_start3A_6 = tpu.memref_slice %arg4[%mul3A_2] : memref<16384xi32, #tpu.memory_space<hbm>> -> memref<512xi32, #tpu.memory_space<hbm>>
    %dma_start3A_7 = tpu.memref_slice %arg4[%mul3A_2] : memref<16384xi32, #tpu.memory_space<hbm>> -> memref<512xi32, #tpu.memory_space<hbm>>
    tpu.enqueue_dma source(%dma_start3A_7 : memref<512xi32, #tpu.memory_space<hbm>>) target(%arg19 : memref<512xi32, #tpu.memory_space<vmem>>) target_semaphore(%arg22 : memref<!tpu.dma_semaphore, #tpu.memory_space<semaphore_mem>>)
    %dma_start3A_8 = arith.constant 64 : i32
    %dma_start3A_9 = arith.constant 0 : i32
    %dma_start3A_10 = tpu.memref_slice %arg21[%dma_start3A_8, %dma_start3A_9] : memref<106x512xf32, #tpu.memory_space<vmem>> -> memref<1x512xf32, #tpu.memory_space<vmem>>
    %dma_start3A_11 = tpu.memref_squeeze %dma_start3A_10 : memref<1x512xf32, #tpu.memory_space<vmem>> -> memref<512xf32, #tpu.memory_space<vmem>>
    %dma_start3A_12 = tpu.memref_slice %arg5[%mul3A_2] : memref<16384xf32, #tpu.memory_space<hbm>> -> memref<512xf32, #tpu.memory_space<hbm>>
    %dma_start3A_13 = arith.constant 0 : i32
    %dma_start3A_14 = tpu.memref_slice %arg21[%dma_start3A_8, %dma_start3A_13] : memref<106x512xf32, #tpu.memory_space<vmem>> -> memref<1x512xf32, #tpu.memory_space<vmem>>
    %dma_start3A_15 = tpu.memref_squeeze %dma_start3A_14 : memref<1x512xf32, #tpu.memory_space<vmem>> -> memref<512xf32, #tpu.memory_space<vmem>>
    %dma_start3A_16 = tpu.memref_slice %arg5[%mul3A_2] : memref<16384xf32, #tpu.memory_space<hbm>> -> memref<512xf32, #tpu.memory_space<hbm>>
    tpu.enqueue_dma source(%dma_start3A_16 : memref<512xf32, #tpu.memory_space<hbm>>) target(%dma_start3A_15 : memref<512xf32, #tpu.memory_space<vmem>>) target_semaphore(%arg22 : memref<!tpu.dma_semaphore, #tpu.memory_space<semaphore_mem>>)
    %dma_start3A_17 = arith.constant 65 : i32
    %dma_start3A_18 = arith.constant 0 : i32
    %dma_start3A_19 = tpu.memref_slice %arg21[%dma_start3A_17, %dma_start3A_18] : memref<106x512xf32, #tpu.memory_space<vmem>> -> memref<1x512xf32, #tpu.memory_space<vmem>>
    %dma_start3A_20 = tpu.memref_squeeze %dma_start3A_19 : memref<1x512xf32, #tpu.memory_space<vmem>> -> memref<512xf32, #tpu.memory_space<vmem>>
    %dma_start3A_21 = tpu.memref_slice %arg6[%mul3A_2] : memref<16384xf32, #tpu.memory_space<hbm>> -> memref<512xf32, #tpu.memory_space<hbm>>
    %dma_start3A_22 = arith.constant 0 : i32
    %dma_start3A_23 = tpu.memref_slice %arg21[%dma_start3A_17, %dma_start3A_22] : memref<106x512xf32, #tpu.memory_space<vmem>> -> memref<1x512xf32, #tpu.memory_space<vmem>>
    %dma_start3A_24 = tpu.memref_squeeze %dma_start3A_23 : memref<1x512xf32, #tpu.memory_space<vmem>> -> memref<512xf32, #tpu.memory_space<vmem>>
    %dma_start3A_25 = tpu.memref_slice %arg6[%mul3A_2] : memref<16384xf32, #tpu.memory_space<hbm>> -> memref<512xf32, #tpu.memory_space<hbm>>
    tpu.enqueue_dma source(%dma_start3A_25 : memref<512xf32, #tpu.memory_space<hbm>>) target(%dma_start3A_24 : memref<512xf32, #tpu.memory_space<vmem>>) target_semaphore(%arg22 : memref<!tpu.dma_semaphore, #tpu.memory_space<semaphore_mem>>)
    %dma_start3A_26 = arith.constant 66 : i32
    %dma_start3A_27 = arith.constant 0 : i32
    %dma_start3A_28 = tpu.memref_slice %arg21[%dma_start3A_26, %dma_start3A_27] : memref<106x512xf32, #tpu.memory_space<vmem>> -> memref<1x512xf32, #tpu.memory_space<vmem>>
    %dma_start3A_29 = tpu.memref_squeeze %dma_start3A_28 : memref<1x512xf32, #tpu.memory_space<vmem>> -> memref<512xf32, #tpu.memory_space<vmem>>
    %dma_start3A_30 = tpu.memref_slice %arg7[%mul3A_2] : memref<16384xf32, #tpu.memory_space<hbm>> -> memref<512xf32, #tpu.memory_space<hbm>>
    %dma_start3A_31 = arith.constant 0 : i32
    %dma_start3A_32 = tpu.memref_slice %arg21[%dma_start3A_26, %dma_start3A_31] : memref<106x512xf32, #tpu.memory_space<vmem>> -> memref<1x512xf32, #tpu.memory_space<vmem>>
    %dma_start3A_33 = tpu.memref_squeeze %dma_start3A_32 : memref<1x512xf32, #tpu.memory_space<vmem>> -> memref<512xf32, #tpu.memory_space<vmem>>
    %dma_start3A_34 = tpu.memref_slice %arg7[%mul3A_2] : memref<16384xf32, #tpu.memory_space<hbm>> -> memref<512xf32, #tpu.memory_space<hbm>>
    tpu.enqueue_dma source(%dma_start3A_34 : memref<512xf32, #tpu.memory_space<hbm>>) target(%dma_start3A_33 : memref<512xf32, #tpu.memory_space<vmem>>) target_semaphore(%arg22 : memref<!tpu.dma_semaphore, #tpu.memory_space<semaphore_mem>>)
    %dma_start3A_35 = arith.constant 67 : i32
    %dma_start3A_36 = arith.constant 0 : i32
    %dma_start3A_37 = tpu.memref_slice %arg21[%dma_start3A_35, %dma_start3A_36] : memref<106x512xf32, #tpu.memory_space<vmem>> -> memref<1x512xf32, #tpu.memory_space<vmem>>
    %dma_start3A_38 = tpu.memref_squeeze %dma_start3A_37 : memref<1x512xf32, #tpu.memory_space<vmem>> -> memref<512xf32, #tpu.memory_space<vmem>>
    %dma_start3A_39 = tpu.memref_slice %arg8[%mul3A_2] : memref<16384xf32, #tpu.memory_space<hbm>> -> memref<512xf32, #tpu.memory_space<hbm>>
    %dma_start3A_40 = arith.constant 0 : i32
    %dma_start3A_41 = tpu.memref_slice %arg21[%dma_start3A_35, %dma_start3A_40] : memref<106x512xf32, #tpu.memory_space<vmem>> -> memref<1x512xf32, #tpu.memory_space<vmem>>
    %dma_start3A_42 = tpu.memref_squeeze %dma_start3A_41 : memref<1x512xf32, #tpu.memory_space<vmem>> -> memref<512xf32, #tpu.memory_space<vmem>>
    %dma_start3A_43 = tpu.memref_slice %arg8[%mul3A_2] : memref<16384xf32, #tpu.memory_space<hbm>> -> memref<512xf32, #tpu.memory_space<hbm>>
    tpu.enqueue_dma source(%dma_start3A_43 : memref<512xf32, #tpu.memory_space<hbm>>) target(%dma_start3A_42 : memref<512xf32, #tpu.memory_space<vmem>>) target_semaphore(%arg22 : memref<!tpu.dma_semaphore, #tpu.memory_space<semaphore_mem>>)
    %dma_start3A_44 = arith.constant 68 : i32
    %dma_start3A_45 = arith.constant 0 : i32
    %dma_start3A_46 = tpu.memref_slice %arg21[%dma_start3A_44, %dma_start3A_45] : memref<106x512xf32, #tpu.memory_space<vmem>> -> memref<1x512xf32, #tpu.memory_space<vmem>>
    %dma_start3A_47 = tpu.memref_squeeze %dma_start3A_46 : memref<1x512xf32, #tpu.memory_space<vmem>> -> memref<512xf32, #tpu.memory_space<vmem>>
    %dma_start3A_48 = tpu.memref_slice %arg9[%mul3A_2] : memref<16384xf32, #tpu.memory_space<hbm>> -> memref<512xf32, #tpu.memory_space<hbm>>
    %dma_start3A_49 = arith.constant 0 : i32
    %dma_start3A_50 = tpu.memref_slice %arg21[%dma_start3A_44, %dma_start3A_49] : memref<106x512xf32, #tpu.memory_space<vmem>> -> memref<1x512xf32, #tpu.memory_space<vmem>>
    %dma_start3A_51 = tpu.memref_squeeze %dma_start3A_50 : memref<1x512xf32, #tpu.memory_space<vmem>> -> memref<512xf32, #tpu.memory_space<vmem>>
    %dma_start3A_52 = tpu.memref_slice %arg9[%mul3A_2] : memref<16384xf32, #tpu.memory_space<hbm>> -> memref<512xf32, #tpu.memory_space<hbm>>
    tpu.enqueue_dma source(%dma_start3A_52 : memref<512xf32, #tpu.memory_space<hbm>>) target(%dma_start3A_51 : memref<512xf32, #tpu.memory_space<vmem>>) target_semaphore(%arg22 : memref<!tpu.dma_semaphore, #tpu.memory_space<semaphore_mem>>)
    %dma_start3A_53 = arith.constant 69 : i32
    %dma_start3A_54 = arith.constant 0 : i32
    %dma_start3A_55 = tpu.memref_slice %arg21[%dma_start3A_53, %dma_start3A_54] : memref<106x512xf32, #tpu.memory_space<vmem>> -> memref<1x512xf32, #tpu.memory_space<vmem>>
    %dma_start3A_56 = tpu.memref_squeeze %dma_start3A_55 : memref<1x512xf32, #tpu.memory_space<vmem>> -> memref<512xf32, #tpu.memory_space<vmem>>
    %dma_start3A_57 = tpu.memref_slice %arg10[%mul3A_2] : memref<16384xf32, #tpu.memory_space<hbm>> -> memref<512xf32, #tpu.memory_space<hbm>>
    %dma_start3A_58 = arith.constant 0 : i32
    %dma_start3A_59 = tpu.memref_slice %arg21[%dma_start3A_53, %dma_start3A_58] : memref<106x512xf32, #tpu.memory_space<vmem>> -> memref<1x512xf32, #tpu.memory_space<vmem>>
    %dma_start3A_60 = tpu.memref_squeeze %dma_start3A_59 : memref<1x512xf32, #tpu.memory_space<vmem>> -> memref<512xf32, #tpu.memory_space<vmem>>
    %dma_start3A_61 = tpu.memref_slice %arg10[%mul3A_2] : memref<16384xf32, #tpu.memory_space<hbm>> -> memref<512xf32, #tpu.memory_space<hbm>>
    tpu.enqueue_dma source(%dma_start3A_61 : memref<512xf32, #tpu.memory_space<hbm>>) target(%dma_start3A_60 : memref<512xf32, #tpu.memory_space<vmem>>) target_semaphore(%arg22 : memref<!tpu.dma_semaphore, #tpu.memory_space<semaphore_mem>>)
    %dma_start3A_62 = arith.constant 70 : i32
    %dma_start3A_63 = arith.constant 0 : i32
    %dma_start3A_64 = tpu.memref_slice %arg21[%dma_start3A_62, %dma_start3A_63] : memref<106x512xf32, #tpu.memory_space<vmem>> -> memref<1x512xf32, #tpu.memory_space<vmem>>
    %dma_start3A_65 = tpu.memref_squeeze %dma_start3A_64 : memref<1x512xf32, #tpu.memory_space<vmem>> -> memref<512xf32, #tpu.memory_space<vmem>>
    %dma_start3A_66 = tpu.memref_slice %arg11[%mul3A_2] : memref<16384xf32, #tpu.memory_space<hbm>> -> memref<512xf32, #tpu.memory_space<hbm>>
    %dma_start3A_67 = arith.constant 0 : i32
    %dma_start3A_68 = tpu.memref_slice %arg21[%dma_start3A_62, %dma_start3A_67] : memref<106x512xf32, #tpu.memory_space<vmem>> -> memref<1x512xf32, #tpu.memory_space<vmem>>
    %dma_start3A_69 = tpu.memref_squeeze %dma_start3A_68 : memref<1x512xf32, #tpu.memory_space<vmem>> -> memref<512xf32, #tpu.memory_space<vmem>>
    %dma_start3A_70 = tpu.memref_slice %arg11[%mul3A_2] : memref<16384xf32, #tpu.memory_space<hbm>> -> memref<512xf32, #tpu.memory_space<hbm>>
    tpu.enqueue_dma source(%dma_start3A_70 : memref<512xf32, #tpu.memory_space<hbm>>) target(%dma_start3A_69 : memref<512xf32, #tpu.memory_space<vmem>>) target_semaphore(%arg22 : memref<!tpu.dma_semaphore, #tpu.memory_space<semaphore_mem>>)
    %dma_start3A_71 = arith.constant 71 : i32
    %dma_start3A_72 = arith.constant 0 : i32
    %dma_start3A_73 = tpu.memref_slice %arg21[%dma_start3A_71, %dma_start3A_72] : memref<106x512xf32, #tpu.memory_space<vmem>> -> memref<1x512xf32, #tpu.memory_space<vmem>>
    %dma_start3A_74 = tpu.memref_squeeze %dma_start3A_73 : memref<1x512xf32, #tpu.memory_space<vmem>> -> memref<512xf32, #tpu.memory_space<vmem>>
    %dma_start3A_75 = tpu.memref_slice %arg12[%mul3A_2] : memref<16384xf32, #tpu.memory_space<hbm>> -> memref<512xf32, #tpu.memory_space<hbm>>
    %dma_start3A_76 = arith.constant 0 : i32
    %dma_start3A_77 = tpu.memref_slice %arg21[%dma_start3A_71, %dma_start3A_76] : memref<106x512xf32, #tpu.memory_space<vmem>> -> memref<1x512xf32, #tpu.memory_space<vmem>>
    %dma_start3A_78 = tpu.memref_squeeze %dma_start3A_77 : memref<1x512xf32, #tpu.memory_space<vmem>> -> memref<512xf32, #tpu.memory_space<vmem>>
    %dma_start3A_79 = tpu.memref_slice %arg12[%mul3A_2] : memref<16384xf32, #tpu.memory_space<hbm>> -> memref<512xf32, #tpu.memory_space<hbm>>
    tpu.enqueue_dma source(%dma_start3A_79 : memref<512xf32, #tpu.memory_space<hbm>>) target(%dma_start3A_78 : memref<512xf32, #tpu.memory_space<vmem>>) target_semaphore(%arg22 : memref<!tpu.dma_semaphore, #tpu.memory_space<semaphore_mem>>)
    %dma_start3A_80 = arith.constant 72 : i32
    %dma_start3A_81 = arith.constant 0 : i32
    %dma_start3A_82 = tpu.memref_slice %arg21[%dma_start3A_80, %dma_start3A_81] : memref<106x512xf32, #tpu.memory_space<vmem>> -> memref<1x512xf32, #tpu.memory_space<vmem>>
    %dma_start3A_83 = tpu.memref_squeeze %dma_start3A_82 : memref<1x512xf32, #tpu.memory_space<vmem>> -> memref<512xf32, #tpu.memory_space<vmem>>
    %dma_start3A_84 = tpu.memref_slice %arg13[%mul3A_2] : memref<16384xf32, #tpu.memory_space<hbm>> -> memref<512xf32, #tpu.memory_space<hbm>>
    %dma_start3A_85 = arith.constant 0 : i32
    %dma_start3A_86 = tpu.memref_slice %arg21[%dma_start3A_80, %dma_start3A_85] : memref<106x512xf32, #tpu.memory_space<vmem>> -> memref<1x512xf32, #tpu.memory_space<vmem>>
    %dma_start3A_87 = tpu.memref_squeeze %dma_start3A_86 : memref<1x512xf32, #tpu.memory_space<vmem>> -> memref<512xf32, #tpu.memory_space<vmem>>
    %dma_start3A_88 = tpu.memref_slice %arg13[%mul3A_2] : memref<16384xf32, #tpu.memory_space<hbm>> -> memref<512xf32, #tpu.memory_space<hbm>>
    tpu.enqueue_dma source(%dma_start3A_88 : memref<512xf32, #tpu.memory_space<hbm>>) target(%dma_start3A_87 : memref<512xf32, #tpu.memory_space<vmem>>) target_semaphore(%arg22 : memref<!tpu.dma_semaphore, #tpu.memory_space<semaphore_mem>>)
    %dma_start3A_89 = arith.constant 73 : i32
    %dma_start3A_90 = arith.constant 0 : i32
    %dma_start3A_91 = tpu.memref_slice %arg21[%dma_start3A_89, %dma_start3A_90] : memref<106x512xf32, #tpu.memory_space<vmem>> -> memref<1x512xf32, #tpu.memory_space<vmem>>
    %dma_start3A_92 = tpu.memref_squeeze %dma_start3A_91 : memref<1x512xf32, #tpu.memory_space<vmem>> -> memref<512xf32, #tpu.memory_space<vmem>>
    %dma_start3A_93 = tpu.memref_slice %arg14[%mul3A_2] : memref<16384xf32, #tpu.memory_space<hbm>> -> memref<512xf32, #tpu.memory_space<hbm>>
    %dma_start3A_94 = arith.constant 0 : i32
    %dma_start3A_95 = tpu.memref_slice %arg21[%dma_start3A_89, %dma_start3A_94] : memref<106x512xf32, #tpu.memory_space<vmem>> -> memref<1x512xf32, #tpu.memory_space<vmem>>
    %dma_start3A_96 = tpu.memref_squeeze %dma_start3A_95 : memref<1x512xf32, #tpu.memory_space<vmem>> -> memref<512xf32, #tpu.memory_space<vmem>>
    %dma_start3A_97 = tpu.memref_slice %arg14[%mul3A_2] : memref<16384xf32, #tpu.memory_space<hbm>> -> memref<512xf32, #tpu.memory_space<hbm>>
    tpu.enqueue_dma source(%dma_start3A_97 : memref<512xf32, #tpu.memory_space<hbm>>) target(%dma_start3A_96 : memref<512xf32, #tpu.memory_space<vmem>>) target_semaphore(%arg22 : memref<!tpu.dma_semaphore, #tpu.memory_space<semaphore_mem>>)
    tpu.wait_dma2 semaphore(%arg22 : memref<!tpu.dma_semaphore, #tpu.memory_space<semaphore_mem>>) src(%arg15 : memref<759xf32, #tpu.memory_space<hbm>>) dst(%arg20 : memref<759xf32, #tpu.memory_space<vmem>>)
    %dma_wait3A = tpu.memref_slice %arg2[%mul3A_2] : memref<16384xi32, #tpu.memory_space<hbm>> -> memref<512xi32, #tpu.memory_space<hbm>>
    %dma_wait3A_98 = tpu.memref_slice %arg2[%mul3A_2] : memref<16384xi32, #tpu.memory_space<hbm>> -> memref<512xi32, #tpu.memory_space<hbm>>
    tpu.wait_dma2 semaphore(%arg22 : memref<!tpu.dma_semaphore, #tpu.memory_space<semaphore_mem>>) src(%dma_wait3A_98 : memref<512xi32, #tpu.memory_space<hbm>>) dst(%arg17 : memref<512xi32, #tpu.memory_space<vmem>>)
    %dma_wait3A_99 = tpu.memref_slice %arg3[%mul3A_2] : memref<16384xi32, #tpu.memory_space<hbm>> -> memref<512xi32, #tpu.memory_space<hbm>>
    %dma_wait3A_100 = tpu.memref_slice %arg3[%mul3A_2] : memref<16384xi32, #tpu.memory_space<hbm>> -> memref<512xi32, #tpu.memory_space<hbm>>
    tpu.wait_dma2 semaphore(%arg22 : memref<!tpu.dma_semaphore, #tpu.memory_space<semaphore_mem>>) src(%dma_wait3A_100 : memref<512xi32, #tpu.memory_space<hbm>>) dst(%arg18 : memref<512xi32, #tpu.memory_space<vmem>>)
    %dma_wait3A_101 = tpu.memref_slice %arg4[%mul3A_2] : memref<16384xi32, #tpu.memory_space<hbm>> -> memref<512xi32, #tpu.memory_space<hbm>>
    %dma_wait3A_102 = tpu.memref_slice %arg4[%mul3A_2] : memref<16384xi32, #tpu.memory_space<hbm>> -> memref<512xi32, #tpu.memory_space<hbm>>
    tpu.wait_dma2 semaphore(%arg22 : memref<!tpu.dma_semaphore, #tpu.memory_space<semaphore_mem>>) src(%dma_wait3A_102 : memref<512xi32, #tpu.memory_space<hbm>>) dst(%arg19 : memref<512xi32, #tpu.memory_space<vmem>>)
    %parallel_loop3A = arith.constant 0 : i32
    %parallel_loop3A_103 = arith.constant 32 : i32
    %parallel_loop3A_104 = arith.constant 1 : i32
    scf.for %parallel_loop3A_261 = %parallel_loop3A to %parallel_loop3A_103 step %parallel_loop3A_104  : i32 {
      %parallel_loop3A_262 = arith.constant 16 : i32
      %parallel_loop3A_263 = arith.muli %parallel_loop3A_261, %parallel_loop3A_262 : i32
      %parallel_loop3A_264 = arith.index_cast %parallel_loop3A_263 : i32 to index
      %parallel_loop3A_265 = tpu.vector_load %arg17[%parallel_loop3A_264] {strides = array<i32>} : memref<512xi32, #tpu.memory_space<vmem>>, vector<16xi32>,
      %parallel_loop3A_266 = arith.constant -1 : i32
      %parallel_loop3A_267 = vector.broadcast %parallel_loop3A_266 : i32 to vector<16xi32>
      %parallel_loop3A_268 = arith.cmpi sge, %parallel_loop3A_265, %parallel_loop3A_267 : vector<16xi32>
      %parallel_loop3A_269 = arith.constant 11 : i32
      %parallel_loop3A_270 = vector.broadcast %parallel_loop3A_269 : i32 to vector<16xi32>
      %parallel_loop3A_271 = arith.cmpi sle, %parallel_loop3A_265, %parallel_loop3A_270 : vector<16xi32>
      %parallel_loop3A_272 = arith.andi %parallel_loop3A_268, %parallel_loop3A_271 : vector<16xi1>
      %parallel_loop3A_273 = arith.constant 2 : i32
      %parallel_loop3A_274 = vector.broadcast %parallel_loop3A_273 : i32 to vector<16xi32>
      %parallel_loop3A_275 = arith.addi %parallel_loop3A_265, %parallel_loop3A_274 : vector<16xi32>
      %parallel_loop3A_276 = arith.constant 0 : i32
      %parallel_loop3A_277 = vector.broadcast %parallel_loop3A_276 : i32 to vector<16xi32>
      %parallel_loop3A_278 = arith.select %parallel_loop3A_272, %parallel_loop3A_275, %parallel_loop3A_277 : vector<16xi1>, vector<16xi32>
      %parallel_loop3A_279 = arith.constant 33 : i32
      %parallel_loop3A_280 = vector.broadcast %parallel_loop3A_279 : i32 to vector<16xi32>
      %parallel_loop3A_281 = arith.muli %parallel_loop3A_278, %parallel_loop3A_280 : vector<16xi32>
      %parallel_loop3A_282 = arith.constant 0 : i32
      %parallel_loop3A_283 = vector.broadcast %parallel_loop3A_282 : i32 to vector<16xi32>
      %parallel_loop3A_284 = arith.addi %parallel_loop3A_281, %parallel_loop3A_283 : vector<16xi32>
      %parallel_loop3A_285 = tpu.vector_load_idx %arg20[%parallel_loop3A_284] : memref<759xf32, #tpu.memory_space<vmem>>[vector<16xi32>], vector<16xf32>,
      %parallel_loop3A_286 = arith.constant 0 : i32
      %parallel_loop3A_287 = arith.index_cast %parallel_loop3A_286 : i32 to index
      %parallel_loop3A_288 = arith.index_cast %parallel_loop3A_263 : i32 to index
      %parallel_loop3A_289 = tpu.vector_load %arg21[%parallel_loop3A_287, %parallel_loop3A_288] {strides = array<i32>} : memref<106x512xf32, #tpu.memory_space<vmem>>, vector<16xf32>,
      tpu.vector_store %arg21[%parallel_loop3A_287, %parallel_loop3A_288], %parallel_loop3A_285 {strides = array<i32>} : memref<106x512xf32, #tpu.memory_space<vmem>>, vector<16xf32>,
      %parallel_loop3A_290 = arith.constant 1 : i32
      %parallel_loop3A_291 = vector.broadcast %parallel_loop3A_290 : i32 to vector<16xi32>
      %parallel_loop3A_292 = arith.addi %parallel_loop3A_281, %parallel_loop3A_291 : vector<16xi32>
      %parallel_loop3A_293 = tpu.vector_load_idx %arg20[%parallel_loop3A_292] : memref<759xf32, #tpu.memory_space<vmem>>[vector<16xi32>], vector<16xf32>,
      %parallel_loop3A_294 = arith.constant 1 : i32
      %parallel_loop3A_295 = arith.index_cast %parallel_loop3A_294 : i32 to index
      %parallel_loop3A_296 = arith.index_cast %parallel_loop3A_263 : i32 to index
      %parallel_loop3A_297 = tpu.vector_load %arg21[%parallel_loop3A_295, %parallel_loop3A_296] {strides = array<i32>} : memref<106x512xf32, #tpu.memory_space<vmem>>, vector<16xf32>,
      tpu.vector_store %arg21[%parallel_loop3A_295, %parallel_loop3A_296], %parallel_loop3A_293 {strides = array<i32>} : memref<106x512xf32, #tpu.memory_space<vmem>>, vector<16xf32>,
      %parallel_loop3A_298 = arith.constant 2 : i32
      %parallel_loop3A_299 = vector.broadcast %parallel_loop3A_298 : i32 to vector<16xi32>
      %parallel_loop3A_300 = arith.addi %parallel_loop3A_281, %parallel_loop3A_299 : vector<16xi32>
      %parallel_loop3A_301 = tpu.vector_load_idx %arg20[%parallel_loop3A_300] : memref<759xf32, #tpu.memory_space<vmem>>[vector<16xi32>], vector<16xf32>,
      %parallel_loop3A_302 = arith.constant 2 : i32
      %parallel_loop3A_303 = arith.index_cast %parallel_loop3A_302 : i32 to index
      %parallel_loop3A_304 = arith.index_cast %parallel_loop3A_263 : i32 to index
      %parallel_loop3A_305 = tpu.vector_load %arg21[%parallel_loop3A_303, %parallel_loop3A_304] {strides = array<i32>} : memref<106x512xf32, #tpu.memory_space<vmem>>, vector<16xf32>,
      tpu.vector_store %arg21[%parallel_loop3A_303, %parallel_loop3A_304], %parallel_loop3A_301 {strides = array<i32>} : memref<106x512xf32, #tpu.memory_space<vmem>>, vector<16xf32>,
      %parallel_loop3A_306 = arith.constant 3 : i32
      %parallel_loop3A_307 = vector.broadcast %parallel_loop3A_306 : i32 to vector<16xi32>
      %parallel_loop3A_308 = arith.addi %parallel_loop3A_281, %parallel_loop3A_307 : vector<16xi32>
      %parallel_loop3A_309 = tpu.vector_load_idx %arg20[%parallel_loop3A_308] : memref<759xf32, #tpu.memory_space<vmem>>[vector<16xi32>], vector<16xf32>,
      %parallel_loop3A_310 = arith.constant 3 : i32
      %parallel_loop3A_311 = arith.index_cast %parallel_loop3A_310 : i32 to index
      %parallel_loop3A_312 = arith.index_cast %parallel_loop3A_263 : i32 to index
      %parallel_loop3A_313 = tpu.vector_load %arg21[%parallel_loop3A_311, %parallel_loop3A_312] {strides = array<i32>} : memref<106x512xf32, #tpu.memory_space<vmem>>, vector<16xf32>,
      tpu.vector_store %arg21[%parallel_loop3A_311, %parallel_loop3A_312], %parallel_loop3A_309 {strides = array<i32>} : memref<106x512xf32, #tpu.memory_space<vmem>>, vector<16xf32>,
      %parallel_loop3A_314 = arith.constant 4 : i32
      %parallel_loop3A_315 = vector.broadcast %parallel_loop3A_314 : i32 to vector<16xi32>
      %parallel_loop3A_316 = arith.addi %parallel_loop3A_281, %parallel_loop3A_315 : vector<16xi32>
      %parallel_loop3A_317 = tpu.vector_load_idx %arg20[%parallel_loop3A_316] : memref<759xf32, #tpu.memory_space<vmem>>[vector<16xi32>], vector<16xf32>,
      %parallel_loop3A_318 = arith.constant 4 : i32
      %parallel_loop3A_319 = arith.index_cast %parallel_loop3A_318 : i32 to index
      %parallel_loop3A_320 = arith.index_cast %parallel_loop3A_263 : i32 to index
      %parallel_loop3A_321 = tpu.vector_load %arg21[%parallel_loop3A_319, %parallel_loop3A_320] {strides = array<i32>} : memref<106x512xf32, #tpu.memory_space<vmem>>, vector<16xf32>,
      tpu.vector_store %arg21[%parallel_loop3A_319, %parallel_loop3A_320], %parallel_loop3A_317 {strides = array<i32>} : memref<106x512xf32, #tpu.memory_space<vmem>>, vector<16xf32>,
      %parallel_loop3A_322 = arith.constant 5 : i32
      %parallel_loop3A_323 = vector.broadcast %parallel_loop3A_322 : i32 to vector<16xi32>
      %parallel_loop3A_324 = arith.addi %parallel_loop3A_281, %parallel_loop3A_323 : vector<16xi32>
      %parallel_loop3A_325 = tpu.vector_load_idx %arg20[%parallel_loop3A_324] : memref<759xf32, #tpu.memory_space<vmem>>[vector<16xi32>], vector<16xf32>,
      %parallel_loop3A_326 = arith.constant 5 : i32
      %parallel_loop3A_327 = arith.index_cast %parallel_loop3A_326 : i32 to index
      %parallel_loop3A_328 = arith.index_cast %parallel_loop3A_263 : i32 to index
      %parallel_loop3A_329 = tpu.vector_load %arg21[%parallel_loop3A_327, %parallel_loop3A_328] {strides = array<i32>} : memref<106x512xf32, #tpu.memory_space<vmem>>, vector<16xf32>,
      tpu.vector_store %arg21[%parallel_loop3A_327, %parallel_loop3A_328], %parallel_loop3A_325 {strides = array<i32>} : memref<106x512xf32, #tpu.memory_space<vmem>>, vector<16xf32>,
      %parallel_loop3A_330 = arith.constant 6 : i32
      %parallel_loop3A_331 = vector.broadcast %parallel_loop3A_330 : i32 to vector<16xi32>
      %parallel_loop3A_332 = arith.addi %parallel_loop3A_281, %parallel_loop3A_331 : vector<16xi32>
      %parallel_loop3A_333 = tpu.vector_load_idx %arg20[%parallel_loop3A_332] : memref<759xf32, #tpu.memory_space<vmem>>[vector<16xi32>], vector<16xf32>,
      %parallel_loop3A_334 = arith.constant 6 : i32
      %parallel_loop3A_335 = arith.index_cast %parallel_loop3A_334 : i32 to index
      %parallel_loop3A_336 = arith.index_cast %parallel_loop3A_263 : i32 to index
      %parallel_loop3A_337 = tpu.vector_load %arg21[%parallel_loop3A_335, %parallel_loop3A_336] {strides = array<i32>} : memref<106x512xf32, #tpu.memory_space<vmem>>, vector<16xf32>,
      tpu.vector_store %arg21[%parallel_loop3A_335, %parallel_loop3A_336], %parallel_loop3A_333 {strides = array<i32>} : memref<106x512xf32, #tpu.memory_space<vmem>>, vector<16xf32>,
      %parallel_loop3A_338 = arith.constant 7 : i32
      %parallel_loop3A_339 = vector.broadcast %parallel_loop3A_338 : i32 to vector<16xi32>
      %parallel_loop3A_340 = arith.addi %parallel_loop3A_281, %parallel_loop3A_339 : vector<16xi32>
      %parallel_loop3A_341 = tpu.vector_load_idx %arg20[%parallel_loop3A_340] : memref<759xf32, #tpu.memory_space<vmem>>[vector<16xi32>], vector<16xf32>,
      %parallel_loop3A_342 = arith.constant 7 : i32
      %parallel_loop3A_343 = arith.index_cast %parallel_loop3A_342 : i32 to index
      %parallel_loop3A_344 = arith.index_cast %parallel_loop3A_263 : i32 to index
      %parallel_loop3A_345 = tpu.vector_load %arg21[%parallel_loop3A_343, %parallel_loop3A_344] {strides = array<i32>} : memref<106x512xf32, #tpu.memory_space<vmem>>, vector<16xf32>,
      tpu.vector_store %arg21[%parallel_loop3A_343, %parallel_loop3A_344], %parallel_loop3A_341 {strides = array<i32>} : memref<106x512xf32, #tpu.memory_space<vmem>>, vector<16xf32>,
      %parallel_loop3A_346 = arith.constant 8 : i32
      %parallel_loop3A_347 = vector.broadcast %parallel_loop3A_346 : i32 to vector<16xi32>
      %parallel_loop3A_348 = arith.addi %parallel_loop3A_281, %parallel_loop3A_347 : vector<16xi32>
      %parallel_loop3A_349 = tpu.vector_load_idx %arg20[%parallel_loop3A_348] : memref<759xf32, #tpu.memory_space<vmem>>[vector<16xi32>], vector<16xf32>,
      %parallel_loop3A_350 = arith.constant 8 : i32
      %parallel_loop3A_351 = arith.index_cast %parallel_loop3A_350 : i32 to index
      %parallel_loop3A_352 = arith.index_cast %parallel_loop3A_263 : i32 to index
      %parallel_loop3A_353 = tpu.vector_load %arg21[%parallel_loop3A_351, %parallel_loop3A_352] {strides = array<i32>} : memref<106x512xf32, #tpu.memory_space<vmem>>, vector<16xf32>,
      tpu.vector_store %arg21[%parallel_loop3A_351, %parallel_loop3A_352], %parallel_loop3A_349 {strides = array<i32>} : memref<106x512xf32, #tpu.memory_space<vmem>>, vector<16xf32>,
      %parallel_loop3A_354 = arith.constant 9 : i32
      %parallel_loop3A_355 = vector.broadcast %parallel_loop3A_354 : i32 to vector<16xi32>
      %parallel_loop3A_356 = arith.addi %parallel_loop3A_281, %parallel_loop3A_355 : vector<16xi32>
      %parallel_loop3A_357 = tpu.vector_load_idx %arg20[%parallel_loop3A_356] : memref<759xf32, #tpu.memory_space<vmem>>[vector<16xi32>], vector<16xf32>,
      %parallel_loop3A_358 = arith.constant 9 : i32
      %parallel_loop3A_359 = arith.index_cast %parallel_loop3A_358 : i32 to index
      %parallel_loop3A_360 = arith.index_cast %parallel_loop3A_263 : i32 to index
      %parallel_loop3A_361 = tpu.vector_load %arg21[%parallel_loop3A_359, %parallel_loop3A_360] {strides = array<i32>} : memref<106x512xf32, #tpu.memory_space<vmem>>, vector<16xf32>,
      tpu.vector_store %arg21[%parallel_loop3A_359, %parallel_loop3A_360], %parallel_loop3A_357 {strides = array<i32>} : memref<106x512xf32, #tpu.memory_space<vmem>>, vector<16xf32>,
      %parallel_loop3A_362 = arith.constant 10 : i32
      %parallel_loop3A_363 = vector.broadcast %parallel_loop3A_362 : i32 to vector<16xi32>
      %parallel_loop3A_364 = arith.addi %parallel_loop3A_281, %parallel_loop3A_363 : vector<16xi32>
      %parallel_loop3A_365 = tpu.vector_load_idx %arg20[%parallel_loop3A_364] : memref<759xf32, #tpu.memory_space<vmem>>[vector<16xi32>], vector<16xf32>,
      %parallel_loop3A_366 = arith.constant 10 : i32
      %parallel_loop3A_367 = arith.index_cast %parallel_loop3A_366 : i32 to index
      %parallel_loop3A_368 = arith.index_cast %parallel_loop3A_263 : i32 to index
      %parallel_loop3A_369 = tpu.vector_load %arg21[%parallel_loop3A_367, %parallel_loop3A_368] {strides = array<i32>} : memref<106x512xf32, #tpu.memory_space<vmem>>, vector<16xf32>,
      tpu.vector_store %arg21[%parallel_loop3A_367, %parallel_loop3A_368], %parallel_loop3A_365 {strides = array<i32>} : memref<106x512xf32, #tpu.memory_space<vmem>>, vector<16xf32>,
      %parallel_loop3A_370 = arith.constant 11 : i32
      %parallel_loop3A_371 = vector.broadcast %parallel_loop3A_370 : i32 to vector<16xi32>
      %parallel_loop3A_372 = arith.addi %parallel_loop3A_281, %parallel_loop3A_371 : vector<16xi32>
      %parallel_loop3A_373 = tpu.vector_load_idx %arg20[%parallel_loop3A_372] : memref<759xf32, #tpu.memory_space<vmem>>[vector<16xi32>], vector<16xf32>,
      %parallel_loop3A_374 = arith.constant 11 : i32
      %parallel_loop3A_375 = arith.index_cast %parallel_loop3A_374 : i32 to index
      %parallel_loop3A_376 = arith.index_cast %parallel_loop3A_263 : i32 to index
      %parallel_loop3A_377 = tpu.vector_load %arg21[%parallel_loop3A_375, %parallel_loop3A_376] {strides = array<i32>} : memref<106x512xf32, #tpu.memory_space<vmem>>, vector<16xf32>,
      tpu.vector_store %arg21[%parallel_loop3A_375, %parallel_loop3A_376], %parallel_loop3A_373 {strides = array<i32>} : memref<106x512xf32, #tpu.memory_space<vmem>>, vector<16xf32>,
      %parallel_loop3A_378 = arith.constant 12 : i32
      %parallel_loop3A_379 = vector.broadcast %parallel_loop3A_378 : i32 to vector<16xi32>
      %parallel_loop3A_380 = arith.addi %parallel_loop3A_281, %parallel_loop3A_379 : vector<16xi32>
      %parallel_loop3A_381 = tpu.vector_load_idx %arg20[%parallel_loop3A_380] : memref<759xf32, #tpu.memory_space<vmem>>[vector<16xi32>], vector<16xf32>,
      %parallel_loop3A_382 = arith.constant 12 : i32
      %parallel_loop3A_383 = arith.index_cast %parallel_loop3A_382 : i32 to index
      %parallel_loop3A_384 = arith.index_cast %parallel_loop3A_263 : i32 to index
      %parallel_loop3A_385 = tpu.vector_load %arg21[%parallel_loop3A_383, %parallel_loop3A_384] {strides = array<i32>} : memref<106x512xf32, #tpu.memory_space<vmem>>, vector<16xf32>,
      tpu.vector_store %arg21[%parallel_loop3A_383, %parallel_loop3A_384], %parallel_loop3A_381 {strides = array<i32>} : memref<106x512xf32, #tpu.memory_space<vmem>>, vector<16xf32>,
      %parallel_loop3A_386 = arith.constant 13 : i32
      %parallel_loop3A_387 = vector.broadcast %parallel_loop3A_386 : i32 to vector<16xi32>
      %parallel_loop3A_388 = arith.addi %parallel_loop3A_281, %parallel_loop3A_387 : vector<16xi32>
      %parallel_loop3A_389 = tpu.vector_load_idx %arg20[%parallel_loop3A_388] : memref<759xf32, #tpu.memory_space<vmem>>[vector<16xi32>], vector<16xf32>,
      %parallel_loop3A_390 = arith.constant 13 : i32
      %parallel_loop3A_391 = arith.index_cast %parallel_loop3A_390 : i32 to index
      %parallel_loop3A_392 = arith.index_cast %parallel_loop3A_263 : i32 to index
      %parallel_loop3A_393 = tpu.vector_load %arg21[%parallel_loop3A_391, %parallel_loop3A_392] {strides = array<i32>} : memref<106x512xf32, #tpu.memory_space<vmem>>, vector<16xf32>,
      tpu.vector_store %arg21[%parallel_loop3A_391, %parallel_loop3A_392], %parallel_loop3A_389 {strides = array<i32>} : memref<106x512xf32, #tpu.memory_space<vmem>>, vector<16xf32>,
      %parallel_loop3A_394 = arith.constant 14 : i32
      %parallel_loop3A_395 = vector.broadcast %parallel_loop3A_394 : i32 to vector<16xi32>
      %parallel_loop3A_396 = arith.addi %parallel_loop3A_281, %parallel_loop3A_395 : vector<16xi32>
      %parallel_loop3A_397 = tpu.vector_load_idx %arg20[%parallel_loop3A_396] : memref<759xf32, #tpu.memory_space<vmem>>[vector<16xi32>], vector<16xf32>,
      %parallel_loop3A_398 = arith.constant 14 : i32
      %parallel_loop3A_399 = arith.index_cast %parallel_loop3A_398 : i32 to index
      %parallel_loop3A_400 = arith.index_cast %parallel_loop3A_263 : i32 to index
      %parallel_loop3A_401 = tpu.vector_load %arg21[%parallel_loop3A_399, %parallel_loop3A_400] {strides = array<i32>} : memref<106x512xf32, #tpu.memory_space<vmem>>, vector<16xf32>,
      tpu.vector_store %arg21[%parallel_loop3A_399, %parallel_loop3A_400], %parallel_loop3A_397 {strides = array<i32>} : memref<106x512xf32, #tpu.memory_space<vmem>>, vector<16xf32>,
      %parallel_loop3A_402 = arith.constant 15 : i32
      %parallel_loop3A_403 = vector.broadcast %parallel_loop3A_402 : i32 to vector<16xi32>
      %parallel_loop3A_404 = arith.addi %parallel_loop3A_281, %parallel_loop3A_403 : vector<16xi32>
      %parallel_loop3A_405 = tpu.vector_load_idx %arg20[%parallel_loop3A_404] : memref<759xf32, #tpu.memory_space<vmem>>[vector<16xi32>], vector<16xf32>,
      %parallel_loop3A_406 = arith.constant 15 : i32
      %parallel_loop3A_407 = arith.index_cast %parallel_loop3A_406 : i32 to index
      %parallel_loop3A_408 = arith.index_cast %parallel_loop3A_263 : i32 to index
      %parallel_loop3A_409 = tpu.vector_load %arg21[%parallel_loop3A_407, %parallel_loop3A_408] {strides = array<i32>} : memref<106x512xf32, #tpu.memory_space<vmem>>, vector<16xf32>,
      tpu.vector_store %arg21[%parallel_loop3A_407, %parallel_loop3A_408], %parallel_loop3A_405 {strides = array<i32>} : memref<106x512xf32, #tpu.memory_space<vmem>>, vector<16xf32>,
      %parallel_loop3A_410 = arith.constant 16 : i32
      %parallel_loop3A_411 = vector.broadcast %parallel_loop3A_410 : i32 to vector<16xi32>
      %parallel_loop3A_412 = arith.addi %parallel_loop3A_281, %parallel_loop3A_411 : vector<16xi32>
      %parallel_loop3A_413 = tpu.vector_load_idx %arg20[%parallel_loop3A_412] : memref<759xf32, #tpu.memory_space<vmem>>[vector<16xi32>], vector<16xf32>,
      %parallel_loop3A_414 = arith.constant 16 : i32
      %parallel_loop3A_415 = arith.index_cast %parallel_loop3A_414 : i32 to index
      %parallel_loop3A_416 = arith.index_cast %parallel_loop3A_263 : i32 to index
      %parallel_loop3A_417 = tpu.vector_load %arg21[%parallel_loop3A_415, %parallel_loop3A_416] {strides = array<i32>} : memref<106x512xf32, #tpu.memory_space<vmem>>, vector<16xf32>,
      tpu.vector_store %arg21[%parallel_loop3A_415, %parallel_loop3A_416], %parallel_loop3A_413 {strides = array<i32>} : memref<106x512xf32, #tpu.memory_space<vmem>>, vector<16xf32>,
      %parallel_loop3A_418 = arith.constant 17 : i32
      %parallel_loop3A_419 = vector.broadcast %parallel_loop3A_418 : i32 to vector<16xi32>
      %parallel_loop3A_420 = arith.addi %parallel_loop3A_281, %parallel_loop3A_419 : vector<16xi32>
      %parallel_loop3A_421 = tpu.vector_load_idx %arg20[%parallel_loop3A_420] : memref<759xf32, #tpu.memory_space<vmem>>[vector<16xi32>], vector<16xf32>,
      %parallel_loop3A_422 = arith.constant 17 : i32
      %parallel_loop3A_423 = arith.index_cast %parallel_loop3A_422 : i32 to index
      %parallel_loop3A_424 = arith.index_cast %parallel_loop3A_263 : i32 to index
      %parallel_loop3A_425 = tpu.vector_load %arg21[%parallel_loop3A_423, %parallel_loop3A_424] {strides = array<i32>} : memref<106x512xf32, #tpu.memory_space<vmem>>, vector<16xf32>,
      tpu.vector_store %arg21[%parallel_loop3A_423, %parallel_loop3A_424], %parallel_loop3A_421 {strides = array<i32>} : memref<106x512xf32, #tpu.memory_space<vmem>>, vector<16xf32>,
      %parallel_loop3A_426 = arith.constant 18 : i32
      %parallel_loop3A_427 = vector.broadcast %parallel_loop3A_426 : i32 to vector<16xi32>
      %parallel_loop3A_428 = arith.addi %parallel_loop3A_281, %parallel_loop3A_427 : vector<16xi32>
      %parallel_loop3A_429 = tpu.vector_load_idx %arg20[%parallel_loop3A_428] : memref<759xf32, #tpu.memory_space<vmem>>[vector<16xi32>], vector<16xf32>,
      %parallel_loop3A_430 = arith.constant 18 : i32
      %parallel_loop3A_431 = arith.index_cast %parallel_loop3A_430 : i32 to index
      %parallel_loop3A_432 = arith.index_cast %parallel_loop3A_263 : i32 to index
      %parallel_loop3A_433 = tpu.vector_load %arg21[%parallel_loop3A_431, %parallel_loop3A_432] {strides = array<i32>} : memref<106x512xf32, #tpu.memory_space<vmem>>, vector<16xf32>,
      tpu.vector_store %arg21[%parallel_loop3A_431, %parallel_loop3A_432], %parallel_loop3A_429 {strides = array<i32>} : memref<106x512xf32, #tpu.memory_space<vmem>>, vector<16xf32>,
      %parallel_loop3A_434 = arith.constant 19 : i32
      %parallel_loop3A_435 = vector.broadcast %parallel_loop3A_434 : i32 to vector<16xi32>
      %parallel_loop3A_436 = arith.addi %parallel_loop3A_281, %parallel_loop3A_435 : vector<16xi32>
      %parallel_loop3A_437 = tpu.vector_load_idx %arg20[%parallel_loop3A_436] : memref<759xf32, #tpu.memory_space<vmem>>[vector<16xi32>], vector<16xf32>,
      %parallel_loop3A_438 = arith.constant 19 : i32
      %parallel_loop3A_439 = arith.index_cast %parallel_loop3A_438 : i32 to index
      %parallel_loop3A_440 = arith.index_cast %parallel_loop3A_263 : i32 to index
      %parallel_loop3A_441 = tpu.vector_load %arg21[%parallel_loop3A_439, %parallel_loop3A_440] {strides = array<i32>} : memref<106x512xf32, #tpu.memory_space<vmem>>, vector<16xf32>,
      tpu.vector_store %arg21[%parallel_loop3A_439, %parallel_loop3A_440], %parallel_loop3A_437 {strides = array<i32>} : memref<106x512xf32, #tpu.memory_space<vmem>>, vector<16xf32>,
      %parallel_loop3A_442 = arith.constant 20 : i32
      %parallel_loop3A_443 = vector.broadcast %parallel_loop3A_442 : i32 to vector<16xi32>
      %parallel_loop3A_444 = arith.addi %parallel_loop3A_281, %parallel_loop3A_443 : vector<16xi32>
      %parallel_loop3A_445 = tpu.vector_load_idx %arg20[%parallel_loop3A_444] : memref<759xf32, #tpu.memory_space<vmem>>[vector<16xi32>], vector<16xf32>,
      %parallel_loop3A_446 = arith.constant 20 : i32
      %parallel_loop3A_447 = arith.index_cast %parallel_loop3A_446 : i32 to index
      %parallel_loop3A_448 = arith.index_cast %parallel_loop3A_263 : i32 to index
      %parallel_loop3A_449 = tpu.vector_load %arg21[%parallel_loop3A_447, %parallel_loop3A_448] {strides = array<i32>} : memref<106x512xf32, #tpu.memory_space<vmem>>, vector<16xf32>,
      tpu.vector_store %arg21[%parallel_loop3A_447, %parallel_loop3A_448], %parallel_loop3A_445 {strides = array<i32>} : memref<106x512xf32, #tpu.memory_space<vmem>>, vector<16xf32>,
      %parallel_loop3A_450 = arith.constant 21 : i32
      %parallel_loop3A_451 = vector.broadcast %parallel_loop3A_450 : i32 to vector<16xi32>
      %parallel_loop3A_452 = arith.addi %parallel_loop3A_281, %parallel_loop3A_451 : vector<16xi32>
      %parallel_loop3A_453 = tpu.vector_load_idx %arg20[%parallel_loop3A_452] : memref<759xf32, #tpu.memory_space<vmem>>[vector<16xi32>], vector<16xf32>,
      %parallel_loop3A_454 = arith.constant 21 : i32
      %parallel_loop3A_455 = arith.index_cast %parallel_loop3A_454 : i32 to index
      %parallel_loop3A_456 = arith.index_cast %parallel_loop3A_263 : i32 to index
      %parallel_loop3A_457 = tpu.vector_load %arg21[%parallel_loop3A_455, %parallel_loop3A_456] {strides = array<i32>} : memref<106x512xf32, #tpu.memory_space<vmem>>, vector<16xf32>,
      tpu.vector_store %arg21[%parallel_loop3A_455, %parallel_loop3A_456], %parallel_loop3A_453 {strides = array<i32>} : memref<106x512xf32, #tpu.memory_space<vmem>>, vector<16xf32>,
      %parallel_loop3A_458 = arith.constant 22 : i32
      %parallel_loop3A_459 = vector.broadcast %parallel_loop3A_458 : i32 to vector<16xi32>
      %parallel_loop3A_460 = arith.addi %parallel_loop3A_281, %parallel_loop3A_459 : vector<16xi32>
      %parallel_loop3A_461 = tpu.vector_load_idx %arg20[%parallel_loop3A_460] : memref<759xf32, #tpu.memory_space<vmem>>[vector<16xi32>], vector<16xf32>,
      %parallel_loop3A_462 = arith.constant 22 : i32
      %parallel_loop3A_463 = arith.index_cast %parallel_loop3A_462 : i32 to index
      %parallel_loop3A_464 = arith.index_cast %parallel_loop3A_263 : i32 to index
      %parallel_loop3A_465 = tpu.vector_load %arg21[%parallel_loop3A_463, %parallel_loop3A_464] {strides = array<i32>} : memref<106x512xf32, #tpu.memory_space<vmem>>, vector<16xf32>,
      tpu.vector_store %arg21[%parallel_loop3A_463, %parallel_loop3A_464], %parallel_loop3A_461 {strides = array<i32>} : memref<106x512xf32, #tpu.memory_space<vmem>>, vector<16xf32>,
      %parallel_loop3A_466 = arith.constant 23 : i32
      %parallel_loop3A_467 = vector.broadcast %parallel_loop3A_466 : i32 to vector<16xi32>
      %parallel_loop3A_468 = arith.addi %parallel_loop3A_281, %parallel_loop3A_467 : vector<16xi32>
      %parallel_loop3A_469 = tpu.vector_load_idx %arg20[%parallel_loop3A_468] : memref<759xf32, #tpu.memory_space<vmem>>[vector<16xi32>], vector<16xf32>,
      %parallel_loop3A_470 = arith.constant 23 : i32
      %parallel_loop3A_471 = arith.index_cast %parallel_loop3A_470 : i32 to index
      %parallel_loop3A_472 = arith.index_cast %parallel_loop3A_263 : i32 to index
      %parallel_loop3A_473 = tpu.vector_load %arg21[%parallel_loop3A_471, %parallel_loop3A_472] {strides = array<i32>} : memref<106x512xf32, #tpu.memory_space<vmem>>, vector<16xf32>,
      tpu.vector_store %arg21[%parallel_loop3A_471, %parallel_loop3A_472], %parallel_loop3A_469 {strides = array<i32>} : memref<106x512xf32, #tpu.memory_space<vmem>>, vector<16xf32>,
      %parallel_loop3A_474 = arith.constant 24 : i32
      %parallel_loop3A_475 = vector.broadcast %parallel_loop3A_474 : i32 to vector<16xi32>
      %parallel_loop3A_476 = arith.addi %parallel_loop3A_281, %parallel_loop3A_475 : vector<16xi32>
      %parallel_loop3A_477 = tpu.vector_load_idx %arg20[%parallel_loop3A_476] : memref<759xf32, #tpu.memory_space<vmem>>[vector<16xi32>], vector<16xf32>,
      %parallel_loop3A_478 = arith.constant 24 : i32
      %parallel_loop3A_479 = arith.index_cast %parallel_loop3A_478 : i32 to index
      %parallel_loop3A_480 = arith.index_cast %parallel_loop3A_263 : i32 to index
      %parallel_loop3A_481 = tpu.vector_load %arg21[%parallel_loop3A_479, %parallel_loop3A_480] {strides = array<i32>} : memref<106x512xf32, #tpu.memory_space<vmem>>, vector<16xf32>,
      tpu.vector_store %arg21[%parallel_loop3A_479, %parallel_loop3A_480], %parallel_loop3A_477 {strides = array<i32>} : memref<106x512xf32, #tpu.memory_space<vmem>>, vector<16xf32>,
      %parallel_loop3A_482 = arith.constant 25 : i32
      %parallel_loop3A_483 = vector.broadcast %parallel_loop3A_482 : i32 to vector<16xi32>
      %parallel_loop3A_484 = arith.addi %parallel_loop3A_281, %parallel_loop3A_483 : vector<16xi32>
      %parallel_loop3A_485 = tpu.vector_load_idx %arg20[%parallel_loop3A_484] : memref<759xf32, #tpu.memory_space<vmem>>[vector<16xi32>], vector<16xf32>,
      %parallel_loop3A_486 = arith.constant 25 : i32
      %parallel_loop3A_487 = arith.index_cast %parallel_loop3A_486 : i32 to index
      %parallel_loop3A_488 = arith.index_cast %parallel_loop3A_263 : i32 to index
      %parallel_loop3A_489 = tpu.vector_load %arg21[%parallel_loop3A_487, %parallel_loop3A_488] {strides = array<i32>} : memref<106x512xf32, #tpu.memory_space<vmem>>, vector<16xf32>,
      tpu.vector_store %arg21[%parallel_loop3A_487, %parallel_loop3A_488], %parallel_loop3A_485 {strides = array<i32>} : memref<106x512xf32, #tpu.memory_space<vmem>>, vector<16xf32>,
      %parallel_loop3A_490 = arith.constant 26 : i32
      %parallel_loop3A_491 = vector.broadcast %parallel_loop3A_490 : i32 to vector<16xi32>
      %parallel_loop3A_492 = arith.addi %parallel_loop3A_281, %parallel_loop3A_491 : vector<16xi32>
      %parallel_loop3A_493 = tpu.vector_load_idx %arg20[%parallel_loop3A_492] : memref<759xf32, #tpu.memory_space<vmem>>[vector<16xi32>], vector<16xf32>,
      %parallel_loop3A_494 = arith.constant 26 : i32
      %parallel_loop3A_495 = arith.index_cast %parallel_loop3A_494 : i32 to index
      %parallel_loop3A_496 = arith.index_cast %parallel_loop3A_263 : i32 to index
      %parallel_loop3A_497 = tpu.vector_load %arg21[%parallel_loop3A_495, %parallel_loop3A_496] {strides = array<i32>} : memref<106x512xf32, #tpu.memory_space<vmem>>, vector<16xf32>,
      tpu.vector_store %arg21[%parallel_loop3A_495, %parallel_loop3A_496], %parallel_loop3A_493 {strides = array<i32>} : memref<106x512xf32, #tpu.memory_space<vmem>>, vector<16xf32>,
      %parallel_loop3A_498 = arith.constant 27 : i32
      %parallel_loop3A_499 = vector.broadcast %parallel_loop3A_498 : i32 to vector<16xi32>
      %parallel_loop3A_500 = arith.addi %parallel_loop3A_281, %parallel_loop3A_499 : vector<16xi32>
      %parallel_loop3A_501 = tpu.vector_load_idx %arg20[%parallel_loop3A_500] : memref<759xf32, #tpu.memory_space<vmem>>[vector<16xi32>], vector<16xf32>,
      %parallel_loop3A_502 = arith.constant 27 : i32
      %parallel_loop3A_503 = arith.index_cast %parallel_loop3A_502 : i32 to index
      %parallel_loop3A_504 = arith.index_cast %parallel_loop3A_263 : i32 to index
      %parallel_loop3A_505 = tpu.vector_load %arg21[%parallel_loop3A_503, %parallel_loop3A_504] {strides = array<i32>} : memref<106x512xf32, #tpu.memory_space<vmem>>, vector<16xf32>,
      tpu.vector_store %arg21[%parallel_loop3A_503, %parallel_loop3A_504], %parallel_loop3A_501 {strides = array<i32>} : memref<106x512xf32, #tpu.memory_space<vmem>>, vector<16xf32>,
      %parallel_loop3A_506 = arith.constant 28 : i32
      %parallel_loop3A_507 = vector.broadcast %parallel_loop3A_506 : i32 to vector<16xi32>
      %parallel_loop3A_508 = arith.addi %parallel_loop3A_281, %parallel_loop3A_507 : vector<16xi32>
      %parallel_loop3A_509 = tpu.vector_load_idx %arg20[%parallel_loop3A_508] : memref<759xf32, #tpu.memory_space<vmem>>[vector<16xi32>], vector<16xf32>,
      %parallel_loop3A_510 = arith.constant 28 : i32
      %parallel_loop3A_511 = arith.index_cast %parallel_loop3A_510 : i32 to index
      %parallel_loop3A_512 = arith.index_cast %parallel_loop3A_263 : i32 to index
      %parallel_loop3A_513 = tpu.vector_load %arg21[%parallel_loop3A_511, %parallel_loop3A_512] {strides = array<i32>} : memref<106x512xf32, #tpu.memory_space<vmem>>, vector<16xf32>,
      tpu.vector_store %arg21[%parallel_loop3A_511, %parallel_loop3A_512], %parallel_loop3A_509 {strides = array<i32>} : memref<106x512xf32, #tpu.memory_space<vmem>>, vector<16xf32>,
      %parallel_loop3A_514 = arith.constant 29 : i32
      %parallel_loop3A_515 = vector.broadcast %parallel_loop3A_514 : i32 to vector<16xi32>
      %parallel_loop3A_516 = arith.addi %parallel_loop3A_281, %parallel_loop3A_515 : vector<16xi32>
      %parallel_loop3A_517 = tpu.vector_load_idx %arg20[%parallel_loop3A_516] : memref<759xf32, #tpu.memory_space<vmem>>[vector<16xi32>], vector<16xf32>,
      %parallel_loop3A_518 = arith.constant 29 : i32
      %parallel_loop3A_519 = arith.index_cast %parallel_loop3A_518 : i32 to index
      %parallel_loop3A_520 = arith.index_cast %parallel_loop3A_263 : i32 to index
      %parallel_loop3A_521 = tpu.vector_load %arg21[%parallel_loop3A_519, %parallel_loop3A_520] {strides = array<i32>} : memref<106x512xf32, #tpu.memory_space<vmem>>, vector<16xf32>,
      tpu.vector_store %arg21[%parallel_loop3A_519, %parallel_loop3A_520], %parallel_loop3A_517 {strides = array<i32>} : memref<106x512xf32, #tpu.memory_space<vmem>>, vector<16xf32>,
      %parallel_loop3A_522 = arith.constant 30 : i32
      %parallel_loop3A_523 = vector.broadcast %parallel_loop3A_522 : i32 to vector<16xi32>
      %parallel_loop3A_524 = arith.addi %parallel_loop3A_281, %parallel_loop3A_523 : vector<16xi32>
      %parallel_loop3A_525 = tpu.vector_load_idx %arg20[%parallel_loop3A_524] : memref<759xf32, #tpu.memory_space<vmem>>[vector<16xi32>], vector<16xf32>,
      %parallel_loop3A_526 = arith.constant 30 : i32
      %parallel_loop3A_527 = arith.index_cast %parallel_loop3A_526 : i32 to index
      %parallel_loop3A_528 = arith.index_cast %parallel_loop3A_263 : i32 to index
      %parallel_loop3A_529 = tpu.vector_load %arg21[%parallel_loop3A_527, %parallel_loop3A_528] {strides = array<i32>} : memref<106x512xf32, #tpu.memory_space<vmem>>, vector<16xf32>,
      tpu.vector_store %arg21[%parallel_loop3A_527, %parallel_loop3A_528], %parallel_loop3A_525 {strides = array<i32>} : memref<106x512xf32, #tpu.memory_space<vmem>>, vector<16xf32>,
      %parallel_loop3A_530 = arith.constant 31 : i32
      %parallel_loop3A_531 = vector.broadcast %parallel_loop3A_530 : i32 to vector<16xi32>
      %parallel_loop3A_532 = arith.addi %parallel_loop3A_281, %parallel_loop3A_531 : vector<16xi32>
      %parallel_loop3A_533 = tpu.vector_load_idx %arg20[%parallel_loop3A_532] : memref<759xf32, #tpu.memory_space<vmem>>[vector<16xi32>], vector<16xf32>,
      %parallel_loop3A_534 = arith.constant 31 : i32
      %parallel_loop3A_535 = arith.index_cast %parallel_loop3A_534 : i32 to index
      %parallel_loop3A_536 = arith.index_cast %parallel_loop3A_263 : i32 to index
      %parallel_loop3A_537 = tpu.vector_load %arg21[%parallel_loop3A_535, %parallel_loop3A_536] {strides = array<i32>} : memref<106x512xf32, #tpu.memory_space<vmem>>, vector<16xf32>,
      tpu.vector_store %arg21[%parallel_loop3A_535, %parallel_loop3A_536], %parallel_loop3A_533 {strides = array<i32>} : memref<106x512xf32, #tpu.memory_space<vmem>>, vector<16xf32>,
    } {sc.loop_unroll_factor = 1 : i64, sc.parallel_access}
    %dma_start3A_105 = arith.constant 0 : i32
    %dma_start3A_106 = arith.constant 0 : i32
    %dma_start3A_107 = tpu.memref_slice %arg21[%dma_start3A_105, %dma_start3A_106] : memref<106x512xf32, #tpu.memory_space<vmem>> -> memref<32x512xf32, #tpu.memory_space<vmem>>
    %dma_start3A_108 = arith.constant 0 : i32
    %dma_start3A_109 = tpu.memref_slice %arg16[%dma_start3A_108, %mul3A_2] : memref<106x16384xf32, #tpu.memory_space<hbm>> -> memref<32x512xf32, #tpu.memory_space<hbm>>
    %dma_start3A_110 = arith.constant 0 : i32
    %dma_start3A_111 = tpu.memref_slice %arg16[%dma_start3A_110, %mul3A_2] : memref<106x16384xf32, #tpu.memory_space<hbm>> -> memref<32x512xf32, #tpu.memory_space<hbm>>
    %dma_start3A_112 = arith.constant 0 : i32
    %dma_start3A_113 = arith.constant 0 : i32
    %dma_start3A_114 = tpu.memref_slice %arg21[%dma_start3A_112, %dma_start3A_113] : memref<106x512xf32, #tpu.memory_space<vmem>> -> memref<32x512xf32, #tpu.memory_space<vmem>>
    tpu.enqueue_dma source(%dma_start3A_114 : memref<32x512xf32, #tpu.memory_space<vmem>>) target(%dma_start3A_111 : memref<32x512xf32, #tpu.memory_space<hbm>>) target_semaphore(%arg22 : memref<!tpu.dma_semaphore, #tpu.memory_space<semaphore_mem>>)
    %parallel_loop3A_115 = arith.constant 0 : i32
    %parallel_loop3A_116 = arith.constant 32 : i32
    %parallel_loop3A_117 = arith.constant 1 : i32
    scf.for %parallel_loop3A_261 = %parallel_loop3A_115 to %parallel_loop3A_116 step %parallel_loop3A_117  : i32 {
      %parallel_loop3A_262 = arith.constant 16 : i32
      %parallel_loop3A_263 = arith.muli %parallel_loop3A_261, %parallel_loop3A_262 : i32
      %parallel_loop3A_264 = arith.index_cast %parallel_loop3A_263 : i32 to index
      %parallel_loop3A_265 = tpu.vector_load %arg18[%parallel_loop3A_264] {strides = array<i32>} : memref<512xi32, #tpu.memory_space<vmem>>, vector<16xi32>,
      %parallel_loop3A_266 = arith.constant 3 : i32
      %parallel_loop3A_267 = vector.broadcast %parallel_loop3A_266 : i32 to vector<16xi32>
      %parallel_loop3A_268 = arith.cmpi sge, %parallel_loop3A_265, %parallel_loop3A_267 : vector<16xi32>
      %parallel_loop3A_269 = arith.constant 7 : i32
      %parallel_loop3A_270 = vector.broadcast %parallel_loop3A_269 : i32 to vector<16xi32>
      %parallel_loop3A_271 = arith.cmpi sle, %parallel_loop3A_265, %parallel_loop3A_270 : vector<16xi32>
      %parallel_loop3A_272 = arith.andi %parallel_loop3A_268, %parallel_loop3A_271 : vector<16xi1>
      %parallel_loop3A_273 = arith.constant 2 : i32
      %parallel_loop3A_274 = vector.broadcast %parallel_loop3A_273 : i32 to vector<16xi32>
      %parallel_loop3A_275 = arith.subi %parallel_loop3A_265, %parallel_loop3A_274 : vector<16xi32>
      %parallel_loop3A_276 = arith.constant 0 : i32
      %parallel_loop3A_277 = vector.broadcast %parallel_loop3A_276 : i32 to vector<16xi32>
      %parallel_loop3A_278 = arith.select %parallel_loop3A_272, %parallel_loop3A_275, %parallel_loop3A_277 : vector<16xi1>, vector<16xi32>
      %parallel_loop3A_279 = arith.constant 14 : i32
      %parallel_loop3A_280 = vector.broadcast %parallel_loop3A_279 : i32 to vector<16xi32>
      %parallel_loop3A_281 = arith.addi %parallel_loop3A_278, %parallel_loop3A_280 : vector<16xi32>
      %parallel_loop3A_282 = arith.constant 33 : i32
      %parallel_loop3A_283 = vector.broadcast %parallel_loop3A_282 : i32 to vector<16xi32>
      %parallel_loop3A_284 = arith.muli %parallel_loop3A_281, %parallel_loop3A_283 : vector<16xi32>
      %parallel_loop3A_285 = arith.constant 0 : i32
      %parallel_loop3A_286 = vector.broadcast %parallel_loop3A_285 : i32 to vector<16xi32>
      %parallel_loop3A_287 = arith.addi %parallel_loop3A_284, %parallel_loop3A_286 : vector<16xi32>
      %parallel_loop3A_288 = tpu.vector_load_idx %arg20[%parallel_loop3A_287] : memref<759xf32, #tpu.memory_space<vmem>>[vector<16xi32>], vector<16xf32>,
      %parallel_loop3A_289 = arith.constant 32 : i32
      %parallel_loop3A_290 = arith.index_cast %parallel_loop3A_289 : i32 to index
      %parallel_loop3A_291 = arith.index_cast %parallel_loop3A_263 : i32 to index
      %parallel_loop3A_292 = tpu.vector_load %arg21[%parallel_loop3A_290, %parallel_loop3A_291] {strides = array<i32>} : memref<106x512xf32, #tpu.memory_space<vmem>>, vector<16xf32>,
      tpu.vector_store %arg21[%parallel_loop3A_290, %parallel_loop3A_291], %parallel_loop3A_288 {strides = array<i32>} : memref<106x512xf32, #tpu.memory_space<vmem>>, vector<16xf32>,
      %parallel_loop3A_293 = arith.constant 1 : i32
      %parallel_loop3A_294 = vector.broadcast %parallel_loop3A_293 : i32 to vector<16xi32>
      %parallel_loop3A_295 = arith.addi %parallel_loop3A_284, %parallel_loop3A_294 : vector<16xi32>
      %parallel_loop3A_296 = tpu.vector_load_idx %arg20[%parallel_loop3A_295] : memref<759xf32, #tpu.memory_space<vmem>>[vector<16xi32>], vector<16xf32>,
      %parallel_loop3A_297 = arith.constant 33 : i32
      %parallel_loop3A_298 = arith.index_cast %parallel_loop3A_297 : i32 to index
      %parallel_loop3A_299 = arith.index_cast %parallel_loop3A_263 : i32 to index
      %parallel_loop3A_300 = tpu.vector_load %arg21[%parallel_loop3A_298, %parallel_loop3A_299] {strides = array<i32>} : memref<106x512xf32, #tpu.memory_space<vmem>>, vector<16xf32>,
      tpu.vector_store %arg21[%parallel_loop3A_298, %parallel_loop3A_299], %parallel_loop3A_296 {strides = array<i32>} : memref<106x512xf32, #tpu.memory_space<vmem>>, vector<16xf32>,
      %parallel_loop3A_301 = arith.constant 2 : i32
      %parallel_loop3A_302 = vector.broadcast %parallel_loop3A_301 : i32 to vector<16xi32>
      %parallel_loop3A_303 = arith.addi %parallel_loop3A_284, %parallel_loop3A_302 : vector<16xi32>
      %parallel_loop3A_304 = tpu.vector_load_idx %arg20[%parallel_loop3A_303] : memref<759xf32, #tpu.memory_space<vmem>>[vector<16xi32>], vector<16xf32>,
      %parallel_loop3A_305 = arith.constant 34 : i32
      %parallel_loop3A_306 = arith.index_cast %parallel_loop3A_305 : i32 to index
      %parallel_loop3A_307 = arith.index_cast %parallel_loop3A_263 : i32 to index
      %parallel_loop3A_308 = tpu.vector_load %arg21[%parallel_loop3A_306, %parallel_loop3A_307] {strides = array<i32>} : memref<106x512xf32, #tpu.memory_space<vmem>>, vector<16xf32>,
      tpu.vector_store %arg21[%parallel_loop3A_306, %parallel_loop3A_307], %parallel_loop3A_304 {strides = array<i32>} : memref<106x512xf32, #tpu.memory_space<vmem>>, vector<16xf32>,
      %parallel_loop3A_309 = arith.constant 3 : i32
      %parallel_loop3A_310 = vector.broadcast %parallel_loop3A_309 : i32 to vector<16xi32>
      %parallel_loop3A_311 = arith.addi %parallel_loop3A_284, %parallel_loop3A_310 : vector<16xi32>
      %parallel_loop3A_312 = tpu.vector_load_idx %arg20[%parallel_loop3A_311] : memref<759xf32, #tpu.memory_space<vmem>>[vector<16xi32>], vector<16xf32>,
      %parallel_loop3A_313 = arith.constant 35 : i32
      %parallel_loop3A_314 = arith.index_cast %parallel_loop3A_313 : i32 to index
      %parallel_loop3A_315 = arith.index_cast %parallel_loop3A_263 : i32 to index
      %parallel_loop3A_316 = tpu.vector_load %arg21[%parallel_loop3A_314, %parallel_loop3A_315] {strides = array<i32>} : memref<106x512xf32, #tpu.memory_space<vmem>>, vector<16xf32>,
      tpu.vector_store %arg21[%parallel_loop3A_314, %parallel_loop3A_315], %parallel_loop3A_312 {strides = array<i32>} : memref<106x512xf32, #tpu.memory_space<vmem>>, vector<16xf32>,
      %parallel_loop3A_317 = arith.constant 4 : i32
      %parallel_loop3A_318 = vector.broadcast %parallel_loop3A_317 : i32 to vector<16xi32>
      %parallel_loop3A_319 = arith.addi %parallel_loop3A_284, %parallel_loop3A_318 : vector<16xi32>
      %parallel_loop3A_320 = tpu.vector_load_idx %arg20[%parallel_loop3A_319] : memref<759xf32, #tpu.memory_space<vmem>>[vector<16xi32>], vector<16xf32>,
      %parallel_loop3A_321 = arith.constant 36 : i32
      %parallel_loop3A_322 = arith.index_cast %parallel_loop3A_321 : i32 to index
      %parallel_loop3A_323 = arith.index_cast %parallel_loop3A_263 : i32 to index
      %parallel_loop3A_324 = tpu.vector_load %arg21[%parallel_loop3A_322, %parallel_loop3A_323] {strides = array<i32>} : memref<106x512xf32, #tpu.memory_space<vmem>>, vector<16xf32>,
      tpu.vector_store %arg21[%parallel_loop3A_322, %parallel_loop3A_323], %parallel_loop3A_320 {strides = array<i32>} : memref<106x512xf32, #tpu.memory_space<vmem>>, vector<16xf32>,
      %parallel_loop3A_325 = arith.constant 5 : i32
      %parallel_loop3A_326 = vector.broadcast %parallel_loop3A_325 : i32 to vector<16xi32>
      %parallel_loop3A_327 = arith.addi %parallel_loop3A_284, %parallel_loop3A_326 : vector<16xi32>
      %parallel_loop3A_328 = tpu.vector_load_idx %arg20[%parallel_loop3A_327] : memref<759xf32, #tpu.memory_space<vmem>>[vector<16xi32>], vector<16xf32>,
      %parallel_loop3A_329 = arith.constant 37 : i32
      %parallel_loop3A_330 = arith.index_cast %parallel_loop3A_329 : i32 to index
      %parallel_loop3A_331 = arith.index_cast %parallel_loop3A_263 : i32 to index
      %parallel_loop3A_332 = tpu.vector_load %arg21[%parallel_loop3A_330, %parallel_loop3A_331] {strides = array<i32>} : memref<106x512xf32, #tpu.memory_space<vmem>>, vector<16xf32>,
      tpu.vector_store %arg21[%parallel_loop3A_330, %parallel_loop3A_331], %parallel_loop3A_328 {strides = array<i32>} : memref<106x512xf32, #tpu.memory_space<vmem>>, vector<16xf32>,
      %parallel_loop3A_333 = arith.constant 6 : i32
      %parallel_loop3A_334 = vector.broadcast %parallel_loop3A_333 : i32 to vector<16xi32>
      %parallel_loop3A_335 = arith.addi %parallel_loop3A_284, %parallel_loop3A_334 : vector<16xi32>
      %parallel_loop3A_336 = tpu.vector_load_idx %arg20[%parallel_loop3A_335] : memref<759xf32, #tpu.memory_space<vmem>>[vector<16xi32>], vector<16xf32>,
      %parallel_loop3A_337 = arith.constant 38 : i32
      %parallel_loop3A_338 = arith.index_cast %parallel_loop3A_337 : i32 to index
      %parallel_loop3A_339 = arith.index_cast %parallel_loop3A_263 : i32 to index
      %parallel_loop3A_340 = tpu.vector_load %arg21[%parallel_loop3A_338, %parallel_loop3A_339] {strides = array<i32>} : memref<106x512xf32, #tpu.memory_space<vmem>>, vector<16xf32>,
      tpu.vector_store %arg21[%parallel_loop3A_338, %parallel_loop3A_339], %parallel_loop3A_336 {strides = array<i32>} : memref<106x512xf32, #tpu.memory_space<vmem>>, vector<16xf32>,
      %parallel_loop3A_341 = arith.constant 7 : i32
      %parallel_loop3A_342 = vector.broadcast %parallel_loop3A_341 : i32 to vector<16xi32>
      %parallel_loop3A_343 = arith.addi %parallel_loop3A_284, %parallel_loop3A_342 : vector<16xi32>
      %parallel_loop3A_344 = tpu.vector_load_idx %arg20[%parallel_loop3A_343] : memref<759xf32, #tpu.memory_space<vmem>>[vector<16xi32>], vector<16xf32>,
      %parallel_loop3A_345 = arith.constant 39 : i32
      %parallel_loop3A_346 = arith.index_cast %parallel_loop3A_345 : i32 to index
      %parallel_loop3A_347 = arith.index_cast %parallel_loop3A_263 : i32 to index
      %parallel_loop3A_348 = tpu.vector_load %arg21[%parallel_loop3A_346, %parallel_loop3A_347] {strides = array<i32>} : memref<106x512xf32, #tpu.memory_space<vmem>>, vector<16xf32>,
      tpu.vector_store %arg21[%parallel_loop3A_346, %parallel_loop3A_347], %parallel_loop3A_344 {strides = array<i32>} : memref<106x512xf32, #tpu.memory_space<vmem>>, vector<16xf32>,
      %parallel_loop3A_349 = arith.constant 8 : i32
      %parallel_loop3A_350 = vector.broadcast %parallel_loop3A_349 : i32 to vector<16xi32>
      %parallel_loop3A_351 = arith.addi %parallel_loop3A_284, %parallel_loop3A_350 : vector<16xi32>
      %parallel_loop3A_352 = tpu.vector_load_idx %arg20[%parallel_loop3A_351] : memref<759xf32, #tpu.memory_space<vmem>>[vector<16xi32>], vector<16xf32>,
      %parallel_loop3A_353 = arith.constant 40 : i32
      %parallel_loop3A_354 = arith.index_cast %parallel_loop3A_353 : i32 to index
      %parallel_loop3A_355 = arith.index_cast %parallel_loop3A_263 : i32 to index
      %parallel_loop3A_356 = tpu.vector_load %arg21[%parallel_loop3A_354, %parallel_loop3A_355] {strides = array<i32>} : memref<106x512xf32, #tpu.memory_space<vmem>>, vector<16xf32>,
      tpu.vector_store %arg21[%parallel_loop3A_354, %parallel_loop3A_355], %parallel_loop3A_352 {strides = array<i32>} : memref<106x512xf32, #tpu.memory_space<vmem>>, vector<16xf32>,
      %parallel_loop3A_357 = arith.constant 9 : i32
      %parallel_loop3A_358 = vector.broadcast %parallel_loop3A_357 : i32 to vector<16xi32>
      %parallel_loop3A_359 = arith.addi %parallel_loop3A_284, %parallel_loop3A_358 : vector<16xi32>
      %parallel_loop3A_360 = tpu.vector_load_idx %arg20[%parallel_loop3A_359] : memref<759xf32, #tpu.memory_space<vmem>>[vector<16xi32>], vector<16xf32>,
      %parallel_loop3A_361 = arith.constant 41 : i32
      %parallel_loop3A_362 = arith.index_cast %parallel_loop3A_361 : i32 to index
      %parallel_loop3A_363 = arith.index_cast %parallel_loop3A_263 : i32 to index
      %parallel_loop3A_364 = tpu.vector_load %arg21[%parallel_loop3A_362, %parallel_loop3A_363] {strides = array<i32>} : memref<106x512xf32, #tpu.memory_space<vmem>>, vector<16xf32>,
      tpu.vector_store %arg21[%parallel_loop3A_362, %parallel_loop3A_363], %parallel_loop3A_360 {strides = array<i32>} : memref<106x512xf32, #tpu.memory_space<vmem>>, vector<16xf32>,
      %parallel_loop3A_365 = arith.constant 10 : i32
      %parallel_loop3A_366 = vector.broadcast %parallel_loop3A_365 : i32 to vector<16xi32>
      %parallel_loop3A_367 = arith.addi %parallel_loop3A_284, %parallel_loop3A_366 : vector<16xi32>
      %parallel_loop3A_368 = tpu.vector_load_idx %arg20[%parallel_loop3A_367] : memref<759xf32, #tpu.memory_space<vmem>>[vector<16xi32>], vector<16xf32>,
      %parallel_loop3A_369 = arith.constant 42 : i32
      %parallel_loop3A_370 = arith.index_cast %parallel_loop3A_369 : i32 to index
      %parallel_loop3A_371 = arith.index_cast %parallel_loop3A_263 : i32 to index
      %parallel_loop3A_372 = tpu.vector_load %arg21[%parallel_loop3A_370, %parallel_loop3A_371] {strides = array<i32>} : memref<106x512xf32, #tpu.memory_space<vmem>>, vector<16xf32>,
      tpu.vector_store %arg21[%parallel_loop3A_370, %parallel_loop3A_371], %parallel_loop3A_368 {strides = array<i32>} : memref<106x512xf32, #tpu.memory_space<vmem>>, vector<16xf32>,
      %parallel_loop3A_373 = arith.constant 11 : i32
      %parallel_loop3A_374 = vector.broadcast %parallel_loop3A_373 : i32 to vector<16xi32>
      %parallel_loop3A_375 = arith.addi %parallel_loop3A_284, %parallel_loop3A_374 : vector<16xi32>
      %parallel_loop3A_376 = tpu.vector_load_idx %arg20[%parallel_loop3A_375] : memref<759xf32, #tpu.memory_space<vmem>>[vector<16xi32>], vector<16xf32>,
      %parallel_loop3A_377 = arith.constant 43 : i32
      %parallel_loop3A_378 = arith.index_cast %parallel_loop3A_377 : i32 to index
      %parallel_loop3A_379 = arith.index_cast %parallel_loop3A_263 : i32 to index
      %parallel_loop3A_380 = tpu.vector_load %arg21[%parallel_loop3A_378, %parallel_loop3A_379] {strides = array<i32>} : memref<106x512xf32, #tpu.memory_space<vmem>>, vector<16xf32>,
      tpu.vector_store %arg21[%parallel_loop3A_378, %parallel_loop3A_379], %parallel_loop3A_376 {strides = array<i32>} : memref<106x512xf32, #tpu.memory_space<vmem>>, vector<16xf32>,
      %parallel_loop3A_381 = arith.constant 12 : i32
      %parallel_loop3A_382 = vector.broadcast %parallel_loop3A_381 : i32 to vector<16xi32>
      %parallel_loop3A_383 = arith.addi %parallel_loop3A_284, %parallel_loop3A_382 : vector<16xi32>
      %parallel_loop3A_384 = tpu.vector_load_idx %arg20[%parallel_loop3A_383] : memref<759xf32, #tpu.memory_space<vmem>>[vector<16xi32>], vector<16xf32>,
      %parallel_loop3A_385 = arith.constant 44 : i32
      %parallel_loop3A_386 = arith.index_cast %parallel_loop3A_385 : i32 to index
      %parallel_loop3A_387 = arith.index_cast %parallel_loop3A_263 : i32 to index
      %parallel_loop3A_388 = tpu.vector_load %arg21[%parallel_loop3A_386, %parallel_loop3A_387] {strides = array<i32>} : memref<106x512xf32, #tpu.memory_space<vmem>>, vector<16xf32>,
      tpu.vector_store %arg21[%parallel_loop3A_386, %parallel_loop3A_387], %parallel_loop3A_384 {strides = array<i32>} : memref<106x512xf32, #tpu.memory_space<vmem>>, vector<16xf32>,
      %parallel_loop3A_389 = arith.constant 13 : i32
      %parallel_loop3A_390 = vector.broadcast %parallel_loop3A_389 : i32 to vector<16xi32>
      %parallel_loop3A_391 = arith.addi %parallel_loop3A_284, %parallel_loop3A_390 : vector<16xi32>
      %parallel_loop3A_392 = tpu.vector_load_idx %arg20[%parallel_loop3A_391] : memref<759xf32, #tpu.memory_space<vmem>>[vector<16xi32>], vector<16xf32>,
      %parallel_loop3A_393 = arith.constant 45 : i32
      %parallel_loop3A_394 = arith.index_cast %parallel_loop3A_393 : i32 to index
      %parallel_loop3A_395 = arith.index_cast %parallel_loop3A_263 : i32 to index
      %parallel_loop3A_396 = tpu.vector_load %arg21[%parallel_loop3A_394, %parallel_loop3A_395] {strides = array<i32>} : memref<106x512xf32, #tpu.memory_space<vmem>>, vector<16xf32>,
      tpu.vector_store %arg21[%parallel_loop3A_394, %parallel_loop3A_395], %parallel_loop3A_392 {strides = array<i32>} : memref<106x512xf32, #tpu.memory_space<vmem>>, vector<16xf32>,
      %parallel_loop3A_397 = arith.constant 14 : i32
      %parallel_loop3A_398 = vector.broadcast %parallel_loop3A_397 : i32 to vector<16xi32>
      %parallel_loop3A_399 = arith.addi %parallel_loop3A_284, %parallel_loop3A_398 : vector<16xi32>
      %parallel_loop3A_400 = tpu.vector_load_idx %arg20[%parallel_loop3A_399] : memref<759xf32, #tpu.memory_space<vmem>>[vector<16xi32>], vector<16xf32>,
      %parallel_loop3A_401 = arith.constant 46 : i32
      %parallel_loop3A_402 = arith.index_cast %parallel_loop3A_401 : i32 to index
      %parallel_loop3A_403 = arith.index_cast %parallel_loop3A_263 : i32 to index
      %parallel_loop3A_404 = tpu.vector_load %arg21[%parallel_loop3A_402, %parallel_loop3A_403] {strides = array<i32>} : memref<106x512xf32, #tpu.memory_space<vmem>>, vector<16xf32>,
      tpu.vector_store %arg21[%parallel_loop3A_402, %parallel_loop3A_403], %parallel_loop3A_400 {strides = array<i32>} : memref<106x512xf32, #tpu.memory_space<vmem>>, vector<16xf32>,
      %parallel_loop3A_405 = arith.constant 15 : i32
      %parallel_loop3A_406 = vector.broadcast %parallel_loop3A_405 : i32 to vector<16xi32>
      %parallel_loop3A_407 = arith.addi %parallel_loop3A_284, %parallel_loop3A_406 : vector<16xi32>
      %parallel_loop3A_408 = tpu.vector_load_idx %arg20[%parallel_loop3A_407] : memref<759xf32, #tpu.memory_space<vmem>>[vector<16xi32>], vector<16xf32>,
      %parallel_loop3A_409 = arith.constant 47 : i32
      %parallel_loop3A_410 = arith.index_cast %parallel_loop3A_409 : i32 to index
      %parallel_loop3A_411 = arith.index_cast %parallel_loop3A_263 : i32 to index
      %parallel_loop3A_412 = tpu.vector_load %arg21[%parallel_loop3A_410, %parallel_loop3A_411] {strides = array<i32>} : memref<106x512xf32, #tpu.memory_space<vmem>>, vector<16xf32>,
      tpu.vector_store %arg21[%parallel_loop3A_410, %parallel_loop3A_411], %parallel_loop3A_408 {strides = array<i32>} : memref<106x512xf32, #tpu.memory_space<vmem>>, vector<16xf32>,
      %parallel_loop3A_413 = arith.constant 16 : i32
      %parallel_loop3A_414 = vector.broadcast %parallel_loop3A_413 : i32 to vector<16xi32>
      %parallel_loop3A_415 = arith.addi %parallel_loop3A_284, %parallel_loop3A_414 : vector<16xi32>
      %parallel_loop3A_416 = tpu.vector_load_idx %arg20[%parallel_loop3A_415] : memref<759xf32, #tpu.memory_space<vmem>>[vector<16xi32>], vector<16xf32>,
      %parallel_loop3A_417 = arith.constant 48 : i32
      %parallel_loop3A_418 = arith.index_cast %parallel_loop3A_417 : i32 to index
      %parallel_loop3A_419 = arith.index_cast %parallel_loop3A_263 : i32 to index
      %parallel_loop3A_420 = tpu.vector_load %arg21[%parallel_loop3A_418, %parallel_loop3A_419] {strides = array<i32>} : memref<106x512xf32, #tpu.memory_space<vmem>>, vector<16xf32>,
      tpu.vector_store %arg21[%parallel_loop3A_418, %parallel_loop3A_419], %parallel_loop3A_416 {strides = array<i32>} : memref<106x512xf32, #tpu.memory_space<vmem>>, vector<16xf32>,
      %parallel_loop3A_421 = arith.constant 17 : i32
      %parallel_loop3A_422 = vector.broadcast %parallel_loop3A_421 : i32 to vector<16xi32>
      %parallel_loop3A_423 = arith.addi %parallel_loop3A_284, %parallel_loop3A_422 : vector<16xi32>
      %parallel_loop3A_424 = tpu.vector_load_idx %arg20[%parallel_loop3A_423] : memref<759xf32, #tpu.memory_space<vmem>>[vector<16xi32>], vector<16xf32>,
      %parallel_loop3A_425 = arith.constant 49 : i32
      %parallel_loop3A_426 = arith.index_cast %parallel_loop3A_425 : i32 to index
      %parallel_loop3A_427 = arith.index_cast %parallel_loop3A_263 : i32 to index
      %parallel_loop3A_428 = tpu.vector_load %arg21[%parallel_loop3A_426, %parallel_loop3A_427] {strides = array<i32>} : memref<106x512xf32, #tpu.memory_space<vmem>>, vector<16xf32>,
      tpu.vector_store %arg21[%parallel_loop3A_426, %parallel_loop3A_427], %parallel_loop3A_424 {strides = array<i32>} : memref<106x512xf32, #tpu.memory_space<vmem>>, vector<16xf32>,
      %parallel_loop3A_429 = arith.constant 18 : i32
      %parallel_loop3A_430 = vector.broadcast %parallel_loop3A_429 : i32 to vector<16xi32>
      %parallel_loop3A_431 = arith.addi %parallel_loop3A_284, %parallel_loop3A_430 : vector<16xi32>
      %parallel_loop3A_432 = tpu.vector_load_idx %arg20[%parallel_loop3A_431] : memref<759xf32, #tpu.memory_space<vmem>>[vector<16xi32>], vector<16xf32>,
      %parallel_loop3A_433 = arith.constant 50 : i32
      %parallel_loop3A_434 = arith.index_cast %parallel_loop3A_433 : i32 to index
      %parallel_loop3A_435 = arith.index_cast %parallel_loop3A_263 : i32 to index
      %parallel_loop3A_436 = tpu.vector_load %arg21[%parallel_loop3A_434, %parallel_loop3A_435] {strides = array<i32>} : memref<106x512xf32, #tpu.memory_space<vmem>>, vector<16xf32>,
      tpu.vector_store %arg21[%parallel_loop3A_434, %parallel_loop3A_435], %parallel_loop3A_432 {strides = array<i32>} : memref<106x512xf32, #tpu.memory_space<vmem>>, vector<16xf32>,
      %parallel_loop3A_437 = arith.constant 19 : i32
      %parallel_loop3A_438 = vector.broadcast %parallel_loop3A_437 : i32 to vector<16xi32>
      %parallel_loop3A_439 = arith.addi %parallel_loop3A_284, %parallel_loop3A_438 : vector<16xi32>
      %parallel_loop3A_440 = tpu.vector_load_idx %arg20[%parallel_loop3A_439] : memref<759xf32, #tpu.memory_space<vmem>>[vector<16xi32>], vector<16xf32>,
      %parallel_loop3A_441 = arith.constant 51 : i32
      %parallel_loop3A_442 = arith.index_cast %parallel_loop3A_441 : i32 to index
      %parallel_loop3A_443 = arith.index_cast %parallel_loop3A_263 : i32 to index
      %parallel_loop3A_444 = tpu.vector_load %arg21[%parallel_loop3A_442, %parallel_loop3A_443] {strides = array<i32>} : memref<106x512xf32, #tpu.memory_space<vmem>>, vector<16xf32>,
      tpu.vector_store %arg21[%parallel_loop3A_442, %parallel_loop3A_443], %parallel_loop3A_440 {strides = array<i32>} : memref<106x512xf32, #tpu.memory_space<vmem>>, vector<16xf32>,
      %parallel_loop3A_445 = arith.constant 20 : i32
      %parallel_loop3A_446 = vector.broadcast %parallel_loop3A_445 : i32 to vector<16xi32>
      %parallel_loop3A_447 = arith.addi %parallel_loop3A_284, %parallel_loop3A_446 : vector<16xi32>
      %parallel_loop3A_448 = tpu.vector_load_idx %arg20[%parallel_loop3A_447] : memref<759xf32, #tpu.memory_space<vmem>>[vector<16xi32>], vector<16xf32>,
      %parallel_loop3A_449 = arith.constant 52 : i32
      %parallel_loop3A_450 = arith.index_cast %parallel_loop3A_449 : i32 to index
      %parallel_loop3A_451 = arith.index_cast %parallel_loop3A_263 : i32 to index
      %parallel_loop3A_452 = tpu.vector_load %arg21[%parallel_loop3A_450, %parallel_loop3A_451] {strides = array<i32>} : memref<106x512xf32, #tpu.memory_space<vmem>>, vector<16xf32>,
      tpu.vector_store %arg21[%parallel_loop3A_450, %parallel_loop3A_451], %parallel_loop3A_448 {strides = array<i32>} : memref<106x512xf32, #tpu.memory_space<vmem>>, vector<16xf32>,
      %parallel_loop3A_453 = arith.constant 21 : i32
      %parallel_loop3A_454 = vector.broadcast %parallel_loop3A_453 : i32 to vector<16xi32>
      %parallel_loop3A_455 = arith.addi %parallel_loop3A_284, %parallel_loop3A_454 : vector<16xi32>
      %parallel_loop3A_456 = tpu.vector_load_idx %arg20[%parallel_loop3A_455] : memref<759xf32, #tpu.memory_space<vmem>>[vector<16xi32>], vector<16xf32>,
      %parallel_loop3A_457 = arith.constant 53 : i32
      %parallel_loop3A_458 = arith.index_cast %parallel_loop3A_457 : i32 to index
      %parallel_loop3A_459 = arith.index_cast %parallel_loop3A_263 : i32 to index
      %parallel_loop3A_460 = tpu.vector_load %arg21[%parallel_loop3A_458, %parallel_loop3A_459] {strides = array<i32>} : memref<106x512xf32, #tpu.memory_space<vmem>>, vector<16xf32>,
      tpu.vector_store %arg21[%parallel_loop3A_458, %parallel_loop3A_459], %parallel_loop3A_456 {strides = array<i32>} : memref<106x512xf32, #tpu.memory_space<vmem>>, vector<16xf32>,
      %parallel_loop3A_461 = arith.constant 22 : i32
      %parallel_loop3A_462 = vector.broadcast %parallel_loop3A_461 : i32 to vector<16xi32>
      %parallel_loop3A_463 = arith.addi %parallel_loop3A_284, %parallel_loop3A_462 : vector<16xi32>
      %parallel_loop3A_464 = tpu.vector_load_idx %arg20[%parallel_loop3A_463] : memref<759xf32, #tpu.memory_space<vmem>>[vector<16xi32>], vector<16xf32>,
      %parallel_loop3A_465 = arith.constant 54 : i32
      %parallel_loop3A_466 = arith.index_cast %parallel_loop3A_465 : i32 to index
      %parallel_loop3A_467 = arith.index_cast %parallel_loop3A_263 : i32 to index
      %parallel_loop3A_468 = tpu.vector_load %arg21[%parallel_loop3A_466, %parallel_loop3A_467] {strides = array<i32>} : memref<106x512xf32, #tpu.memory_space<vmem>>, vector<16xf32>,
      tpu.vector_store %arg21[%parallel_loop3A_466, %parallel_loop3A_467], %parallel_loop3A_464 {strides = array<i32>} : memref<106x512xf32, #tpu.memory_space<vmem>>, vector<16xf32>,
      %parallel_loop3A_469 = arith.constant 23 : i32
      %parallel_loop3A_470 = vector.broadcast %parallel_loop3A_469 : i32 to vector<16xi32>
      %parallel_loop3A_471 = arith.addi %parallel_loop3A_284, %parallel_loop3A_470 : vector<16xi32>
      %parallel_loop3A_472 = tpu.vector_load_idx %arg20[%parallel_loop3A_471] : memref<759xf32, #tpu.memory_space<vmem>>[vector<16xi32>], vector<16xf32>,
      %parallel_loop3A_473 = arith.constant 55 : i32
      %parallel_loop3A_474 = arith.index_cast %parallel_loop3A_473 : i32 to index
      %parallel_loop3A_475 = arith.index_cast %parallel_loop3A_263 : i32 to index
      %parallel_loop3A_476 = tpu.vector_load %arg21[%parallel_loop3A_474, %parallel_loop3A_475] {strides = array<i32>} : memref<106x512xf32, #tpu.memory_space<vmem>>, vector<16xf32>,
      tpu.vector_store %arg21[%parallel_loop3A_474, %parallel_loop3A_475], %parallel_loop3A_472 {strides = array<i32>} : memref<106x512xf32, #tpu.memory_space<vmem>>, vector<16xf32>,
      %parallel_loop3A_477 = arith.constant 24 : i32
      %parallel_loop3A_478 = vector.broadcast %parallel_loop3A_477 : i32 to vector<16xi32>
      %parallel_loop3A_479 = arith.addi %parallel_loop3A_284, %parallel_loop3A_478 : vector<16xi32>
      %parallel_loop3A_480 = tpu.vector_load_idx %arg20[%parallel_loop3A_479] : memref<759xf32, #tpu.memory_space<vmem>>[vector<16xi32>], vector<16xf32>,
      %parallel_loop3A_481 = arith.constant 56 : i32
      %parallel_loop3A_482 = arith.index_cast %parallel_loop3A_481 : i32 to index
      %parallel_loop3A_483 = arith.index_cast %parallel_loop3A_263 : i32 to index
      %parallel_loop3A_484 = tpu.vector_load %arg21[%parallel_loop3A_482, %parallel_loop3A_483] {strides = array<i32>} : memref<106x512xf32, #tpu.memory_space<vmem>>, vector<16xf32>,
      tpu.vector_store %arg21[%parallel_loop3A_482, %parallel_loop3A_483], %parallel_loop3A_480 {strides = array<i32>} : memref<106x512xf32, #tpu.memory_space<vmem>>, vector<16xf32>,
      %parallel_loop3A_485 = arith.constant 25 : i32
      %parallel_loop3A_486 = vector.broadcast %parallel_loop3A_485 : i32 to vector<16xi32>
      %parallel_loop3A_487 = arith.addi %parallel_loop3A_284, %parallel_loop3A_486 : vector<16xi32>
      %parallel_loop3A_488 = tpu.vector_load_idx %arg20[%parallel_loop3A_487] : memref<759xf32, #tpu.memory_space<vmem>>[vector<16xi32>], vector<16xf32>,
      %parallel_loop3A_489 = arith.constant 57 : i32
      %parallel_loop3A_490 = arith.index_cast %parallel_loop3A_489 : i32 to index
      %parallel_loop3A_491 = arith.index_cast %parallel_loop3A_263 : i32 to index
      %parallel_loop3A_492 = tpu.vector_load %arg21[%parallel_loop3A_490, %parallel_loop3A_491] {strides = array<i32>} : memref<106x512xf32, #tpu.memory_space<vmem>>, vector<16xf32>,
      tpu.vector_store %arg21[%parallel_loop3A_490, %parallel_loop3A_491], %parallel_loop3A_488 {strides = array<i32>} : memref<106x512xf32, #tpu.memory_space<vmem>>, vector<16xf32>,
      %parallel_loop3A_493 = arith.constant 26 : i32
      %parallel_loop3A_494 = vector.broadcast %parallel_loop3A_493 : i32 to vector<16xi32>
      %parallel_loop3A_495 = arith.addi %parallel_loop3A_284, %parallel_loop3A_494 : vector<16xi32>
      %parallel_loop3A_496 = tpu.vector_load_idx %arg20[%parallel_loop3A_495] : memref<759xf32, #tpu.memory_space<vmem>>[vector<16xi32>], vector<16xf32>,
      %parallel_loop3A_497 = arith.constant 58 : i32
      %parallel_loop3A_498 = arith.index_cast %parallel_loop3A_497 : i32 to index
      %parallel_loop3A_499 = arith.index_cast %parallel_loop3A_263 : i32 to index
      %parallel_loop3A_500 = tpu.vector_load %arg21[%parallel_loop3A_498, %parallel_loop3A_499] {strides = array<i32>} : memref<106x512xf32, #tpu.memory_space<vmem>>, vector<16xf32>,
      tpu.vector_store %arg21[%parallel_loop3A_498, %parallel_loop3A_499], %parallel_loop3A_496 {strides = array<i32>} : memref<106x512xf32, #tpu.memory_space<vmem>>, vector<16xf32>,
      %parallel_loop3A_501 = arith.constant 27 : i32
      %parallel_loop3A_502 = vector.broadcast %parallel_loop3A_501 : i32 to vector<16xi32>
      %parallel_loop3A_503 = arith.addi %parallel_loop3A_284, %parallel_loop3A_502 : vector<16xi32>
      %parallel_loop3A_504 = tpu.vector_load_idx %arg20[%parallel_loop3A_503] : memref<759xf32, #tpu.memory_space<vmem>>[vector<16xi32>], vector<16xf32>,
      %parallel_loop3A_505 = arith.constant 59 : i32
      %parallel_loop3A_506 = arith.index_cast %parallel_loop3A_505 : i32 to index
      %parallel_loop3A_507 = arith.index_cast %parallel_loop3A_263 : i32 to index
      %parallel_loop3A_508 = tpu.vector_load %arg21[%parallel_loop3A_506, %parallel_loop3A_507] {strides = array<i32>} : memref<106x512xf32, #tpu.memory_space<vmem>>, vector<16xf32>,
      tpu.vector_store %arg21[%parallel_loop3A_506, %parallel_loop3A_507], %parallel_loop3A_504 {strides = array<i32>} : memref<106x512xf32, #tpu.memory_space<vmem>>, vector<16xf32>,
      %parallel_loop3A_509 = arith.constant 28 : i32
      %parallel_loop3A_510 = vector.broadcast %parallel_loop3A_509 : i32 to vector<16xi32>
      %parallel_loop3A_511 = arith.addi %parallel_loop3A_284, %parallel_loop3A_510 : vector<16xi32>
      %parallel_loop3A_512 = tpu.vector_load_idx %arg20[%parallel_loop3A_511] : memref<759xf32, #tpu.memory_space<vmem>>[vector<16xi32>], vector<16xf32>,
      %parallel_loop3A_513 = arith.constant 60 : i32
      %parallel_loop3A_514 = arith.index_cast %parallel_loop3A_513 : i32 to index
      %parallel_loop3A_515 = arith.index_cast %parallel_loop3A_263 : i32 to index
      %parallel_loop3A_516 = tpu.vector_load %arg21[%parallel_loop3A_514, %parallel_loop3A_515] {strides = array<i32>} : memref<106x512xf32, #tpu.memory_space<vmem>>, vector<16xf32>,
      tpu.vector_store %arg21[%parallel_loop3A_514, %parallel_loop3A_515], %parallel_loop3A_512 {strides = array<i32>} : memref<106x512xf32, #tpu.memory_space<vmem>>, vector<16xf32>,
      %parallel_loop3A_517 = arith.constant 29 : i32
      %parallel_loop3A_518 = vector.broadcast %parallel_loop3A_517 : i32 to vector<16xi32>
      %parallel_loop3A_519 = arith.addi %parallel_loop3A_284, %parallel_loop3A_518 : vector<16xi32>
      %parallel_loop3A_520 = tpu.vector_load_idx %arg20[%parallel_loop3A_519] : memref<759xf32, #tpu.memory_space<vmem>>[vector<16xi32>], vector<16xf32>,
      %parallel_loop3A_521 = arith.constant 61 : i32
      %parallel_loop3A_522 = arith.index_cast %parallel_loop3A_521 : i32 to index
      %parallel_loop3A_523 = arith.index_cast %parallel_loop3A_263 : i32 to index
      %parallel_loop3A_524 = tpu.vector_load %arg21[%parallel_loop3A_522, %parallel_loop3A_523] {strides = array<i32>} : memref<106x512xf32, #tpu.memory_space<vmem>>, vector<16xf32>,
      tpu.vector_store %arg21[%parallel_loop3A_522, %parallel_loop3A_523], %parallel_loop3A_520 {strides = array<i32>} : memref<106x512xf32, #tpu.memory_space<vmem>>, vector<16xf32>,
      %parallel_loop3A_525 = arith.constant 30 : i32
      %parallel_loop3A_526 = vector.broadcast %parallel_loop3A_525 : i32 to vector<16xi32>
      %parallel_loop3A_527 = arith.addi %parallel_loop3A_284, %parallel_loop3A_526 : vector<16xi32>
      %parallel_loop3A_528 = tpu.vector_load_idx %arg20[%parallel_loop3A_527] : memref<759xf32, #tpu.memory_space<vmem>>[vector<16xi32>], vector<16xf32>,
      %parallel_loop3A_529 = arith.constant 62 : i32
      %parallel_loop3A_530 = arith.index_cast %parallel_loop3A_529 : i32 to index
      %parallel_loop3A_531 = arith.index_cast %parallel_loop3A_263 : i32 to index
      %parallel_loop3A_532 = tpu.vector_load %arg21[%parallel_loop3A_530, %parallel_loop3A_531] {strides = array<i32>} : memref<106x512xf32, #tpu.memory_space<vmem>>, vector<16xf32>,
      tpu.vector_store %arg21[%parallel_loop3A_530, %parallel_loop3A_531], %parallel_loop3A_528 {strides = array<i32>} : memref<106x512xf32, #tpu.memory_space<vmem>>, vector<16xf32>,
      %parallel_loop3A_533 = arith.constant 31 : i32
      %parallel_loop3A_534 = vector.broadcast %parallel_loop3A_533 : i32 to vector<16xi32>
      %parallel_loop3A_535 = arith.addi %parallel_loop3A_284, %parallel_loop3A_534 : vector<16xi32>
      %parallel_loop3A_536 = tpu.vector_load_idx %arg20[%parallel_loop3A_535] : memref<759xf32, #tpu.memory_space<vmem>>[vector<16xi32>], vector<16xf32>,
      %parallel_loop3A_537 = arith.constant 63 : i32
      %parallel_loop3A_538 = arith.index_cast %parallel_loop3A_537 : i32 to index
      %parallel_loop3A_539 = arith.index_cast %parallel_loop3A_263 : i32 to index
      %parallel_loop3A_540 = tpu.vector_load %arg21[%parallel_loop3A_538, %parallel_loop3A_539] {strides = array<i32>} : memref<106x512xf32, #tpu.memory_space<vmem>>, vector<16xf32>,
      tpu.vector_store %arg21[%parallel_loop3A_538, %parallel_loop3A_539], %parallel_loop3A_536 {strides = array<i32>} : memref<106x512xf32, #tpu.memory_space<vmem>>, vector<16xf32>,
    } {sc.loop_unroll_factor = 1 : i64, sc.parallel_access}
    %dma_start3A_118 = arith.constant 32 : i32
    %dma_start3A_119 = arith.constant 0 : i32
    %dma_start3A_120 = tpu.memref_slice %arg21[%dma_start3A_118, %dma_start3A_119] : memref<106x512xf32, #tpu.memory_space<vmem>> -> memref<32x512xf32, #tpu.memory_space<vmem>>
    %dma_start3A_121 = arith.constant 32 : i32
    %dma_start3A_122 = tpu.memref_slice %arg16[%dma_start3A_121, %mul3A_2] : memref<106x16384xf32, #tpu.memory_space<hbm>> -> memref<32x512xf32, #tpu.memory_space<hbm>>
    %dma_start3A_123 = arith.constant 32 : i32
    %dma_start3A_124 = tpu.memref_slice %arg16[%dma_start3A_123, %mul3A_2] : memref<106x16384xf32, #tpu.memory_space<hbm>> -> memref<32x512xf32, #tpu.memory_space<hbm>>
    %dma_start3A_125 = arith.constant 32 : i32
    %dma_start3A_126 = arith.constant 0 : i32
    %dma_start3A_127 = tpu.memref_slice %arg21[%dma_start3A_125, %dma_start3A_126] : memref<106x512xf32, #tpu.memory_space<vmem>> -> memref<32x512xf32, #tpu.memory_space<vmem>>
    tpu.enqueue_dma source(%dma_start3A_127 : memref<32x512xf32, #tpu.memory_space<vmem>>) target(%dma_start3A_124 : memref<32x512xf32, #tpu.memory_space<hbm>>) target_semaphore(%arg22 : memref<!tpu.dma_semaphore, #tpu.memory_space<semaphore_mem>>)
    %parallel_loop3A_128 = arith.constant 0 : i32
    %parallel_loop3A_129 = arith.constant 32 : i32
    %parallel_loop3A_130 = arith.constant 1 : i32
    scf.for %parallel_loop3A_261 = %parallel_loop3A_128 to %parallel_loop3A_129 step %parallel_loop3A_130  : i32 {
      %parallel_loop3A_262 = arith.constant 16 : i32
      %parallel_loop3A_263 = arith.muli %parallel_loop3A_261, %parallel_loop3A_262 : i32
      %parallel_loop3A_264 = arith.index_cast %parallel_loop3A_263 : i32 to index
      %parallel_loop3A_265 = tpu.vector_load %arg19[%parallel_loop3A_264] {strides = array<i32>} : memref<512xi32, #tpu.memory_space<vmem>>, vector<16xi32>,
      %parallel_loop3A_266 = arith.constant 0 : i32
      %parallel_loop3A_267 = vector.broadcast %parallel_loop3A_266 : i32 to vector<16xi32>
      %parallel_loop3A_268 = arith.cmpi sge, %parallel_loop3A_265, %parallel_loop3A_267 : vector<16xi32>
      %parallel_loop3A_269 = arith.constant 1 : i32
      %parallel_loop3A_270 = vector.broadcast %parallel_loop3A_269 : i32 to vector<16xi32>
      %parallel_loop3A_271 = arith.cmpi sle, %parallel_loop3A_265, %parallel_loop3A_270 : vector<16xi32>
      %parallel_loop3A_272 = arith.andi %parallel_loop3A_268, %parallel_loop3A_271 : vector<16xi1>
      %parallel_loop3A_273 = arith.constant 1 : i32
      %parallel_loop3A_274 = vector.broadcast %parallel_loop3A_273 : i32 to vector<16xi32>
      %parallel_loop3A_275 = arith.addi %parallel_loop3A_265, %parallel_loop3A_274 : vector<16xi32>
      %parallel_loop3A_276 = arith.constant 0 : i32
      %parallel_loop3A_277 = vector.broadcast %parallel_loop3A_276 : i32 to vector<16xi32>
      %parallel_loop3A_278 = arith.select %parallel_loop3A_272, %parallel_loop3A_275, %parallel_loop3A_277 : vector<16xi1>, vector<16xi32>
      %parallel_loop3A_279 = arith.constant 20 : i32
      %parallel_loop3A_280 = vector.broadcast %parallel_loop3A_279 : i32 to vector<16xi32>
      %parallel_loop3A_281 = arith.addi %parallel_loop3A_278, %parallel_loop3A_280 : vector<16xi32>
      %parallel_loop3A_282 = arith.constant 33 : i32
      %parallel_loop3A_283 = vector.broadcast %parallel_loop3A_282 : i32 to vector<16xi32>
      %parallel_loop3A_284 = arith.muli %parallel_loop3A_281, %parallel_loop3A_283 : vector<16xi32>
      %parallel_loop3A_285 = arith.constant 0 : i32
      %parallel_loop3A_286 = vector.broadcast %parallel_loop3A_285 : i32 to vector<16xi32>
      %parallel_loop3A_287 = arith.addi %parallel_loop3A_284, %parallel_loop3A_286 : vector<16xi32>
      %parallel_loop3A_288 = tpu.vector_load_idx %arg20[%parallel_loop3A_287] : memref<759xf32, #tpu.memory_space<vmem>>[vector<16xi32>], vector<16xf32>,
      %parallel_loop3A_289 = arith.constant 74 : i32
      %parallel_loop3A_290 = arith.index_cast %parallel_loop3A_289 : i32 to index
      %parallel_loop3A_291 = arith.index_cast %parallel_loop3A_263 : i32 to index
      %parallel_loop3A_292 = tpu.vector_load %arg21[%parallel_loop3A_290, %parallel_loop3A_291] {strides = array<i32>} : memref<106x512xf32, #tpu.memory_space<vmem>>, vector<16xf32>,
      tpu.vector_store %arg21[%parallel_loop3A_290, %parallel_loop3A_291], %parallel_loop3A_288 {strides = array<i32>} : memref<106x512xf32, #tpu.memory_space<vmem>>, vector<16xf32>,
      %parallel_loop3A_293 = arith.constant 1 : i32
      %parallel_loop3A_294 = vector.broadcast %parallel_loop3A_293 : i32 to vector<16xi32>
      %parallel_loop3A_295 = arith.addi %parallel_loop3A_284, %parallel_loop3A_294 : vector<16xi32>
      %parallel_loop3A_296 = tpu.vector_load_idx %arg20[%parallel_loop3A_295] : memref<759xf32, #tpu.memory_space<vmem>>[vector<16xi32>], vector<16xf32>,
      %parallel_loop3A_297 = arith.constant 75 : i32
      %parallel_loop3A_298 = arith.index_cast %parallel_loop3A_297 : i32 to index
      %parallel_loop3A_299 = arith.index_cast %parallel_loop3A_263 : i32 to index
      %parallel_loop3A_300 = tpu.vector_load %arg21[%parallel_loop3A_298, %parallel_loop3A_299] {strides = array<i32>} : memref<106x512xf32, #tpu.memory_space<vmem>>, vector<16xf32>,
      tpu.vector_store %arg21[%parallel_loop3A_298, %parallel_loop3A_299], %parallel_loop3A_296 {strides = array<i32>} : memref<106x512xf32, #tpu.memory_space<vmem>>, vector<16xf32>,
      %parallel_loop3A_301 = arith.constant 2 : i32
      %parallel_loop3A_302 = vector.broadcast %parallel_loop3A_301 : i32 to vector<16xi32>
      %parallel_loop3A_303 = arith.addi %parallel_loop3A_284, %parallel_loop3A_302 : vector<16xi32>
      %parallel_loop3A_304 = tpu.vector_load_idx %arg20[%parallel_loop3A_303] : memref<759xf32, #tpu.memory_space<vmem>>[vector<16xi32>], vector<16xf32>,
      %parallel_loop3A_305 = arith.constant 76 : i32
      %parallel_loop3A_306 = arith.index_cast %parallel_loop3A_305 : i32 to index
      %parallel_loop3A_307 = arith.index_cast %parallel_loop3A_263 : i32 to index
      %parallel_loop3A_308 = tpu.vector_load %arg21[%parallel_loop3A_306, %parallel_loop3A_307] {strides = array<i32>} : memref<106x512xf32, #tpu.memory_space<vmem>>, vector<16xf32>,
      tpu.vector_store %arg21[%parallel_loop3A_306, %parallel_loop3A_307], %parallel_loop3A_304 {strides = array<i32>} : memref<106x512xf32, #tpu.memory_space<vmem>>, vector<16xf32>,
      %parallel_loop3A_309 = arith.constant 3 : i32
      %parallel_loop3A_310 = vector.broadcast %parallel_loop3A_309 : i32 to vector<16xi32>
      %parallel_loop3A_311 = arith.addi %parallel_loop3A_284, %parallel_loop3A_310 : vector<16xi32>
      %parallel_loop3A_312 = tpu.vector_load_idx %arg20[%parallel_loop3A_311] : memref<759xf32, #tpu.memory_space<vmem>>[vector<16xi32>], vector<16xf32>,
      %parallel_loop3A_313 = arith.constant 77 : i32
      %parallel_loop3A_314 = arith.index_cast %parallel_loop3A_313 : i32 to index
      %parallel_loop3A_315 = arith.index_cast %parallel_loop3A_263 : i32 to index
      %parallel_loop3A_316 = tpu.vector_load %arg21[%parallel_loop3A_314, %parallel_loop3A_315] {strides = array<i32>} : memref<106x512xf32, #tpu.memory_space<vmem>>, vector<16xf32>,
      tpu.vector_store %arg21[%parallel_loop3A_314, %parallel_loop3A_315], %parallel_loop3A_312 {strides = array<i32>} : memref<106x512xf32, #tpu.memory_space<vmem>>, vector<16xf32>,
      %parallel_loop3A_317 = arith.constant 4 : i32
      %parallel_loop3A_318 = vector.broadcast %parallel_loop3A_317 : i32 to vector<16xi32>
      %parallel_loop3A_319 = arith.addi %parallel_loop3A_284, %parallel_loop3A_318 : vector<16xi32>
      %parallel_loop3A_320 = tpu.vector_load_idx %arg20[%parallel_loop3A_319] : memref<759xf32, #tpu.memory_space<vmem>>[vector<16xi32>], vector<16xf32>,
      %parallel_loop3A_321 = arith.constant 78 : i32
      %parallel_loop3A_322 = arith.index_cast %parallel_loop3A_321 : i32 to index
      %parallel_loop3A_323 = arith.index_cast %parallel_loop3A_263 : i32 to index
      %parallel_loop3A_324 = tpu.vector_load %arg21[%parallel_loop3A_322, %parallel_loop3A_323] {strides = array<i32>} : memref<106x512xf32, #tpu.memory_space<vmem>>, vector<16xf32>,
      tpu.vector_store %arg21[%parallel_loop3A_322, %parallel_loop3A_323], %parallel_loop3A_320 {strides = array<i32>} : memref<106x512xf32, #tpu.memory_space<vmem>>, vector<16xf32>,
      %parallel_loop3A_325 = arith.constant 5 : i32
      %parallel_loop3A_326 = vector.broadcast %parallel_loop3A_325 : i32 to vector<16xi32>
      %parallel_loop3A_327 = arith.addi %parallel_loop3A_284, %parallel_loop3A_326 : vector<16xi32>
      %parallel_loop3A_328 = tpu.vector_load_idx %arg20[%parallel_loop3A_327] : memref<759xf32, #tpu.memory_space<vmem>>[vector<16xi32>], vector<16xf32>,
      %parallel_loop3A_329 = arith.constant 79 : i32
      %parallel_loop3A_330 = arith.index_cast %parallel_loop3A_329 : i32 to index
      %parallel_loop3A_331 = arith.index_cast %parallel_loop3A_263 : i32 to index
      %parallel_loop3A_332 = tpu.vector_load %arg21[%parallel_loop3A_330, %parallel_loop3A_331] {strides = array<i32>} : memref<106x512xf32, #tpu.memory_space<vmem>>, vector<16xf32>,
      tpu.vector_store %arg21[%parallel_loop3A_330, %parallel_loop3A_331], %parallel_loop3A_328 {strides = array<i32>} : memref<106x512xf32, #tpu.memory_space<vmem>>, vector<16xf32>,
      %parallel_loop3A_333 = arith.constant 6 : i32
      %parallel_loop3A_334 = vector.broadcast %parallel_loop3A_333 : i32 to vector<16xi32>
      %parallel_loop3A_335 = arith.addi %parallel_loop3A_284, %parallel_loop3A_334 : vector<16xi32>
      %parallel_loop3A_336 = tpu.vector_load_idx %arg20[%parallel_loop3A_335] : memref<759xf32, #tpu.memory_space<vmem>>[vector<16xi32>], vector<16xf32>,
      %parallel_loop3A_337 = arith.constant 80 : i32
      %parallel_loop3A_338 = arith.index_cast %parallel_loop3A_337 : i32 to index
      %parallel_loop3A_339 = arith.index_cast %parallel_loop3A_263 : i32 to index
      %parallel_loop3A_340 = tpu.vector_load %arg21[%parallel_loop3A_338, %parallel_loop3A_339] {strides = array<i32>} : memref<106x512xf32, #tpu.memory_space<vmem>>, vector<16xf32>,
      tpu.vector_store %arg21[%parallel_loop3A_338, %parallel_loop3A_339], %parallel_loop3A_336 {strides = array<i32>} : memref<106x512xf32, #tpu.memory_space<vmem>>, vector<16xf32>,
      %parallel_loop3A_341 = arith.constant 7 : i32
      %parallel_loop3A_342 = vector.broadcast %parallel_loop3A_341 : i32 to vector<16xi32>
      %parallel_loop3A_343 = arith.addi %parallel_loop3A_284, %parallel_loop3A_342 : vector<16xi32>
      %parallel_loop3A_344 = tpu.vector_load_idx %arg20[%parallel_loop3A_343] : memref<759xf32, #tpu.memory_space<vmem>>[vector<16xi32>], vector<16xf32>,
      %parallel_loop3A_345 = arith.constant 81 : i32
      %parallel_loop3A_346 = arith.index_cast %parallel_loop3A_345 : i32 to index
      %parallel_loop3A_347 = arith.index_cast %parallel_loop3A_263 : i32 to index
      %parallel_loop3A_348 = tpu.vector_load %arg21[%parallel_loop3A_346, %parallel_loop3A_347] {strides = array<i32>} : memref<106x512xf32, #tpu.memory_space<vmem>>, vector<16xf32>,
      tpu.vector_store %arg21[%parallel_loop3A_346, %parallel_loop3A_347], %parallel_loop3A_344 {strides = array<i32>} : memref<106x512xf32, #tpu.memory_space<vmem>>, vector<16xf32>,
      %parallel_loop3A_349 = arith.constant 8 : i32
      %parallel_loop3A_350 = vector.broadcast %parallel_loop3A_349 : i32 to vector<16xi32>
      %parallel_loop3A_351 = arith.addi %parallel_loop3A_284, %parallel_loop3A_350 : vector<16xi32>
      %parallel_loop3A_352 = tpu.vector_load_idx %arg20[%parallel_loop3A_351] : memref<759xf32, #tpu.memory_space<vmem>>[vector<16xi32>], vector<16xf32>,
      %parallel_loop3A_353 = arith.constant 82 : i32
      %parallel_loop3A_354 = arith.index_cast %parallel_loop3A_353 : i32 to index
      %parallel_loop3A_355 = arith.index_cast %parallel_loop3A_263 : i32 to index
      %parallel_loop3A_356 = tpu.vector_load %arg21[%parallel_loop3A_354, %parallel_loop3A_355] {strides = array<i32>} : memref<106x512xf32, #tpu.memory_space<vmem>>, vector<16xf32>,
      tpu.vector_store %arg21[%parallel_loop3A_354, %parallel_loop3A_355], %parallel_loop3A_352 {strides = array<i32>} : memref<106x512xf32, #tpu.memory_space<vmem>>, vector<16xf32>,
      %parallel_loop3A_357 = arith.constant 9 : i32
      %parallel_loop3A_358 = vector.broadcast %parallel_loop3A_357 : i32 to vector<16xi32>
      %parallel_loop3A_359 = arith.addi %parallel_loop3A_284, %parallel_loop3A_358 : vector<16xi32>
      %parallel_loop3A_360 = tpu.vector_load_idx %arg20[%parallel_loop3A_359] : memref<759xf32, #tpu.memory_space<vmem>>[vector<16xi32>], vector<16xf32>,
      %parallel_loop3A_361 = arith.constant 83 : i32
      %parallel_loop3A_362 = arith.index_cast %parallel_loop3A_361 : i32 to index
      %parallel_loop3A_363 = arith.index_cast %parallel_loop3A_263 : i32 to index
      %parallel_loop3A_364 = tpu.vector_load %arg21[%parallel_loop3A_362, %parallel_loop3A_363] {strides = array<i32>} : memref<106x512xf32, #tpu.memory_space<vmem>>, vector<16xf32>,
      tpu.vector_store %arg21[%parallel_loop3A_362, %parallel_loop3A_363], %parallel_loop3A_360 {strides = array<i32>} : memref<106x512xf32, #tpu.memory_space<vmem>>, vector<16xf32>,
      %parallel_loop3A_365 = arith.constant 10 : i32
      %parallel_loop3A_366 = vector.broadcast %parallel_loop3A_365 : i32 to vector<16xi32>
      %parallel_loop3A_367 = arith.addi %parallel_loop3A_284, %parallel_loop3A_366 : vector<16xi32>
      %parallel_loop3A_368 = tpu.vector_load_idx %arg20[%parallel_loop3A_367] : memref<759xf32, #tpu.memory_space<vmem>>[vector<16xi32>], vector<16xf32>,
      %parallel_loop3A_369 = arith.constant 84 : i32
      %parallel_loop3A_370 = arith.index_cast %parallel_loop3A_369 : i32 to index
      %parallel_loop3A_371 = arith.index_cast %parallel_loop3A_263 : i32 to index
      %parallel_loop3A_372 = tpu.vector_load %arg21[%parallel_loop3A_370, %parallel_loop3A_371] {strides = array<i32>} : memref<106x512xf32, #tpu.memory_space<vmem>>, vector<16xf32>,
      tpu.vector_store %arg21[%parallel_loop3A_370, %parallel_loop3A_371], %parallel_loop3A_368 {strides = array<i32>} : memref<106x512xf32, #tpu.memory_space<vmem>>, vector<16xf32>,
      %parallel_loop3A_373 = arith.constant 11 : i32
      %parallel_loop3A_374 = vector.broadcast %parallel_loop3A_373 : i32 to vector<16xi32>
      %parallel_loop3A_375 = arith.addi %parallel_loop3A_284, %parallel_loop3A_374 : vector<16xi32>
      %parallel_loop3A_376 = tpu.vector_load_idx %arg20[%parallel_loop3A_375] : memref<759xf32, #tpu.memory_space<vmem>>[vector<16xi32>], vector<16xf32>,
      %parallel_loop3A_377 = arith.constant 85 : i32
      %parallel_loop3A_378 = arith.index_cast %parallel_loop3A_377 : i32 to index
      %parallel_loop3A_379 = arith.index_cast %parallel_loop3A_263 : i32 to index
      %parallel_loop3A_380 = tpu.vector_load %arg21[%parallel_loop3A_378, %parallel_loop3A_379] {strides = array<i32>} : memref<106x512xf32, #tpu.memory_space<vmem>>, vector<16xf32>,
      tpu.vector_store %arg21[%parallel_loop3A_378, %parallel_loop3A_379], %parallel_loop3A_376 {strides = array<i32>} : memref<106x512xf32, #tpu.memory_space<vmem>>, vector<16xf32>,
      %parallel_loop3A_381 = arith.constant 12 : i32
      %parallel_loop3A_382 = vector.broadcast %parallel_loop3A_381 : i32 to vector<16xi32>
      %parallel_loop3A_383 = arith.addi %parallel_loop3A_284, %parallel_loop3A_382 : vector<16xi32>
      %parallel_loop3A_384 = tpu.vector_load_idx %arg20[%parallel_loop3A_383] : memref<759xf32, #tpu.memory_space<vmem>>[vector<16xi32>], vector<16xf32>,
      %parallel_loop3A_385 = arith.constant 86 : i32
      %parallel_loop3A_386 = arith.index_cast %parallel_loop3A_385 : i32 to index
      %parallel_loop3A_387 = arith.index_cast %parallel_loop3A_263 : i32 to index
      %parallel_loop3A_388 = tpu.vector_load %arg21[%parallel_loop3A_386, %parallel_loop3A_387] {strides = array<i32>} : memref<106x512xf32, #tpu.memory_space<vmem>>, vector<16xf32>,
      tpu.vector_store %arg21[%parallel_loop3A_386, %parallel_loop3A_387], %parallel_loop3A_384 {strides = array<i32>} : memref<106x512xf32, #tpu.memory_space<vmem>>, vector<16xf32>,
      %parallel_loop3A_389 = arith.constant 13 : i32
      %parallel_loop3A_390 = vector.broadcast %parallel_loop3A_389 : i32 to vector<16xi32>
      %parallel_loop3A_391 = arith.addi %parallel_loop3A_284, %parallel_loop3A_390 : vector<16xi32>
      %parallel_loop3A_392 = tpu.vector_load_idx %arg20[%parallel_loop3A_391] : memref<759xf32, #tpu.memory_space<vmem>>[vector<16xi32>], vector<16xf32>,
      %parallel_loop3A_393 = arith.constant 87 : i32
      %parallel_loop3A_394 = arith.index_cast %parallel_loop3A_393 : i32 to index
      %parallel_loop3A_395 = arith.index_cast %parallel_loop3A_263 : i32 to index
      %parallel_loop3A_396 = tpu.vector_load %arg21[%parallel_loop3A_394, %parallel_loop3A_395] {strides = array<i32>} : memref<106x512xf32, #tpu.memory_space<vmem>>, vector<16xf32>,
      tpu.vector_store %arg21[%parallel_loop3A_394, %parallel_loop3A_395], %parallel_loop3A_392 {strides = array<i32>} : memref<106x512xf32, #tpu.memory_space<vmem>>, vector<16xf32>,
      %parallel_loop3A_397 = arith.constant 14 : i32
      %parallel_loop3A_398 = vector.broadcast %parallel_loop3A_397 : i32 to vector<16xi32>
      %parallel_loop3A_399 = arith.addi %parallel_loop3A_284, %parallel_loop3A_398 : vector<16xi32>
      %parallel_loop3A_400 = tpu.vector_load_idx %arg20[%parallel_loop3A_399] : memref<759xf32, #tpu.memory_space<vmem>>[vector<16xi32>], vector<16xf32>,
      %parallel_loop3A_401 = arith.constant 88 : i32
      %parallel_loop3A_402 = arith.index_cast %parallel_loop3A_401 : i32 to index
      %parallel_loop3A_403 = arith.index_cast %parallel_loop3A_263 : i32 to index
      %parallel_loop3A_404 = tpu.vector_load %arg21[%parallel_loop3A_402, %parallel_loop3A_403] {strides = array<i32>} : memref<106x512xf32, #tpu.memory_space<vmem>>, vector<16xf32>,
      tpu.vector_store %arg21[%parallel_loop3A_402, %parallel_loop3A_403], %parallel_loop3A_400 {strides = array<i32>} : memref<106x512xf32, #tpu.memory_space<vmem>>, vector<16xf32>,
      %parallel_loop3A_405 = arith.constant 15 : i32
      %parallel_loop3A_406 = vector.broadcast %parallel_loop3A_405 : i32 to vector<16xi32>
      %parallel_loop3A_407 = arith.addi %parallel_loop3A_284, %parallel_loop3A_406 : vector<16xi32>
      %parallel_loop3A_408 = tpu.vector_load_idx %arg20[%parallel_loop3A_407] : memref<759xf32, #tpu.memory_space<vmem>>[vector<16xi32>], vector<16xf32>,
      %parallel_loop3A_409 = arith.constant 89 : i32
      %parallel_loop3A_410 = arith.index_cast %parallel_loop3A_409 : i32 to index
      %parallel_loop3A_411 = arith.index_cast %parallel_loop3A_263 : i32 to index
      %parallel_loop3A_412 = tpu.vector_load %arg21[%parallel_loop3A_410, %parallel_loop3A_411] {strides = array<i32>} : memref<106x512xf32, #tpu.memory_space<vmem>>, vector<16xf32>,
      tpu.vector_store %arg21[%parallel_loop3A_410, %parallel_loop3A_411], %parallel_loop3A_408 {strides = array<i32>} : memref<106x512xf32, #tpu.memory_space<vmem>>, vector<16xf32>,
      %parallel_loop3A_413 = arith.constant 16 : i32
      %parallel_loop3A_414 = vector.broadcast %parallel_loop3A_413 : i32 to vector<16xi32>
      %parallel_loop3A_415 = arith.addi %parallel_loop3A_284, %parallel_loop3A_414 : vector<16xi32>
      %parallel_loop3A_416 = tpu.vector_load_idx %arg20[%parallel_loop3A_415] : memref<759xf32, #tpu.memory_space<vmem>>[vector<16xi32>], vector<16xf32>,
      %parallel_loop3A_417 = arith.constant 90 : i32
      %parallel_loop3A_418 = arith.index_cast %parallel_loop3A_417 : i32 to index
      %parallel_loop3A_419 = arith.index_cast %parallel_loop3A_263 : i32 to index
      %parallel_loop3A_420 = tpu.vector_load %arg21[%parallel_loop3A_418, %parallel_loop3A_419] {strides = array<i32>} : memref<106x512xf32, #tpu.memory_space<vmem>>, vector<16xf32>,
      tpu.vector_store %arg21[%parallel_loop3A_418, %parallel_loop3A_419], %parallel_loop3A_416 {strides = array<i32>} : memref<106x512xf32, #tpu.memory_space<vmem>>, vector<16xf32>,
      %parallel_loop3A_421 = arith.constant 17 : i32
      %parallel_loop3A_422 = vector.broadcast %parallel_loop3A_421 : i32 to vector<16xi32>
      %parallel_loop3A_423 = arith.addi %parallel_loop3A_284, %parallel_loop3A_422 : vector<16xi32>
      %parallel_loop3A_424 = tpu.vector_load_idx %arg20[%parallel_loop3A_423] : memref<759xf32, #tpu.memory_space<vmem>>[vector<16xi32>], vector<16xf32>,
      %parallel_loop3A_425 = arith.constant 91 : i32
      %parallel_loop3A_426 = arith.index_cast %parallel_loop3A_425 : i32 to index
      %parallel_loop3A_427 = arith.index_cast %parallel_loop3A_263 : i32 to index
      %parallel_loop3A_428 = tpu.vector_load %arg21[%parallel_loop3A_426, %parallel_loop3A_427] {strides = array<i32>} : memref<106x512xf32, #tpu.memory_space<vmem>>, vector<16xf32>,
      tpu.vector_store %arg21[%parallel_loop3A_426, %parallel_loop3A_427], %parallel_loop3A_424 {strides = array<i32>} : memref<106x512xf32, #tpu.memory_space<vmem>>, vector<16xf32>,
      %parallel_loop3A_429 = arith.constant 18 : i32
      %parallel_loop3A_430 = vector.broadcast %parallel_loop3A_429 : i32 to vector<16xi32>
      %parallel_loop3A_431 = arith.addi %parallel_loop3A_284, %parallel_loop3A_430 : vector<16xi32>
      %parallel_loop3A_432 = tpu.vector_load_idx %arg20[%parallel_loop3A_431] : memref<759xf32, #tpu.memory_space<vmem>>[vector<16xi32>], vector<16xf32>,
      %parallel_loop3A_433 = arith.constant 92 : i32
      %parallel_loop3A_434 = arith.index_cast %parallel_loop3A_433 : i32 to index
      %parallel_loop3A_435 = arith.index_cast %parallel_loop3A_263 : i32 to index
      %parallel_loop3A_436 = tpu.vector_load %arg21[%parallel_loop3A_434, %parallel_loop3A_435] {strides = array<i32>} : memref<106x512xf32, #tpu.memory_space<vmem>>, vector<16xf32>,
      tpu.vector_store %arg21[%parallel_loop3A_434, %parallel_loop3A_435], %parallel_loop3A_432 {strides = array<i32>} : memref<106x512xf32, #tpu.memory_space<vmem>>, vector<16xf32>,
      %parallel_loop3A_437 = arith.constant 19 : i32
      %parallel_loop3A_438 = vector.broadcast %parallel_loop3A_437 : i32 to vector<16xi32>
      %parallel_loop3A_439 = arith.addi %parallel_loop3A_284, %parallel_loop3A_438 : vector<16xi32>
      %parallel_loop3A_440 = tpu.vector_load_idx %arg20[%parallel_loop3A_439] : memref<759xf32, #tpu.memory_space<vmem>>[vector<16xi32>], vector<16xf32>,
      %parallel_loop3A_441 = arith.constant 93 : i32
      %parallel_loop3A_442 = arith.index_cast %parallel_loop3A_441 : i32 to index
      %parallel_loop3A_443 = arith.index_cast %parallel_loop3A_263 : i32 to index
      %parallel_loop3A_444 = tpu.vector_load %arg21[%parallel_loop3A_442, %parallel_loop3A_443] {strides = array<i32>} : memref<106x512xf32, #tpu.memory_space<vmem>>, vector<16xf32>,
      tpu.vector_store %arg21[%parallel_loop3A_442, %parallel_loop3A_443], %parallel_loop3A_440 {strides = array<i32>} : memref<106x512xf32, #tpu.memory_space<vmem>>, vector<16xf32>,
      %parallel_loop3A_445 = arith.constant 20 : i32
      %parallel_loop3A_446 = vector.broadcast %parallel_loop3A_445 : i32 to vector<16xi32>
      %parallel_loop3A_447 = arith.addi %parallel_loop3A_284, %parallel_loop3A_446 : vector<16xi32>
      %parallel_loop3A_448 = tpu.vector_load_idx %arg20[%parallel_loop3A_447] : memref<759xf32, #tpu.memory_space<vmem>>[vector<16xi32>], vector<16xf32>,
      %parallel_loop3A_449 = arith.constant 94 : i32
      %parallel_loop3A_450 = arith.index_cast %parallel_loop3A_449 : i32 to index
      %parallel_loop3A_451 = arith.index_cast %parallel_loop3A_263 : i32 to index
      %parallel_loop3A_452 = tpu.vector_load %arg21[%parallel_loop3A_450, %parallel_loop3A_451] {strides = array<i32>} : memref<106x512xf32, #tpu.memory_space<vmem>>, vector<16xf32>,
      tpu.vector_store %arg21[%parallel_loop3A_450, %parallel_loop3A_451], %parallel_loop3A_448 {strides = array<i32>} : memref<106x512xf32, #tpu.memory_space<vmem>>, vector<16xf32>,
      %parallel_loop3A_453 = arith.constant 21 : i32
      %parallel_loop3A_454 = vector.broadcast %parallel_loop3A_453 : i32 to vector<16xi32>
      %parallel_loop3A_455 = arith.addi %parallel_loop3A_284, %parallel_loop3A_454 : vector<16xi32>
      %parallel_loop3A_456 = tpu.vector_load_idx %arg20[%parallel_loop3A_455] : memref<759xf32, #tpu.memory_space<vmem>>[vector<16xi32>], vector<16xf32>,
      %parallel_loop3A_457 = arith.constant 95 : i32
      %parallel_loop3A_458 = arith.index_cast %parallel_loop3A_457 : i32 to index
      %parallel_loop3A_459 = arith.index_cast %parallel_loop3A_263 : i32 to index
      %parallel_loop3A_460 = tpu.vector_load %arg21[%parallel_loop3A_458, %parallel_loop3A_459] {strides = array<i32>} : memref<106x512xf32, #tpu.memory_space<vmem>>, vector<16xf32>,
      tpu.vector_store %arg21[%parallel_loop3A_458, %parallel_loop3A_459], %parallel_loop3A_456 {strides = array<i32>} : memref<106x512xf32, #tpu.memory_space<vmem>>, vector<16xf32>,
      %parallel_loop3A_461 = arith.constant 22 : i32
      %parallel_loop3A_462 = vector.broadcast %parallel_loop3A_461 : i32 to vector<16xi32>
      %parallel_loop3A_463 = arith.addi %parallel_loop3A_284, %parallel_loop3A_462 : vector<16xi32>
      %parallel_loop3A_464 = tpu.vector_load_idx %arg20[%parallel_loop3A_463] : memref<759xf32, #tpu.memory_space<vmem>>[vector<16xi32>], vector<16xf32>,
      %parallel_loop3A_465 = arith.constant 96 : i32
      %parallel_loop3A_466 = arith.index_cast %parallel_loop3A_465 : i32 to index
      %parallel_loop3A_467 = arith.index_cast %parallel_loop3A_263 : i32 to index
      %parallel_loop3A_468 = tpu.vector_load %arg21[%parallel_loop3A_466, %parallel_loop3A_467] {strides = array<i32>} : memref<106x512xf32, #tpu.memory_space<vmem>>, vector<16xf32>,
      tpu.vector_store %arg21[%parallel_loop3A_466, %parallel_loop3A_467], %parallel_loop3A_464 {strides = array<i32>} : memref<106x512xf32, #tpu.memory_space<vmem>>, vector<16xf32>,
      %parallel_loop3A_469 = arith.constant 23 : i32
      %parallel_loop3A_470 = vector.broadcast %parallel_loop3A_469 : i32 to vector<16xi32>
      %parallel_loop3A_471 = arith.addi %parallel_loop3A_284, %parallel_loop3A_470 : vector<16xi32>
      %parallel_loop3A_472 = tpu.vector_load_idx %arg20[%parallel_loop3A_471] : memref<759xf32, #tpu.memory_space<vmem>>[vector<16xi32>], vector<16xf32>,
      %parallel_loop3A_473 = arith.constant 97 : i32
      %parallel_loop3A_474 = arith.index_cast %parallel_loop3A_473 : i32 to index
      %parallel_loop3A_475 = arith.index_cast %parallel_loop3A_263 : i32 to index
      %parallel_loop3A_476 = tpu.vector_load %arg21[%parallel_loop3A_474, %parallel_loop3A_475] {strides = array<i32>} : memref<106x512xf32, #tpu.memory_space<vmem>>, vector<16xf32>,
      tpu.vector_store %arg21[%parallel_loop3A_474, %parallel_loop3A_475], %parallel_loop3A_472 {strides = array<i32>} : memref<106x512xf32, #tpu.memory_space<vmem>>, vector<16xf32>,
      %parallel_loop3A_477 = arith.constant 24 : i32
      %parallel_loop3A_478 = vector.broadcast %parallel_loop3A_477 : i32 to vector<16xi32>
      %parallel_loop3A_479 = arith.addi %parallel_loop3A_284, %parallel_loop3A_478 : vector<16xi32>
      %parallel_loop3A_480 = tpu.vector_load_idx %arg20[%parallel_loop3A_479] : memref<759xf32, #tpu.memory_space<vmem>>[vector<16xi32>], vector<16xf32>,
      %parallel_loop3A_481 = arith.constant 98 : i32
      %parallel_loop3A_482 = arith.index_cast %parallel_loop3A_481 : i32 to index
      %parallel_loop3A_483 = arith.index_cast %parallel_loop3A_263 : i32 to index
      %parallel_loop3A_484 = tpu.vector_load %arg21[%parallel_loop3A_482, %parallel_loop3A_483] {strides = array<i32>} : memref<106x512xf32, #tpu.memory_space<vmem>>, vector<16xf32>,
      tpu.vector_store %arg21[%parallel_loop3A_482, %parallel_loop3A_483], %parallel_loop3A_480 {strides = array<i32>} : memref<106x512xf32, #tpu.memory_space<vmem>>, vector<16xf32>,
      %parallel_loop3A_485 = arith.constant 25 : i32
      %parallel_loop3A_486 = vector.broadcast %parallel_loop3A_485 : i32 to vector<16xi32>
      %parallel_loop3A_487 = arith.addi %parallel_loop3A_284, %parallel_loop3A_486 : vector<16xi32>
      %parallel_loop3A_488 = tpu.vector_load_idx %arg20[%parallel_loop3A_487] : memref<759xf32, #tpu.memory_space<vmem>>[vector<16xi32>], vector<16xf32>,
      %parallel_loop3A_489 = arith.constant 99 : i32
      %parallel_loop3A_490 = arith.index_cast %parallel_loop3A_489 : i32 to index
      %parallel_loop3A_491 = arith.index_cast %parallel_loop3A_263 : i32 to index
      %parallel_loop3A_492 = tpu.vector_load %arg21[%parallel_loop3A_490, %parallel_loop3A_491] {strides = array<i32>} : memref<106x512xf32, #tpu.memory_space<vmem>>, vector<16xf32>,
      tpu.vector_store %arg21[%parallel_loop3A_490, %parallel_loop3A_491], %parallel_loop3A_488 {strides = array<i32>} : memref<106x512xf32, #tpu.memory_space<vmem>>, vector<16xf32>,
      %parallel_loop3A_493 = arith.constant 26 : i32
      %parallel_loop3A_494 = vector.broadcast %parallel_loop3A_493 : i32 to vector<16xi32>
      %parallel_loop3A_495 = arith.addi %parallel_loop3A_284, %parallel_loop3A_494 : vector<16xi32>
      %parallel_loop3A_496 = tpu.vector_load_idx %arg20[%parallel_loop3A_495] : memref<759xf32, #tpu.memory_space<vmem>>[vector<16xi32>], vector<16xf32>,
      %parallel_loop3A_497 = arith.constant 100 : i32
      %parallel_loop3A_498 = arith.index_cast %parallel_loop3A_497 : i32 to index
      %parallel_loop3A_499 = arith.index_cast %parallel_loop3A_263 : i32 to index
      %parallel_loop3A_500 = tpu.vector_load %arg21[%parallel_loop3A_498, %parallel_loop3A_499] {strides = array<i32>} : memref<106x512xf32, #tpu.memory_space<vmem>>, vector<16xf32>,
      tpu.vector_store %arg21[%parallel_loop3A_498, %parallel_loop3A_499], %parallel_loop3A_496 {strides = array<i32>} : memref<106x512xf32, #tpu.memory_space<vmem>>, vector<16xf32>,
      %parallel_loop3A_501 = arith.constant 27 : i32
      %parallel_loop3A_502 = vector.broadcast %parallel_loop3A_501 : i32 to vector<16xi32>
      %parallel_loop3A_503 = arith.addi %parallel_loop3A_284, %parallel_loop3A_502 : vector<16xi32>
      %parallel_loop3A_504 = tpu.vector_load_idx %arg20[%parallel_loop3A_503] : memref<759xf32, #tpu.memory_space<vmem>>[vector<16xi32>], vector<16xf32>,
      %parallel_loop3A_505 = arith.constant 101 : i32
      %parallel_loop3A_506 = arith.index_cast %parallel_loop3A_505 : i32 to index
      %parallel_loop3A_507 = arith.index_cast %parallel_loop3A_263 : i32 to index
      %parallel_loop3A_508 = tpu.vector_load %arg21[%parallel_loop3A_506, %parallel_loop3A_507] {strides = array<i32>} : memref<106x512xf32, #tpu.memory_space<vmem>>, vector<16xf32>,
      tpu.vector_store %arg21[%parallel_loop3A_506, %parallel_loop3A_507], %parallel_loop3A_504 {strides = array<i32>} : memref<106x512xf32, #tpu.memory_space<vmem>>, vector<16xf32>,
      %parallel_loop3A_509 = arith.constant 28 : i32
      %parallel_loop3A_510 = vector.broadcast %parallel_loop3A_509 : i32 to vector<16xi32>
      %parallel_loop3A_511 = arith.addi %parallel_loop3A_284, %parallel_loop3A_510 : vector<16xi32>
      %parallel_loop3A_512 = tpu.vector_load_idx %arg20[%parallel_loop3A_511] : memref<759xf32, #tpu.memory_space<vmem>>[vector<16xi32>], vector<16xf32>,
      %parallel_loop3A_513 = arith.constant 102 : i32
      %parallel_loop3A_514 = arith.index_cast %parallel_loop3A_513 : i32 to index
      %parallel_loop3A_515 = arith.index_cast %parallel_loop3A_263 : i32 to index
      %parallel_loop3A_516 = tpu.vector_load %arg21[%parallel_loop3A_514, %parallel_loop3A_515] {strides = array<i32>} : memref<106x512xf32, #tpu.memory_space<vmem>>, vector<16xf32>,
      tpu.vector_store %arg21[%parallel_loop3A_514, %parallel_loop3A_515], %parallel_loop3A_512 {strides = array<i32>} : memref<106x512xf32, #tpu.memory_space<vmem>>, vector<16xf32>,
      %parallel_loop3A_517 = arith.constant 29 : i32
      %parallel_loop3A_518 = vector.broadcast %parallel_loop3A_517 : i32 to vector<16xi32>
      %parallel_loop3A_519 = arith.addi %parallel_loop3A_284, %parallel_loop3A_518 : vector<16xi32>
      %parallel_loop3A_520 = tpu.vector_load_idx %arg20[%parallel_loop3A_519] : memref<759xf32, #tpu.memory_space<vmem>>[vector<16xi32>], vector<16xf32>,
      %parallel_loop3A_521 = arith.constant 103 : i32
      %parallel_loop3A_522 = arith.index_cast %parallel_loop3A_521 : i32 to index
      %parallel_loop3A_523 = arith.index_cast %parallel_loop3A_263 : i32 to index
      %parallel_loop3A_524 = tpu.vector_load %arg21[%parallel_loop3A_522, %parallel_loop3A_523] {strides = array<i32>} : memref<106x512xf32, #tpu.memory_space<vmem>>, vector<16xf32>,
      tpu.vector_store %arg21[%parallel_loop3A_522, %parallel_loop3A_523], %parallel_loop3A_520 {strides = array<i32>} : memref<106x512xf32, #tpu.memory_space<vmem>>, vector<16xf32>,
      %parallel_loop3A_525 = arith.constant 30 : i32
      %parallel_loop3A_526 = vector.broadcast %parallel_loop3A_525 : i32 to vector<16xi32>
      %parallel_loop3A_527 = arith.addi %parallel_loop3A_284, %parallel_loop3A_526 : vector<16xi32>
      %parallel_loop3A_528 = tpu.vector_load_idx %arg20[%parallel_loop3A_527] : memref<759xf32, #tpu.memory_space<vmem>>[vector<16xi32>], vector<16xf32>,
      %parallel_loop3A_529 = arith.constant 104 : i32
      %parallel_loop3A_530 = arith.index_cast %parallel_loop3A_529 : i32 to index
      %parallel_loop3A_531 = arith.index_cast %parallel_loop3A_263 : i32 to index
      %parallel_loop3A_532 = tpu.vector_load %arg21[%parallel_loop3A_530, %parallel_loop3A_531] {strides = array<i32>} : memref<106x512xf32, #tpu.memory_space<vmem>>, vector<16xf32>,
      tpu.vector_store %arg21[%parallel_loop3A_530, %parallel_loop3A_531], %parallel_loop3A_528 {strides = array<i32>} : memref<106x512xf32, #tpu.memory_space<vmem>>, vector<16xf32>,
      %parallel_loop3A_533 = arith.constant 31 : i32
      %parallel_loop3A_534 = vector.broadcast %parallel_loop3A_533 : i32 to vector<16xi32>
      %parallel_loop3A_535 = arith.addi %parallel_loop3A_284, %parallel_loop3A_534 : vector<16xi32>
      %parallel_loop3A_536 = tpu.vector_load_idx %arg20[%parallel_loop3A_535] : memref<759xf32, #tpu.memory_space<vmem>>[vector<16xi32>], vector<16xf32>,
      %parallel_loop3A_537 = arith.constant 105 : i32
      %parallel_loop3A_538 = arith.index_cast %parallel_loop3A_537 : i32 to index
      %parallel_loop3A_539 = arith.index_cast %parallel_loop3A_263 : i32 to index
      %parallel_loop3A_540 = tpu.vector_load %arg21[%parallel_loop3A_538, %parallel_loop3A_539] {strides = array<i32>} : memref<106x512xf32, #tpu.memory_space<vmem>>, vector<16xf32>,
      tpu.vector_store %arg21[%parallel_loop3A_538, %parallel_loop3A_539], %parallel_loop3A_536 {strides = array<i32>} : memref<106x512xf32, #tpu.memory_space<vmem>>, vector<16xf32>,
    } {sc.loop_unroll_factor = 1 : i64, sc.parallel_access}
    %dma_wait3A_131 = arith.constant 64 : i32
    %dma_wait3A_132 = arith.constant 0 : i32
    %dma_wait3A_133 = tpu.memref_slice %arg21[%dma_wait3A_131, %dma_wait3A_132] : memref<106x512xf32, #tpu.memory_space<vmem>> -> memref<1x512xf32, #tpu.memory_space<vmem>>
    %dma_wait3A_134 = tpu.memref_squeeze %dma_wait3A_133 : memref<1x512xf32, #tpu.memory_space<vmem>> -> memref<512xf32, #tpu.memory_space<vmem>>
    %dma_wait3A_135 = tpu.memref_slice %arg5[%mul3A_2] : memref<16384xf32, #tpu.memory_space<hbm>> -> memref<512xf32, #tpu.memory_space<hbm>>
    %dma_wait3A_136 = arith.constant 0 : i32
    %dma_wait3A_137 = tpu.memref_slice %arg21[%dma_wait3A_131, %dma_wait3A_136] : memref<106x512xf32, #tpu.memory_space<vmem>> -> memref<1x512xf32, #tpu.memory_space<vmem>>
    %dma_wait3A_138 = tpu.memref_squeeze %dma_wait3A_137 : memref<1x512xf32, #tpu.memory_space<vmem>> -> memref<512xf32, #tpu.memory_space<vmem>>
    %dma_wait3A_139 = tpu.memref_slice %arg5[%mul3A_2] : memref<16384xf32, #tpu.memory_space<hbm>> -> memref<512xf32, #tpu.memory_space<hbm>>
    tpu.wait_dma2 semaphore(%arg22 : memref<!tpu.dma_semaphore, #tpu.memory_space<semaphore_mem>>) src(%dma_wait3A_139 : memref<512xf32, #tpu.memory_space<hbm>>) dst(%dma_wait3A_138 : memref<512xf32, #tpu.memory_space<vmem>>)
    %dma_wait3A_140 = arith.constant 65 : i32
    %dma_wait3A_141 = arith.constant 0 : i32
    %dma_wait3A_142 = tpu.memref_slice %arg21[%dma_wait3A_140, %dma_wait3A_141] : memref<106x512xf32, #tpu.memory_space<vmem>> -> memref<1x512xf32, #tpu.memory_space<vmem>>
    %dma_wait3A_143 = tpu.memref_squeeze %dma_wait3A_142 : memref<1x512xf32, #tpu.memory_space<vmem>> -> memref<512xf32, #tpu.memory_space<vmem>>
    %dma_wait3A_144 = tpu.memref_slice %arg6[%mul3A_2] : memref<16384xf32, #tpu.memory_space<hbm>> -> memref<512xf32, #tpu.memory_space<hbm>>
    %dma_wait3A_145 = arith.constant 0 : i32
    %dma_wait3A_146 = tpu.memref_slice %arg21[%dma_wait3A_140, %dma_wait3A_145] : memref<106x512xf32, #tpu.memory_space<vmem>> -> memref<1x512xf32, #tpu.memory_space<vmem>>
    %dma_wait3A_147 = tpu.memref_squeeze %dma_wait3A_146 : memref<1x512xf32, #tpu.memory_space<vmem>> -> memref<512xf32, #tpu.memory_space<vmem>>
    %dma_wait3A_148 = tpu.memref_slice %arg6[%mul3A_2] : memref<16384xf32, #tpu.memory_space<hbm>> -> memref<512xf32, #tpu.memory_space<hbm>>
    tpu.wait_dma2 semaphore(%arg22 : memref<!tpu.dma_semaphore, #tpu.memory_space<semaphore_mem>>) src(%dma_wait3A_148 : memref<512xf32, #tpu.memory_space<hbm>>) dst(%dma_wait3A_147 : memref<512xf32, #tpu.memory_space<vmem>>)
    %dma_wait3A_149 = arith.constant 66 : i32
    %dma_wait3A_150 = arith.constant 0 : i32
    %dma_wait3A_151 = tpu.memref_slice %arg21[%dma_wait3A_149, %dma_wait3A_150] : memref<106x512xf32, #tpu.memory_space<vmem>> -> memref<1x512xf32, #tpu.memory_space<vmem>>
    %dma_wait3A_152 = tpu.memref_squeeze %dma_wait3A_151 : memref<1x512xf32, #tpu.memory_space<vmem>> -> memref<512xf32, #tpu.memory_space<vmem>>
    %dma_wait3A_153 = tpu.memref_slice %arg7[%mul3A_2] : memref<16384xf32, #tpu.memory_space<hbm>> -> memref<512xf32, #tpu.memory_space<hbm>>
    %dma_wait3A_154 = arith.constant 0 : i32
    %dma_wait3A_155 = tpu.memref_slice %arg21[%dma_wait3A_149, %dma_wait3A_154] : memref<106x512xf32, #tpu.memory_space<vmem>> -> memref<1x512xf32, #tpu.memory_space<vmem>>
    %dma_wait3A_156 = tpu.memref_squeeze %dma_wait3A_155 : memref<1x512xf32, #tpu.memory_space<vmem>> -> memref<512xf32, #tpu.memory_space<vmem>>
    %dma_wait3A_157 = tpu.memref_slice %arg7[%mul3A_2] : memref<16384xf32, #tpu.memory_space<hbm>> -> memref<512xf32, #tpu.memory_space<hbm>>
    tpu.wait_dma2 semaphore(%arg22 : memref<!tpu.dma_semaphore, #tpu.memory_space<semaphore_mem>>) src(%dma_wait3A_157 : memref<512xf32, #tpu.memory_space<hbm>>) dst(%dma_wait3A_156 : memref<512xf32, #tpu.memory_space<vmem>>)
    %dma_wait3A_158 = arith.constant 67 : i32
    %dma_wait3A_159 = arith.constant 0 : i32
    %dma_wait3A_160 = tpu.memref_slice %arg21[%dma_wait3A_158, %dma_wait3A_159] : memref<106x512xf32, #tpu.memory_space<vmem>> -> memref<1x512xf32, #tpu.memory_space<vmem>>
    %dma_wait3A_161 = tpu.memref_squeeze %dma_wait3A_160 : memref<1x512xf32, #tpu.memory_space<vmem>> -> memref<512xf32, #tpu.memory_space<vmem>>
    %dma_wait3A_162 = tpu.memref_slice %arg8[%mul3A_2] : memref<16384xf32, #tpu.memory_space<hbm>> -> memref<512xf32, #tpu.memory_space<hbm>>
    %dma_wait3A_163 = arith.constant 0 : i32
    %dma_wait3A_164 = tpu.memref_slice %arg21[%dma_wait3A_158, %dma_wait3A_163] : memref<106x512xf32, #tpu.memory_space<vmem>> -> memref<1x512xf32, #tpu.memory_space<vmem>>
    %dma_wait3A_165 = tpu.memref_squeeze %dma_wait3A_164 : memref<1x512xf32, #tpu.memory_space<vmem>> -> memref<512xf32, #tpu.memory_space<vmem>>
    %dma_wait3A_166 = tpu.memref_slice %arg8[%mul3A_2] : memref<16384xf32, #tpu.memory_space<hbm>> -> memref<512xf32, #tpu.memory_space<hbm>>
    tpu.wait_dma2 semaphore(%arg22 : memref<!tpu.dma_semaphore, #tpu.memory_space<semaphore_mem>>) src(%dma_wait3A_166 : memref<512xf32, #tpu.memory_space<hbm>>) dst(%dma_wait3A_165 : memref<512xf32, #tpu.memory_space<vmem>>)
    %dma_wait3A_167 = arith.constant 68 : i32
    %dma_wait3A_168 = arith.constant 0 : i32
    %dma_wait3A_169 = tpu.memref_slice %arg21[%dma_wait3A_167, %dma_wait3A_168] : memref<106x512xf32, #tpu.memory_space<vmem>> -> memref<1x512xf32, #tpu.memory_space<vmem>>
    %dma_wait3A_170 = tpu.memref_squeeze %dma_wait3A_169 : memref<1x512xf32, #tpu.memory_space<vmem>> -> memref<512xf32, #tpu.memory_space<vmem>>
    %dma_wait3A_171 = tpu.memref_slice %arg9[%mul3A_2] : memref<16384xf32, #tpu.memory_space<hbm>> -> memref<512xf32, #tpu.memory_space<hbm>>
    %dma_wait3A_172 = arith.constant 0 : i32
    %dma_wait3A_173 = tpu.memref_slice %arg21[%dma_wait3A_167, %dma_wait3A_172] : memref<106x512xf32, #tpu.memory_space<vmem>> -> memref<1x512xf32, #tpu.memory_space<vmem>>
    %dma_wait3A_174 = tpu.memref_squeeze %dma_wait3A_173 : memref<1x512xf32, #tpu.memory_space<vmem>> -> memref<512xf32, #tpu.memory_space<vmem>>
    %dma_wait3A_175 = tpu.memref_slice %arg9[%mul3A_2] : memref<16384xf32, #tpu.memory_space<hbm>> -> memref<512xf32, #tpu.memory_space<hbm>>
    tpu.wait_dma2 semaphore(%arg22 : memref<!tpu.dma_semaphore, #tpu.memory_space<semaphore_mem>>) src(%dma_wait3A_175 : memref<512xf32, #tpu.memory_space<hbm>>) dst(%dma_wait3A_174 : memref<512xf32, #tpu.memory_space<vmem>>)
    %dma_wait3A_176 = arith.constant 69 : i32
    %dma_wait3A_177 = arith.constant 0 : i32
    %dma_wait3A_178 = tpu.memref_slice %arg21[%dma_wait3A_176, %dma_wait3A_177] : memref<106x512xf32, #tpu.memory_space<vmem>> -> memref<1x512xf32, #tpu.memory_space<vmem>>
    %dma_wait3A_179 = tpu.memref_squeeze %dma_wait3A_178 : memref<1x512xf32, #tpu.memory_space<vmem>> -> memref<512xf32, #tpu.memory_space<vmem>>
    %dma_wait3A_180 = tpu.memref_slice %arg10[%mul3A_2] : memref<16384xf32, #tpu.memory_space<hbm>> -> memref<512xf32, #tpu.memory_space<hbm>>
    %dma_wait3A_181 = arith.constant 0 : i32
    %dma_wait3A_182 = tpu.memref_slice %arg21[%dma_wait3A_176, %dma_wait3A_181] : memref<106x512xf32, #tpu.memory_space<vmem>> -> memref<1x512xf32, #tpu.memory_space<vmem>>
    %dma_wait3A_183 = tpu.memref_squeeze %dma_wait3A_182 : memref<1x512xf32, #tpu.memory_space<vmem>> -> memref<512xf32, #tpu.memory_space<vmem>>
    %dma_wait3A_184 = tpu.memref_slice %arg10[%mul3A_2] : memref<16384xf32, #tpu.memory_space<hbm>> -> memref<512xf32, #tpu.memory_space<hbm>>
    tpu.wait_dma2 semaphore(%arg22 : memref<!tpu.dma_semaphore, #tpu.memory_space<semaphore_mem>>) src(%dma_wait3A_184 : memref<512xf32, #tpu.memory_space<hbm>>) dst(%dma_wait3A_183 : memref<512xf32, #tpu.memory_space<vmem>>)
    %dma_wait3A_185 = arith.constant 70 : i32
    %dma_wait3A_186 = arith.constant 0 : i32
    %dma_wait3A_187 = tpu.memref_slice %arg21[%dma_wait3A_185, %dma_wait3A_186] : memref<106x512xf32, #tpu.memory_space<vmem>> -> memref<1x512xf32, #tpu.memory_space<vmem>>
    %dma_wait3A_188 = tpu.memref_squeeze %dma_wait3A_187 : memref<1x512xf32, #tpu.memory_space<vmem>> -> memref<512xf32, #tpu.memory_space<vmem>>
    %dma_wait3A_189 = tpu.memref_slice %arg11[%mul3A_2] : memref<16384xf32, #tpu.memory_space<hbm>> -> memref<512xf32, #tpu.memory_space<hbm>>
    %dma_wait3A_190 = arith.constant 0 : i32
    %dma_wait3A_191 = tpu.memref_slice %arg21[%dma_wait3A_185, %dma_wait3A_190] : memref<106x512xf32, #tpu.memory_space<vmem>> -> memref<1x512xf32, #tpu.memory_space<vmem>>
    %dma_wait3A_192 = tpu.memref_squeeze %dma_wait3A_191 : memref<1x512xf32, #tpu.memory_space<vmem>> -> memref<512xf32, #tpu.memory_space<vmem>>
    %dma_wait3A_193 = tpu.memref_slice %arg11[%mul3A_2] : memref<16384xf32, #tpu.memory_space<hbm>> -> memref<512xf32, #tpu.memory_space<hbm>>
    tpu.wait_dma2 semaphore(%arg22 : memref<!tpu.dma_semaphore, #tpu.memory_space<semaphore_mem>>) src(%dma_wait3A_193 : memref<512xf32, #tpu.memory_space<hbm>>) dst(%dma_wait3A_192 : memref<512xf32, #tpu.memory_space<vmem>>)
    %dma_wait3A_194 = arith.constant 71 : i32
    %dma_wait3A_195 = arith.constant 0 : i32
    %dma_wait3A_196 = tpu.memref_slice %arg21[%dma_wait3A_194, %dma_wait3A_195] : memref<106x512xf32, #tpu.memory_space<vmem>> -> memref<1x512xf32, #tpu.memory_space<vmem>>
    %dma_wait3A_197 = tpu.memref_squeeze %dma_wait3A_196 : memref<1x512xf32, #tpu.memory_space<vmem>> -> memref<512xf32, #tpu.memory_space<vmem>>
    %dma_wait3A_198 = tpu.memref_slice %arg12[%mul3A_2] : memref<16384xf32, #tpu.memory_space<hbm>> -> memref<512xf32, #tpu.memory_space<hbm>>
    %dma_wait3A_199 = arith.constant 0 : i32
    %dma_wait3A_200 = tpu.memref_slice %arg21[%dma_wait3A_194, %dma_wait3A_199] : memref<106x512xf32, #tpu.memory_space<vmem>> -> memref<1x512xf32, #tpu.memory_space<vmem>>
    %dma_wait3A_201 = tpu.memref_squeeze %dma_wait3A_200 : memref<1x512xf32, #tpu.memory_space<vmem>> -> memref<512xf32, #tpu.memory_space<vmem>>
    %dma_wait3A_202 = tpu.memref_slice %arg12[%mul3A_2] : memref<16384xf32, #tpu.memory_space<hbm>> -> memref<512xf32, #tpu.memory_space<hbm>>
    tpu.wait_dma2 semaphore(%arg22 : memref<!tpu.dma_semaphore, #tpu.memory_space<semaphore_mem>>) src(%dma_wait3A_202 : memref<512xf32, #tpu.memory_space<hbm>>) dst(%dma_wait3A_201 : memref<512xf32, #tpu.memory_space<vmem>>)
    %dma_wait3A_203 = arith.constant 72 : i32
    %dma_wait3A_204 = arith.constant 0 : i32
    %dma_wait3A_205 = tpu.memref_slice %arg21[%dma_wait3A_203, %dma_wait3A_204] : memref<106x512xf32, #tpu.memory_space<vmem>> -> memref<1x512xf32, #tpu.memory_space<vmem>>
    %dma_wait3A_206 = tpu.memref_squeeze %dma_wait3A_205 : memref<1x512xf32, #tpu.memory_space<vmem>> -> memref<512xf32, #tpu.memory_space<vmem>>
    %dma_wait3A_207 = tpu.memref_slice %arg13[%mul3A_2] : memref<16384xf32, #tpu.memory_space<hbm>> -> memref<512xf32, #tpu.memory_space<hbm>>
    %dma_wait3A_208 = arith.constant 0 : i32
    %dma_wait3A_209 = tpu.memref_slice %arg21[%dma_wait3A_203, %dma_wait3A_208] : memref<106x512xf32, #tpu.memory_space<vmem>> -> memref<1x512xf32, #tpu.memory_space<vmem>>
    %dma_wait3A_210 = tpu.memref_squeeze %dma_wait3A_209 : memref<1x512xf32, #tpu.memory_space<vmem>> -> memref<512xf32, #tpu.memory_space<vmem>>
    %dma_wait3A_211 = tpu.memref_slice %arg13[%mul3A_2] : memref<16384xf32, #tpu.memory_space<hbm>> -> memref<512xf32, #tpu.memory_space<hbm>>
    tpu.wait_dma2 semaphore(%arg22 : memref<!tpu.dma_semaphore, #tpu.memory_space<semaphore_mem>>) src(%dma_wait3A_211 : memref<512xf32, #tpu.memory_space<hbm>>) dst(%dma_wait3A_210 : memref<512xf32, #tpu.memory_space<vmem>>)
    %dma_wait3A_212 = arith.constant 73 : i32
    %dma_wait3A_213 = arith.constant 0 : i32
    %dma_wait3A_214 = tpu.memref_slice %arg21[%dma_wait3A_212, %dma_wait3A_213] : memref<106x512xf32, #tpu.memory_space<vmem>> -> memref<1x512xf32, #tpu.memory_space<vmem>>
    %dma_wait3A_215 = tpu.memref_squeeze %dma_wait3A_214 : memref<1x512xf32, #tpu.memory_space<vmem>> -> memref<512xf32, #tpu.memory_space<vmem>>
    %dma_wait3A_216 = tpu.memref_slice %arg14[%mul3A_2] : memref<16384xf32, #tpu.memory_space<hbm>> -> memref<512xf32, #tpu.memory_space<hbm>>
    %dma_wait3A_217 = arith.constant 0 : i32
    %dma_wait3A_218 = tpu.memref_slice %arg21[%dma_wait3A_212, %dma_wait3A_217] : memref<106x512xf32, #tpu.memory_space<vmem>> -> memref<1x512xf32, #tpu.memory_space<vmem>>
    %dma_wait3A_219 = tpu.memref_squeeze %dma_wait3A_218 : memref<1x512xf32, #tpu.memory_space<vmem>> -> memref<512xf32, #tpu.memory_space<vmem>>
    %dma_wait3A_220 = tpu.memref_slice %arg14[%mul3A_2] : memref<16384xf32, #tpu.memory_space<hbm>> -> memref<512xf32, #tpu.memory_space<hbm>>
    tpu.wait_dma2 semaphore(%arg22 : memref<!tpu.dma_semaphore, #tpu.memory_space<semaphore_mem>>) src(%dma_wait3A_220 : memref<512xf32, #tpu.memory_space<hbm>>) dst(%dma_wait3A_219 : memref<512xf32, #tpu.memory_space<vmem>>)
    %dma_start3A_221 = arith.constant 64 : i32
    %dma_start3A_222 = arith.constant 0 : i32
    %dma_start3A_223 = tpu.memref_slice %arg21[%dma_start3A_221, %dma_start3A_222] : memref<106x512xf32, #tpu.memory_space<vmem>> -> memref<42x512xf32, #tpu.memory_space<vmem>>
    %dma_start3A_224 = arith.constant 64 : i32
    %dma_start3A_225 = tpu.memref_slice %arg16[%dma_start3A_224, %mul3A_2] : memref<106x16384xf32, #tpu.memory_space<hbm>> -> memref<42x512xf32, #tpu.memory_space<hbm>>
    %dma_start3A_226 = arith.constant 64 : i32
    %dma_start3A_227 = tpu.memref_slice %arg16[%dma_start3A_226, %mul3A_2] : memref<106x16384xf32, #tpu.memory_space<hbm>> -> memref<42x512xf32, #tpu.memory_space<hbm>>
    %dma_start3A_228 = arith.constant 64 : i32
    %dma_start3A_229 = arith.constant 0 : i32
    %dma_start3A_230 = tpu.memref_slice %arg21[%dma_start3A_228, %dma_start3A_229] : memref<106x512xf32, #tpu.memory_space<vmem>> -> memref<42x512xf32, #tpu.memory_space<vmem>>
    tpu.enqueue_dma source(%dma_start3A_230 : memref<42x512xf32, #tpu.memory_space<vmem>>) target(%dma_start3A_227 : memref<42x512xf32, #tpu.memory_space<hbm>>) target_semaphore(%arg22 : memref<!tpu.dma_semaphore, #tpu.memory_space<semaphore_mem>>)
    %dma_wait3A_231 = arith.constant 0 : i32
    %dma_wait3A_232 = arith.constant 0 : i32
    %dma_wait3A_233 = tpu.memref_slice %arg21[%dma_wait3A_231, %dma_wait3A_232] : memref<106x512xf32, #tpu.memory_space<vmem>> -> memref<32x512xf32, #tpu.memory_space<vmem>>
    %dma_wait3A_234 = arith.constant 0 : i32
    %dma_wait3A_235 = tpu.memref_slice %arg16[%dma_wait3A_234, %mul3A_2] : memref<106x16384xf32, #tpu.memory_space<hbm>> -> memref<32x512xf32, #tpu.memory_space<hbm>>
    %dma_wait3A_236 = arith.constant 0 : i32
    %dma_wait3A_237 = tpu.memref_slice %arg16[%dma_wait3A_236, %mul3A_2] : memref<106x16384xf32, #tpu.memory_space<hbm>> -> memref<32x512xf32, #tpu.memory_space<hbm>>
    %dma_wait3A_238 = arith.constant 0 : i32
    %dma_wait3A_239 = arith.constant 0 : i32
    %dma_wait3A_240 = tpu.memref_slice %arg21[%dma_wait3A_238, %dma_wait3A_239] : memref<106x512xf32, #tpu.memory_space<vmem>> -> memref<32x512xf32, #tpu.memory_space<vmem>>
    tpu.wait_dma2 semaphore(%arg22 : memref<!tpu.dma_semaphore, #tpu.memory_space<semaphore_mem>>) src(%dma_wait3A_240 : memref<32x512xf32, #tpu.memory_space<vmem>>) dst(%dma_wait3A_237 : memref<32x512xf32, #tpu.memory_space<hbm>>)
    %dma_wait3A_241 = arith.constant 32 : i32
    %dma_wait3A_242 = arith.constant 0 : i32
    %dma_wait3A_243 = tpu.memref_slice %arg21[%dma_wait3A_241, %dma_wait3A_242] : memref<106x512xf32, #tpu.memory_space<vmem>> -> memref<32x512xf32, #tpu.memory_space<vmem>>
    %dma_wait3A_244 = arith.constant 32 : i32
    %dma_wait3A_245 = tpu.memref_slice %arg16[%dma_wait3A_244, %mul3A_2] : memref<106x16384xf32, #tpu.memory_space<hbm>> -> memref<32x512xf32, #tpu.memory_space<hbm>>
    %dma_wait3A_246 = arith.constant 32 : i32
    %dma_wait3A_247 = tpu.memref_slice %arg16[%dma_wait3A_246, %mul3A_2] : memref<106x16384xf32, #tpu.memory_space<hbm>> -> memref<32x512xf32, #tpu.memory_space<hbm>>
    %dma_wait3A_248 = arith.constant 32 : i32
    %dma_wait3A_249 = arith.constant 0 : i32
    %dma_wait3A_250 = tpu.memref_slice %arg21[%dma_wait3A_248, %dma_wait3A_249] : memref<106x512xf32, #tpu.memory_space<vmem>> -> memref<32x512xf32, #tpu.memory_space<vmem>>
    tpu.wait_dma2 semaphore(%arg22 : memref<!tpu.dma_semaphore, #tpu.memory_space<semaphore_mem>>) src(%dma_wait3A_250 : memref<32x512xf32, #tpu.memory_space<vmem>>) dst(%dma_wait3A_247 : memref<32x512xf32, #tpu.memory_space<hbm>>)
    %dma_wait3A_251 = arith.constant 64 : i32
    %dma_wait3A_252 = arith.constant 0 : i32
    %dma_wait3A_253 = tpu.memref_slice %arg21[%dma_wait3A_251, %dma_wait3A_252] : memref<106x512xf32, #tpu.memory_space<vmem>> -> memref<42x512xf32, #tpu.memory_space<vmem>>
    %dma_wait3A_254 = arith.constant 64 : i32
    %dma_wait3A_255 = tpu.memref_slice %arg16[%dma_wait3A_254, %mul3A_2] : memref<106x16384xf32, #tpu.memory_space<hbm>> -> memref<42x512xf32, #tpu.memory_space<hbm>>
    %dma_wait3A_256 = arith.constant 64 : i32
    %dma_wait3A_257 = tpu.memref_slice %arg16[%dma_wait3A_256, %mul3A_2] : memref<106x16384xf32, #tpu.memory_space<hbm>> -> memref<42x512xf32, #tpu.memory_space<hbm>>
    %dma_wait3A_258 = arith.constant 64 : i32
    %dma_wait3A_259 = arith.constant 0 : i32
    %dma_wait3A_260 = tpu.memref_slice %arg21[%dma_wait3A_258, %dma_wait3A_259] : memref<106x512xf32, #tpu.memory_space<vmem>> -> memref<42x512xf32, #tpu.memory_space<vmem>>
    tpu.wait_dma2 semaphore(%arg22 : memref<!tpu.dma_semaphore, #tpu.memory_space<semaphore_mem>>) src(%dma_wait3A_260 : memref<42x512xf32, #tpu.memory_space<vmem>>) dst(%dma_wait3A_257 : memref<42x512xf32, #tpu.memory_space<hbm>>)
    return
  }
}

</mosaic_0001>

<sc_bundles>
// kernel: _run.3.cloned.1.call-start
scs
__scs_entry_jumppad:
0x0: {  	(pc) =	sbr.rel $0x88, $3  }
0x1: {  	(tag) =	ssettag $0x0;
	lr =	simm.s32 $0x1  }
0x2: {  	[smem:$0x3F93] =	sst lr;
	_ =	strace $0xD0000000  }
0x3: {  	_ = 	snop  }
0x4: {  	_ = 	snop  }
0x5: {  	_ = 	snop  }
0x6: {  	_ = 	snop  }
0x7: {  	_ = 	snop  }
__scs_overlays_trampoline_lowered:
0x8: {  	[smem:$0x3FA2] =	sst s0  }
0x9: {  	[smem:$0x3FA3] =	sst s1  }
0xa: {  	[smem:$0x3FA4] =	sst s2  }
0xb: {  	[smem:$0x3FA5] =	sst s3  }
0xc: {  	[smem:$0x3FA6] =	sst s4  }
0xd: {  	[smem:$0x3FA7] =	sst s5  }
0xe: {  	[smem:$0x3FA8] =	sst s6  }
0xf: {  	[smem:$0x3FA9] =	sst s7  }
0x10: {  	[smem:$0x3FAA] =	sst s8  }
0x11: {  	[smem:$0x3FAB] =	sst s9;
	s0 =	simm.s32 @!p0 $0x0  }
0x12: {  	s1 =	sld [smem:$0x3F91];
	s0 =	simm.s32 @p0 $0x1  }
0x13: {  	[smem:$0x3FAC] =	sst s0;
	s0 =	simm.s32 @!p1 $0x0  }
0x14: {  	s2 =	sld [smem:$0x3F90];
	s0 =	simm.s32 @p1 $0x1  }
0x15: {  	[smem:$0x3FAD] =	sst s0;
	s0 =	simm.s32 @!p2 $0x0  }
0x16: {  	s3 =	sld [smem:$0x3FDB];
	s0 =	simm.s32 @p2 $0x1  }
0x17: {  	s4 =	simm.s32 $0x1BF5;
	[smem:$0x3FAF] =	sst s0  }
0x18: {  	s0 =	sld [smem:$0x3F92];
	_ =	swait.ge [sflag:s4], $0x0  }
0x19: {  	s7 =	sld [smem:$0x3F93]  }
0x1a: {  	s8 =	sadd.s32 $0xFFFFE003, lr  }
0x1b: {  	s9 =	sadd.s32 $0xFFFFFEF7, lr;
	s5 =	simm.s32 $0xFFFFFFFF;
	p2 =	slt.u32 s8, $0xFFFFF086  }
0x1c: {  	p1 =	slt.u32 s9, $0xF7A;
	s5 =	simm.s32 @!p2 $0x0  }
0x1d: {  	s5 =	simm.s32 @p1 $0x1;
	p0 =	seq.s32 s7, s2  }
0x1e: {  	s7 =	smul.u32 @!p0 $0xF7A, s2;
	p2 =	seq.s32 @!p0 s5, $0x0  }
0x1f: {  	s9 =	smul.u32 $0xF7A, s1;
	s8 =	simm.s32 @!p0 $0x1BF5;
	p2 =	por !p2, p0  }
0x20: {  	[sflag:s8] =	ssyncset.s32 @!p0 $0xFFFFF086;
	s6 =	sadd.s32 @!p0 s3, s7;
	s7 =	simm.s32 @!p0 $0x108  }
0x21: {  	s3 =	sadd.s32 s3, s9;
	s6 =	sadd.s32 @!p0 $0x88, s6;
	s7 =	simm.s32 @p2 $0x1082  }
0x22: {  	[simem:s7], [sflag:s8] =	dma.local @!p0 [hbm:s6], $0xF7A  }
0x23: {  	s9 =	sor.u32 $0xD0000000, s2;
	s6 =	simm.s32 $0x108;
	_ =	swait.ge @!p0 [sflag:s8], $0x0  }
0x24: {  	s3 =	sadd.s32 $0x88, s3;
	s6 =	simm.s32 @!p1 $0x1082;
	[sflag:s4] =	ssyncset.s32 $0xFFFFF086  }
0x25: {  	[simem:s6], [sflag:s4] =	dma.local [hbm:s3], $0xF7A  }
0x26: {  	[smem:$0x3F93] =	sst s1;
	(tag) =	ssettag s2;
	_ =	strace s9  }
0x27: {  	s1 =	sld [smem:$0x3FA3]  }
0x28: {  	s2 =	sld [smem:$0x3FA4]  }
0x29: {  	s4 =	sld [smem:$0x3FA6]  }
0x2a: {  	p0 =	seq.s32 s5, $0x0;
	s5 =	sld [smem:$0x3FA7]  }
0x2b: {  	s6 =	sld [smem:$0x3FA8]  }
0x2c: {  	s7 =	sld [smem:$0x3FA9]  }
0x2d: {  	s3 =	simm.s32 $0x108;
	s8 =	sld [smem:$0x3FAA]  }
0x2e: {  	s3 =	simm.s32 @!p0 $0x1082;
	s9 =	sld [smem:$0x3FAB]  }
0x2f: {  	lr =	sadd.s32 s0, s3;
	s0 =	sld [smem:$0x3FA2]  }
0x30: {  	s3 =	sld [smem:$0x3FA5]  }
0x31: {  	[smem:$0x3FAE] =	sst s10  }
0x32: {  	s10 =	sld [smem:$0x3FAC];
	_ =	sdelay $0x3  }
0x33: {  	p0 =	seq.s32 s10, $0x1;
	s10 =	sld [smem:$0x3FAE];
	_ =	sdelay $0x3  }
0x34: {  	[smem:$0x3FAE] =	sst s10  }
0x35: {  	s10 =	sld [smem:$0x3FAD];
	_ =	sdelay $0x3  }
0x36: {  	p1 =	seq.s32 s10, $0x1;
	s10 =	sld [smem:$0x3FAE];
	_ =	sdelay $0x3  }
0x37: {  	[smem:$0x3FAE] =	sst s10  }
0x38: {  	s10 =	sld [smem:$0x3FAF]  }
0x39: {  	_ = 	snop;
	(pc) =	sbr.ind lr, $3  }
0x3a: {  	_ = 	snop  }
0x3b: {  	_ = 	snop  }
0x3c: {  	p2 =	seq.s32 s10, $0x1;
	s10 =	sld [smem:$0x3FAE]  }
0x3d: {  	_ =	shalt  }
0x3e: {  	_ =	shalt  }
0x3f: {  	_ =	shalt  }
0x40: {  	_ =	shalt  }
0x41: {  	_ =	shalt  }
0x42: {  	_ =	shalt  }
0x43: {  	_ =	shalt  }
0x44: {  	_ =	shalt  }
0x45: {  	_ =	shalt  }
0x46: {  	_ =	shalt  }
0x47: {  	_ =	shalt  }
0x48: {  	_ =	shalt  }
0x49: {  	_ =	shalt  }
0x4a: {  	_ =	shalt  }
0x4b: {  	_ =	shalt  }
0x4c: {  	_ =	shalt  }
0x4d: {  	_ =	shalt  }
0x4e: {  	_ =	shalt  }
0x4f: {  	_ =	shalt  }
0x50: {  	_ =	shalt  }
0x51: {  	_ =	shalt  }
0x52: {  	_ =	shalt  }
0x53: {  	_ =	shalt  }
0x54: {  	_ =	shalt  }
0x55: {  	_ =	shalt  }
0x56: {  	_ =	shalt  }
0x57: {  	_ =	shalt  }
0x58: {  	_ =	shalt  }
0x59: {  	_ =	shalt  }
0x5a: {  	_ =	shalt  }
0x5b: {  	_ =	shalt  }
0x5c: {  	_ =	shalt  }
0x5d: {  	_ =	shalt  }
0x5e: {  	_ =	shalt  }
0x5f: {  	_ =	shalt  }
0x60: {  	_ =	shalt  }
0x61: {  	_ =	shalt  }
0x62: {  	_ =	shalt  }
0x63: {  	_ =	shalt  }
0x64: {  	_ =	shalt  }
0x65: {  	_ =	shalt  }
0x66: {  	_ =	shalt  }
0x67: {  	_ =	shalt  }
0x68: {  	_ =	shalt  }
0x69: {  	_ =	shalt  }
0x6a: {  	_ =	shalt  }
0x6b: {  	_ =	shalt  }
0x6c: {  	_ =	shalt  }
0x6d: {  	_ =	shalt  }
0x6e: {  	_ =	shalt  }
0x6f: {  	_ =	shalt  }
0x70: {  	_ =	shalt  }
0x71: {  	_ =	shalt  }
0x72: {  	_ =	shalt  }
0x73: {  	_ =	shalt  }
0x74: {  	_ =	shalt  }
0x75: {  	_ =	shalt  }
0x76: {  	_ =	shalt  }
0x77: {  	_ =	shalt  }
0x78: {  	_ =	shalt  }
0x79: {  	_ =	shalt  }
0x7a: {  	_ =	shalt  }
0x7b: {  	_ =	shalt  }
0x7c: {  	_ =	shalt  }
0x7d: {  	_ =	shalt  }
0x7e: {  	_ =	shalt  }
0x7f: {  	_ =	shalt  }
0x80: {  	_ =	shalt  }
0x81: {  	_ =	shalt  }
0x82: {  	_ =	shalt  }
0x83: {  	_ =	shalt  }
0x84: {  	_ =	shalt  }
0x85: {  	_ =	shalt  }
0x86: {  	_ =	shalt  }
0x87: {  	_ =	shalt  }
.Lfunc_end0:
.L_simem_size_0:
called_computation_lowered:
.L_overlay_start_0:
0x88: {  	s2 =	sld [smem:$0x3FD9]  }
0x89: {  	s3 =	sld [smem:$0x3FFE];
	_ =	sdelay $0x1  }
0x8a: {  	s1 =	srdreg.scid  }
0x8b: {  	s0 =	sand.u32 $0x1, s1  }
0x8c: {  	s24 =	sshll.u32 s0, $0xA;
	s2 =	sadd.s32 s3, s2  }
0x8d: {  	s2 =	sadd.s32 s2, s24  }
0x8e: {  	[smem:$0x3FBA] =	sst s2  }
0x8f: {  	_ = 	snop  }
0x90: {  	s2 =	sld [smem:$0x3FC9]  }
0x91: {  	s3 =	sld [smem:$0x3FC8]  }
0x92: {  	s4 =	sld [smem:$0x3FC7]  }
0x93: {  	s5 =	sld [smem:$0x3FC6]  }
0x94: {  	s6 =	sld [smem:$0x3FC5]  }
0x95: {  	s7 =	sld [smem:$0x3FC4]  }
0x96: {  	s8 =	sld [smem:$0x3FC3]  }
0x97: {  	s9 =	sld [smem:$0x3FC2]  }
0x98: {  	s10 =	sld [smem:$0x3FC1]  }
0x99: {  	s11 =	sld [smem:$0x3FC0]  }
0x9a: {  	s12 =	sld [smem:$0x3FBF]  }
0x9b: {  	s13 =	sld [smem:$0x3FBE]  }
0x9c: {  	s14 =	sld [smem:$0x3FBD]  }
0x9d: {  	s15 =	sld [smem:$0x3FBC]  }
0x9e: {  	s17 =	sld [smem:$0x3FD0];
	(tm) =	ssettm $0x1  }
0x9f: {  	s16 =	sld [smem:$0x3FFB];
	_ =	sdelay $0x3  }
0xa0: {  	_ =	strace s16  }
0xa1: {  	s16 =	sld [smem:$0x3FFC];
	_ =	sdelay $0x3  }
0xa2: {  	_ =	strace s16  }
0xa3: {  	s16 =	sld [smem:$0x3FFD];
	_ =	sdelay $0x3  }
0xa4: {  	_ =	strace s16  }
0xa5: {  	_ =	strace $0x8FFFFFFF  }
0xa6: {  	s25 =	sld [smem:$0x3FDB];
	_ =	sdelay $0x1  }
0xa7: {  	s18 =	simm.s32 $_scs_section_size  }
0xa8: {  	s19 =	simm.s32 $_size__tile_task_arg_handler_lowered;
	s20 =	simm.s32 $_tile_task_arg_handler_lowered  }
0xa9: {  	s29 =	simm.s32 $0x1BFF;
	s28 =	sshll.u32 s20, $0x1;
	s18 =	sadd.s32 s18, s25  }
0xaa: {  	s21 =	simm.s32 $0x60;
	s26 =	sshll.u32 s19, $0x1;
	s19 =	sadd.s32 s28, s18  }
0xab: {  	[timem:s21], [sflag:s29] =	dma.local [hbm:s19], s26  }
0xac: {  	_ =	swait.ge [sflag:s29], s26  }
0xad: {  	s30 =	simm.s32 $_tile_overlayer_lowered;
	s16 =	ssub.s32 $0x0, s26;
	[sflag:s29] =	ssyncset.done $0x0  }
0xae: {  	s31 =	simm.s32 $_size__tile_overlayer_lowered;
	s19 =	sshll.u32 s30, $0x1;
	[sflag:s29] =	ssyncadd.s32 s16  }
0xaf: {  	s22 =	simm.s32 $0x0;
	s19 =	sadd.s32 s19, s18;
	s16 =	sshll.u32 s31, $0x1  }
0xb0: {  	[timem:s22], [sflag:s29] =	dma.local [hbm:s19], s16  }
0xb1: {  	_ =	swait.ge [sflag:s29], s16  }
0xb2: {  	s23 =	ssub.s32 $0x0, s16;
	[sflag:s29] =	ssyncset.done $0x0  }
0xb3: {  	[sflag:s29] =	ssyncadd.s32 s23;
	_ =	sdelay $0x1  }
0xb4: {  	s24 =	simm.s32 $0x1B8B  }
0xb5: {  	_ =	swait.ge [sflag:s24], $0x1  }
0xb6: {  	[sflag:s24] =	ssyncset.done $0x0  }
0xb7: {  	s25 =	simm.s32 $0x1B8E;
	[sflag:s24] =	ssyncadd.s32 $0xFFFFFFFF  }
0xb8: {  	s26 =	simm.s32 $execute0_lowered;
	[smem:$0x3FD2] =	sst s25  }
0xb9: {  	s19 =	sshll.u32 s26, $0x1;
	_ =	strace $0x80000046;
	[dreg:$0x1] =	wrdreg $0xFFFFFFFF  }
0xba: {  	s28 =	simm.s32 $_size_execute0_lowered;
	s18 =	sadd.s32 s18, s19;
	[dreg:$0x0] =	wrdreg $0x0  }
0xbb: {  	s19 =	sshll.u32 s28, $0x1;
	[dreg:$0x2] =	wrdreg s18  }
0xbc: {  	[dreg:$0x3] =	wrdreg s19  }
0xbd: {  	[dreg:$0x4] =	wrdreg $0xC0  }
0xbe: {  	_ =	task [dreg:s22], $0x5FFFF  }
0xbf: {  	[dreg:$0x1] =	wrdreg $0xFFFFFFFF  }
0xc0: {  	[dreg:$0x0] =	wrdreg $0x30  }
0xc1: {  	[dreg:$0x2] =	wrdreg $0x0  }
0xc2: {  	[dreg:$0x3] =	wrdreg s17  }
0xc3: {  	[dreg:$0x4] =	wrdreg $0x9  }
0xc4: {  	_ =	task [dreg:s22], $0x5FFFF  }
0xc5: {  	[dreg:$0x1] =	wrdreg $0xFFFFFFFF  }
0xc6: {  	[dreg:$0x0] =	wrdreg $0x60  }
0xc7: {  	[dreg:$0x2] =	wrdreg s2  }
0xc8: {  	[dreg:$0x3] =	wrdreg s3  }
0xc9: {  	[dreg:$0x4] =	wrdreg s4  }
0xca: {  	[dreg:$0x5] =	wrdreg s5  }
0xcb: {  	[dreg:$0x6] =	wrdreg s6  }
0xcc: {  	[dreg:$0x7] =	wrdreg s7  }
0xcd: {  	[dreg:$0x8] =	wrdreg s8  }
0xce: {  	[dreg:$0x9] =	wrdreg s9  }
0xcf: {  	[dreg:$0xa] =	wrdreg s10  }
0xd0: {  	[dreg:$0xb] =	wrdreg s11  }
0xd1: {  	[dreg:$0xc] =	wrdreg s12  }
0xd2: {  	[dreg:$0xd] =	wrdreg s13  }
0xd3: {  	[dreg:$0xe] =	wrdreg s14  }
0xd4: {  	[dreg:$0xf] =	wrdreg s15  }
0xd5: {  	_ =	task.clear_ibuf [dreg:s22], $0x10FFFF;
	_ =	strace $0x90000046  }
0xd6: {  	s29 =	simm.s32 $0x9;
	_ =	strace $0x80000048  }
0xd7: {  	_ =	swait.ge [sflag:s29], $0x1  }
0xd8: {  	[sflag:s29] =	ssyncadd.s32 $0xFFFFFFFF  }
0xd9: {  	_ =	strace $0x90000048  }
0xda: {  	_ =	sfence  }
0xdb: {  	s30 =	sld [smem:$0x0];
	_ =	sdelay $0x2  }
0xdc: {  	s31 =	sshll.u32 s1, $0xD;
	s1 =	sshrl.u32 s1, $0x2  }
0xdd: {  	s3 =	sand.u32 $0x4000, s31;
	s1 =	sadd.s32 s1, s30  }
0xde: {  	s0 =	sor.u32 s3, s0;
	s1 =	sshll.u32 s1, $0x11  }
0xdf: {  	s0 =	sor.u32 s1, s0  }
0xe0: {  	s0 =	sadd.s32 $0x8F2B, s0  }
0xe1: {  	[sflag:s0] =	ssyncadd.remote.s32 $0x1  }
0xe2: {  	_ =	sfence.sel $0xFFFF  }
0xe3: {  	[dreg:$0x0] =	wrdreg $0xFFFFFFFF;
	(pc) =	sbr.abs _section_cstart, $3  }
0xe4: {  	[dreg:$0x1] =	wrdreg $0xFFFFFFFF  }
0xe5: {  	_ =	task.clear_ibuf [dreg:s22], $0x2FFFF;
	_ =	strace $0x9FFFFFFF  }
0xe6: {  	(tm) =	ssettm $0x7FFFFFFF  }
0xe7: {  	_ =	shalt  }
tec
_tile_task_arg_handler_lowered:
.L_overlay_start_1:
0x0: {  	(tag) =	ssettag $0x1  }
0x1: {  	s0 =	rddreg [dreg:$0x0]  }
0x2: {  	s1 =	rddreg [dreg:$0x1]  }
0x3: {  	s2 =	rddreg [dreg:$0x2]  }
0x4: {  	s3 =	rddreg [dreg:$0x3]  }
0x5: {  	s4 =	rddreg [dreg:$0x4]  }
0x6: {  	s5 =	rddreg [dreg:$0x5]  }
0x7: {  	s6 =	rddreg [dreg:$0x6]  }
0x8: {  	s7 =	rddreg [dreg:$0x7]  }
0x9: {  	s8 =	rddreg [dreg:$0x8]  }
0xa: {  	s9 =	rddreg [dreg:$0x9]  }
0xb: {  	s10 =	rddreg [dreg:$0xa]  }
0xc: {  	s11 =	rddreg [dreg:$0xb]  }
0xd: {  	s12 =	rddreg [dreg:$0xc]  }
0xe: {  	s13 =	rddreg [dreg:$0xd]  }
0xf: {  	[smem:s0] =	sst s1  }
0x10: {  	[smem:s0+$0x1] =	sst s2  }
0x11: {  	[smem:s0+$0x2] =	sst s3  }
0x12: {  	[smem:s0+$0x3] =	sst s4  }
0x13: {  	[smem:s0+$0x4] =	sst s5  }
0x14: {  	[smem:s0+$0x5] =	sst s6  }
0x15: {  	[smem:s0+$0x6] =	sst s7  }
0x16: {  	[smem:s0+$0x7] =	sst s8  }
0x17: {  	[smem:s0+$0x8] =	sst s9  }
0x18: {  	[smem:s0+$0x9] =	sst s10  }
0x19: {  	[smem:s0+$0xA] =	sst s11  }
0x1a: {  	[smem:s0+$0xB] =	sst s12  }
0x1b: {  	[smem:s0+$0xC] =	sst s13;
	_ =	shalt  }
.Lfunc_end2:
execute0_lowered:
.L_overlay_start_2:
0x1c: {  	(tag) =	ssettag $0x2  }
0x1d: {  	s0 =	rddreg [dreg:$0x0]  }
0x1e: {  	s1 =	rddreg [dreg:$0x1]  }
0x1f: {  	s3 =	rddreg [dreg:$0x2]  }
0x20: {  	s4 =	rddreg [dreg:$0x3]  }
0x21: {  	s5 =	rddreg [dreg:$0x4]  }
0x22: {  	s6 =	rddreg [dreg:$0x5]  }
0x23: {  	s10 =	rddreg [dreg:$0x6]  }
0x24: {  	s11 =	rddreg [dreg:$0x7]  }
0x25: {  	s12 =	rddreg [dreg:$0x8]  }
0x26: {  	s13 =	rddreg [dreg:$0x9]  }
0x27: {  	s14 =	rddreg [dreg:$0xa]  }
0x28: {  	s16 =	rddreg [dreg:$0xb]  }
0x29: {  	s17 =	rddreg [dreg:$0xc];
	s2 =	simm.s32 $0x0  }
0x2a: {  	s7 =	srdreg.scid;
	[smem:$0x7FF] =	sst s2  }
0x2b: {  	s9 =	stileid.u32;
	s7 =	sand.u32 $0x1, s7;
	s18 =	sld [smem:$0x1]  }
0x2c: {  	s9 =	sshll.u32 s9, $0x9;
	s8 =	ssub.s32 $0x2, s7;
	s7 =	sshll.u32 s7, $0xD  }
0x2d: {  	s15 =	sld [smem:$0x0];
	s19 =	sor.u32 s9, s7  }
0x2e: {  	s31 =	sshrl.u32 s8, $0x1;
	s20 =	sshrl.u32 s19, $0x3;
	[dreg:$0xe] =	wrdreg s18  }
0x2f: {  	s18 =	ssub.s32 s8, s31;
	s0 =	sadd.s32 s0, s20;
	s1 =	sadd.s32 s1, s20  }
0x30: {  	s3 =	sadd.s32 s3, s20;
	s7 =	sadd.s32 s4, s20;
	s8 =	sadd.s32 s5, s20  }
0x31: {  	s9 =	sadd.s32 s6, s20;
	_ =	strace $0x80000047;
	[dreg:$0xf] =	wrdreg s0  }
0x32: {  	s10 =	sadd.s32 s10, s20;
	s11 =	sadd.s32 s11, s20;
	[dreg:$0x10] =	wrdreg s1  }
0x33: {  	s12 =	sadd.s32 s12, s20;
	s6 =	sadd.s32 s15, s19;
	[dreg:$0x11] =	wrdreg s3  }
0x34: {  	s13 =	sadd.s32 s13, s20;
	s15 =	sadd.s32 $0x10000, s6;
	[dreg:$0x12] =	wrdreg s6  }
0x35: {  	s14 =	sadd.s32 s14, s20;
	s0 =	sadd.s32 $0x20000, s6;
	[dreg:$0x13] =	wrdreg s15  }
0x36: {  	s16 =	sadd.s32 s16, s20;
	s19 =	smax.u32 s18, $0x1;
	[dreg:$0x14] =	wrdreg s0  }
0x37: {  	s17 =	sadd.s32 s17, s20;
	s20 =	sadd.s32 $0x10, s7;
	[dreg:$0x15] =	wrdreg s19  }
0x38: {  	s21 =	sadd.s32 $0x20, s7;
	[dreg:$0x16] =	wrdreg s20  }
0x39: {  	s22 =	sadd.s32 $0x30, s7;
	[dreg:$0x17] =	wrdreg s21  }
0x3a: {  	s23 =	sadd.s32 $0x10, s8;
	[dreg:$0x18] =	wrdreg s22  }
0x3b: {  	s24 =	sadd.s32 $0x20, s8;
	[dreg:$0x19] =	wrdreg s23  }
0x3c: {  	s25 =	sadd.s32 $0x30, s8;
	[dreg:$0x1a] =	wrdreg s24  }
0x3d: {  	s26 =	sadd.s32 $0x10, s9;
	[dreg:$0x1b] =	wrdreg s25  }
0x3e: {  	s28 =	sadd.s32 $0x20, s9;
	[dreg:$0x1c] =	wrdreg s26  }
0x3f: {  	s29 =	sadd.s32 $0x30, s9;
	[dreg:$0x1d] =	wrdreg s28  }
0x40: {  	s30 =	sadd.s32 $0x10, s10;
	[dreg:$0x1e] =	wrdreg s29  }
0x41: {  	s31 =	sadd.s32 $0x20, s10;
	[dreg:$0x1f] =	wrdreg s30  }
0x42: {  	s1 =	sadd.s32 $0x30, s10;
	[smem:$0x7EA] =	sst s31  }
0x43: {  	s3 =	sadd.s32 $0x10, s11;
	[smem:$0x7EB] =	sst s1  }
0x44: {  	s4 =	sadd.s32 $0x20, s11;
	[smem:$0x7EC] =	sst s3  }
0x45: {  	s5 =	sadd.s32 $0x30, s11;
	[smem:$0x7ED] =	sst s4  }
0x46: {  	s6 =	sadd.s32 $0x10, s12;
	[smem:$0x7EE] =	sst s5  }
0x47: {  	s18 =	sadd.s32 $0x30, s12;
	[smem:$0x7EF] =	sst s6  }
0x48: {  	s15 =	sadd.s32 $0x20, s12;
	[smem:$0x7F1] =	sst s18  }
0x49: {  	s19 =	sadd.s32 $0x10, s13;
	[smem:$0x7F0] =	sst s15  }
0x4a: {  	s20 =	sadd.s32 $0x20, s13;
	[smem:$0x7F2] =	sst s19  }
0x4b: {  	s21 =	sadd.s32 $0x30, s13;
	[smem:$0x7F3] =	sst s20  }
0x4c: {  	s22 =	sadd.s32 $0x10, s14;
	[smem:$0x7F4] =	sst s21  }
0x4d: {  	s23 =	sadd.s32 $0x20, s14;
	[smem:$0x7F5] =	sst s22  }
0x4e: {  	s24 =	sadd.s32 $0x30, s14;
	[smem:$0x7F6] =	sst s23  }
0x4f: {  	s25 =	sadd.s32 $0x10, s16;
	[smem:$0x7F7] =	sst s24  }
0x50: {  	s26 =	sadd.s32 $0x20, s16;
	[smem:$0x7F8] =	sst s25  }
0x51: {  	s28 =	sadd.s32 $0x30, s16;
	s29 =	sadd.s32 $0x10, s17;
	[smem:$0x7F9] =	sst s26  }
0x52: {  	s30 =	sadd.s32 $0x20, s17;
	s31 =	sadd.s32 $0x30, s17;
	[smem:$0x7FA] =	sst s28  }
0x53: {  	s3 =	simm.s32 $0x600;
	s18 =	simm.s32 $0x8900;
	[smem:$0x7FB] =	sst s29  }
0x54: {  	s0 =	simm.s32 $0x1;
	s4 =	simm.s32 $0x1000;
	[smem:$0x7FC] =	sst s30  }
0x55: {  	s5 =	simm.s32 $0x20000;
	s6 =	simm.s32 $0x0;
	[smem:$0x7FD] =	sst s31  }
.LBB3_1:
0x56: {  	s1 =	rddreg [dreg:$0xd]  }
0x57: {  	[tilespmem:s3], [sflag:$0x1] =	stream.linear.gather [hbm4b:s1+s2], $0x300, $0x38;
	[tilespmem:$0xE900] =	vst v63  }
0x58: {  	s25 =	rddreg [dreg:$0xf]  }
0x59: {  	[tilespmem:s2], [sflag:$0x1] =	stream.linear.gather [hbm4b:s25+s2], $0x200, $0x38;
	[tilespmem:$0xE900] =	vst v63  }
0x5a: {  	s26 =	rddreg [dreg:$0x10];
	s15 =	simm.s32 $0x200  }
0x5b: {  	[tilespmem:s15], [sflag:$0x1] =	stream.linear.gather [hbm4b:s26+s2], $0x200, $0x38;
	[tilespmem:$0xE900] =	vst v63  }
0x5c: {  	s19 =	rddreg [dreg:$0x11];
	s20 =	simm.s32 $0x400  }
0x5d: {  	[tilespmem:s20], [sflag:$0x1] =	stream.linear.gather [hbm4b:s19+s2], $0x200, $0x38;
	[tilespmem:$0xE900] =	vst v63  }
0x5e: {  	_ = 	snop  }
0x5f: {  	[tilespmem:s18], [sflag:$0x1] =	stream.linear.gather [hbm4b:s7+s2], $0x80, $0x38;
	[tilespmem:$0xE900] =	vst v63  }
0x60: {  	s21 =	rddreg [dreg:$0x16];
	s22 =	simm.s32 $0x8D00  }
0x61: {  	[tilespmem:s22], [sflag:$0x1] =	stream.linear.gather [hbm4b:s21+s2], $0x80, $0x38;
	[tilespmem:$0xE900] =	vst v63  }
0x62: {  	s23 =	rddreg [dreg:$0x17];
	s24 =	simm.s32 $0x9100  }
0x63: {  	[tilespmem:s24], [sflag:$0x1] =	stream.linear.gather [hbm4b:s23+s2], $0x80, $0x38;
	[tilespmem:$0xE900] =	vst v63  }
0x64: {  	s25 =	rddreg [dreg:$0x18];
	s26 =	simm.s32 $0x9500  }
0x65: {  	[tilespmem:s26], [sflag:$0x1] =	stream.linear.gather [hbm4b:s25+s2], $0x80, $0x38;
	[tilespmem:$0xE900] =	vst v63  }
0x66: {  	s15 =	simm.s32 $0x8980  }
0x67: {  	[tilespmem:s15], [sflag:$0x1] =	stream.linear.gather [hbm4b:s8+s2], $0x80, $0x38;
	[tilespmem:$0xE900] =	vst v63  }
0x68: {  	s19 =	simm.s32 $0x8D80;
	s18 =	rddreg [dreg:$0x19]  }
0x69: {  	[tilespmem:s19], [sflag:$0x1] =	stream.linear.gather [hbm4b:s18+s2], $0x80, $0x38;
	[tilespmem:$0xE900] =	vst v63  }
0x6a: {  	s20 =	rddreg [dreg:$0x1a];
	s21 =	simm.s32 $0x9180  }
0x6b: {  	[tilespmem:s21], [sflag:$0x1] =	stream.linear.gather [hbm4b:s20+s2], $0x80, $0x38;
	[tilespmem:$0xE900] =	vst v63  }
0x6c: {  	s22 =	rddreg [dreg:$0x1b];
	s23 =	simm.s32 $0x9580  }
0x6d: {  	[tilespmem:s23], [sflag:$0x1] =	stream.linear.gather [hbm4b:s22+s2], $0x80, $0x38;
	[tilespmem:$0xE900] =	vst v63  }
0x6e: {  	s24 =	simm.s32 $0x8A00  }
0x6f: {  	[tilespmem:s24], [sflag:$0x1] =	stream.linear.gather [hbm4b:s9+s2], $0x80, $0x38;
	[tilespmem:$0xE900] =	vst v63  }
0x70: {  	s25 =	rddreg [dreg:$0x1c];
	s26 =	simm.s32 $0x8E00  }
0x71: {  	[tilespmem:s26], [sflag:$0x1] =	stream.linear.gather [hbm4b:s25+s2], $0x80, $0x38;
	[tilespmem:$0xE900] =	vst v63  }
0x72: {  	s18 =	rddreg [dreg:$0x1d];
	s19 =	simm.s32 $0x9200  }
0x73: {  	[tilespmem:s19], [sflag:$0x1] =	stream.linear.gather [hbm4b:s18+s2], $0x80, $0x38;
	[tilespmem:$0xE900] =	vst v63  }
0x74: {  	s20 =	rddreg [dreg:$0x1e];
	s21 =	simm.s32 $0x9600  }
0x75: {  	[tilespmem:s21], [sflag:$0x1] =	stream.linear.gather [hbm4b:s20+s2], $0x80, $0x38;
	[tilespmem:$0xE900] =	vst v63  }
0x76: {  	s22 =	simm.s32 $0x8A80;
	s23 =	rddreg [dreg:$0x1f]  }
0x77: {  	[tilespmem:s22], [sflag:$0x1] =	stream.linear.gather [hbm4b:s10+s2], $0x80, $0x38;
	[tilespmem:$0xE900] =	vst v63  }
0x78: {  	s24 =	simm.s32 $0x8E80;
	s25 =	sld [smem:$0x7EA]  }
0x79: {  	[tilespmem:s24], [sflag:$0x1] =	stream.linear.gather [hbm4b:s23+s2], $0x80, $0x38;
	[tilespmem:$0xE900] =	vst v63  }
0x7a: {  	s26 =	simm.s32 $0x9280;
	s18 =	sld [smem:$0x7EB]  }
0x7b: {  	[tilespmem:s26], [sflag:$0x1] =	stream.linear.gather [hbm4b:s25+s2], $0x80, $0x38;
	[tilespmem:$0xE900] =	vst v63  }
0x7c: {  	s19 =	simm.s32 $0x9680  }
0x7d: {  	[tilespmem:s19], [sflag:$0x1] =	stream.linear.gather [hbm4b:s18+s2], $0x80, $0x38;
	[tilespmem:$0xE900] =	vst v63  }
0x7e: {  	s20 =	simm.s32 $0x8B00;
	s21 =	sld [smem:$0x7EC]  }
0x7f: {  	[tilespmem:s20], [sflag:$0x1] =	stream.linear.gather [hbm4b:s11+s2], $0x80, $0x38;
	[tilespmem:$0xE900] =	vst v63  }
0x80: {  	s22 =	simm.s32 $0x8F00;
	s23 =	sld [smem:$0x7ED]  }
0x81: {  	[tilespmem:s22], [sflag:$0x1] =	stream.linear.gather [hbm4b:s21+s2], $0x80, $0x38;
	[tilespmem:$0xE900] =	vst v63  }
0x82: {  	s24 =	simm.s32 $0x9300;
	s25 =	sld [smem:$0x7EE]  }
0x83: {  	[tilespmem:s24], [sflag:$0x1] =	stream.linear.gather [hbm4b:s23+s2], $0x80, $0x38;
	[tilespmem:$0xE900] =	vst v63  }
0x84: {  	s26 =	simm.s32 $0x9700  }
0x85: {  	[tilespmem:s26], [sflag:$0x1] =	stream.linear.gather [hbm4b:s25+s2], $0x80, $0x38;
	[tilespmem:$0xE900] =	vst v63  }
0x86: {  	s15 =	simm.s32 $0x8B80;
	s18 =	sld [smem:$0x7EF]  }
0x87: {  	[tilespmem:s15], [sflag:$0x1] =	stream.linear.gather [hbm4b:s12+s2], $0x80, $0x38;
	[tilespmem:$0xE900] =	vst v63  }
0x88: {  	s19 =	simm.s32 $0x8F80;
	s20 =	sld [smem:$0x7F0]  }
0x89: {  	[tilespmem:s19], [sflag:$0x1] =	stream.linear.gather [hbm4b:s18+s2], $0x80, $0x38;
	[tilespmem:$0xE900] =	vst v63  }
0x8a: {  	s21 =	simm.s32 $0x9380;
	s22 =	sld [smem:$0x7F1]  }
0x8b: {  	[tilespmem:s21], [sflag:$0x1] =	stream.linear.gather [hbm4b:s20+s2], $0x80, $0x38;
	[tilespmem:$0xE900] =	vst v63  }
0x8c: {  	s23 =	simm.s32 $0x9780  }
0x8d: {  	[tilespmem:s23], [sflag:$0x1] =	stream.linear.gather [hbm4b:s22+s2], $0x80, $0x38;
	[tilespmem:$0xE900] =	vst v63  }
0x8e: {  	s24 =	simm.s32 $0x8C00;
	s25 =	sld [smem:$0x7F2]  }
0x8f: {  	[tilespmem:s24], [sflag:$0x1] =	stream.linear.gather [hbm4b:s13+s2], $0x80, $0x38;
	[tilespmem:$0xE900] =	vst v63  }
0x90: {  	s26 =	simm.s32 $0x9000;
	s18 =	sld [smem:$0x7F3]  }
0x91: {  	[tilespmem:s26], [sflag:$0x1] =	stream.linear.gather [hbm4b:s25+s2], $0x80, $0x38;
	[tilespmem:$0xE900] =	vst v63  }
0x92: {  	s19 =	simm.s32 $0x9400;
	s20 =	sld [smem:$0x7F4]  }
0x93: {  	[tilespmem:s19], [sflag:$0x1] =	stream.linear.gather [hbm4b:s18+s2], $0x80, $0x38;
	[tilespmem:$0xE900] =	vst v63  }
0x94: {  	s21 =	simm.s32 $0x9800  }
0x95: {  	[tilespmem:s21], [sflag:$0x1] =	stream.linear.gather [hbm4b:s20+s2], $0x80, $0x38;
	[tilespmem:$0xE900] =	vst v63  }
0x96: {  	s22 =	simm.s32 $0x8C80;
	s23 =	sld [smem:$0x7F5]  }
0x97: {  	[tilespmem:s22], [sflag:$0x1] =	stream.linear.gather [hbm4b:s14+s2], $0x80, $0x38;
	[tilespmem:$0xE900] =	vst v63  }
0x98: {  	s24 =	simm.s32 $0x9080;
	s25 =	sld [smem:$0x7F6]  }
0x99: {  	[tilespmem:s24], [sflag:$0x1] =	stream.linear.gather [hbm4b:s23+s2], $0x80, $0x38;
	[tilespmem:$0xE900] =	vst v63  }
0x9a: {  	s26 =	simm.s32 $0x9480;
	s18 =	sld [smem:$0x7F7]  }
0x9b: {  	[tilespmem:s26], [sflag:$0x1] =	stream.linear.gather [hbm4b:s25+s2], $0x80, $0x38;
	[tilespmem:$0xE900] =	vst v63  }
0x9c: {  	s19 =	simm.s32 $0x9880  }
0x9d: {  	[tilespmem:s19], [sflag:$0x1] =	stream.linear.gather [hbm4b:s18+s2], $0x80, $0x38;
	[tilespmem:$0xE900] =	vst v63  }
0x9e: {  	s20 =	simm.s32 $0x9900;
	s21 =	sld [smem:$0x7F8]  }
0x9f: {  	[tilespmem:s20], [sflag:$0x1] =	stream.linear.gather [hbm4b:s16+s2], $0x80, $0x38;
	[tilespmem:$0xE900] =	vst v63  }
0xa0: {  	s22 =	simm.s32 $0x9D00;
	s23 =	sld [smem:$0x7F9]  }
0xa1: {  	[tilespmem:s22], [sflag:$0x1] =	stream.linear.gather [hbm4b:s21+s2], $0x80, $0x38;
	[tilespmem:$0xE900] =	vst v63  }
0xa2: {  	s24 =	simm.s32 $0xA100;
	s25 =	sld [smem:$0x7FA]  }
0xa3: {  	[tilespmem:s24], [sflag:$0x1] =	stream.linear.gather [hbm4b:s23+s2], $0x80, $0x38;
	[tilespmem:$0xE900] =	vst v63  }
0xa4: {  	s26 =	simm.s32 $0xA500  }
0xa5: {  	[tilespmem:s26], [sflag:$0x1] =	stream.linear.gather [hbm4b:s25+s2], $0x80, $0x38;
	[tilespmem:$0xE900] =	vst v63  }
0xa6: {  	s15 =	simm.s32 $0x9980;
	s18 =	sld [smem:$0x7FB]  }
0xa7: {  	[tilespmem:s15], [sflag:$0x1] =	stream.linear.gather [hbm4b:s17+s2], $0x80, $0x38;
	[tilespmem:$0xE900] =	vst v63  }
0xa8: {  	s19 =	simm.s32 $0x9D80;
	s20 =	sld [smem:$0x7FC]  }
0xa9: {  	[tilespmem:s19], [sflag:$0x1] =	stream.linear.gather [hbm4b:s18+s2], $0x80, $0x38;
	[tilespmem:$0xE900] =	vst v63  }
0xaa: {  	s21 =	simm.s32 $0xA180;
	s22 =	sld [smem:$0x7FD]  }
0xab: {  	[tilespmem:s21], [sflag:$0x1] =	stream.linear.gather [hbm4b:s20+s2], $0x80, $0x38;
	[tilespmem:$0xE900] =	vst v63  }
0xac: {  	s23 =	simm.s32 $0xA580  }
0xad: {  	[tilespmem:s23], [sflag:$0x1] =	stream.linear.gather [hbm4b:s22+s2], $0x80, $0x38;
	[tilespmem:$0xE900] =	vst v63  }
0xae: {  	_ =	swait.ge [sflag:s0], $0x300  }
0xaf: {  	[sflag:s0] =	ssyncset.done $0x0  }
0xb0: {  	[sflag:s0] =	ssyncadd.s32 $0xFFFFFD00  }
0xb1: {  	_ =	swait.ge [sflag:s0], $0x200  }
0xb2: {  	[sflag:s0] =	ssyncset.done $0x0  }
0xb3: {  	[sflag:s0] =	ssyncadd.s32 $0xFFFFFE00  }
0xb4: {  	_ =	swait.ge [sflag:s0], $0x200  }
0xb5: {  	[sflag:s0] =	ssyncset.done $0x0  }
0xb6: {  	[sflag:s0] =	ssyncadd.s32 $0xFFFFFE00  }
0xb7: {  	_ =	swait.ge [sflag:s0], $0x200  }
0xb8: {  	[sflag:s0] =	ssyncset.done $0x0  }
0xb9: {  	[sflag:s0] =	ssyncadd.s32 $0xFFFFFE00  }
0xba: {  	v0 =	vld [tilespmem:s2+$0x0];
	_ =	sdelay $0x4  }
0xbb: {  	v1 =	vmul.u32 $0x21, v0  }
0xbc: {  	v0 =	vadd.s32 $0x1, v0  }
0xbd: {  	vm0 =	vlt.u32 v0, $0xD;
	v0 =	vadd.s32 $0x42, v1  }
0xbe: {  	v6 =	vnsel vm0, $0x0, v0;
	_ =	sdelay $0x4  }
0xbf: {  	v0 =	vld.idx.msk [tilespmem:v6+s3+$0x0], $0xffff  }
0xc0: {  	v1 =	vadd.s32 $0x1, v6;
	_ =	sdelay $0x1  }
0xc1: {  	s24 =	sand.u32 $0x70, s2;
	s25 =	sand.u32 $0xC00, s2  }
0xc2: {  	s23 =	sor.u32 s24, s25  }
0xc3: {  	[tilespmem:s23+$0x900] =	vst v0  }
0xc4: {  	v0 =	vld.idx.msk [tilespmem:v1+s3+$0x0], $0xffff  }
0xc5: {  	v1 =	vadd.s32 $0x2, v6;
	_ =	sdelay $0x3  }
0xc6: {  	[tilespmem:s23+$0x980] =	vst v0  }
0xc7: {  	v0 =	vld.idx.msk [tilespmem:v1+s3+$0x0], $0xffff  }
0xc8: {  	v1 =	vadd.s32 $0x3, v6  }
0xc9: {  	s20 =	simm.s32 $0x10  }
0xca: {  	v2 =	vld [tilespmem:s20+$0x0];
	_ =	sdelay $0x1  }
0xcb: {  	[tilespmem:s23+$0xA00] =	vst v0  }
0xcc: {  	v0 =	vld.idx.msk [tilespmem:v1+s3+$0x0], $0xffff  }
0xcd: {  	v1 =	vadd.s32 $0x4, v6  }
0xce: {  	v3 =	vmul.u32 $0x21, v2  }
0xcf: {  	v2 =	vadd.s32 $0x1, v2  }
0xd0: {  	vm10 =	vlt.u32 v2, $0xD;
	v2 =	vadd.s32 $0x42, v3  }
0xd1: {  	v2 =	vnsel vm10, $0x0, v2;
	[tilespmem:s23+$0xA80] =	vst v0  }
0xd2: {  	v0 =	vld.idx.msk [tilespmem:v1+s3+$0x0], $0xffff  }
0xd3: {  	v1 =	vadd.s32 $0x5, v6;
	_ =	sdelay $0x2  }
0xd4: {  	v3 =	vld.idx.msk [tilespmem:v2+s3+$0x0], $0xffff  }
0xd5: {  	[tilespmem:s23+$0xB00] =	vst v0;
	v0 =	vadd.s32 $0x1, v2  }
0xd6: {  	s22 =	simm.s32 $0x80;
	v1 =	vld.idx.msk [tilespmem:v1+s3+$0x0], $0xffff  }
0xd7: {  	s26 =	sand.u32 $0x70, s20;
	s15 =	sand.u32 $0xC00, s22;
	v4 =	vadd.s32 $0x6, v6  }
0xd8: {  	s19 =	sor.u32 s26, s15  }
0xd9: {  	[tilespmem:s19+$0x900] =	vst v3  }
0xda: {  	v0 =	vld.idx.msk [tilespmem:v0+s3+$0x0], $0xffff  }
0xdb: {  	[tilespmem:s23+$0xB80] =	vst v1;
	v1 =	vadd.s32 $0x2, v2  }
0xdc: {  	v3 =	vld.idx.msk [tilespmem:v4+s3+$0x0], $0xffff  }
0xdd: {  	v4 =	vadd.s32 $0x7, v6;
	_ =	sdelay $0x1  }
0xde: {  	[tilespmem:s19+$0x980] =	vst v0  }
0xdf: {  	v0 =	vld.idx.msk [tilespmem:v1+s3+$0x0], $0xffff  }
0xe0: {  	v1 =	vadd.s32 $0x3, v2;
	[tilespmem:s23+$0xC00] =	vst v3  }
0xe1: {  	s21 =	simm.s32 $0x20;
	v3 =	vld.idx.msk [tilespmem:v4+s3+$0x0], $0xffff  }
0xe2: {  	v5 =	vadd.s32 $0x8, v6;
	v4 =	vld [tilespmem:s21+$0x0];
	_ =	sdelay $0x1  }
0xe3: {  	s18 =	sor.u32 s2, s2;
	[tilespmem:s19+$0xA00] =	vst v0  }
0xe4: {  	s1 =	sor.u32 $0x380, s18;
	v0 =	vld.idx.msk [tilespmem:v1+s3+$0x0], $0xffff  }
0xe5: {  	v1 =	vadd.s32 $0x4, v2;
	[tilespmem:s1+$0x900] =	vst v3  }
0xe6: {  	v3 =	vld.idx.msk [tilespmem:v5+s3+$0x0], $0xffff;
	v5 =	vmul.u32 $0x21, v4  }
0xe7: {  	v7 =	vadd.s32 $0x9, v6;
	v4 =	vadd.s32 $0x1, v4  }
0xe8: {  	vm11 =	vlt.u32 v4, $0xD;
	v4 =	vadd.s32 $0x42, v5  }
0xe9: {  	[tilespmem:s19+$0xA80] =	vst v0;
	v0 =	vnsel vm11, $0x0, v4  }
0xea: {  	v1 =	vld.idx.msk [tilespmem:v1+s3+$0x0], $0xffff  }
0xeb: {  	[tilespmem:s23+$0x1900] =	vst v3;
	v3 =	vadd.s32 $0x5, v2  }
0xec: {  	v4 =	vld.idx.msk [tilespmem:v7+s3+$0x0], $0xffff  }
0xed: {  	v5 =	vadd.s32 $0xA, v6  }
0xee: {  	v7 =	vld.idx.msk [tilespmem:v0+s3+$0x0], $0xffff  }
0xef: {  	[tilespmem:s19+$0xB00] =	vst v1;
	v1 =	vadd.s32 $0x1, v0  }
0xf0: {  	s25 =	simm.s32 $0x100;
	v3 =	vld.idx.msk [tilespmem:v3+s3+$0x0], $0xffff  }
0xf1: {  	s24 =	sand.u32 $0x70, s21;
	s26 =	sand.u32 $0xC00, s25;
	[tilespmem:s23+$0x1980] =	vst v4;
	v4 =	vadd.s32 $0x6, v2  }
0xf2: {  	s18 =	sor.u32 s24, s26;
	v5 =	vld.idx.msk [tilespmem:v5+s3+$0x0], $0xffff  }
0xf3: {  	[tilespmem:s18+$0x900] =	vst v7;
	v7 =	vadd.s32 $0xB, v6  }
0xf4: {  	v1 =	vld.idx.msk [tilespmem:v1+s3+$0x0], $0xffff  }
0xf5: {  	[tilespmem:s19+$0xB80] =	vst v3;
	v3 =	vadd.s32 $0x2, v0  }
0xf6: {  	v4 =	vld.idx.msk [tilespmem:v4+s3+$0x0], $0xffff  }
0xf7: {  	[tilespmem:s23+$0x1A00] =	vst v5;
	v5 =	vadd.s32 $0x7, v2  }
0xf8: {  	v7 =	vld.idx.msk [tilespmem:v7+s3+$0x0], $0xffff  }
0xf9: {  	[tilespmem:s18+$0x980] =	vst v1;
	v1 =	vadd.s32 $0xC, v6  }
0xfa: {  	v3 =	vld.idx.msk [tilespmem:v3+s3+$0x0], $0xffff  }
0xfb: {  	[tilespmem:s19+$0xC00] =	vst v4;
	v4 =	vadd.s32 $0x3, v0  }
0xfc: {  	s1 =	simm.s32 $0x30;
	v5 =	vld.idx.msk [tilespmem:v5+s3+$0x0], $0xffff  }
0xfd: {  	v8 =	vld [tilespmem:s1+$0x0];
	[tilespmem:s23+$0x1A80] =	vst v7;
	v7 =	vadd.s32 $0x8, v2  }
0xfe: {  	v1 =	vld.idx.msk [tilespmem:v1+s3+$0x0], $0xffff  }
0xff: {  	s20 =	sor.u32 s22, s20;
	[tilespmem:s18+$0xA00] =	vst v3;
	v3 =	vadd.s32 $0xD, v6  }
0x100: {  	s20 =	sor.u32 $0x380, s20;
	v4 =	vld.idx.msk [tilespmem:v4+s3+$0x0], $0xffff  }
0x101: {  	[tilespmem:s20+$0x900] =	vst v5;
	v5 =	vadd.s32 $0x4, v0  }
0x102: {  	v7 =	vld.idx.msk [tilespmem:v7+s3+$0x0], $0xffff  }
0x103: {  	v9 =	vadd.s32 $0x9, v2;
	[tilespmem:s23+$0x1B00] =	vst v1;
	v1 =	vmul.u32 $0x21, v8  }
0x104: {  	v8 =	vadd.s32 $0x1, v8;
	v3 =	vld.idx.msk [tilespmem:v3+s3+$0x0], $0xffff  }
0x105: {  	vm12 =	vlt.u32 v8, $0xD;
	v1 =	vadd.s32 $0x42, v1;
	[tilespmem:s18+$0xA80] =	vst v4;
	v4 =	vadd.s32 $0xE, v6  }
0x106: {  	v1 =	vnsel vm12, $0x0, v1;
	v5 =	vld.idx.msk [tilespmem:v5+s3+$0x0], $0xffff  }
0x107: {  	[tilespmem:s19+$0x1900] =	vst v7;
	v7 =	vadd.s32 $0x5, v0  }
0x108: {  	v8 =	vld.idx.msk [tilespmem:v9+s3+$0x0], $0xffff  }
0x109: {  	[tilespmem:s23+$0x1B80] =	vst v3;
	v3 =	vadd.s32 $0xA, v2  }
0x10a: {  	v4 =	vld.idx.msk [tilespmem:v4+s3+$0x0], $0xffff  }
0x10b: {  	v9 =	vld.idx.msk [tilespmem:v1+s3+$0x0], $0xffff;
	[tilespmem:s18+$0xB00] =	vst v5;
	v5 =	vadd.s32 $0xF, v6  }
0x10c: {  	v10 =	vadd.s32 $0x1, v1;
	v7 =	vld.idx.msk [tilespmem:v7+s3+$0x0], $0xffff  }
0x10d: {  	s22 =	simm.s32 $0x180;
	[tilespmem:s19+$0x1980] =	vst v8;
	v8 =	vadd.s32 $0x6, v0  }
0x10e: {  	s24 =	sand.u32 $0xC00, s22;
	s15 =	sand.u32 $0x70, s1;
	v3 =	vld.idx.msk [tilespmem:v3+s3+$0x0], $0xffff  }
0x10f: {  	s20 =	sor.u32 s15, s24;
	[tilespmem:s23+$0x1C00] =	vst v4;
	v4 =	vadd.s32 $0xB, v2  }
0x110: {  	[tilespmem:s20+$0x900] =	vst v9;
	v5 =	vld.idx.msk [tilespmem:v5+s3+$0x0], $0xffff  }
0x111: {  	v9 =	vld.idx.msk [tilespmem:v10+s3+$0x0], $0xffff;
	[tilespmem:s18+$0xB80] =	vst v7;
	v7 =	vadd.s32 $0x10, v6  }
0x112: {  	v10 =	vadd.s32 $0x2, v1;
	v8 =	vld.idx.msk [tilespmem:v8+s3+$0x0], $0xffff  }
0x113: {  	[tilespmem:s19+$0x1A00] =	vst v3;
	v3 =	vadd.s32 $0x7, v0  }
0x114: {  	v4 =	vld.idx.msk [tilespmem:v4+s3+$0x0], $0xffff  }
0x115: {  	[tilespmem:s23+$0x1C80] =	vst v5;
	v5 =	vadd.s32 $0xC, v2  }
0x116: {  	[tilespmem:s20+$0x980] =	vst v9;
	v7 =	vld.idx.msk [tilespmem:v7+s3+$0x0], $0xffff  }
0x117: {  	v9 =	vld.idx.msk [tilespmem:v10+s3+$0x0], $0xffff;
	[tilespmem:s18+$0xC00] =	vst v8;
	v8 =	vadd.s32 $0x11, v6  }
0x118: {  	s24 =	simm.s32 $0x40;
	v10 =	vadd.s32 $0x3, v1;
	v3 =	vld.idx.msk [tilespmem:v3+s3+$0x0], $0xffff  }
0x119: {  	v11 =	vld [tilespmem:s24+$0x0];
	[tilespmem:s19+$0x1A80] =	vst v4;
	v4 =	vadd.s32 $0x8, v0  }
0x11a: {  	v5 =	vld.idx.msk [tilespmem:v5+s3+$0x0], $0xffff  }
0x11b: {  	s21 =	sor.u32 s25, s21;
	[tilespmem:s23+$0x2900] =	vst v7;
	v7 =	vadd.s32 $0xD, v2  }
0x11c: {  	s21 =	sor.u32 $0x380, s21;
	[tilespmem:s20+$0xA00] =	vst v9;
	v8 =	vld.idx.msk [tilespmem:v8+s3+$0x0], $0xffff  }
0x11d: {  	v9 =	vld.idx.msk [tilespmem:v10+s3+$0x0], $0xffff;
	[tilespmem:s21+$0x900] =	vst v3;
	v3 =	vadd.s32 $0x12, v6  }
0x11e: {  	v10 =	vadd.s32 $0x4, v1;
	v4 =	vld.idx.msk [tilespmem:v4+s3+$0x0], $0xffff  }
0x11f: {  	v12 =	vadd.s32 $0x9, v0;
	[tilespmem:s19+$0x1B00] =	vst v5;
	v5 =	vmul.u32 $0x21, v11  }
0x120: {  	v11 =	vadd.s32 $0x1, v11;
	v7 =	vld.idx.msk [tilespmem:v7+s3+$0x0], $0xffff  }
0x121: {  	vm13 =	vlt.u32 v11, $0xD;
	[tilespmem:s23+$0x2980] =	vst v8;
	v5 =	vadd.s32 $0x42, v5;
	v8 =	vadd.s32 $0xE, v2  }
0x122: {  	[tilespmem:s20+$0xA80] =	vst v9;
	v9 =	vld.idx.msk [tilespmem:v3+s3+$0x0], $0xffff;
	v3 =	vnsel vm13, $0x0, v5  }
0x123: {  	v5 =	vld.idx.msk [tilespmem:v10+s3+$0x0], $0xffff;
	[tilespmem:s18+$0x1900] =	vst v4;
	v4 =	vadd.s32 $0x13, v6  }
0x124: {  	v10 =	vadd.s32 $0x5, v1;
	v11 =	vld.idx.msk [tilespmem:v12+s3+$0x0], $0xffff  }
0x125: {  	[tilespmem:s19+$0x1B80] =	vst v7;
	v7 =	vadd.s32 $0xA, v0  }
0x126: {  	v8 =	vld.idx.msk [tilespmem:v8+s3+$0x0], $0xffff  }
0x127: {  	v12 =	vld.idx.msk [tilespmem:v3+s3+$0x0], $0xffff;
	[tilespmem:s23+$0x2A00] =	vst v9;
	v9 =	vadd.s32 $0xF, v2  }
0x128: {  	[tilespmem:s20+$0xB00] =	vst v5;
	v4 =	vld.idx.msk [tilespmem:v4+s3+$0x0], $0xffff;
	v5 =	vadd.s32 $0x1, v3  }
0x129: {  	s26 =	simm.s32 $0x200;
	v10 =	vld.idx.msk [tilespmem:v10+s3+$0x0], $0xffff;
	[tilespmem:s18+$0x1980] =	vst v11;
	v11 =	vadd.s32 $0x14, v6  }
0x12a: {  	s15 =	sand.u32 $0xC00, s26;
	s25 =	sand.u32 $0x70, s24;
	v13 =	vadd.s32 $0x6, v1;
	v7 =	vld.idx.msk [tilespmem:v7+s3+$0x0], $0xffff  }
0x12b: {  	s21 =	sor.u32 s25, s15;
	[tilespmem:s19+$0x1C00] =	vst v8;
	v8 =	vadd.s32 $0xB, v0  }
0x12c: {  	[tilespmem:s21+$0x900] =	vst v12;
	v9 =	vld.idx.msk [tilespmem:v9+s3+$0x0], $0xffff  }
0x12d: {  	v5 =	vld.idx.msk [tilespmem:v5+s3+$0x0], $0xffff;
	[tilespmem:s23+$0x2A80] =	vst v4;
	v4 =	vadd.s32 $0x10, v2  }
0x12e: {  	[tilespmem:s20+$0xB80] =	vst v10;
	v10 =	vld.idx.msk [tilespmem:v11+s3+$0x0], $0xffff;
	v11 =	vadd.s32 $0x2, v3  }
0x12f: {  	v12 =	vld.idx.msk [tilespmem:v13+s3+$0x0], $0xffff;
	[tilespmem:s18+$0x1A00] =	vst v7;
	v7 =	vadd.s32 $0x15, v6  }
0x130: {  	s29 =	simm.s32 $0x50;
	v13 =	vadd.s32 $0x7, v1;
	v8 =	vld.idx.msk [tilespmem:v8+s3+$0x0], $0xffff  }
0x131: {  	v14 =	vld [tilespmem:s29+$0x0];
	[tilespmem:s19+$0x1C80] =	vst v9;
	v9 =	vadd.s32 $0xC, v0  }
0x132: {  	[tilespmem:s21+$0x980] =	vst v5;
	v4 =	vld.idx.msk [tilespmem:v4+s3+$0x0], $0xffff  }
0x133: {  	v5 =	vld.idx.msk [tilespmem:v11+s3+$0x0], $0xffff;
	[tilespmem:s23+$0x2B00] =	vst v10;
	v10 =	vadd.s32 $0x11, v2  }
0x134: {  	v11 =	vadd.s32 $0x3, v3;
	[tilespmem:s20+$0xC00] =	vst v12;
	v7 =	vld.idx.msk [tilespmem:v7+s3+$0x0], $0xffff  }
0x135: {  	v12 =	vld.idx.msk [tilespmem:v13+s3+$0x0], $0xffff;
	[tilespmem:s18+$0x1A80] =	vst v8;
	v8 =	vadd.s32 $0x16, v6  }
0x136: {  	v13 =	vadd.s32 $0x8, v1;
	v9 =	vld.idx.msk [tilespmem:v9+s3+$0x0], $0xffff  }
0x137: {  	[tilespmem:s19+$0x2900] =	vst v4;
	v4 =	vadd.s32 $0xD, v0  }
0x138: {  	s1 =	sor.u32 s22, s1;
	[tilespmem:s21+$0xA00] =	vst v5;
	v5 =	vld.idx.msk [tilespmem:v10+s3+$0x0], $0xffff  }
0x139: {  	s1 =	sor.u32 $0x380, s1;
	v10 =	vld.idx.msk [tilespmem:v11+s3+$0x0], $0xffff;
	[tilespmem:s23+$0x2B80] =	vst v7;
	v7 =	vadd.s32 $0x12, v2  }
0x13a: {  	v11 =	vadd.s32 $0x4, v3;
	[tilespmem:s1+$0x900] =	vst v12;
	v8 =	vld.idx.msk [tilespmem:v8+s3+$0x0], $0xffff  }
0x13b: {  	v12 =	vld.idx.msk [tilespmem:v13+s3+$0x0], $0xffff;
	[tilespmem:s18+$0x1B00] =	vst v9;
	v9 =	vadd.s32 $0x17, v6;
	v13 =	vmul.u32 $0x21, v14  }
0x13c: {  	v15 =	vadd.s32 $0x9, v1;
	s25 =	simm.s32 $0x60;
	v16 =	vld.idx.msk [tilespmem:v4+s3+$0x0], $0xffff;
	v4 =	vadd.s32 $0x1, v14  }
0x13d: {  	v14 =	vld [tilespmem:s25+$0x0];
	[tilespmem:s19+$0x2980] =	vst v5;
	vm14 =	vlt.u32 v4, $0xD;
	v4 =	vadd.s32 $0x42, v13;
	v5 =	vadd.s32 $0xE, v0  }
0x13e: {  	[tilespmem:s21+$0xA80] =	vst v10;
	v7 =	vld.idx.msk [tilespmem:v7+s3+$0x0], $0xffff;
	v4 =	vnsel vm14, $0x0, v4  }
0x13f: {  	v10 =	vld.idx.msk [tilespmem:v11+s3+$0x0], $0xffff;
	[tilespmem:s23+$0x2C00] =	vst v8;
	v8 =	vadd.s32 $0x13, v2  }
0x140: {  	v11 =	vadd.s32 $0x5, v3;
	[tilespmem:s20+$0x1900] =	vst v12;
	v9 =	vld.idx.msk [tilespmem:v9+s3+$0x0], $0xffff  }
0x141: {  	v13 =	vadd.s32 $0x18, v6;
	v12 =	vld.idx.msk [tilespmem:v15+s3+$0x0], $0xffff;
	[tilespmem:s18+$0x1B80] =	vst v16  }
0x142: {  	v15 =	vadd.s32 $0xA, v1;
	v5 =	vld.idx.msk [tilespmem:v5+s3+$0x0], $0xffff  }
0x143: {  	v16 =	vld.idx.msk [tilespmem:v4+s3+$0x0], $0xffff;
	[tilespmem:s19+$0x2A00] =	vst v7;
	v7 =	vadd.s32 $0xF, v0  }
0x144: {  	[tilespmem:s21+$0xB00] =	vst v10;
	v8 =	vld.idx.msk [tilespmem:v8+s3+$0x0], $0xffff;
	v10 =	vadd.s32 $0x1, v4  }
0x145: {  	s31 =	simm.s32 $0x280;
	v11 =	vld.idx.msk [tilespmem:v11+s3+$0x0], $0xffff;
	[tilespmem:s23+$0x2C80] =	vst v9;
	v9 =	vadd.s32 $0x14, v2  }
0x146: {  	s22 =	sand.u32 $0x70, s29;
	s15 =	sand.u32 $0xC00, s31;
	[tilespmem:s20+$0x1980] =	vst v12;
	v12 =	vld.idx.msk [tilespmem:v13+s3+$0x0], $0xffff;
	v13 =	vadd.s32 $0x6, v3  }
0x147: {  	s22 =	sor.u32 s22, s15;
	v15 =	vld.idx.msk [tilespmem:v15+s3+$0x0], $0xffff;
	[tilespmem:s18+$0x1C00] =	vst v5;
	v5 =	vadd.s32 $0x19, v6  }
0x148: {  	[tilespmem:s22+$0x900] =	vst v16;
	v16 =	vadd.s32 $0xB, v1;
	v7 =	vld.idx.msk [tilespmem:v7+s3+$0x0], $0xffff  }
0x149: {  	v10 =	vld.idx.msk [tilespmem:v10+s3+$0x0], $0xffff;
	[tilespmem:s19+$0x2A80] =	vst v8;
	v8 =	vadd.s32 $0x10, v0  }
0x14a: {  	[tilespmem:s21+$0xB80] =	vst v11;
	v9 =	vld.idx.msk [tilespmem:v9+s3+$0x0], $0xffff;
	v11 =	vadd.s32 $0x2, v4  }
0x14b: {  	v13 =	vld.idx.msk [tilespmem:v13+s3+$0x0], $0xffff;
	[tilespmem:s23+$0x3900] =	vst v12;
	v12 =	vadd.s32 $0x15, v2  }
0x14c: {  	[tilespmem:s20+$0x1A00] =	vst v15;
	v5 =	vld.idx.msk [tilespmem:v5+s3+$0x0], $0xffff;
	v15 =	vadd.s32 $0x7, v3  }
0x14d: {  	v16 =	vld.idx.msk [tilespmem:v16+s3+$0x0], $0xffff;
	[tilespmem:s18+$0x1C80] =	vst v7;
	v7 =	vadd.s32 $0x1A, v6  }
0x14e: {  	[tilespmem:s22+$0x980] =	vst v10;
	v10 =	vadd.s32 $0xC, v1;
	v8 =	vld.idx.msk [tilespmem:v8+s3+$0x0], $0xffff  }
0x14f: {  	v11 =	vld.idx.msk [tilespmem:v11+s3+$0x0], $0xffff;
	[tilespmem:s19+$0x2B00] =	vst v9;
	v9 =	vadd.s32 $0x11, v0  }
0x150: {  	[tilespmem:s21+$0xC00] =	vst v13;
	v12 =	vld.idx.msk [tilespmem:v12+s3+$0x0], $0xffff;
	v13 =	vadd.s32 $0x3, v4  }
0x151: {  	v15 =	vld.idx.msk [tilespmem:v15+s3+$0x0], $0xffff;
	[tilespmem:s23+$0x3980] =	vst v5;
	v5 =	vadd.s32 $0x16, v2  }
0x152: {  	[tilespmem:s20+$0x1A80] =	vst v16;
	v7 =	vld.idx.msk [tilespmem:v7+s3+$0x0], $0xffff;
	v16 =	vadd.s32 $0x8, v3  }
0x153: {  	v10 =	vld.idx.msk [tilespmem:v10+s3+$0x0], $0xffff;
	[tilespmem:s18+$0x2900] =	vst v8  }
0x154: {  	s15 =	sor.u32 s26, s24;
	v8 =	vadd.s32 $0x1B, v6;
	[tilespmem:s22+$0xA00] =	vst v11;
	v9 =	vld.idx.msk [tilespmem:v9+s3+$0x0], $0xffff  }
0x155: {  	s1 =	sor.u32 $0x380, s15;
	v11 =	vadd.s32 $0xD, v1;
	v13 =	vld.idx.msk [tilespmem:v13+s3+$0x0], $0xffff;
	[tilespmem:s19+$0x2B80] =	vst v12  }
0x156: {  	v12 =	vadd.s32 $0x12, v0;
	[tilespmem:s1+$0x900] =	vst v15;
	v15 =	vld.idx.msk [tilespmem:v5+s3+$0x0], $0xffff  }
0x157: {  	s26 =	simm.s32 $0x70;
	v17 =	vadd.s32 $0x4, v4;
	v16 =	vld.idx.msk [tilespmem:v16+s3+$0x0], $0xffff;
	[tilespmem:s23+$0x3A00] =	vst v7  }
0x158: {  	v5 =	vmul.u32 $0x21, v14;
	v7 =	vld [tilespmem:s26+$0x0];
	[tilespmem:s20+$0x1B00] =	vst v10;
	v10 =	vadd.s32 $0x17, v2  }
0x159: {  	v18 =	vadd.s32 $0x9, v3;
	v14 =	vadd.s32 $0x1, v14;
	v8 =	vld.idx.msk [tilespmem:v8+s3+$0x0], $0xffff  }
0x15a: {  	vm15 =	vlt.u32 v14, $0xD;
	v5 =	vadd.s32 $0x42, v5;
	v11 =	vld.idx.msk [tilespmem:v11+s3+$0x0], $0xffff;
	[tilespmem:s18+$0x2980] =	vst v9;
	v9 =	vadd.s32 $0x1C, v6  }
0x15b: {  	v5 =	vnsel vm15, $0x0, v5;
	[tilespmem:s22+$0xA80] =	vst v13;
	v12 =	vld.idx.msk [tilespmem:v12+s3+$0x0], $0xffff  }
0x15c: {  	v13 =	vadd.s32 $0xE, v1;
	v14 =	vld.idx.msk [tilespmem:v17+s3+$0x0], $0xffff;
	[tilespmem:s19+$0x2C00] =	vst v15  }
0x15d: {  	v15 =	vadd.s32 $0x13, v0;
	[tilespmem:s21+$0x1900] =	vst v16;
	v10 =	vld.idx.msk [tilespmem:v10+s3+$0x0], $0xffff  }
0x15e: {  	v16 =	vadd.s32 $0x5, v4;
	v17 =	vld.idx.msk [tilespmem:v18+s3+$0x0], $0xffff;
	[tilespmem:s23+$0x3A80] =	vst v8  }
0x15f: {  	v8 =	vadd.s32 $0x18, v2;
	[tilespmem:s20+$0x1B80] =	vst v11;
	v9 =	vld.idx.msk [tilespmem:v9+s3+$0x0], $0xffff  }
0x160: {  	v11 =	vadd.s32 $0xA, v3;
	v18 =	vld.idx.msk [tilespmem:v5+s3+$0x0], $0xffff;
	[tilespmem:s18+$0x2A00] =	vst v12  }
0x161: {  	v13 =	vld.idx.msk [tilespmem:v13+s3+$0x0], $0xffff;
	v12 =	vadd.s32 $0x1D, v6;
	[tilespmem:s22+$0xB00] =	vst v14  }
0x162: {  	s28 =	simm.s32 $0x300;
	v19 =	vadd.s32 $0x1, v5;
	v15 =	vld.idx.msk [tilespmem:v15+s3+$0x0], $0xffff;
	[tilespmem:s19+$0x2C80] =	vst v10  }
0x163: {  	s24 =	sand.u32 $0x70, s25;
	s15 =	sand.u32 $0xC00, s28;
	v14 =	vadd.s32 $0xF, v1;
	v16 =	vld.idx.msk [tilespmem:v16+s3+$0x0], $0xffff;
	[tilespmem:s21+$0x1980] =	vst v17  }
0x164: {  	s24 =	sor.u32 s24, s15;
	v10 =	vadd.s32 $0x14, v0;
	v8 =	vld.idx.msk [tilespmem:v8+s3+$0x0], $0xffff;
	[tilespmem:s23+$0x3B00] =	vst v9  }
0x165: {  	v17 =	vadd.s32 $0x6, v4;
	v11 =	vld.idx.msk [tilespmem:v11+s3+$0x0], $0xffff;
	[tilespmem:s24+$0x900] =	vst v18  }
0x166: {  	v9 =	vadd.s32 $0x19, v2;
	[tilespmem:s20+$0x1C00] =	vst v13;
	v12 =	vld.idx.msk [tilespmem:v12+s3+$0x0], $0xffff  }
0x167: {  	v13 =	vadd.s32 $0xB, v3;
	v18 =	vld.idx.msk [tilespmem:v19+s3+$0x0], $0xffff;
	[tilespmem:s18+$0x2A80] =	vst v15  }
0x168: {  	v14 =	vld.idx.msk [tilespmem:v14+s3+$0x0], $0xffff;
	v15 =	vadd.s32 $0x1E, v6;
	[tilespmem:s22+$0xB80] =	vst v16  }
0x169: {  	v19 =	vadd.s32 $0x2, v5;
	v10 =	vld.idx.msk [tilespmem:v10+s3+$0x0], $0xffff;
	[tilespmem:s19+$0x3900] =	vst v8  }
0x16a: {  	v16 =	vadd.s32 $0x10, v1;
	v17 =	vld.idx.msk [tilespmem:v17+s3+$0x0], $0xffff;
	[tilespmem:s21+$0x1A00] =	vst v11  }
0x16b: {  	v8 =	vadd.s32 $0x15, v0;
	v9 =	vld.idx.msk [tilespmem:v9+s3+$0x0], $0xffff;
	[tilespmem:s23+$0x3B80] =	vst v12  }
0x16c: {  	v20 =	vadd.s32 $0x7, v4;
	v13 =	vld.idx.msk [tilespmem:v13+s3+$0x0], $0xffff;
	[tilespmem:s24+$0x980] =	vst v18  }
0x16d: {  	[tilespmem:s20+$0x1C80] =	vst v14;
	v14 =	vadd.s32 $0x1A, v2;
	v15 =	vld.idx.msk [tilespmem:v15+s3+$0x0], $0xffff  }
0x16e: {  	v18 =	vadd.s32 $0xC, v3;
	v19 =	vld.idx.msk [tilespmem:v19+s3+$0x0], $0xffff  }
0x16f: {  	v6 =	vadd.s32 $0x1F, v6;
	v21 =	vld.idx.msk [tilespmem:v16+s3+$0x0], $0xffff;
	[tilespmem:s18+$0x2B00] =	vst v10  }
0x170: {  	[tilespmem:s22+$0xC00] =	vst v17;
	v10 =	vadd.s32 $0x11, v1;
	v11 =	vld.idx.msk [tilespmem:v8+s3+$0x0], $0xffff  }
0x171: {  	v17 =	vadd.s32 $0x3, v5;
	v12 =	vld.idx.msk [tilespmem:v20+s3+$0x0], $0xffff;
	[tilespmem:s19+$0x3980] =	vst v9  }
0x172: {  	v16 =	vadd.s32 $0x16, v0;
	[tilespmem:s21+$0x1A80] =	vst v13;
	v8 =	vld.idx.msk [tilespmem:v14+s3+$0x0], $0xffff  }
0x173: {  	v9 =	vld.idx.msk [tilespmem:v18+s3+$0x0], $0xffff;
	[tilespmem:s23+$0x3C00] =	vst v15;
	v15 =	vadd.s32 $0x8, v4  }
0x174: {  	s30 =	simm.s32 $0x80;
	v13 =	vadd.s32 $0x1B, v2;
	[tilespmem:s20+$0x2900] =	vst v21;
	v6 =	vld.idx.msk [tilespmem:v6+s3+$0x0], $0xffff  }
0x175: {  	s1 =	sor.u32 s31, s29;
	s31 =	simm.s32 $0x70;
	s29 =	simm.s32 $0x300;
	[tilespmem:s24+$0xA00] =	vst v19;
	v14 =	vadd.s32 $0xD, v3;
	v10 =	vld.idx.msk [tilespmem:v10+s3+$0x0], $0xffff  }
.LBB3_2:
0x176: {  	p0 =	sne.s32 s30, $0x1F0;
	v17 =	vld.idx.msk [tilespmem:v17+s3+$0x0], $0xffff;
	s15 =	sor.u32 $0x380, s1;
	[tilespmem:s18+$0x2B80] =	vst v11;
	s1 =	smov.u32 s25  }
0x177: {  	v11 =	vadd.s32 $0x12, v1;
	s25 =	smov.u32 s26;
	s26 =	smov.u32 s30;
	[tilespmem:s15+$0x900] =	vst v12;
	v12 =	vld.idx.msk [tilespmem:v16+s3+$0x0], $0xffff  }
0x178: {  	v16 =	vadd.s32 $0x4, v5;
	v15 =	vld.idx.msk [tilespmem:v15+s3+$0x0], $0xffff;
	[tilespmem:s19+$0x3A00] =	vst v8  }
0x179: {  	v8 =	vadd.s32 $0x17, v0;
	[tilespmem:s21+$0x1B00] =	vst v9;
	v9 =	vld.idx.msk [tilespmem:v13+s3+$0x0], $0xffff  }
0x17a: {  	s31 =	sadd.s32 $0x10, s31;
	v18 =	vadd.s32 $0x9, v4;
	v13 =	vmul.u32 $0x21, v7;
	v14 =	vld.idx.msk [tilespmem:v14+s3+$0x0], $0xffff;
	[tilespmem:s23+$0x3C80] =	vst v6;
	s23 =	smov.u32 s19;
	s19 =	smov.u32 s18  }
0x17b: {  	v6 =	vadd.s32 $0x1, v7;
	s18 =	smov.u32 s20;
	v7 =	vld [tilespmem:s31+$0x0];
	[tilespmem:s20+$0x2980] =	vst v10;
	v10 =	vadd.s32 $0x1C, v2;
	s20 =	smov.u32 s21;
	s21 =	smov.u32 s22  }
0x17c: {  	vm0 =	vlt.u32 v6, $0xD;
	v6 =	vadd.s32 $0x42, v13;
	v13 =	vadd.s32 $0xE, v3;
	s22 =	smov.u32 s24;
	[tilespmem:s24+$0xA80] =	vst v17;
	v11 =	vld.idx.msk [tilespmem:v11+s3+$0x0], $0xffff  }
0x17d: {  	v6 =	vnsel vm0, $0x0, v6;
	v16 =	vld.idx.msk [tilespmem:v16+s3+$0x0], $0xffff;
	[tilespmem:s19+$0x2C00] =	vst v12  }
0x17e: {  	v12 =	vadd.s32 $0x13, v1;
	[tilespmem:s21+$0x1900] =	vst v15;
	v8 =	vld.idx.msk [tilespmem:v8+s3+$0x0], $0xffff  }
0x17f: {  	v15 =	vadd.s32 $0x5, v5;
	v17 =	vld.idx.msk [tilespmem:v18+s3+$0x0], $0xffff;
	[tilespmem:s23+$0x3A80] =	vst v9  }
0x180: {  	v9 =	vadd.s32 $0x18, v0;
	[tilespmem:s20+$0x1B80] =	vst v14;
	v10 =	vld.idx.msk [tilespmem:v10+s3+$0x0], $0xffff  }
0x181: {  	v14 =	vadd.s32 $0xA, v4;
	v13 =	vld.idx.msk [tilespmem:v13+s3+$0x0], $0xffff  }
0x182: {  	v18 =	vld.idx.msk [tilespmem:v6+s3+$0x0], $0xffff;
	[tilespmem:s18+$0x2A00] =	vst v11;
	v11 =	vadd.s32 $0x1D, v2  }
0x183: {  	[tilespmem:s22+$0xB00] =	vst v16;
	v16 =	vadd.s32 $0xF, v3;
	v12 =	vld.idx.msk [tilespmem:v12+s3+$0x0], $0xffff  }
0x184: {  	v19 =	vadd.s32 $0x1, v6;
	v15 =	vld.idx.msk [tilespmem:v15+s3+$0x0], $0xffff;
	[tilespmem:s19+$0x2C80] =	vst v8  }
0x185: {  	s28 =	sadd.s32 $0x80, s28;
	v8 =	vadd.s32 $0x14, v1;
	[tilespmem:s21+$0x1980] =	vst v17;
	v9 =	vld.idx.msk [tilespmem:v9+s3+$0x0], $0xffff  }
0x186: {  	s15 =	sand.u32 $0x70, s25;
	s24 =	sand.u32 $0xC00, s28;
	v17 =	vadd.s32 $0x6, v5;
	v14 =	vld.idx.msk [tilespmem:v14+s3+$0x0], $0xffff;
	[tilespmem:s23+$0x3B00] =	vst v10  }
0x187: {  	s24 =	sor.u32 s15, s24;
	v10 =	vadd.s32 $0x19, v0;
	[tilespmem:s20+$0x1C00] =	vst v13;
	v11 =	vld.idx.msk [tilespmem:v11+s3+$0x0], $0xffff  }
0x188: {  	v13 =	vadd.s32 $0xB, v4;
	[tilespmem:s24+$0x900] =	vst v18;
	v16 =	vld.idx.msk [tilespmem:v16+s3+$0x0], $0xffff  }
0x189: {  	v18 =	vld.idx.msk [tilespmem:v19+s3+$0x0], $0xffff;
	[tilespmem:s18+$0x2A80] =	vst v12;
	v12 =	vadd.s32 $0x1E, v2  }
0x18a: {  	[tilespmem:s22+$0xB80] =	vst v15;
	v15 =	vadd.s32 $0x10, v3;
	v8 =	vld.idx.msk [tilespmem:v8+s3+$0x0], $0xffff  }
0x18b: {  	v19 =	vadd.s32 $0x2, v6;
	v17 =	vld.idx.msk [tilespmem:v17+s3+$0x0], $0xffff;
	[tilespmem:s19+$0x3900] =	vst v9  }
0x18c: {  	v9 =	vadd.s32 $0x15, v1;
	[tilespmem:s21+$0x1A00] =	vst v14;
	v10 =	vld.idx.msk [tilespmem:v10+s3+$0x0], $0xffff  }
0x18d: {  	v14 =	vadd.s32 $0x7, v5;
	v13 =	vld.idx.msk [tilespmem:v13+s3+$0x0], $0xffff;
	[tilespmem:s23+$0x3B80] =	vst v11  }
0x18e: {  	v20 =	vadd.s32 $0x1A, v0;
	[tilespmem:s20+$0x1C80] =	vst v16;
	v21 =	vld.idx.msk [tilespmem:v12+s3+$0x0], $0xffff  }
0x18f: {  	[tilespmem:s24+$0x980] =	vst v18;
	v18 =	vadd.s32 $0xC, v4;
	v22 =	vld.idx.msk [tilespmem:v15+s3+$0x0], $0xffff  }
0x190: {  	v23 =	vadd.s32 $0x1F, v2;
	v2 =	vmovc v0;
	v0 =	vmovc v1;
	v1 =	vmov v3;
	v3 =	vmov v4;
	v19 =	vld.idx.msk [tilespmem:v19+s3+$0x0], $0xffff;
	[tilespmem:s18+$0x2B00] =	vst v8  }
0x191: {  	v24 =	vadd.s32 $0x11, v1;
	v4 =	vmov v5;
	v5 =	vmov v6;
	[tilespmem:s22+$0xC00] =	vst v17;
	v11 =	vld.idx.msk [tilespmem:v9+s3+$0x0], $0xffff  }
.Ltmp0:
0x192: {  	v17 =	vadd.s32 $0x3, v5;
	v12 =	vld.idx.msk [tilespmem:v14+s3+$0x0], $0xffff;
	[tilespmem:s19+$0x3980] =	vst v10;
	(pc) =	sbr.rel @p0 .LBB3_2-.Ltmp0, $4  }
0x193: {  	v16 =	vadd.s32 $0x16, v0;
	[tilespmem:s21+$0x1A80] =	vst v13;
	v8 =	vld.idx.msk [tilespmem:v20+s3+$0x0], $0xffff  }
0x194: {  	v15 =	vadd.s32 $0x8, v4;
	v9 =	vld.idx.msk [tilespmem:v18+s3+$0x0], $0xffff;
	[tilespmem:s23+$0x3C00] =	vst v21  }
0x195: {  	v13 =	vadd.s32 $0x1B, v2;
	[tilespmem:s20+$0x2900] =	vst v22;
	v6 =	vld.idx.msk [tilespmem:v23+s3+$0x0], $0xffff  }
0x196: {  	s30 =	sadd.s32 $0x10, s30;
	s1 =	sor.u32 s29, s1;
	s29 =	smov.u32 s28;
	v14 =	vadd.s32 $0xD, v3;
	[tilespmem:s24+$0xA00] =	vst v19;
	v10 =	vld.idx.msk [tilespmem:v24+s3+$0x0], $0xffff  }
0x197: {  	_ =	sdelay $0x2  }
0x198: {  	s1 =	sor.u32 $0x380, s1;
	[tilespmem:s18+$0x2B80] =	vst v11  }
0x199: {  	v11 =	vld.idx.msk [tilespmem:v17+s3+$0x0], $0xffff;
	[tilespmem:s1+$0x900] =	vst v12;
	v12 =	vadd.s32 $0x12, v1  }
0x19a: {  	v17 =	vadd.s32 $0x4, v5;
	v16 =	vld.idx.msk [tilespmem:v16+s3+$0x0], $0xffff;
	[tilespmem:s19+$0x3A00] =	vst v8  }
0x19b: {  	v8 =	vld.idx.msk [tilespmem:v15+s3+$0x0], $0xffff;
	[tilespmem:s21+$0x1B00] =	vst v9;
	v15 =	vadd.s32 $0x17, v0  }
0x19c: {  	v18 =	vadd.s32 $0x9, v4;
	v13 =	vld.idx.msk [tilespmem:v13+s3+$0x0], $0xffff;
	v9 =	vmul.u32 $0x21, v7;
	[tilespmem:s23+$0x3C80] =	vst v6  }
0x19d: {  	v14 =	vld.idx.msk [tilespmem:v14+s3+$0x0], $0xffff;
	v6 =	vadd.s32 $0x1, v7;
	v7 =	vadd.s32 $0x1C, v2;
	[tilespmem:s20+$0x2980] =	vst v10  }
0x19e: {  	vm0 =	vlt.u32 v6, $0xD;
	v6 =	vadd.s32 $0x42, v9;
	v10 =	vadd.s32 $0xE, v3;
	[tilespmem:s24+$0xA80] =	vst v11;
	v9 =	vld.idx.msk [tilespmem:v12+s3+$0x0], $0xffff  }
0x19f: {  	v6 =	vnsel vm0, $0x0, v6;
	v11 =	vld.idx.msk [tilespmem:v17+s3+$0x0], $0xffff;
	[tilespmem:s18+$0x2C00] =	vst v16  }
0x1a0: {  	[tilespmem:s22+$0x1900] =	vst v8;
	v8 =	vld.idx.msk [tilespmem:v15+s3+$0x0], $0xffff  }
0x1a1: {  	[tilespmem:s19+$0x3A80] =	vst v13;
	v12 =	vld.idx.msk [tilespmem:v18+s3+$0x0], $0xffff  }
0x1a2: {  	[tilespmem:s21+$0x1B80] =	vst v14;
	v7 =	vld.idx.msk [tilespmem:v7+s3+$0x0], $0xffff  }
0x1a3: {  	v10 =	vld.idx.msk [tilespmem:v10+s3+$0x0], $0xffff  }
0x1a4: {  	v13 =	vld.idx.msk [tilespmem:v6+s3+$0x0], $0xffff  }
0x1a5: {  	v14 =	vadd.s32 $0x1, v6  }
0x1a6: {  	s1 =	sadd.s32 $0x80, s28  }
0x1a7: {  	s15 =	sand.u32 $0x70, s26;
	s30 =	sand.u32 $0xC00, s1  }
0x1a8: {  	s23 =	sor.u32 s15, s30  }
0x1a9: {  	[tilespmem:s23+$0x900] =	vst v13  }
0x1aa: {  	v13 =	vld.idx.msk [tilespmem:v14+s3+$0x0], $0xffff  }
0x1ab: {  	v14 =	vadd.s32 $0x2, v6;
	_ =	sdelay $0x3  }
0x1ac: {  	[tilespmem:s23+$0x980] =	vst v13  }
0x1ad: {  	v13 =	vld.idx.msk [tilespmem:v14+s3+$0x0], $0xffff  }
0x1ae: {  	v14 =	vadd.s32 $0x3, v6;
	_ =	sdelay $0x3  }
0x1af: {  	[tilespmem:s23+$0xA00] =	vst v13  }
0x1b0: {  	v13 =	vld.idx.msk [tilespmem:v14+s3+$0x0], $0xffff  }
0x1b1: {  	v14 =	vadd.s32 $0x4, v6;
	_ =	sdelay $0x3  }
0x1b2: {  	[tilespmem:s23+$0xA80] =	vst v13  }
0x1b3: {  	v13 =	vadd.s32 $0x5, v5;
	v14 =	vld.idx.msk [tilespmem:v14+s3+$0x0], $0xffff  }
0x1b4: {  	v15 =	vadd.s32 $0x5, v6;
	_ =	sdelay $0x2  }
0x1b5: {  	[tilespmem:s24+$0xB00] =	vst v11  }
0x1b6: {  	v11 =	vld.idx.msk [tilespmem:v13+s3+$0x0], $0xffff;
	[tilespmem:s23+$0xB00] =	vst v14  }
0x1b7: {  	v13 =	vadd.s32 $0x6, v5;
	v14 =	vld.idx.msk [tilespmem:v15+s3+$0x0], $0xffff  }
0x1b8: {  	v15 =	vadd.s32 $0x6, v6;
	_ =	sdelay $0x2  }
0x1b9: {  	[tilespmem:s24+$0xB80] =	vst v11  }
0x1ba: {  	v11 =	vld.idx.msk [tilespmem:v13+s3+$0x0], $0xffff;
	[tilespmem:s23+$0xB80] =	vst v14  }
0x1bb: {  	v13 =	vadd.s32 $0x7, v5;
	v14 =	vld.idx.msk [tilespmem:v15+s3+$0x0], $0xffff  }
0x1bc: {  	v15 =	vadd.s32 $0x7, v6;
	_ =	sdelay $0x2  }
0x1bd: {  	[tilespmem:s24+$0xC00] =	vst v11  }
0x1be: {  	v11 =	vld.idx.msk [tilespmem:v13+s3+$0x0], $0xffff;
	[tilespmem:s23+$0xC00] =	vst v14  }
0x1bf: {  	v13 =	vadd.s32 $0x8, v5;
	v14 =	vld.idx.msk [tilespmem:v15+s3+$0x0], $0xffff  }
0x1c0: {  	v15 =	vadd.s32 $0x8, v6  }
0x1c1: {  	s31 =	sor.u32 s29, s25  }
0x1c2: {  	s1 =	sor.u32 s1, s26;
	s15 =	sor.u32 $0x380, s31  }
0x1c3: {  	s1 =	sor.u32 $0x380, s1;
	[tilespmem:s15+$0x900] =	vst v11  }
0x1c4: {  	v11 =	vld.idx.msk [tilespmem:v13+s3+$0x0], $0xffff;
	[tilespmem:s1+$0x900] =	vst v14  }
0x1c5: {  	v13 =	vadd.s32 $0x9, v5;
	v14 =	vld.idx.msk [tilespmem:v15+s3+$0x0], $0xffff  }
0x1c6: {  	v15 =	vadd.s32 $0x9, v6;
	_ =	sdelay $0x2  }
0x1c7: {  	[tilespmem:s24+$0x1900] =	vst v11  }
0x1c8: {  	v11 =	vadd.s32 $0xA, v4;
	v13 =	vld.idx.msk [tilespmem:v13+s3+$0x0], $0xffff;
	[tilespmem:s23+$0x1900] =	vst v14  }
0x1c9: {  	v14 =	vadd.s32 $0xA, v5;
	v15 =	vld.idx.msk [tilespmem:v15+s3+$0x0], $0xffff  }
0x1ca: {  	v16 =	vadd.s32 $0xA, v6;
	_ =	sdelay $0x1  }
0x1cb: {  	[tilespmem:s22+$0x1980] =	vst v12  }
0x1cc: {  	v11 =	vld.idx.msk [tilespmem:v11+s3+$0x0], $0xffff;
	[tilespmem:s24+$0x1980] =	vst v13  }
0x1cd: {  	v12 =	vadd.s32 $0xB, v4;
	v13 =	vld.idx.msk [tilespmem:v14+s3+$0x0], $0xffff;
	[tilespmem:s23+$0x1980] =	vst v15  }
0x1ce: {  	v14 =	vadd.s32 $0xB, v5;
	v15 =	vld.idx.msk [tilespmem:v16+s3+$0x0], $0xffff  }
0x1cf: {  	v16 =	vadd.s32 $0xB, v6;
	_ =	sdelay $0x1  }
0x1d0: {  	[tilespmem:s22+$0x1A00] =	vst v11  }
0x1d1: {  	v11 =	vld.idx.msk [tilespmem:v12+s3+$0x0], $0xffff;
	[tilespmem:s24+$0x1A00] =	vst v13  }
0x1d2: {  	v12 =	vadd.s32 $0xC, v4;
	v13 =	vld.idx.msk [tilespmem:v14+s3+$0x0], $0xffff;
	[tilespmem:s23+$0x1A00] =	vst v15  }
0x1d3: {  	v14 =	vadd.s32 $0xC, v5;
	v15 =	vld.idx.msk [tilespmem:v16+s3+$0x0], $0xffff  }
0x1d4: {  	v16 =	vadd.s32 $0xC, v6;
	_ =	sdelay $0x1  }
0x1d5: {  	[tilespmem:s22+$0x1A80] =	vst v11  }
0x1d6: {  	v11 =	vld.idx.msk [tilespmem:v12+s3+$0x0], $0xffff;
	[tilespmem:s24+$0x1A80] =	vst v13  }
0x1d7: {  	v12 =	vadd.s32 $0xD, v4;
	v13 =	vld.idx.msk [tilespmem:v14+s3+$0x0], $0xffff;
	[tilespmem:s23+$0x1A80] =	vst v15  }
0x1d8: {  	v14 =	vadd.s32 $0xD, v5;
	v15 =	vld.idx.msk [tilespmem:v16+s3+$0x0], $0xffff  }
0x1d9: {  	v16 =	vadd.s32 $0xD, v6;
	_ =	sdelay $0x1  }
0x1da: {  	[tilespmem:s22+$0x1B00] =	vst v11  }
0x1db: {  	v11 =	vld.idx.msk [tilespmem:v12+s3+$0x0], $0xffff;
	[tilespmem:s24+$0x1B00] =	vst v13  }
0x1dc: {  	v12 =	vadd.s32 $0xE, v4;
	v13 =	vld.idx.msk [tilespmem:v14+s3+$0x0], $0xffff;
	[tilespmem:s23+$0x1B00] =	vst v15  }
0x1dd: {  	v14 =	vadd.s32 $0xE, v5;
	v15 =	vld.idx.msk [tilespmem:v16+s3+$0x0], $0xffff  }
0x1de: {  	v16 =	vadd.s32 $0xE, v6;
	_ =	sdelay $0x1  }
0x1df: {  	[tilespmem:s22+$0x1B80] =	vst v11  }
0x1e0: {  	v11 =	vadd.s32 $0xF, v3;
	v12 =	vld.idx.msk [tilespmem:v12+s3+$0x0], $0xffff;
	[tilespmem:s24+$0x1B80] =	vst v13  }
0x1e1: {  	v13 =	vadd.s32 $0xF, v4;
	v14 =	vld.idx.msk [tilespmem:v14+s3+$0x0], $0xffff;
	[tilespmem:s23+$0x1B80] =	vst v15  }
0x1e2: {  	v15 =	vadd.s32 $0xF, v5;
	v16 =	vld.idx.msk [tilespmem:v16+s3+$0x0], $0xffff  }
0x1e3: {  	v17 =	vadd.s32 $0xF, v6  }
0x1e4: {  	[tilespmem:s21+$0x1C00] =	vst v10  }
0x1e5: {  	v10 =	vld.idx.msk [tilespmem:v11+s3+$0x0], $0xffff;
	[tilespmem:s22+$0x1C00] =	vst v12  }
0x1e6: {  	v11 =	vadd.s32 $0x10, v3;
	v12 =	vld.idx.msk [tilespmem:v13+s3+$0x0], $0xffff;
	[tilespmem:s24+$0x1C00] =	vst v14  }
0x1e7: {  	v13 =	vadd.s32 $0x10, v4;
	v14 =	vld.idx.msk [tilespmem:v15+s3+$0x0], $0xffff;
	[tilespmem:s23+$0x1C00] =	vst v16  }
0x1e8: {  	v15 =	vadd.s32 $0x10, v5;
	v16 =	vld.idx.msk [tilespmem:v17+s3+$0x0], $0xffff  }
0x1e9: {  	v17 =	vadd.s32 $0x10, v6  }
0x1ea: {  	[tilespmem:s21+$0x1C80] =	vst v10  }
0x1eb: {  	v10 =	vld.idx.msk [tilespmem:v11+s3+$0x0], $0xffff;
	[tilespmem:s22+$0x1C80] =	vst v12  }
0x1ec: {  	v11 =	vadd.s32 $0x11, v3;
	v12 =	vld.idx.msk [tilespmem:v13+s3+$0x0], $0xffff;
	[tilespmem:s24+$0x1C80] =	vst v14  }
0x1ed: {  	v13 =	vadd.s32 $0x11, v4;
	v14 =	vld.idx.msk [tilespmem:v15+s3+$0x0], $0xffff;
	[tilespmem:s23+$0x1C80] =	vst v16  }
0x1ee: {  	v15 =	vadd.s32 $0x11, v5;
	v16 =	vld.idx.msk [tilespmem:v17+s3+$0x0], $0xffff  }
0x1ef: {  	v17 =	vadd.s32 $0x11, v6  }
0x1f0: {  	[tilespmem:s21+$0x2900] =	vst v10  }
0x1f1: {  	v10 =	vld.idx.msk [tilespmem:v11+s3+$0x0], $0xffff;
	[tilespmem:s22+$0x2900] =	vst v12  }
0x1f2: {  	v11 =	vadd.s32 $0x12, v3;
	v12 =	vld.idx.msk [tilespmem:v13+s3+$0x0], $0xffff;
	[tilespmem:s24+$0x2900] =	vst v14  }
0x1f3: {  	v13 =	vadd.s32 $0x12, v4;
	v14 =	vld.idx.msk [tilespmem:v15+s3+$0x0], $0xffff;
	[tilespmem:s23+$0x2900] =	vst v16  }
0x1f4: {  	v15 =	vadd.s32 $0x12, v5;
	v16 =	vld.idx.msk [tilespmem:v17+s3+$0x0], $0xffff  }
0x1f5: {  	v17 =	vadd.s32 $0x12, v6  }
0x1f6: {  	[tilespmem:s21+$0x2980] =	vst v10  }
0x1f7: {  	v10 =	vadd.s32 $0x13, v1;
	v11 =	vld.idx.msk [tilespmem:v11+s3+$0x0], $0xffff;
	[tilespmem:s22+$0x2980] =	vst v12  }
0x1f8: {  	v12 =	vadd.s32 $0x13, v3;
	v13 =	vld.idx.msk [tilespmem:v13+s3+$0x0], $0xffff;
	[tilespmem:s24+$0x2980] =	vst v14  }
0x1f9: {  	v14 =	vadd.s32 $0x13, v4;
	v15 =	vld.idx.msk [tilespmem:v15+s3+$0x0], $0xffff;
	[tilespmem:s23+$0x2980] =	vst v16  }
0x1fa: {  	v16 =	vadd.s32 $0x13, v5;
	v17 =	vld.idx.msk [tilespmem:v17+s3+$0x0], $0xffff  }
0x1fb: {  	[tilespmem:s20+$0x2A00] =	vst v9;
	v9 =	vadd.s32 $0x13, v6  }
0x1fc: {  	v10 =	vld.idx.msk [tilespmem:v10+s3+$0x0], $0xffff;
	[tilespmem:s21+$0x2A00] =	vst v11  }
0x1fd: {  	v11 =	vadd.s32 $0x14, v1;
	v12 =	vld.idx.msk [tilespmem:v12+s3+$0x0], $0xffff;
	[tilespmem:s22+$0x2A00] =	vst v13  }
0x1fe: {  	v13 =	vadd.s32 $0x14, v3;
	v14 =	vld.idx.msk [tilespmem:v14+s3+$0x0], $0xffff;
	[tilespmem:s24+$0x2A00] =	vst v15  }
0x1ff: {  	v15 =	vadd.s32 $0x14, v4;
	v16 =	vld.idx.msk [tilespmem:v16+s3+$0x0], $0xffff;
	[tilespmem:s23+$0x2A00] =	vst v17  }
0x200: {  	[tilespmem:s18+$0x2C80] =	vst v8;
	v8 =	vadd.s32 $0x14, v5;
	v9 =	vld.idx.msk [tilespmem:v9+s3+$0x0], $0xffff  }
0x201: {  	[tilespmem:s20+$0x2A80] =	vst v10;
	v10 =	vadd.s32 $0x14, v6  }
0x202: {  	v11 =	vld.idx.msk [tilespmem:v11+s3+$0x0], $0xffff;
	v17 =	vadd.s32 $0x18, v0;
	[tilespmem:s21+$0x2A80] =	vst v12  }
0x203: {  	v12 =	vadd.s32 $0x15, v1;
	v13 =	vld.idx.msk [tilespmem:v13+s3+$0x0], $0xffff;
	[tilespmem:s22+$0x2A80] =	vst v14  }
0x204: {  	v14 =	vadd.s32 $0x15, v3;
	v15 =	vld.idx.msk [tilespmem:v15+s3+$0x0], $0xffff;
	[tilespmem:s24+$0x2A80] =	vst v16  }
0x205: {  	v16 =	vadd.s32 $0x15, v4;
	v8 =	vld.idx.msk [tilespmem:v8+s3+$0x0], $0xffff;
	[tilespmem:s23+$0x2A80] =	vst v9  }
0x206: {  	[tilespmem:s19+$0x3B00] =	vst v7;
	v7 =	vadd.s32 $0x15, v5;
	v9 =	vld.idx.msk [tilespmem:v10+s3+$0x0], $0xffff  }
0x207: {  	[tilespmem:s20+$0x2B00] =	vst v11;
	v11 =	vadd.s32 $0x15, v6;
	v10 =	vld.idx.msk [tilespmem:v17+s3+$0x0], $0xffff  }
0x208: {  	v12 =	vld.idx.msk [tilespmem:v12+s3+$0x0], $0xffff;
	[tilespmem:s21+$0x2B00] =	vst v13;
	v17 =	vadd.s32 $0x1D, v2  }
0x209: {  	v13 =	vadd.s32 $0x16, v1;
	v14 =	vld.idx.msk [tilespmem:v14+s3+$0x0], $0xffff;
	[tilespmem:s22+$0x2B00] =	vst v15  }
0x20a: {  	v15 =	vadd.s32 $0x16, v3;
	v16 =	vld.idx.msk [tilespmem:v16+s3+$0x0], $0xffff;
	[tilespmem:s24+$0x2B00] =	vst v8  }
0x20b: {  	v8 =	vadd.s32 $0x16, v4;
	v7 =	vld.idx.msk [tilespmem:v7+s3+$0x0], $0xffff;
	[tilespmem:s23+$0x2B00] =	vst v9  }
0x20c: {  	[tilespmem:s18+$0x3900] =	vst v10;
	v9 =	vadd.s32 $0x16, v5;
	v10 =	vld.idx.msk [tilespmem:v11+s3+$0x0], $0xffff  }
0x20d: {  	[tilespmem:s20+$0x2B80] =	vst v12;
	v12 =	vadd.s32 $0x16, v6;
	v11 =	vld.idx.msk [tilespmem:v17+s3+$0x0], $0xffff  }
0x20e: {  	v13 =	vld.idx.msk [tilespmem:v13+s3+$0x0], $0xffff;
	[tilespmem:s21+$0x2B80] =	vst v14;
	v17 =	vadd.s32 $0x19, v0  }
0x20f: {  	v14 =	vadd.s32 $0x17, v1;
	v15 =	vld.idx.msk [tilespmem:v15+s3+$0x0], $0xffff;
	[tilespmem:s22+$0x2B80] =	vst v16  }
0x210: {  	v16 =	vadd.s32 $0x17, v3;
	v8 =	vld.idx.msk [tilespmem:v8+s3+$0x0], $0xffff;
	[tilespmem:s24+$0x2B80] =	vst v7  }
0x211: {  	v7 =	vadd.s32 $0x17, v4;
	v9 =	vld.idx.msk [tilespmem:v9+s3+$0x0], $0xffff;
	[tilespmem:s23+$0x2B80] =	vst v10  }
0x212: {  	[tilespmem:s19+$0x3B80] =	vst v11;
	v10 =	vadd.s32 $0x17, v5;
	v11 =	vld.idx.msk [tilespmem:v12+s3+$0x0], $0xffff  }
0x213: {  	[tilespmem:s20+$0x2C00] =	vst v13;
	v13 =	vadd.s32 $0x17, v6;
	v12 =	vld.idx.msk [tilespmem:v17+s3+$0x0], $0xffff  }
0x214: {  	v14 =	vld.idx.msk [tilespmem:v14+s3+$0x0], $0xffff;
	[tilespmem:s21+$0x2C00] =	vst v15;
	v17 =	vadd.s32 $0x1E, v2  }
0x215: {  	v15 =	vadd.s32 $0x18, v1;
	v16 =	vld.idx.msk [tilespmem:v16+s3+$0x0], $0xffff;
	[tilespmem:s22+$0x2C00] =	vst v8  }
0x216: {  	v8 =	vadd.s32 $0x18, v3;
	v7 =	vld.idx.msk [tilespmem:v7+s3+$0x0], $0xffff;
	[tilespmem:s24+$0x2C00] =	vst v9  }
0x217: {  	v9 =	vadd.s32 $0x18, v4;
	v10 =	vld.idx.msk [tilespmem:v10+s3+$0x0], $0xffff;
	[tilespmem:s23+$0x2C00] =	vst v11  }
0x218: {  	[tilespmem:s18+$0x3980] =	vst v12;
	v11 =	vadd.s32 $0x18, v5;
	v12 =	vld.idx.msk [tilespmem:v13+s3+$0x0], $0xffff  }
0x219: {  	[tilespmem:s20+$0x2C80] =	vst v14;
	v14 =	vadd.s32 $0x18, v6;
	v13 =	vld.idx.msk [tilespmem:v17+s3+$0x0], $0xffff  }
0x21a: {  	v15 =	vld.idx.msk [tilespmem:v15+s3+$0x0], $0xffff;
	[tilespmem:s21+$0x2C80] =	vst v16;
	v17 =	vadd.s32 $0x1A, v0  }
0x21b: {  	v16 =	vadd.s32 $0x19, v1;
	v8 =	vld.idx.msk [tilespmem:v8+s3+$0x0], $0xffff;
	[tilespmem:s22+$0x2C80] =	vst v7  }
0x21c: {  	v7 =	vadd.s32 $0x19, v3;
	v9 =	vld.idx.msk [tilespmem:v9+s3+$0x0], $0xffff;
	[tilespmem:s24+$0x2C80] =	vst v10  }
0x21d: {  	v10 =	vadd.s32 $0x19, v4;
	v11 =	vld.idx.msk [tilespmem:v11+s3+$0x0], $0xffff;
	[tilespmem:s23+$0x2C80] =	vst v12  }
0x21e: {  	[tilespmem:s19+$0x3C00] =	vst v13;
	v12 =	vadd.s32 $0x19, v5;
	v13 =	vld.idx.msk [tilespmem:v14+s3+$0x0], $0xffff  }
0x21f: {  	[tilespmem:s20+$0x3900] =	vst v15;
	v15 =	vadd.s32 $0x19, v6;
	v14 =	vld.idx.msk [tilespmem:v17+s3+$0x0], $0xffff  }
0x220: {  	v2 =	vadd.s32 $0x1F, v2;
	v16 =	vld.idx.msk [tilespmem:v16+s3+$0x0], $0xffff;
	[tilespmem:s21+$0x3900] =	vst v8  }
0x221: {  	v8 =	vadd.s32 $0x1A, v1;
	v7 =	vld.idx.msk [tilespmem:v7+s3+$0x0], $0xffff;
	[tilespmem:s22+$0x3900] =	vst v9  }
0x222: {  	v9 =	vadd.s32 $0x1A, v3;
	v10 =	vld.idx.msk [tilespmem:v10+s3+$0x0], $0xffff;
	[tilespmem:s24+$0x3900] =	vst v11  }
0x223: {  	v11 =	vadd.s32 $0x1A, v4;
	v12 =	vld.idx.msk [tilespmem:v12+s3+$0x0], $0xffff;
	[tilespmem:s23+$0x3900] =	vst v13  }
0x224: {  	[tilespmem:s18+$0x3A00] =	vst v14;
	v13 =	vadd.s32 $0x1A, v5;
	v14 =	vld.idx.msk [tilespmem:v15+s3+$0x0], $0xffff  }
0x225: {  	v2 =	vld.idx.msk [tilespmem:v2+s3+$0x0], $0xffff;
	[tilespmem:s20+$0x3980] =	vst v16;
	v15 =	vadd.s32 $0x1A, v6  }
0x226: {  	v16 =	vadd.s32 $0x1B, v0;
	v8 =	vld.idx.msk [tilespmem:v8+s3+$0x0], $0xffff;
	[tilespmem:s21+$0x3980] =	vst v7  }
0x227: {  	v7 =	vadd.s32 $0x1B, v1;
	v9 =	vld.idx.msk [tilespmem:v9+s3+$0x0], $0xffff;
	[tilespmem:s22+$0x3980] =	vst v10  }
0x228: {  	v10 =	vadd.s32 $0x1B, v3;
	v11 =	vld.idx.msk [tilespmem:v11+s3+$0x0], $0xffff;
	[tilespmem:s24+$0x3980] =	vst v12  }
0x229: {  	v12 =	vadd.s32 $0x1B, v4;
	v13 =	vld.idx.msk [tilespmem:v13+s3+$0x0], $0xffff;
	[tilespmem:s23+$0x3980] =	vst v14  }
0x22a: {  	[tilespmem:s19+$0x3C80] =	vst v2;
	v2 =	vadd.s32 $0x1B, v5;
	v14 =	vld.idx.msk [tilespmem:v15+s3+$0x0], $0xffff  }
0x22b: {  	[tilespmem:s20+$0x3A00] =	vst v8;
	v8 =	vadd.s32 $0x1B, v6;
	v15 =	vld.idx.msk [tilespmem:v16+s3+$0x0], $0xffff  }
0x22c: {  	v7 =	vld.idx.msk [tilespmem:v7+s3+$0x0], $0xffff;
	[tilespmem:s21+$0x3A00] =	vst v9;
	v16 =	vadd.s32 $0x1C, v0  }
0x22d: {  	v9 =	vadd.s32 $0x1C, v1;
	v10 =	vld.idx.msk [tilespmem:v10+s3+$0x0], $0xffff;
	[tilespmem:s22+$0x3A00] =	vst v11  }
0x22e: {  	v11 =	vadd.s32 $0x1C, v3;
	v12 =	vld.idx.msk [tilespmem:v12+s3+$0x0], $0xffff;
	[tilespmem:s24+$0x3A00] =	vst v13  }
0x22f: {  	v13 =	vadd.s32 $0x1C, v4;
	v2 =	vld.idx.msk [tilespmem:v2+s3+$0x0], $0xffff;
	[tilespmem:s23+$0x3A00] =	vst v14  }
0x230: {  	[tilespmem:s18+$0x3A80] =	vst v15;
	v14 =	vadd.s32 $0x1C, v5;
	v8 =	vld.idx.msk [tilespmem:v8+s3+$0x0], $0xffff  }
0x231: {  	[tilespmem:s20+$0x3A80] =	vst v7;
	v7 =	vadd.s32 $0x1C, v6;
	v15 =	vld.idx.msk [tilespmem:v16+s3+$0x0], $0xffff  }
0x232: {  	v9 =	vld.idx.msk [tilespmem:v9+s3+$0x0], $0xffff;
	[tilespmem:s21+$0x3A80] =	vst v10;
	v16 =	vadd.s32 $0x1D, v0  }
0x233: {  	v10 =	vadd.s32 $0x1D, v1;
	v11 =	vld.idx.msk [tilespmem:v11+s3+$0x0], $0xffff;
	[tilespmem:s22+$0x3A80] =	vst v12  }
0x234: {  	v12 =	vadd.s32 $0x1D, v3;
	v13 =	vld.idx.msk [tilespmem:v13+s3+$0x0], $0xffff;
	[tilespmem:s24+$0x3A80] =	vst v2  }
0x235: {  	v2 =	vadd.s32 $0x1D, v4;
	v14 =	vld.idx.msk [tilespmem:v14+s3+$0x0], $0xffff;
	[tilespmem:s23+$0x3A80] =	vst v8  }
0x236: {  	[tilespmem:s18+$0x3B00] =	vst v15;
	v8 =	vadd.s32 $0x1D, v5;
	v7 =	vld.idx.msk [tilespmem:v7+s3+$0x0], $0xffff  }
0x237: {  	[tilespmem:s20+$0x3B00] =	vst v9;
	v9 =	vadd.s32 $0x1D, v6;
	v15 =	vld.idx.msk [tilespmem:v16+s3+$0x0], $0xffff  }
0x238: {  	v10 =	vld.idx.msk [tilespmem:v10+s3+$0x0], $0xffff;
	[tilespmem:s21+$0x3B00] =	vst v11;
	v16 =	vadd.s32 $0x1E, v0  }
0x239: {  	v11 =	vadd.s32 $0x1E, v1;
	v12 =	vld.idx.msk [tilespmem:v12+s3+$0x0], $0xffff;
	[tilespmem:s22+$0x3B00] =	vst v13  }
0x23a: {  	v13 =	vadd.s32 $0x1E, v3;
	v2 =	vld.idx.msk [tilespmem:v2+s3+$0x0], $0xffff;
	[tilespmem:s24+$0x3B00] =	vst v14  }
0x23b: {  	v14 =	vadd.s32 $0x1E, v4;
	v8 =	vld.idx.msk [tilespmem:v8+s3+$0x0], $0xffff;
	[tilespmem:s23+$0x3B00] =	vst v7  }
0x23c: {  	[tilespmem:s18+$0x3B80] =	vst v15;
	v7 =	vadd.s32 $0x1E, v5;
	v9 =	vld.idx.msk [tilespmem:v9+s3+$0x0], $0xffff  }
0x23d: {  	[tilespmem:s20+$0x3B80] =	vst v10;
	v10 =	vadd.s32 $0x1E, v6;
	v15 =	vld.idx.msk [tilespmem:v16+s3+$0x0], $0xffff  }
0x23e: {  	v0 =	vadd.s32 $0x1F, v0;
	v11 =	vld.idx.msk [tilespmem:v11+s3+$0x0], $0xffff;
	[tilespmem:s21+$0x3B80] =	vst v12  }
0x23f: {  	v1 =	vadd.s32 $0x1F, v1;
	v12 =	vld.idx.msk [tilespmem:v13+s3+$0x0], $0xffff;
	[tilespmem:s22+$0x3B80] =	vst v2  }
0x240: {  	v2 =	vadd.s32 $0x1F, v3;
	v3 =	vld.idx.msk [tilespmem:v14+s3+$0x0], $0xffff;
	[tilespmem:s24+$0x3B80] =	vst v8  }
0x241: {  	v4 =	vadd.s32 $0x1F, v4;
	v7 =	vld.idx.msk [tilespmem:v7+s3+$0x0], $0xffff;
	[tilespmem:s23+$0x3B80] =	vst v9  }
0x242: {  	v5 =	vadd.s32 $0x1F, v5;
	[tilespmem:s18+$0x3C00] =	vst v15;
	v8 =	vld.idx.msk [tilespmem:v10+s3+$0x0], $0xffff  }
0x243: {  	v6 =	vadd.s32 $0x1F, v6;
	[tilespmem:s20+$0x3C00] =	vst v11;
	v0 =	vld.idx.msk [tilespmem:v0+s3+$0x0], $0xffff  }
0x244: {  	v1 =	vld.idx.msk [tilespmem:v1+s3+$0x0], $0xffff;
	[tilespmem:s21+$0x3C00] =	vst v12  }
0x245: {  	v2 =	vld.idx.msk [tilespmem:v2+s3+$0x0], $0xffff;
	[tilespmem:s22+$0x3C00] =	vst v3  }
0x246: {  	v3 =	vld.idx.msk [tilespmem:v4+s3+$0x0], $0xffff;
	[tilespmem:s24+$0x3C00] =	vst v7  }
0x247: {  	v4 =	vld.idx.msk [tilespmem:v5+s3+$0x0], $0xffff;
	[tilespmem:s23+$0x3C00] =	vst v8  }
0x248: {  	[tilespmem:s18+$0x3C80] =	vst v0;
	v0 =	vld.idx.msk [tilespmem:v6+s3+$0x0], $0xffff  }
0x249: {  	[tilespmem:s20+$0x3C80] =	vst v1  }
0x24a: {  	[tilespmem:s21+$0x3C80] =	vst v2  }
0x24b: {  	[tilespmem:s22+$0x3C80] =	vst v3  }
0x24c: {  	[tilespmem:s24+$0x3C80] =	vst v4  }
0x24d: {  	[tilespmem:s23+$0x3C80] =	vst v0  }
0x24e: {  	s25 =	simm.s32 $0x900;
	s26 =	simm.s32 $0x200;
	s1 =	rddreg [dreg:$0x12]  }
0x24f: {  	[hbm4b:s1+s4] =	stream.strided.scatter [tilespmem:s25], [sflag:$0x1], $0x4000, s5, s4, $0x38;
	[tilespmem:$0xE900] =	vst v63  }
0x250: {  	v0 =	vld [tilespmem:s26+$0x0];
	_ =	sdelay $0x4  }
0x251: {  	v1 =	vmul.u32 $0x21, v0  }
0x252: {  	v0 =	vadd.s32 $0xFFFFFFFD, v0  }
0x253: {  	vm9 =	vlt.u32 v0, $0x5;
	v0 =	vadd.s32 $0x18C, v1  }
0x254: {  	v6 =	vnsel vm9, $0x1CE, v0;
	_ =	sdelay $0x4  }
0x255: {  	v0 =	vld.idx.msk [tilespmem:v6+s3+$0x0], $0xffff  }
0x256: {  	v1 =	vadd.s32 $0x1, v6  }
0x257: {  	s30 =	simm.s32 $0x0  }
0x258: {  	s31 =	sand.u32 $0x70, s30;
	s1 =	sand.u32 $0xC00, s30  }
0x259: {  	s23 =	sor.u32 s31, s1  }
0x25a: {  	[tilespmem:s23+$0x4900] =	vst v0  }
0x25b: {  	v0 =	vld.idx.msk [tilespmem:v1+s3+$0x0], $0xffff  }
0x25c: {  	v1 =	vadd.s32 $0x2, v6;
	_ =	sdelay $0x3  }
0x25d: {  	[tilespmem:s23+$0x4980] =	vst v0  }
0x25e: {  	v0 =	vld.idx.msk [tilespmem:v1+s3+$0x0], $0xffff  }
0x25f: {  	v1 =	vadd.s32 $0x3, v6  }
0x260: {  	s18 =	simm.s32 $0x210  }
0x261: {  	v2 =	vld [tilespmem:s18+$0x0];
	_ =	sdelay $0x1  }
0x262: {  	[tilespmem:s23+$0x4A00] =	vst v0  }
0x263: {  	v0 =	vld.idx.msk [tilespmem:v1+s3+$0x0], $0xffff  }
0x264: {  	v1 =	vadd.s32 $0x4, v6  }
0x265: {  	v3 =	vmul.u32 $0x21, v2  }
0x266: {  	v2 =	vadd.s32 $0xFFFFFFFD, v2  }
0x267: {  	vm10 =	vlt.u32 v2, $0x5;
	v2 =	vadd.s32 $0x18C, v3  }
0x268: {  	v2 =	vnsel vm10, $0x1CE, v2;
	[tilespmem:s23+$0x4A80] =	vst v0  }
0x269: {  	v0 =	vld.idx.msk [tilespmem:v1+s3+$0x0], $0xffff  }
0x26a: {  	v1 =	vadd.s32 $0x5, v6;
	_ =	sdelay $0x2  }
0x26b: {  	v3 =	vld.idx.msk [tilespmem:v2+s3+$0x0], $0xffff  }
0x26c: {  	[tilespmem:s23+$0x4B00] =	vst v0;
	v0 =	vadd.s32 $0x1, v2  }
0x26d: {  	s19 =	simm.s32 $0x10;
	s20 =	simm.s32 $0x80;
	v1 =	vld.idx.msk [tilespmem:v1+s3+$0x0], $0xffff  }
0x26e: {  	s15 =	sand.u32 $0xC00, s20;
	s1 =	sand.u32 $0x70, s19;
	v4 =	vadd.s32 $0x6, v6  }
0x26f: {  	s19 =	sor.u32 s1, s15  }
0x270: {  	[tilespmem:s19+$0x4900] =	vst v3  }
0x271: {  	v0 =	vld.idx.msk [tilespmem:v0+s3+$0x0], $0xffff  }
0x272: {  	[tilespmem:s23+$0x4B80] =	vst v1;
	v1 =	vadd.s32 $0x2, v2  }
0x273: {  	v3 =	vld.idx.msk [tilespmem:v4+s3+$0x0], $0xffff  }
0x274: {  	v4 =	vadd.s32 $0x7, v6;
	_ =	sdelay $0x1  }
0x275: {  	[tilespmem:s19+$0x4980] =	vst v0  }
0x276: {  	v0 =	vld.idx.msk [tilespmem:v1+s3+$0x0], $0xffff  }
0x277: {  	v1 =	vadd.s32 $0x3, v2;
	[tilespmem:s23+$0x4C00] =	vst v3  }
0x278: {  	s21 =	simm.s32 $0x220;
	v3 =	vld.idx.msk [tilespmem:v4+s3+$0x0], $0xffff  }
0x279: {  	v5 =	vadd.s32 $0x8, v6;
	v4 =	vld [tilespmem:s21+$0x0];
	_ =	sdelay $0x1  }
0x27a: {  	[tilespmem:s19+$0x4A00] =	vst v0  }
0x27b: {  	v0 =	vld.idx.msk [tilespmem:v1+s3+$0x0], $0xffff  }
0x27c: {  	v1 =	vadd.s32 $0x4, v2;
	[tilespmem:s23+$0x4C80] =	vst v3  }
0x27d: {  	v3 =	vld.idx.msk [tilespmem:v5+s3+$0x0], $0xffff;
	v5 =	vmul.u32 $0x21, v4  }
0x27e: {  	v7 =	vadd.s32 $0x9, v6;
	v4 =	vadd.s32 $0xFFFFFFFD, v4  }
0x27f: {  	vm11 =	vlt.u32 v4, $0x5;
	v4 =	vadd.s32 $0x18C, v5  }
0x280: {  	[tilespmem:s19+$0x4A80] =	vst v0;
	v0 =	vnsel vm11, $0x1CE, v4  }
0x281: {  	v1 =	vld.idx.msk [tilespmem:v1+s3+$0x0], $0xffff  }
0x282: {  	[tilespmem:s23+$0x5900] =	vst v3;
	v3 =	vadd.s32 $0x5, v2  }
0x283: {  	v4 =	vld.idx.msk [tilespmem:v7+s3+$0x0], $0xffff  }
0x284: {  	v5 =	vadd.s32 $0xA, v6  }
0x285: {  	v7 =	vld.idx.msk [tilespmem:v0+s3+$0x0], $0xffff  }
0x286: {  	[tilespmem:s19+$0x4B00] =	vst v1;
	v1 =	vadd.s32 $0x1, v0  }
0x287: {  	s22 =	simm.s32 $0x20;
	s24 =	simm.s32 $0x100;
	v3 =	vld.idx.msk [tilespmem:v3+s3+$0x0], $0xffff  }
0x288: {  	s1 =	sand.u32 $0x70, s22;
	s15 =	sand.u32 $0xC00, s24;
	[tilespmem:s23+$0x5980] =	vst v4;
	v4 =	vadd.s32 $0x6, v2  }
0x289: {  	s18 =	sor.u32 s1, s15;
	v5 =	vld.idx.msk [tilespmem:v5+s3+$0x0], $0xffff  }
0x28a: {  	[tilespmem:s18+$0x4900] =	vst v7;
	v7 =	vadd.s32 $0xB, v6  }
0x28b: {  	v1 =	vld.idx.msk [tilespmem:v1+s3+$0x0], $0xffff  }
0x28c: {  	[tilespmem:s19+$0x4B80] =	vst v3;
	v3 =	vadd.s32 $0x2, v0  }
0x28d: {  	v4 =	vld.idx.msk [tilespmem:v4+s3+$0x0], $0xffff  }
0x28e: {  	[tilespmem:s23+$0x5A00] =	vst v5;
	v5 =	vadd.s32 $0x7, v2  }
0x28f: {  	v7 =	vld.idx.msk [tilespmem:v7+s3+$0x0], $0xffff  }
0x290: {  	[tilespmem:s18+$0x4980] =	vst v1;
	v1 =	vadd.s32 $0xC, v6  }
0x291: {  	v3 =	vld.idx.msk [tilespmem:v3+s3+$0x0], $0xffff  }
0x292: {  	[tilespmem:s19+$0x4C00] =	vst v4;
	v4 =	vadd.s32 $0x3, v0  }
0x293: {  	s25 =	simm.s32 $0x230;
	v5 =	vld.idx.msk [tilespmem:v5+s3+$0x0], $0xffff  }
0x294: {  	v8 =	vld [tilespmem:s25+$0x0];
	[tilespmem:s23+$0x5A80] =	vst v7;
	v7 =	vadd.s32 $0x8, v2  }
0x295: {  	v1 =	vld.idx.msk [tilespmem:v1+s3+$0x0], $0xffff  }
0x296: {  	[tilespmem:s18+$0x4A00] =	vst v3;
	v3 =	vadd.s32 $0xD, v6  }
0x297: {  	v4 =	vld.idx.msk [tilespmem:v4+s3+$0x0], $0xffff  }
0x298: {  	[tilespmem:s19+$0x4C80] =	vst v5;
	v5 =	vadd.s32 $0x4, v0  }
0x299: {  	v7 =	vld.idx.msk [tilespmem:v7+s3+$0x0], $0xffff  }
0x29a: {  	v9 =	vadd.s32 $0x9, v2;
	[tilespmem:s23+$0x5B00] =	vst v1;
	v1 =	vmul.u32 $0x21, v8  }
0x29b: {  	v8 =	vadd.s32 $0xFFFFFFFD, v8;
	v3 =	vld.idx.msk [tilespmem:v3+s3+$0x0], $0xffff  }
0x29c: {  	vm12 =	vlt.u32 v8, $0x5;
	v1 =	vadd.s32 $0x18C, v1;
	[tilespmem:s18+$0x4A80] =	vst v4;
	v4 =	vadd.s32 $0xE, v6  }
0x29d: {  	v1 =	vnsel vm12, $0x1CE, v1;
	v5 =	vld.idx.msk [tilespmem:v5+s3+$0x0], $0xffff  }
0x29e: {  	[tilespmem:s19+$0x5900] =	vst v7;
	v7 =	vadd.s32 $0x5, v0  }
0x29f: {  	v8 =	vld.idx.msk [tilespmem:v9+s3+$0x0], $0xffff  }
0x2a0: {  	[tilespmem:s23+$0x5B80] =	vst v3;
	v3 =	vadd.s32 $0xA, v2  }
0x2a1: {  	v4 =	vld.idx.msk [tilespmem:v4+s3+$0x0], $0xffff  }
0x2a2: {  	v9 =	vld.idx.msk [tilespmem:v1+s3+$0x0], $0xffff;
	[tilespmem:s18+$0x4B00] =	vst v5;
	v5 =	vadd.s32 $0xF, v6  }
0x2a3: {  	v10 =	vadd.s32 $0x1, v1;
	v7 =	vld.idx.msk [tilespmem:v7+s3+$0x0], $0xffff  }
0x2a4: {  	s30 =	simm.s32 $0x180;
	s26 =	simm.s32 $0x30;
	[tilespmem:s19+$0x5980] =	vst v8;
	v8 =	vadd.s32 $0x6, v0  }
0x2a5: {  	s1 =	sand.u32 $0x70, s26;
	s15 =	sand.u32 $0xC00, s30;
	v3 =	vld.idx.msk [tilespmem:v3+s3+$0x0], $0xffff  }
0x2a6: {  	s20 =	sor.u32 s1, s15;
	[tilespmem:s23+$0x5C00] =	vst v4;
	v4 =	vadd.s32 $0xB, v2  }
0x2a7: {  	[tilespmem:s20+$0x4900] =	vst v9;
	v5 =	vld.idx.msk [tilespmem:v5+s3+$0x0], $0xffff  }
0x2a8: {  	v9 =	vld.idx.msk [tilespmem:v10+s3+$0x0], $0xffff;
	[tilespmem:s18+$0x4B80] =	vst v7;
	v7 =	vadd.s32 $0x10, v6  }
0x2a9: {  	v10 =	vadd.s32 $0x2, v1;
	v8 =	vld.idx.msk [tilespmem:v8+s3+$0x0], $0xffff  }
0x2aa: {  	[tilespmem:s19+$0x5A00] =	vst v3;
	v3 =	vadd.s32 $0x7, v0  }
0x2ab: {  	v4 =	vld.idx.msk [tilespmem:v4+s3+$0x0], $0xffff  }
0x2ac: {  	[tilespmem:s23+$0x5C80] =	vst v5;
	v5 =	vadd.s32 $0xC, v2  }
0x2ad: {  	[tilespmem:s20+$0x4980] =	vst v9;
	v7 =	vld.idx.msk [tilespmem:v7+s3+$0x0], $0xffff  }
0x2ae: {  	v9 =	vld.idx.msk [tilespmem:v10+s3+$0x0], $0xffff;
	[tilespmem:s18+$0x4C00] =	vst v8;
	v8 =	vadd.s32 $0x11, v6  }
0x2af: {  	s31 =	simm.s32 $0x240;
	v10 =	vadd.s32 $0x3, v1;
	v3 =	vld.idx.msk [tilespmem:v3+s3+$0x0], $0xffff  }
0x2b0: {  	v11 =	vld [tilespmem:s31+$0x0];
	[tilespmem:s19+$0x5A80] =	vst v4;
	v4 =	vadd.s32 $0x8, v0  }
0x2b1: {  	v5 =	vld.idx.msk [tilespmem:v5+s3+$0x0], $0xffff  }
0x2b2: {  	[tilespmem:s23+$0x6900] =	vst v7;
	v7 =	vadd.s32 $0xD, v2  }
0x2b3: {  	[tilespmem:s20+$0x4A00] =	vst v9;
	v8 =	vld.idx.msk [tilespmem:v8+s3+$0x0], $0xffff  }
0x2b4: {  	v9 =	vld.idx.msk [tilespmem:v10+s3+$0x0], $0xffff;
	[tilespmem:s18+$0x4C80] =	vst v3;
	v3 =	vadd.s32 $0x12, v6  }
0x2b5: {  	v10 =	vadd.s32 $0x4, v1;
	v4 =	vld.idx.msk [tilespmem:v4+s3+$0x0], $0xffff  }
0x2b6: {  	v12 =	vadd.s32 $0x9, v0;
	[tilespmem:s19+$0x5B00] =	vst v5;
	v5 =	vmul.u32 $0x21, v11  }
0x2b7: {  	v11 =	vadd.s32 $0xFFFFFFFD, v11;
	v7 =	vld.idx.msk [tilespmem:v7+s3+$0x0], $0xffff  }
0x2b8: {  	vm13 =	vlt.u32 v11, $0x5;
	[tilespmem:s23+$0x6980] =	vst v8;
	v5 =	vadd.s32 $0x18C, v5;
	v8 =	vadd.s32 $0xE, v2  }
0x2b9: {  	[tilespmem:s20+$0x4A80] =	vst v9;
	v9 =	vld.idx.msk [tilespmem:v3+s3+$0x0], $0xffff;
	v3 =	vnsel vm13, $0x1CE, v5  }
0x2ba: {  	v5 =	vld.idx.msk [tilespmem:v10+s3+$0x0], $0xffff;
	[tilespmem:s18+$0x5900] =	vst v4;
	v4 =	vadd.s32 $0x13, v6  }
0x2bb: {  	v10 =	vadd.s32 $0x5, v1;
	v11 =	vld.idx.msk [tilespmem:v12+s3+$0x0], $0xffff  }
0x2bc: {  	[tilespmem:s19+$0x5B80] =	vst v7;
	v7 =	vadd.s32 $0xA, v0  }
0x2bd: {  	v8 =	vld.idx.msk [tilespmem:v8+s3+$0x0], $0xffff  }
0x2be: {  	v12 =	vld.idx.msk [tilespmem:v3+s3+$0x0], $0xffff;
	[tilespmem:s23+$0x6A00] =	vst v9;
	v9 =	vadd.s32 $0xF, v2  }
0x2bf: {  	[tilespmem:s20+$0x4B00] =	vst v5;
	v4 =	vld.idx.msk [tilespmem:v4+s3+$0x0], $0xffff;
	v5 =	vadd.s32 $0x1, v3  }
0x2c0: {  	s15 =	simm.s32 $0x40;
	s21 =	simm.s32 $0x200;
	v10 =	vld.idx.msk [tilespmem:v10+s3+$0x0], $0xffff;
	[tilespmem:s18+$0x5980] =	vst v11;
	v11 =	vadd.s32 $0x14, v6  }
0x2c1: {  	s1 =	sand.u32 $0x70, s15;
	s15 =	sand.u32 $0xC00, s21;
	v13 =	vadd.s32 $0x6, v1;
	v7 =	vld.idx.msk [tilespmem:v7+s3+$0x0], $0xffff  }
0x2c2: {  	s21 =	sor.u32 s1, s15;
	[tilespmem:s19+$0x5C00] =	vst v8;
	v8 =	vadd.s32 $0xB, v0  }
0x2c3: {  	[tilespmem:s21+$0x4900] =	vst v12;
	v9 =	vld.idx.msk [tilespmem:v9+s3+$0x0], $0xffff  }
0x2c4: {  	v5 =	vld.idx.msk [tilespmem:v5+s3+$0x0], $0xffff;
	[tilespmem:s23+$0x6A80] =	vst v4;
	v4 =	vadd.s32 $0x10, v2  }
0x2c5: {  	[tilespmem:s20+$0x4B80] =	vst v10;
	v10 =	vld.idx.msk [tilespmem:v11+s3+$0x0], $0xffff;
	v11 =	vadd.s32 $0x2, v3  }
0x2c6: {  	v12 =	vld.idx.msk [tilespmem:v13+s3+$0x0], $0xffff;
	[tilespmem:s18+$0x5A00] =	vst v7;
	v7 =	vadd.s32 $0x15, v6  }
0x2c7: {  	s22 =	simm.s32 $0x250;
	v13 =	vadd.s32 $0x7, v1;
	v8 =	vld.idx.msk [tilespmem:v8+s3+$0x0], $0xffff  }
0x2c8: {  	v14 =	vld [tilespmem:s22+$0x0];
	[tilespmem:s19+$0x5C80] =	vst v9;
	v9 =	vadd.s32 $0xC, v0  }
0x2c9: {  	[tilespmem:s21+$0x4980] =	vst v5;
	v4 =	vld.idx.msk [tilespmem:v4+s3+$0x0], $0xffff  }
0x2ca: {  	v5 =	vld.idx.msk [tilespmem:v11+s3+$0x0], $0xffff;
	[tilespmem:s23+$0x6B00] =	vst v10;
	v10 =	vadd.s32 $0x11, v2  }
0x2cb: {  	v11 =	vadd.s32 $0x3, v3;
	[tilespmem:s20+$0x4C00] =	vst v12;
	v7 =	vld.idx.msk [tilespmem:v7+s3+$0x0], $0xffff  }
0x2cc: {  	v12 =	vld.idx.msk [tilespmem:v13+s3+$0x0], $0xffff;
	[tilespmem:s18+$0x5A80] =	vst v8;
	v8 =	vadd.s32 $0x16, v6  }
0x2cd: {  	v13 =	vadd.s32 $0x8, v1;
	v9 =	vld.idx.msk [tilespmem:v9+s3+$0x0], $0xffff  }
0x2ce: {  	[tilespmem:s19+$0x6900] =	vst v4;
	v4 =	vadd.s32 $0xD, v0  }
0x2cf: {  	[tilespmem:s21+$0x4A00] =	vst v5;
	v5 =	vld.idx.msk [tilespmem:v10+s3+$0x0], $0xffff  }
0x2d0: {  	v10 =	vld.idx.msk [tilespmem:v11+s3+$0x0], $0xffff;
	[tilespmem:s23+$0x6B80] =	vst v7;
	v7 =	vadd.s32 $0x12, v2  }
0x2d1: {  	v11 =	vadd.s32 $0x4, v3;
	[tilespmem:s20+$0x4C80] =	vst v12;
	v8 =	vld.idx.msk [tilespmem:v8+s3+$0x0], $0xffff  }
0x2d2: {  	v12 =	vld.idx.msk [tilespmem:v13+s3+$0x0], $0xffff;
	[tilespmem:s18+$0x5B00] =	vst v9;
	v9 =	vadd.s32 $0x17, v6;
	v13 =	vmul.u32 $0x21, v14  }
0x2d3: {  	s24 =	simm.s32 $0x260;
	v15 =	vadd.s32 $0x9, v1;
	v16 =	vld.idx.msk [tilespmem:v4+s3+$0x0], $0xffff;
	v4 =	vadd.s32 $0xFFFFFFFD, v14  }
0x2d4: {  	v14 =	vld [tilespmem:s24+$0x0];
	[tilespmem:s19+$0x6980] =	vst v5;
	vm14 =	vlt.u32 v4, $0x5;
	v4 =	vadd.s32 $0x18C, v13;
	v5 =	vadd.s32 $0xE, v0  }
0x2d5: {  	[tilespmem:s21+$0x4A80] =	vst v10;
	v7 =	vld.idx.msk [tilespmem:v7+s3+$0x0], $0xffff;
	v4 =	vnsel vm14, $0x1CE, v4  }
0x2d6: {  	v10 =	vld.idx.msk [tilespmem:v11+s3+$0x0], $0xffff;
	[tilespmem:s23+$0x6C00] =	vst v8;
	v8 =	vadd.s32 $0x13, v2  }
0x2d7: {  	v11 =	vadd.s32 $0x5, v3;
	[tilespmem:s20+$0x5900] =	vst v12;
	v9 =	vld.idx.msk [tilespmem:v9+s3+$0x0], $0xffff  }
0x2d8: {  	v13 =	vadd.s32 $0x18, v6;
	v12 =	vld.idx.msk [tilespmem:v15+s3+$0x0], $0xffff;
	[tilespmem:s18+$0x5B80] =	vst v16  }
0x2d9: {  	v15 =	vadd.s32 $0xA, v1;
	v5 =	vld.idx.msk [tilespmem:v5+s3+$0x0], $0xffff  }
0x2da: {  	v16 =	vld.idx.msk [tilespmem:v4+s3+$0x0], $0xffff;
	[tilespmem:s19+$0x6A00] =	vst v7;
	v7 =	vadd.s32 $0xF, v0  }
0x2db: {  	[tilespmem:s21+$0x4B00] =	vst v10;
	v8 =	vld.idx.msk [tilespmem:v8+s3+$0x0], $0xffff;
	v10 =	vadd.s32 $0x1, v4  }
0x2dc: {  	s25 =	simm.s32 $0x50;
	s26 =	simm.s32 $0x280;
	v11 =	vld.idx.msk [tilespmem:v11+s3+$0x0], $0xffff;
	[tilespmem:s23+$0x6C80] =	vst v9;
	v9 =	vadd.s32 $0x14, v2  }
0x2dd: {  	s1 =	sand.u32 $0x70, s25;
	s15 =	sand.u32 $0xC00, s26;
	[tilespmem:s20+$0x5980] =	vst v12;
	v12 =	vld.idx.msk [tilespmem:v13+s3+$0x0], $0xffff;
	v13 =	vadd.s32 $0x6, v3  }
0x2de: {  	s22 =	sor.u32 s1, s15;
	v15 =	vld.idx.msk [tilespmem:v15+s3+$0x0], $0xffff;
	[tilespmem:s18+$0x5C00] =	vst v5;
	v5 =	vadd.s32 $0x19, v6  }
0x2df: {  	[tilespmem:s22+$0x4900] =	vst v16;
	v16 =	vadd.s32 $0xB, v1;
	v7 =	vld.idx.msk [tilespmem:v7+s3+$0x0], $0xffff  }
0x2e0: {  	v10 =	vld.idx.msk [tilespmem:v10+s3+$0x0], $0xffff;
	[tilespmem:s19+$0x6A80] =	vst v8;
	v8 =	vadd.s32 $0x10, v0  }
0x2e1: {  	[tilespmem:s21+$0x4B80] =	vst v11;
	v9 =	vld.idx.msk [tilespmem:v9+s3+$0x0], $0xffff;
	v11 =	vadd.s32 $0x2, v4  }
0x2e2: {  	v13 =	vld.idx.msk [tilespmem:v13+s3+$0x0], $0xffff;
	[tilespmem:s23+$0x7900] =	vst v12;
	v12 =	vadd.s32 $0x15, v2  }
0x2e3: {  	[tilespmem:s20+$0x5A00] =	vst v15;
	v5 =	vld.idx.msk [tilespmem:v5+s3+$0x0], $0xffff;
	v15 =	vadd.s32 $0x7, v3  }
0x2e4: {  	v16 =	vld.idx.msk [tilespmem:v16+s3+$0x0], $0xffff;
	[tilespmem:s18+$0x5C80] =	vst v7;
	v7 =	vadd.s32 $0x1A, v6  }
0x2e5: {  	[tilespmem:s22+$0x4980] =	vst v10;
	v10 =	vadd.s32 $0xC, v1;
	v8 =	vld.idx.msk [tilespmem:v8+s3+$0x0], $0xffff  }
0x2e6: {  	v11 =	vld.idx.msk [tilespmem:v11+s3+$0x0], $0xffff;
	[tilespmem:s19+$0x6B00] =	vst v9;
	v9 =	vadd.s32 $0x11, v0  }
0x2e7: {  	[tilespmem:s21+$0x4C00] =	vst v13;
	v12 =	vld.idx.msk [tilespmem:v12+s3+$0x0], $0xffff;
	v13 =	vadd.s32 $0x3, v4  }
0x2e8: {  	v15 =	vld.idx.msk [tilespmem:v15+s3+$0x0], $0xffff;
	[tilespmem:s23+$0x7980] =	vst v5;
	v5 =	vadd.s32 $0x16, v2  }
0x2e9: {  	[tilespmem:s20+$0x5A80] =	vst v16;
	v7 =	vld.idx.msk [tilespmem:v7+s3+$0x0], $0xffff;
	v16 =	vadd.s32 $0x8, v3  }
0x2ea: {  	v10 =	vld.idx.msk [tilespmem:v10+s3+$0x0], $0xffff;
	[tilespmem:s18+$0x6900] =	vst v8  }
0x2eb: {  	v8 =	vadd.s32 $0x1B, v6;
	[tilespmem:s22+$0x4A00] =	vst v11;
	v9 =	vld.idx.msk [tilespmem:v9+s3+$0x0], $0xffff  }
0x2ec: {  	v11 =	vadd.s32 $0xD, v1;
	v13 =	vld.idx.msk [tilespmem:v13+s3+$0x0], $0xffff;
	[tilespmem:s19+$0x6B80] =	vst v12  }
0x2ed: {  	v12 =	vadd.s32 $0x12, v0;
	[tilespmem:s21+$0x4C80] =	vst v15;
	v15 =	vld.idx.msk [tilespmem:v5+s3+$0x0], $0xffff  }
0x2ee: {  	s26 =	simm.s32 $0x270;
	v17 =	vadd.s32 $0x4, v4;
	v16 =	vld.idx.msk [tilespmem:v16+s3+$0x0], $0xffff;
	[tilespmem:s23+$0x7A00] =	vst v7  }
0x2ef: {  	v5 =	vmul.u32 $0x21, v14;
	v7 =	vld [tilespmem:s26+$0x0];
	[tilespmem:s20+$0x5B00] =	vst v10;
	v10 =	vadd.s32 $0x17, v2  }
0x2f0: {  	v18 =	vadd.s32 $0x9, v3;
	v14 =	vadd.s32 $0xFFFFFFFD, v14;
	v8 =	vld.idx.msk [tilespmem:v8+s3+$0x0], $0xffff  }
0x2f1: {  	vm15 =	vlt.u32 v14, $0x5;
	v5 =	vadd.s32 $0x18C, v5;
	v11 =	vld.idx.msk [tilespmem:v11+s3+$0x0], $0xffff;
	[tilespmem:s18+$0x6980] =	vst v9;
	v9 =	vadd.s32 $0x1C, v6  }
0x2f2: {  	v5 =	vnsel vm15, $0x1CE, v5;
	[tilespmem:s22+$0x4A80] =	vst v13;
	v12 =	vld.idx.msk [tilespmem:v12+s3+$0x0], $0xffff  }
0x2f3: {  	v13 =	vadd.s32 $0xE, v1;
	v14 =	vld.idx.msk [tilespmem:v17+s3+$0x0], $0xffff;
	[tilespmem:s19+$0x6C00] =	vst v15  }
0x2f4: {  	v15 =	vadd.s32 $0x13, v0;
	[tilespmem:s21+$0x5900] =	vst v16;
	v10 =	vld.idx.msk [tilespmem:v10+s3+$0x0], $0xffff  }
0x2f5: {  	v16 =	vadd.s32 $0x5, v4;
	v17 =	vld.idx.msk [tilespmem:v18+s3+$0x0], $0xffff;
	[tilespmem:s23+$0x7A80] =	vst v8  }
0x2f6: {  	v8 =	vadd.s32 $0x18, v2;
	[tilespmem:s20+$0x5B80] =	vst v11;
	v9 =	vld.idx.msk [tilespmem:v9+s3+$0x0], $0xffff  }
0x2f7: {  	v11 =	vadd.s32 $0xA, v3;
	v18 =	vld.idx.msk [tilespmem:v5+s3+$0x0], $0xffff;
	[tilespmem:s18+$0x6A00] =	vst v12  }
0x2f8: {  	v13 =	vld.idx.msk [tilespmem:v13+s3+$0x0], $0xffff;
	v12 =	vadd.s32 $0x1D, v6;
	[tilespmem:s22+$0x4B00] =	vst v14  }
0x2f9: {  	s30 =	simm.s32 $0x60;
	s25 =	simm.s32 $0x300;
	v19 =	vadd.s32 $0x1, v5;
	v15 =	vld.idx.msk [tilespmem:v15+s3+$0x0], $0xffff;
	[tilespmem:s19+$0x6C80] =	vst v10  }
0x2fa: {  	s1 =	sand.u32 $0x70, s30;
	s31 =	sand.u32 $0xC00, s25;
	v14 =	vadd.s32 $0xF, v1;
	v16 =	vld.idx.msk [tilespmem:v16+s3+$0x0], $0xffff;
	[tilespmem:s21+$0x5980] =	vst v17  }
0x2fb: {  	s24 =	sor.u32 s1, s31;
	v10 =	vadd.s32 $0x14, v0;
	v8 =	vld.idx.msk [tilespmem:v8+s3+$0x0], $0xffff;
	[tilespmem:s23+$0x7B00] =	vst v9  }
0x2fc: {  	v17 =	vadd.s32 $0x6, v4;
	v11 =	vld.idx.msk [tilespmem:v11+s3+$0x0], $0xffff;
	[tilespmem:s24+$0x4900] =	vst v18  }
0x2fd: {  	v9 =	vadd.s32 $0x19, v2;
	[tilespmem:s20+$0x5C00] =	vst v13;
	v12 =	vld.idx.msk [tilespmem:v12+s3+$0x0], $0xffff  }
0x2fe: {  	v13 =	vadd.s32 $0xB, v3;
	v18 =	vld.idx.msk [tilespmem:v19+s3+$0x0], $0xffff;
	[tilespmem:s18+$0x6A80] =	vst v15  }
0x2ff: {  	v14 =	vld.idx.msk [tilespmem:v14+s3+$0x0], $0xffff;
	v15 =	vadd.s32 $0x1E, v6;
	[tilespmem:s22+$0x4B80] =	vst v16  }
0x300: {  	v16 =	vadd.s32 $0x10, v1;
	v10 =	vld.idx.msk [tilespmem:v10+s3+$0x0], $0xffff;
	[tilespmem:s19+$0x7900] =	vst v8  }
0x301: {  	v19 =	vadd.s32 $0x2, v5;
	v17 =	vld.idx.msk [tilespmem:v17+s3+$0x0], $0xffff;
	[tilespmem:s21+$0x5A00] =	vst v11  }
0x302: {  	v8 =	vadd.s32 $0x15, v0;
	v9 =	vld.idx.msk [tilespmem:v9+s3+$0x0], $0xffff;
	[tilespmem:s23+$0x7B80] =	vst v12  }
0x303: {  	v11 =	vadd.s32 $0x7, v4;
	v13 =	vld.idx.msk [tilespmem:v13+s3+$0x0], $0xffff;
	[tilespmem:s24+$0x4980] =	vst v18  }
0x304: {  	[tilespmem:s20+$0x5C80] =	vst v14;
	v14 =	vadd.s32 $0x1A, v2;
	v15 =	vld.idx.msk [tilespmem:v15+s3+$0x0], $0xffff  }
0x305: {  	v18 =	vadd.s32 $0xC, v3;
	v16 =	vld.idx.msk [tilespmem:v16+s3+$0x0], $0xffff;
	[tilespmem:s18+$0x6B00] =	vst v10  }
0x306: {  	v6 =	vadd.s32 $0x1F, v6;
	v19 =	vld.idx.msk [tilespmem:v19+s3+$0x0], $0xffff;
	[tilespmem:s22+$0x4C00] =	vst v17  }
0x307: {  	v20 =	vadd.s32 $0x11, v1;
	v8 =	vld.idx.msk [tilespmem:v8+s3+$0x0], $0xffff;
	[tilespmem:s19+$0x7980] =	vst v9  }
0x308: {  	v17 =	vadd.s32 $0x3, v5;
	v12 =	vld.idx.msk [tilespmem:v11+s3+$0x0], $0xffff;
	[tilespmem:s21+$0x5A80] =	vst v13  }
0x309: {  	v9 =	vld.idx.msk [tilespmem:v14+s3+$0x0], $0xffff;
	[tilespmem:s23+$0x7C00] =	vst v15;
	v15 =	vadd.s32 $0x16, v0  }
0x30a: {  	v10 =	vld.idx.msk [tilespmem:v18+s3+$0x0], $0xffff;
	[tilespmem:s20+$0x6900] =	vst v16;
	v16 =	vadd.s32 $0x8, v4  }
0x30b: {  	v14 =	vadd.s32 $0x1B, v2;
	v6 =	vld.idx.msk [tilespmem:v6+s3+$0x0], $0xffff  }
0x30c: {  	s29 =	simm.s32 $0x80;
	s28 =	simm.s32 $0x70;
	v13 =	vadd.s32 $0xD, v3;
	[tilespmem:s24+$0x4A00] =	vst v19;
	v11 =	vld.idx.msk [tilespmem:v20+s3+$0x0], $0xffff  }
.LBB3_4:
0x30d: {  	p0 =	sne.s32 s29, $0x1F0;
	v17 =	vld.idx.msk [tilespmem:v17+s3+$0x0], $0xffff;
	[tilespmem:s18+$0x6B80] =	vst v8  }
0x30e: {  	v8 =	vadd.s32 $0x12, v1;
	[tilespmem:s22+$0x4C80] =	vst v12;
	v12 =	vld.idx.msk [tilespmem:v15+s3+$0x0], $0xffff  }
0x30f: {  	v15 =	vadd.s32 $0x4, v5;
	v16 =	vld.idx.msk [tilespmem:v16+s3+$0x0], $0xffff;
	[tilespmem:s19+$0x7A00] =	vst v9  }
0x310: {  	v9 =	vadd.s32 $0x17, v0;
	[tilespmem:s21+$0x5B00] =	vst v10;
	v10 =	vld.idx.msk [tilespmem:v14+s3+$0x0], $0xffff  }
0x311: {  	s26 =	sadd.s32 $0x10, s26;
	v18 =	vadd.s32 $0x9, v4;
	v14 =	vmul.u32 $0x21, v7;
	v13 =	vld.idx.msk [tilespmem:v13+s3+$0x0], $0xffff;
	[tilespmem:s23+$0x7C80] =	vst v6;
	s23 =	smov.u32 s19;
	s19 =	smov.u32 s18  }
0x312: {  	v6 =	vadd.s32 $0xFFFFFFFD, v7;
	s18 =	smov.u32 s20;
	v7 =	vld [tilespmem:s26+$0x0];
	[tilespmem:s20+$0x6980] =	vst v11;
	v11 =	vadd.s32 $0x1C, v2;
	s20 =	smov.u32 s21;
	s21 =	smov.u32 s22  }
0x313: {  	vm0 =	vlt.u32 v6, $0x5;
	v6 =	vadd.s32 $0x18C, v14;
	v14 =	vadd.s32 $0xE, v3;
	s22 =	smov.u32 s24;
	[tilespmem:s24+$0x4A80] =	vst v17;
	v8 =	vld.idx.msk [tilespmem:v8+s3+$0x0], $0xffff  }
0x314: {  	v6 =	vnsel vm0, $0x1CE, v6;
	v15 =	vld.idx.msk [tilespmem:v15+s3+$0x0], $0xffff;
	[tilespmem:s19+$0x6C00] =	vst v12  }
0x315: {  	v12 =	vadd.s32 $0x13, v1;
	[tilespmem:s21+$0x5900] =	vst v16;
	v9 =	vld.idx.msk [tilespmem:v9+s3+$0x0], $0xffff  }
0x316: {  	v16 =	vadd.s32 $0x5, v5;
	v17 =	vld.idx.msk [tilespmem:v18+s3+$0x0], $0xffff;
	[tilespmem:s23+$0x7A80] =	vst v10  }
0x317: {  	v10 =	vadd.s32 $0x18, v0;
	[tilespmem:s20+$0x5B80] =	vst v13;
	v11 =	vld.idx.msk [tilespmem:v11+s3+$0x0], $0xffff  }
0x318: {  	v13 =	vadd.s32 $0xA, v4;
	v14 =	vld.idx.msk [tilespmem:v14+s3+$0x0], $0xffff  }
0x319: {  	v18 =	vld.idx.msk [tilespmem:v6+s3+$0x0], $0xffff;
	[tilespmem:s18+$0x6A00] =	vst v8;
	v8 =	vadd.s32 $0x1D, v2  }
0x31a: {  	[tilespmem:s22+$0x4B00] =	vst v15;
	v15 =	vadd.s32 $0xF, v3;
	v12 =	vld.idx.msk [tilespmem:v12+s3+$0x0], $0xffff  }
0x31b: {  	v19 =	vadd.s32 $0x1, v6;
	v16 =	vld.idx.msk [tilespmem:v16+s3+$0x0], $0xffff;
	[tilespmem:s19+$0x6C80] =	vst v9  }
0x31c: {  	s25 =	sadd.s32 $0x80, s25;
	v9 =	vadd.s32 $0x14, v1;
	[tilespmem:s21+$0x5980] =	vst v17;
	v10 =	vld.idx.msk [tilespmem:v10+s3+$0x0], $0xffff  }
0x31d: {  	s1 =	sand.u32 $0x70, s28;
	s28 =	smov.u32 s29;
	s15 =	sand.u32 $0xC00, s25;
	v17 =	vadd.s32 $0x6, v5;
	v13 =	vld.idx.msk [tilespmem:v13+s3+$0x0], $0xffff;
	[tilespmem:s23+$0x7B00] =	vst v11  }
0x31e: {  	s24 =	sor.u32 s1, s15;
	v11 =	vadd.s32 $0x19, v0;
	[tilespmem:s20+$0x5C00] =	vst v14;
	v8 =	vld.idx.msk [tilespmem:v8+s3+$0x0], $0xffff  }
0x31f: {  	v14 =	vadd.s32 $0xB, v4;
	[tilespmem:s24+$0x4900] =	vst v18;
	v15 =	vld.idx.msk [tilespmem:v15+s3+$0x0], $0xffff  }
0x320: {  	v18 =	vld.idx.msk [tilespmem:v19+s3+$0x0], $0xffff;
	[tilespmem:s18+$0x6A80] =	vst v12;
	v12 =	vadd.s32 $0x1E, v2  }
0x321: {  	[tilespmem:s22+$0x4B80] =	vst v16;
	v16 =	vadd.s32 $0x10, v3;
	v9 =	vld.idx.msk [tilespmem:v9+s3+$0x0], $0xffff  }
0x322: {  	v19 =	vadd.s32 $0x2, v6;
	v17 =	vld.idx.msk [tilespmem:v17+s3+$0x0], $0xffff;
	[tilespmem:s19+$0x7900] =	vst v10  }
0x323: {  	v10 =	vadd.s32 $0x15, v1;
	[tilespmem:s21+$0x5A00] =	vst v13;
	v11 =	vld.idx.msk [tilespmem:v11+s3+$0x0], $0xffff  }
0x324: {  	v13 =	vadd.s32 $0x7, v5;
	v14 =	vld.idx.msk [tilespmem:v14+s3+$0x0], $0xffff;
	[tilespmem:s23+$0x7B80] =	vst v8  }
0x325: {  	v20 =	vadd.s32 $0x1A, v0;
	[tilespmem:s20+$0x5C80] =	vst v15;
	v21 =	vld.idx.msk [tilespmem:v12+s3+$0x0], $0xffff  }
0x326: {  	[tilespmem:s24+$0x4980] =	vst v18;
	v18 =	vadd.s32 $0xC, v4;
	v22 =	vld.idx.msk [tilespmem:v16+s3+$0x0], $0xffff  }
0x327: {  	v23 =	vadd.s32 $0x1F, v2;
	v2 =	vmovc v0;
	v0 =	vmovc v1;
	v1 =	vmov v3;
	v3 =	vmov v4;
	v19 =	vld.idx.msk [tilespmem:v19+s3+$0x0], $0xffff;
	[tilespmem:s18+$0x6B00] =	vst v9  }
0x328: {  	v24 =	vadd.s32 $0x11, v1;
	v4 =	vmov v5;
	v5 =	vmov v6;
	[tilespmem:s22+$0x4C00] =	vst v17;
	v8 =	vld.idx.msk [tilespmem:v10+s3+$0x0], $0xffff  }
.Ltmp1:
0x329: {  	v17 =	vadd.s32 $0x3, v5;
	v12 =	vld.idx.msk [tilespmem:v13+s3+$0x0], $0xffff;
	[tilespmem:s19+$0x7980] =	vst v11;
	(pc) =	sbr.rel @p0 .LBB3_4-.Ltmp1, $4  }
0x32a: {  	v15 =	vadd.s32 $0x16, v0;
	[tilespmem:s21+$0x5A80] =	vst v14;
	v9 =	vld.idx.msk [tilespmem:v20+s3+$0x0], $0xffff  }
0x32b: {  	v16 =	vadd.s32 $0x8, v4;
	v10 =	vld.idx.msk [tilespmem:v18+s3+$0x0], $0xffff;
	[tilespmem:s23+$0x7C00] =	vst v21  }
0x32c: {  	v14 =	vadd.s32 $0x1B, v2;
	[tilespmem:s20+$0x6900] =	vst v22;
	v6 =	vld.idx.msk [tilespmem:v23+s3+$0x0], $0xffff  }
0x32d: {  	s29 =	sadd.s32 $0x10, s29;
	v13 =	vadd.s32 $0xD, v3;
	[tilespmem:s24+$0x4A00] =	vst v19;
	v11 =	vld.idx.msk [tilespmem:v24+s3+$0x0], $0xffff  }
0x32e: {  	_ =	sdelay $0x2  }
0x32f: {  	[tilespmem:s18+$0x6B80] =	vst v8  }
0x330: {  	v8 =	vld.idx.msk [tilespmem:v17+s3+$0x0], $0xffff;
	[tilespmem:s22+$0x4C80] =	vst v12;
	v12 =	vadd.s32 $0x12, v1  }
0x331: {  	v17 =	vadd.s32 $0x4, v5;
	v15 =	vld.idx.msk [tilespmem:v15+s3+$0x0], $0xffff;
	[tilespmem:s19+$0x7A00] =	vst v9  }
0x332: {  	v16 =	vld.idx.msk [tilespmem:v16+s3+$0x0], $0xffff;
	[tilespmem:s21+$0x5B00] =	vst v10;
	v10 =	vadd.s32 $0x17, v0  }
0x333: {  	v18 =	vadd.s32 $0x9, v4;
	v9 =	vmul.u32 $0x21, v7;
	v14 =	vld.idx.msk [tilespmem:v14+s3+$0x0], $0xffff;
	[tilespmem:s23+$0x7C80] =	vst v6  }
0x334: {  	v13 =	vld.idx.msk [tilespmem:v13+s3+$0x0], $0xffff;
	v6 =	vadd.s32 $0xFFFFFFFD, v7;
	v7 =	vadd.s32 $0x1C, v2;
	[tilespmem:s20+$0x6980] =	vst v11  }
0x335: {  	vm0 =	vlt.u32 v6, $0x5;
	v6 =	vadd.s32 $0x18C, v9;
	v11 =	vadd.s32 $0xE, v3;
	[tilespmem:s24+$0x4A80] =	vst v8;
	v9 =	vld.idx.msk [tilespmem:v12+s3+$0x0], $0xffff  }
0x336: {  	v6 =	vnsel vm0, $0x1CE, v6;
	v12 =	vld.idx.msk [tilespmem:v17+s3+$0x0], $0xffff;
	[tilespmem:s18+$0x6C00] =	vst v15  }
0x337: {  	[tilespmem:s22+$0x5900] =	vst v16;
	v8 =	vld.idx.msk [tilespmem:v10+s3+$0x0], $0xffff  }
0x338: {  	v10 =	vld.idx.msk [tilespmem:v18+s3+$0x0], $0xffff;
	[tilespmem:s19+$0x7A80] =	vst v14  }
0x339: {  	[tilespmem:s21+$0x5B80] =	vst v13;
	v7 =	vld.idx.msk [tilespmem:v7+s3+$0x0], $0xffff  }
0x33a: {  	v11 =	vld.idx.msk [tilespmem:v11+s3+$0x0], $0xffff  }
0x33b: {  	v13 =	vld.idx.msk [tilespmem:v6+s3+$0x0], $0xffff  }
0x33c: {  	v14 =	vadd.s32 $0x1, v6  }
0x33d: {  	s1 =	sadd.s32 $0x80, s25  }
0x33e: {  	s15 =	sand.u32 $0x70, s28;
	s1 =	sand.u32 $0xC00, s1  }
0x33f: {  	s15 =	sor.u32 s15, s1  }
0x340: {  	[tilespmem:s15+$0x4900] =	vst v13  }
0x341: {  	v13 =	vld.idx.msk [tilespmem:v14+s3+$0x0], $0xffff  }
0x342: {  	v14 =	vadd.s32 $0x2, v6;
	_ =	sdelay $0x3  }
0x343: {  	[tilespmem:s15+$0x4980] =	vst v13  }
0x344: {  	v13 =	vld.idx.msk [tilespmem:v14+s3+$0x0], $0xffff  }
0x345: {  	v14 =	vadd.s32 $0x3, v6;
	_ =	sdelay $0x3  }
0x346: {  	[tilespmem:s15+$0x4A00] =	vst v13  }
0x347: {  	v13 =	vld.idx.msk [tilespmem:v14+s3+$0x0], $0xffff  }
0x348: {  	v14 =	vadd.s32 $0x4, v6;
	_ =	sdelay $0x3  }
0x349: {  	[tilespmem:s15+$0x4A80] =	vst v13  }
0x34a: {  	v13 =	vadd.s32 $0x5, v5;
	v14 =	vld.idx.msk [tilespmem:v14+s3+$0x0], $0xffff  }
0x34b: {  	v15 =	vadd.s32 $0x5, v6;
	_ =	sdelay $0x2  }
0x34c: {  	[tilespmem:s24+$0x4B00] =	vst v12  }
0x34d: {  	v12 =	vld.idx.msk [tilespmem:v13+s3+$0x0], $0xffff;
	[tilespmem:s15+$0x4B00] =	vst v14  }
0x34e: {  	v13 =	vadd.s32 $0x6, v5;
	v14 =	vld.idx.msk [tilespmem:v15+s3+$0x0], $0xffff  }
0x34f: {  	v15 =	vadd.s32 $0x6, v6;
	_ =	sdelay $0x2  }
0x350: {  	[tilespmem:s24+$0x4B80] =	vst v12  }
0x351: {  	v12 =	vld.idx.msk [tilespmem:v13+s3+$0x0], $0xffff;
	[tilespmem:s15+$0x4B80] =	vst v14  }
0x352: {  	v13 =	vadd.s32 $0x7, v5;
	v14 =	vld.idx.msk [tilespmem:v15+s3+$0x0], $0xffff  }
0x353: {  	v15 =	vadd.s32 $0x7, v6;
	_ =	sdelay $0x2  }
0x354: {  	[tilespmem:s24+$0x4C00] =	vst v12  }
0x355: {  	v12 =	vld.idx.msk [tilespmem:v13+s3+$0x0], $0xffff;
	[tilespmem:s15+$0x4C00] =	vst v14  }
0x356: {  	v13 =	vadd.s32 $0x8, v5;
	v14 =	vld.idx.msk [tilespmem:v15+s3+$0x0], $0xffff  }
0x357: {  	v15 =	vadd.s32 $0x8, v6;
	_ =	sdelay $0x2  }
0x358: {  	[tilespmem:s24+$0x4C80] =	vst v12  }
0x359: {  	v12 =	vld.idx.msk [tilespmem:v13+s3+$0x0], $0xffff;
	[tilespmem:s15+$0x4C80] =	vst v14  }
0x35a: {  	v13 =	vadd.s32 $0x9, v5;
	v14 =	vld.idx.msk [tilespmem:v15+s3+$0x0], $0xffff  }
0x35b: {  	v15 =	vadd.s32 $0x9, v6;
	_ =	sdelay $0x2  }
0x35c: {  	[tilespmem:s24+$0x5900] =	vst v12  }
0x35d: {  	v12 =	vadd.s32 $0xA, v4;
	v13 =	vld.idx.msk [tilespmem:v13+s3+$0x0], $0xffff;
	[tilespmem:s15+$0x5900] =	vst v14  }
0x35e: {  	v14 =	vadd.s32 $0xA, v5;
	v15 =	vld.idx.msk [tilespmem:v15+s3+$0x0], $0xffff  }
0x35f: {  	v16 =	vadd.s32 $0xA, v6;
	_ =	sdelay $0x1  }
0x360: {  	[tilespmem:s22+$0x5980] =	vst v10  }
0x361: {  	v10 =	vld.idx.msk [tilespmem:v12+s3+$0x0], $0xffff;
	[tilespmem:s24+$0x5980] =	vst v13  }
0x362: {  	v12 =	vadd.s32 $0xB, v4;
	v13 =	vld.idx.msk [tilespmem:v14+s3+$0x0], $0xffff;
	[tilespmem:s15+$0x5980] =	vst v15  }
0x363: {  	v14 =	vadd.s32 $0xB, v5;
	v15 =	vld.idx.msk [tilespmem:v16+s3+$0x0], $0xffff  }
0x364: {  	v16 =	vadd.s32 $0xB, v6;
	_ =	sdelay $0x1  }
0x365: {  	[tilespmem:s22+$0x5A00] =	vst v10  }
0x366: {  	v10 =	vld.idx.msk [tilespmem:v12+s3+$0x0], $0xffff;
	[tilespmem:s24+$0x5A00] =	vst v13  }
0x367: {  	v12 =	vadd.s32 $0xC, v4;
	v13 =	vld.idx.msk [tilespmem:v14+s3+$0x0], $0xffff;
	[tilespmem:s15+$0x5A00] =	vst v15  }
0x368: {  	v14 =	vadd.s32 $0xC, v5;
	v15 =	vld.idx.msk [tilespmem:v16+s3+$0x0], $0xffff  }
0x369: {  	v16 =	vadd.s32 $0xC, v6;
	_ =	sdelay $0x1  }
0x36a: {  	[tilespmem:s22+$0x5A80] =	vst v10  }
0x36b: {  	v10 =	vld.idx.msk [tilespmem:v12+s3+$0x0], $0xffff;
	[tilespmem:s24+$0x5A80] =	vst v13  }
0x36c: {  	v12 =	vadd.s32 $0xD, v4;
	v13 =	vld.idx.msk [tilespmem:v14+s3+$0x0], $0xffff;
	[tilespmem:s15+$0x5A80] =	vst v15  }
0x36d: {  	v14 =	vadd.s32 $0xD, v5;
	v15 =	vld.idx.msk [tilespmem:v16+s3+$0x0], $0xffff  }
0x36e: {  	v16 =	vadd.s32 $0xD, v6;
	_ =	sdelay $0x1  }
0x36f: {  	[tilespmem:s22+$0x5B00] =	vst v10  }
0x370: {  	v10 =	vld.idx.msk [tilespmem:v12+s3+$0x0], $0xffff;
	[tilespmem:s24+$0x5B00] =	vst v13  }
0x371: {  	v12 =	vadd.s32 $0xE, v4;
	v13 =	vld.idx.msk [tilespmem:v14+s3+$0x0], $0xffff;
	[tilespmem:s15+$0x5B00] =	vst v15  }
0x372: {  	v14 =	vadd.s32 $0xE, v5;
	v15 =	vld.idx.msk [tilespmem:v16+s3+$0x0], $0xffff  }
0x373: {  	v16 =	vadd.s32 $0xE, v6;
	_ =	sdelay $0x1  }
0x374: {  	[tilespmem:s22+$0x5B80] =	vst v10  }
0x375: {  	v10 =	vadd.s32 $0xF, v3;
	v12 =	vld.idx.msk [tilespmem:v12+s3+$0x0], $0xffff;
	[tilespmem:s24+$0x5B80] =	vst v13  }
0x376: {  	v13 =	vadd.s32 $0xF, v4;
	v14 =	vld.idx.msk [tilespmem:v14+s3+$0x0], $0xffff;
	[tilespmem:s15+$0x5B80] =	vst v15  }
0x377: {  	v15 =	vadd.s32 $0xF, v5;
	v16 =	vld.idx.msk [tilespmem:v16+s3+$0x0], $0xffff  }
0x378: {  	v17 =	vadd.s32 $0xF, v6  }
0x379: {  	[tilespmem:s21+$0x5C00] =	vst v11  }
0x37a: {  	v10 =	vld.idx.msk [tilespmem:v10+s3+$0x0], $0xffff;
	[tilespmem:s22+$0x5C00] =	vst v12  }
0x37b: {  	v11 =	vadd.s32 $0x10, v3;
	v12 =	vld.idx.msk [tilespmem:v13+s3+$0x0], $0xffff;
	[tilespmem:s24+$0x5C00] =	vst v14  }
0x37c: {  	v13 =	vadd.s32 $0x10, v4;
	v14 =	vld.idx.msk [tilespmem:v15+s3+$0x0], $0xffff;
	[tilespmem:s15+$0x5C00] =	vst v16  }
0x37d: {  	v15 =	vadd.s32 $0x10, v5;
	v16 =	vld.idx.msk [tilespmem:v17+s3+$0x0], $0xffff  }
0x37e: {  	v17 =	vadd.s32 $0x10, v6  }
0x37f: {  	[tilespmem:s21+$0x5C80] =	vst v10  }
0x380: {  	v10 =	vld.idx.msk [tilespmem:v11+s3+$0x0], $0xffff;
	[tilespmem:s22+$0x5C80] =	vst v12  }
0x381: {  	v11 =	vadd.s32 $0x11, v3;
	v12 =	vld.idx.msk [tilespmem:v13+s3+$0x0], $0xffff;
	[tilespmem:s24+$0x5C80] =	vst v14  }
0x382: {  	v13 =	vadd.s32 $0x11, v4;
	v14 =	vld.idx.msk [tilespmem:v15+s3+$0x0], $0xffff;
	[tilespmem:s15+$0x5C80] =	vst v16  }
0x383: {  	v15 =	vadd.s32 $0x11, v5;
	v16 =	vld.idx.msk [tilespmem:v17+s3+$0x0], $0xffff  }
0x384: {  	v17 =	vadd.s32 $0x11, v6  }
0x385: {  	[tilespmem:s21+$0x6900] =	vst v10  }
0x386: {  	v10 =	vld.idx.msk [tilespmem:v11+s3+$0x0], $0xffff;
	[tilespmem:s22+$0x6900] =	vst v12  }
0x387: {  	v11 =	vadd.s32 $0x12, v3;
	v12 =	vld.idx.msk [tilespmem:v13+s3+$0x0], $0xffff;
	[tilespmem:s24+$0x6900] =	vst v14  }
0x388: {  	v13 =	vadd.s32 $0x12, v4;
	v14 =	vld.idx.msk [tilespmem:v15+s3+$0x0], $0xffff;
	[tilespmem:s15+$0x6900] =	vst v16  }
0x389: {  	v15 =	vadd.s32 $0x12, v5;
	v16 =	vld.idx.msk [tilespmem:v17+s3+$0x0], $0xffff  }
0x38a: {  	v17 =	vadd.s32 $0x12, v6  }
0x38b: {  	[tilespmem:s21+$0x6980] =	vst v10  }
0x38c: {  	v10 =	vadd.s32 $0x13, v1;
	v11 =	vld.idx.msk [tilespmem:v11+s3+$0x0], $0xffff;
	[tilespmem:s22+$0x6980] =	vst v12  }
0x38d: {  	v12 =	vadd.s32 $0x13, v3;
	v13 =	vld.idx.msk [tilespmem:v13+s3+$0x0], $0xffff;
	[tilespmem:s24+$0x6980] =	vst v14  }
0x38e: {  	v14 =	vadd.s32 $0x13, v4;
	v15 =	vld.idx.msk [tilespmem:v15+s3+$0x0], $0xffff;
	[tilespmem:s15+$0x6980] =	vst v16  }
0x38f: {  	v16 =	vadd.s32 $0x13, v5;
	v17 =	vld.idx.msk [tilespmem:v17+s3+$0x0], $0xffff  }
0x390: {  	[tilespmem:s20+$0x6A00] =	vst v9;
	v9 =	vadd.s32 $0x13, v6  }
0x391: {  	v10 =	vld.idx.msk [tilespmem:v10+s3+$0x0], $0xffff;
	[tilespmem:s21+$0x6A00] =	vst v11  }
0x392: {  	v11 =	vadd.s32 $0x14, v1;
	v12 =	vld.idx.msk [tilespmem:v12+s3+$0x0], $0xffff;
	[tilespmem:s22+$0x6A00] =	vst v13  }
0x393: {  	v13 =	vadd.s32 $0x14, v3;
	v14 =	vld.idx.msk [tilespmem:v14+s3+$0x0], $0xffff;
	[tilespmem:s24+$0x6A00] =	vst v15  }
0x394: {  	v15 =	vadd.s32 $0x14, v4;
	v16 =	vld.idx.msk [tilespmem:v16+s3+$0x0], $0xffff;
	[tilespmem:s15+$0x6A00] =	vst v17  }
0x395: {  	[tilespmem:s18+$0x6C80] =	vst v8;
	v8 =	vadd.s32 $0x14, v5;
	v9 =	vld.idx.msk [tilespmem:v9+s3+$0x0], $0xffff  }
0x396: {  	[tilespmem:s20+$0x6A80] =	vst v10;
	v10 =	vadd.s32 $0x14, v6  }
0x397: {  	v11 =	vld.idx.msk [tilespmem:v11+s3+$0x0], $0xffff;
	v17 =	vadd.s32 $0x18, v0;
	[tilespmem:s21+$0x6A80] =	vst v12  }
0x398: {  	v12 =	vadd.s32 $0x15, v1;
	v13 =	vld.idx.msk [tilespmem:v13+s3+$0x0], $0xffff;
	[tilespmem:s22+$0x6A80] =	vst v14  }
0x399: {  	v14 =	vadd.s32 $0x15, v3;
	v15 =	vld.idx.msk [tilespmem:v15+s3+$0x0], $0xffff;
	[tilespmem:s24+$0x6A80] =	vst v16  }
0x39a: {  	v16 =	vadd.s32 $0x15, v4;
	v8 =	vld.idx.msk [tilespmem:v8+s3+$0x0], $0xffff;
	[tilespmem:s15+$0x6A80] =	vst v9  }
0x39b: {  	[tilespmem:s19+$0x7B00] =	vst v7;
	v7 =	vadd.s32 $0x15, v5;
	v9 =	vld.idx.msk [tilespmem:v10+s3+$0x0], $0xffff  }
0x39c: {  	[tilespmem:s20+$0x6B00] =	vst v11;
	v11 =	vadd.s32 $0x15, v6;
	v10 =	vld.idx.msk [tilespmem:v17+s3+$0x0], $0xffff  }
0x39d: {  	v12 =	vld.idx.msk [tilespmem:v12+s3+$0x0], $0xffff;
	[tilespmem:s21+$0x6B00] =	vst v13;
	v17 =	vadd.s32 $0x1D, v2  }
0x39e: {  	v13 =	vadd.s32 $0x16, v1;
	v14 =	vld.idx.msk [tilespmem:v14+s3+$0x0], $0xffff;
	[tilespmem:s22+$0x6B00] =	vst v15  }
0x39f: {  	v15 =	vadd.s32 $0x16, v3;
	v16 =	vld.idx.msk [tilespmem:v16+s3+$0x0], $0xffff;
	[tilespmem:s24+$0x6B00] =	vst v8  }
0x3a0: {  	v8 =	vadd.s32 $0x16, v4;
	v7 =	vld.idx.msk [tilespmem:v7+s3+$0x0], $0xffff;
	[tilespmem:s15+$0x6B00] =	vst v9  }
0x3a1: {  	[tilespmem:s18+$0x7900] =	vst v10;
	v9 =	vadd.s32 $0x16, v5;
	v10 =	vld.idx.msk [tilespmem:v11+s3+$0x0], $0xffff  }
0x3a2: {  	[tilespmem:s20+$0x6B80] =	vst v12;
	v12 =	vadd.s32 $0x16, v6;
	v11 =	vld.idx.msk [tilespmem:v17+s3+$0x0], $0xffff  }
0x3a3: {  	v13 =	vld.idx.msk [tilespmem:v13+s3+$0x0], $0xffff;
	[tilespmem:s21+$0x6B80] =	vst v14;
	v17 =	vadd.s32 $0x19, v0  }
0x3a4: {  	v14 =	vadd.s32 $0x17, v1;
	v15 =	vld.idx.msk [tilespmem:v15+s3+$0x0], $0xffff;
	[tilespmem:s22+$0x6B80] =	vst v16  }
0x3a5: {  	v16 =	vadd.s32 $0x17, v3;
	v8 =	vld.idx.msk [tilespmem:v8+s3+$0x0], $0xffff;
	[tilespmem:s24+$0x6B80] =	vst v7  }
0x3a6: {  	v7 =	vadd.s32 $0x17, v4;
	v9 =	vld.idx.msk [tilespmem:v9+s3+$0x0], $0xffff;
	[tilespmem:s15+$0x6B80] =	vst v10  }
0x3a7: {  	[tilespmem:s19+$0x7B80] =	vst v11;
	v10 =	vadd.s32 $0x17, v5;
	v11 =	vld.idx.msk [tilespmem:v12+s3+$0x0], $0xffff  }
0x3a8: {  	[tilespmem:s20+$0x6C00] =	vst v13;
	v13 =	vadd.s32 $0x17, v6;
	v12 =	vld.idx.msk [tilespmem:v17+s3+$0x0], $0xffff  }
0x3a9: {  	v14 =	vld.idx.msk [tilespmem:v14+s3+$0x0], $0xffff;
	[tilespmem:s21+$0x6C00] =	vst v15;
	v17 =	vadd.s32 $0x1E, v2  }
0x3aa: {  	v15 =	vadd.s32 $0x18, v1;
	v16 =	vld.idx.msk [tilespmem:v16+s3+$0x0], $0xffff;
	[tilespmem:s22+$0x6C00] =	vst v8  }
0x3ab: {  	v8 =	vadd.s32 $0x18, v3;
	v7 =	vld.idx.msk [tilespmem:v7+s3+$0x0], $0xffff;
	[tilespmem:s24+$0x6C00] =	vst v9  }
0x3ac: {  	v9 =	vadd.s32 $0x18, v4;
	v10 =	vld.idx.msk [tilespmem:v10+s3+$0x0], $0xffff;
	[tilespmem:s15+$0x6C00] =	vst v11  }
0x3ad: {  	[tilespmem:s18+$0x7980] =	vst v12;
	v11 =	vadd.s32 $0x18, v5;
	v12 =	vld.idx.msk [tilespmem:v13+s3+$0x0], $0xffff  }
0x3ae: {  	[tilespmem:s20+$0x6C80] =	vst v14;
	v14 =	vadd.s32 $0x18, v6;
	v13 =	vld.idx.msk [tilespmem:v17+s3+$0x0], $0xffff  }
0x3af: {  	v15 =	vld.idx.msk [tilespmem:v15+s3+$0x0], $0xffff;
	[tilespmem:s21+$0x6C80] =	vst v16;
	v17 =	vadd.s32 $0x1A, v0  }
0x3b0: {  	v16 =	vadd.s32 $0x19, v1;
	v8 =	vld.idx.msk [tilespmem:v8+s3+$0x0], $0xffff;
	[tilespmem:s22+$0x6C80] =	vst v7  }
0x3b1: {  	v7 =	vadd.s32 $0x19, v3;
	v9 =	vld.idx.msk [tilespmem:v9+s3+$0x0], $0xffff;
	[tilespmem:s24+$0x6C80] =	vst v10  }
0x3b2: {  	v10 =	vadd.s32 $0x19, v4;
	v11 =	vld.idx.msk [tilespmem:v11+s3+$0x0], $0xffff;
	[tilespmem:s15+$0x6C80] =	vst v12  }
0x3b3: {  	[tilespmem:s19+$0x7C00] =	vst v13;
	v12 =	vadd.s32 $0x19, v5;
	v13 =	vld.idx.msk [tilespmem:v14+s3+$0x0], $0xffff  }
0x3b4: {  	[tilespmem:s20+$0x7900] =	vst v15;
	v15 =	vadd.s32 $0x19, v6;
	v14 =	vld.idx.msk [tilespmem:v17+s3+$0x0], $0xffff  }
0x3b5: {  	v2 =	vadd.s32 $0x1F, v2;
	v16 =	vld.idx.msk [tilespmem:v16+s3+$0x0], $0xffff;
	[tilespmem:s21+$0x7900] =	vst v8  }
0x3b6: {  	v8 =	vadd.s32 $0x1A, v1;
	v7 =	vld.idx.msk [tilespmem:v7+s3+$0x0], $0xffff;
	[tilespmem:s22+$0x7900] =	vst v9  }
0x3b7: {  	v9 =	vadd.s32 $0x1A, v3;
	v10 =	vld.idx.msk [tilespmem:v10+s3+$0x0], $0xffff;
	[tilespmem:s24+$0x7900] =	vst v11  }
0x3b8: {  	v11 =	vadd.s32 $0x1A, v4;
	v12 =	vld.idx.msk [tilespmem:v12+s3+$0x0], $0xffff;
	[tilespmem:s15+$0x7900] =	vst v13  }
0x3b9: {  	[tilespmem:s18+$0x7A00] =	vst v14;
	v13 =	vadd.s32 $0x1A, v5;
	v14 =	vld.idx.msk [tilespmem:v15+s3+$0x0], $0xffff  }
0x3ba: {  	v2 =	vld.idx.msk [tilespmem:v2+s3+$0x0], $0xffff;
	[tilespmem:s20+$0x7980] =	vst v16;
	v15 =	vadd.s32 $0x1A, v6  }
0x3bb: {  	v16 =	vadd.s32 $0x1B, v0;
	v8 =	vld.idx.msk [tilespmem:v8+s3+$0x0], $0xffff;
	[tilespmem:s21+$0x7980] =	vst v7  }
0x3bc: {  	v7 =	vadd.s32 $0x1B, v1;
	v9 =	vld.idx.msk [tilespmem:v9+s3+$0x0], $0xffff;
	[tilespmem:s22+$0x7980] =	vst v10  }
0x3bd: {  	v10 =	vadd.s32 $0x1B, v3;
	v11 =	vld.idx.msk [tilespmem:v11+s3+$0x0], $0xffff;
	[tilespmem:s24+$0x7980] =	vst v12  }
0x3be: {  	v12 =	vadd.s32 $0x1B, v4;
	v13 =	vld.idx.msk [tilespmem:v13+s3+$0x0], $0xffff;
	[tilespmem:s15+$0x7980] =	vst v14  }
0x3bf: {  	[tilespmem:s19+$0x7C80] =	vst v2;
	v2 =	vadd.s32 $0x1B, v5;
	v14 =	vld.idx.msk [tilespmem:v15+s3+$0x0], $0xffff  }
0x3c0: {  	[tilespmem:s20+$0x7A00] =	vst v8;
	v8 =	vadd.s32 $0x1B, v6;
	v15 =	vld.idx.msk [tilespmem:v16+s3+$0x0], $0xffff  }
0x3c1: {  	v7 =	vld.idx.msk [tilespmem:v7+s3+$0x0], $0xffff;
	[tilespmem:s21+$0x7A00] =	vst v9;
	v16 =	vadd.s32 $0x1C, v0  }
0x3c2: {  	v9 =	vadd.s32 $0x1C, v1;
	v10 =	vld.idx.msk [tilespmem:v10+s3+$0x0], $0xffff;
	[tilespmem:s22+$0x7A00] =	vst v11  }
0x3c3: {  	v11 =	vadd.s32 $0x1C, v3;
	v12 =	vld.idx.msk [tilespmem:v12+s3+$0x0], $0xffff;
	[tilespmem:s24+$0x7A00] =	vst v13  }
0x3c4: {  	v13 =	vadd.s32 $0x1C, v4;
	v2 =	vld.idx.msk [tilespmem:v2+s3+$0x0], $0xffff;
	[tilespmem:s15+$0x7A00] =	vst v14  }
0x3c5: {  	[tilespmem:s18+$0x7A80] =	vst v15;
	v14 =	vadd.s32 $0x1C, v5;
	v8 =	vld.idx.msk [tilespmem:v8+s3+$0x0], $0xffff  }
0x3c6: {  	[tilespmem:s20+$0x7A80] =	vst v7;
	v7 =	vadd.s32 $0x1C, v6;
	v15 =	vld.idx.msk [tilespmem:v16+s3+$0x0], $0xffff  }
0x3c7: {  	v9 =	vld.idx.msk [tilespmem:v9+s3+$0x0], $0xffff;
	[tilespmem:s21+$0x7A80] =	vst v10;
	v16 =	vadd.s32 $0x1D, v0  }
0x3c8: {  	v10 =	vadd.s32 $0x1D, v1;
	v11 =	vld.idx.msk [tilespmem:v11+s3+$0x0], $0xffff;
	[tilespmem:s22+$0x7A80] =	vst v12  }
0x3c9: {  	v12 =	vadd.s32 $0x1D, v3;
	v13 =	vld.idx.msk [tilespmem:v13+s3+$0x0], $0xffff;
	[tilespmem:s24+$0x7A80] =	vst v2  }
0x3ca: {  	v2 =	vadd.s32 $0x1D, v4;
	v14 =	vld.idx.msk [tilespmem:v14+s3+$0x0], $0xffff;
	[tilespmem:s15+$0x7A80] =	vst v8  }
0x3cb: {  	[tilespmem:s18+$0x7B00] =	vst v15;
	v8 =	vadd.s32 $0x1D, v5;
	v7 =	vld.idx.msk [tilespmem:v7+s3+$0x0], $0xffff  }
0x3cc: {  	[tilespmem:s20+$0x7B00] =	vst v9;
	v9 =	vadd.s32 $0x1D, v6;
	v15 =	vld.idx.msk [tilespmem:v16+s3+$0x0], $0xffff  }
0x3cd: {  	v10 =	vld.idx.msk [tilespmem:v10+s3+$0x0], $0xffff;
	[tilespmem:s21+$0x7B00] =	vst v11;
	v16 =	vadd.s32 $0x1E, v0  }
0x3ce: {  	v11 =	vadd.s32 $0x1E, v1;
	v12 =	vld.idx.msk [tilespmem:v12+s3+$0x0], $0xffff;
	[tilespmem:s22+$0x7B00] =	vst v13  }
0x3cf: {  	v13 =	vadd.s32 $0x1E, v3;
	v2 =	vld.idx.msk [tilespmem:v2+s3+$0x0], $0xffff;
	[tilespmem:s24+$0x7B00] =	vst v14  }
0x3d0: {  	v14 =	vadd.s32 $0x1E, v4;
	v8 =	vld.idx.msk [tilespmem:v8+s3+$0x0], $0xffff;
	[tilespmem:s15+$0x7B00] =	vst v7  }
0x3d1: {  	[tilespmem:s18+$0x7B80] =	vst v15;
	v7 =	vadd.s32 $0x1E, v5;
	v9 =	vld.idx.msk [tilespmem:v9+s3+$0x0], $0xffff  }
0x3d2: {  	[tilespmem:s20+$0x7B80] =	vst v10;
	v10 =	vadd.s32 $0x1E, v6;
	v15 =	vld.idx.msk [tilespmem:v16+s3+$0x0], $0xffff  }
0x3d3: {  	v0 =	vadd.s32 $0x1F, v0;
	v11 =	vld.idx.msk [tilespmem:v11+s3+$0x0], $0xffff;
	[tilespmem:s21+$0x7B80] =	vst v12  }
0x3d4: {  	v1 =	vadd.s32 $0x1F, v1;
	v12 =	vld.idx.msk [tilespmem:v13+s3+$0x0], $0xffff;
	[tilespmem:s22+$0x7B80] =	vst v2  }
0x3d5: {  	v2 =	vadd.s32 $0x1F, v3;
	v3 =	vld.idx.msk [tilespmem:v14+s3+$0x0], $0xffff;
	[tilespmem:s24+$0x7B80] =	vst v8  }
0x3d6: {  	v4 =	vadd.s32 $0x1F, v4;
	v7 =	vld.idx.msk [tilespmem:v7+s3+$0x0], $0xffff;
	[tilespmem:s15+$0x7B80] =	vst v9  }
0x3d7: {  	v5 =	vadd.s32 $0x1F, v5;
	[tilespmem:s18+$0x7C00] =	vst v15;
	v8 =	vld.idx.msk [tilespmem:v10+s3+$0x0], $0xffff  }
0x3d8: {  	v6 =	vadd.s32 $0x1F, v6;
	[tilespmem:s20+$0x7C00] =	vst v11;
	v0 =	vld.idx.msk [tilespmem:v0+s3+$0x0], $0xffff  }
0x3d9: {  	v1 =	vld.idx.msk [tilespmem:v1+s3+$0x0], $0xffff;
	[tilespmem:s21+$0x7C00] =	vst v12  }
0x3da: {  	v2 =	vld.idx.msk [tilespmem:v2+s3+$0x0], $0xffff;
	[tilespmem:s22+$0x7C00] =	vst v3  }
0x3db: {  	v3 =	vld.idx.msk [tilespmem:v4+s3+$0x0], $0xffff;
	[tilespmem:s24+$0x7C00] =	vst v7  }
0x3dc: {  	v4 =	vld.idx.msk [tilespmem:v5+s3+$0x0], $0xffff;
	[tilespmem:s15+$0x7C00] =	vst v8  }
0x3dd: {  	[tilespmem:s18+$0x7C80] =	vst v0;
	v0 =	vld.idx.msk [tilespmem:v6+s3+$0x0], $0xffff  }
0x3de: {  	[tilespmem:s20+$0x7C80] =	vst v1  }
0x3df: {  	[tilespmem:s21+$0x7C80] =	vst v2  }
0x3e0: {  	[tilespmem:s22+$0x7C80] =	vst v3  }
0x3e1: {  	[tilespmem:s24+$0x7C80] =	vst v4  }
0x3e2: {  	[tilespmem:s15+$0x7C80] =	vst v0  }
0x3e3: {  	s25 =	simm.s32 $0x4900;
	s26 =	simm.s32 $0x400;
	s24 =	rddreg [dreg:$0x13]  }
0x3e4: {  	[hbm4b:s24+s4] =	stream.strided.scatter [tilespmem:s25], [sflag:$0x1], $0x4000, s5, s4, $0x38;
	[tilespmem:$0xE900] =	vst v63  }
0x3e5: {  	v0 =	vld [tilespmem:s26+$0x0];
	_ =	sdelay $0x4  }
0x3e6: {  	v1 =	vmul.u32 $0x21, v0;
	_ =	sdelay $0x1  }
0x3e7: {  	vm9 =	vlt.u32 v0, $0x2;
	v0 =	vadd.s32 $0x2B5, v1  }
0x3e8: {  	v6 =	vnsel vm9, $0x294, v0;
	_ =	sdelay $0x4  }
0x3e9: {  	v0 =	vld.idx.msk [tilespmem:v6+s3+$0x0], $0xffff  }
0x3ea: {  	v1 =	vadd.s32 $0x1, v6  }
0x3eb: {  	s30 =	simm.s32 $0x0  }
0x3ec: {  	s31 =	sand.u32 $0x70, s30;
	s1 =	sand.u32 $0xC00, s30  }
0x3ed: {  	s22 =	sor.u32 s31, s1  }
0x3ee: {  	[tilespmem:s22+$0x9A00] =	vst v0  }
0x3ef: {  	v0 =	vld.idx.msk [tilespmem:v1+s3+$0x0], $0xffff  }
0x3f0: {  	v1 =	vadd.s32 $0x2, v6;
	_ =	sdelay $0x3  }
0x3f1: {  	[tilespmem:s22+$0x9A80] =	vst v0  }
0x3f2: {  	v0 =	vld.idx.msk [tilespmem:v1+s3+$0x0], $0xffff  }
0x3f3: {  	v1 =	vadd.s32 $0x3, v6  }
0x3f4: {  	s18 =	simm.s32 $0x410  }
0x3f5: {  	v2 =	vld [tilespmem:s18+$0x0];
	_ =	sdelay $0x1  }
0x3f6: {  	[tilespmem:s22+$0x9B00] =	vst v0  }
0x3f7: {  	v0 =	vld.idx.msk [tilespmem:v1+s3+$0x0], $0xffff  }
0x3f8: {  	v1 =	vadd.s32 $0x4, v6  }
0x3f9: {  	v3 =	vmul.u32 $0x21, v2;
	_ =	sdelay $0x1  }
0x3fa: {  	vm10 =	vlt.u32 v2, $0x2;
	v2 =	vadd.s32 $0x2B5, v3  }
0x3fb: {  	v2 =	vnsel vm10, $0x294, v2;
	[tilespmem:s22+$0x9B80] =	vst v0  }
0x3fc: {  	v0 =	vld.idx.msk [tilespmem:v1+s3+$0x0], $0xffff  }
0x3fd: {  	v1 =	vadd.s32 $0x5, v6;
	_ =	sdelay $0x2  }
0x3fe: {  	v3 =	vld.idx.msk [tilespmem:v2+s3+$0x0], $0xffff  }
0x3ff: {  	[tilespmem:s22+$0x9C00] =	vst v0;
	v0 =	vadd.s32 $0x1, v2  }
0x400: {  	s19 =	simm.s32 $0x10;
	s20 =	simm.s32 $0x80;
	v1 =	vld.idx.msk [tilespmem:v1+s3+$0x0], $0xffff  }
0x401: {  	s1 =	sand.u32 $0x70, s19;
	s15 =	sand.u32 $0xC00, s20;
	v4 =	vadd.s32 $0x6, v6  }
0x402: {  	s19 =	sor.u32 s1, s15  }
0x403: {  	[tilespmem:s19+$0x9A00] =	vst v3  }
0x404: {  	v0 =	vld.idx.msk [tilespmem:v0+s3+$0x0], $0xffff  }
0x405: {  	[tilespmem:s22+$0x9C80] =	vst v1;
	v1 =	vadd.s32 $0x2, v2  }
0x406: {  	v3 =	vld.idx.msk [tilespmem:v4+s3+$0x0], $0xffff  }
0x407: {  	v4 =	vadd.s32 $0x7, v6;
	_ =	sdelay $0x1  }
0x408: {  	[tilespmem:s19+$0x9A80] =	vst v0  }
0x409: {  	v0 =	vld.idx.msk [tilespmem:v1+s3+$0x0], $0xffff  }
0x40a: {  	v1 =	vadd.s32 $0x3, v2;
	[tilespmem:s22+$0xA900] =	vst v3  }
0x40b: {  	s21 =	simm.s32 $0x420;
	v3 =	vld.idx.msk [tilespmem:v4+s3+$0x0], $0xffff  }
0x40c: {  	v5 =	vadd.s32 $0x8, v6;
	v4 =	vld [tilespmem:s21+$0x0];
	_ =	sdelay $0x1  }
0x40d: {  	[tilespmem:s19+$0x9B00] =	vst v0  }
0x40e: {  	v0 =	vld.idx.msk [tilespmem:v1+s3+$0x0], $0xffff  }
0x40f: {  	v1 =	vadd.s32 $0x4, v2;
	[tilespmem:s22+$0xA980] =	vst v3  }
0x410: {  	v3 =	vld.idx.msk [tilespmem:v5+s3+$0x0], $0xffff;
	v5 =	vmul.u32 $0x21, v4  }
0x411: {  	v7 =	vadd.s32 $0x9, v6  }
0x412: {  	vm11 =	vlt.u32 v4, $0x2;
	v4 =	vadd.s32 $0x2B5, v5  }
0x413: {  	[tilespmem:s19+$0x9B80] =	vst v0;
	v0 =	vnsel vm11, $0x294, v4  }
0x414: {  	v1 =	vld.idx.msk [tilespmem:v1+s3+$0x0], $0xffff  }
0x415: {  	[tilespmem:s22+$0xAA00] =	vst v3;
	v3 =	vadd.s32 $0x5, v2  }
0x416: {  	v4 =	vld.idx.msk [tilespmem:v7+s3+$0x0], $0xffff  }
0x417: {  	v5 =	vadd.s32 $0xA, v6  }
0x418: {  	v7 =	vld.idx.msk [tilespmem:v0+s3+$0x0], $0xffff  }
0x419: {  	[tilespmem:s19+$0x9C00] =	vst v1;
	v1 =	vadd.s32 $0x1, v0  }
0x41a: {  	s23 =	simm.s32 $0x20;
	s24 =	simm.s32 $0x100;
	v3 =	vld.idx.msk [tilespmem:v3+s3+$0x0], $0xffff  }
0x41b: {  	s1 =	sand.u32 $0x70, s23;
	s15 =	sand.u32 $0xC00, s24;
	[tilespmem:s22+$0xAA80] =	vst v4;
	v4 =	vadd.s32 $0x6, v2  }
0x41c: {  	s18 =	sor.u32 s1, s15;
	v5 =	vld.idx.msk [tilespmem:v5+s3+$0x0], $0xffff  }
0x41d: {  	[tilespmem:s18+$0x9A00] =	vst v7;
	v7 =	vadd.s32 $0xB, v6  }
0x41e: {  	v1 =	vld.idx.msk [tilespmem:v1+s3+$0x0], $0xffff  }
0x41f: {  	[tilespmem:s19+$0x9C80] =	vst v3;
	v3 =	vadd.s32 $0x2, v0  }
0x420: {  	v4 =	vld.idx.msk [tilespmem:v4+s3+$0x0], $0xffff  }
0x421: {  	[tilespmem:s22+$0xAB00] =	vst v5;
	v5 =	vadd.s32 $0x7, v2  }
0x422: {  	v7 =	vld.idx.msk [tilespmem:v7+s3+$0x0], $0xffff  }
0x423: {  	[tilespmem:s18+$0x9A80] =	vst v1;
	v1 =	vadd.s32 $0xC, v6  }
0x424: {  	v3 =	vld.idx.msk [tilespmem:v3+s3+$0x0], $0xffff  }
0x425: {  	[tilespmem:s19+$0xA900] =	vst v4;
	v4 =	vadd.s32 $0x3, v0  }
0x426: {  	s25 =	simm.s32 $0x430;
	v5 =	vld.idx.msk [tilespmem:v5+s3+$0x0], $0xffff  }
0x427: {  	v8 =	vld [tilespmem:s25+$0x0];
	[tilespmem:s22+$0xAB80] =	vst v7;
	v7 =	vadd.s32 $0x8, v2  }
0x428: {  	v1 =	vld.idx.msk [tilespmem:v1+s3+$0x0], $0xffff  }
0x429: {  	[tilespmem:s18+$0x9B00] =	vst v3;
	v3 =	vadd.s32 $0xD, v6  }
0x42a: {  	v4 =	vld.idx.msk [tilespmem:v4+s3+$0x0], $0xffff  }
0x42b: {  	[tilespmem:s19+$0xA980] =	vst v5;
	v5 =	vadd.s32 $0x4, v0  }
0x42c: {  	v7 =	vld.idx.msk [tilespmem:v7+s3+$0x0], $0xffff  }
0x42d: {  	v9 =	vadd.s32 $0x9, v2;
	[tilespmem:s22+$0xAC00] =	vst v1;
	v1 =	vmul.u32 $0x21, v8  }
0x42e: {  	v3 =	vld.idx.msk [tilespmem:v3+s3+$0x0], $0xffff  }
0x42f: {  	vm12 =	vlt.u32 v8, $0x2;
	v1 =	vadd.s32 $0x2B5, v1;
	[tilespmem:s18+$0x9B80] =	vst v4;
	v4 =	vadd.s32 $0xE, v6  }
0x430: {  	v1 =	vnsel vm12, $0x294, v1;
	v5 =	vld.idx.msk [tilespmem:v5+s3+$0x0], $0xffff  }
0x431: {  	[tilespmem:s19+$0xAA00] =	vst v7;
	v7 =	vadd.s32 $0x5, v0  }
0x432: {  	v8 =	vld.idx.msk [tilespmem:v9+s3+$0x0], $0xffff  }
0x433: {  	[tilespmem:s22+$0xAC80] =	vst v3;
	v3 =	vadd.s32 $0xA, v2  }
0x434: {  	v4 =	vld.idx.msk [tilespmem:v4+s3+$0x0], $0xffff  }
0x435: {  	v9 =	vld.idx.msk [tilespmem:v1+s3+$0x0], $0xffff;
	[tilespmem:s18+$0x9C00] =	vst v5;
	v5 =	vadd.s32 $0xF, v6  }
0x436: {  	v10 =	vadd.s32 $0x1, v1;
	v7 =	vld.idx.msk [tilespmem:v7+s3+$0x0], $0xffff  }
0x437: {  	s30 =	simm.s32 $0x180;
	s26 =	simm.s32 $0x30;
	[tilespmem:s19+$0xAA80] =	vst v8;
	v8 =	vadd.s32 $0x6, v0  }
0x438: {  	s1 =	sand.u32 $0x70, s26;
	s15 =	sand.u32 $0xC00, s30;
	v3 =	vld.idx.msk [tilespmem:v3+s3+$0x0], $0xffff  }
0x439: {  	s20 =	sor.u32 s1, s15;
	[tilespmem:s22+$0xB900] =	vst v4;
	v4 =	vadd.s32 $0xB, v2  }
0x43a: {  	[tilespmem:s20+$0x9A00] =	vst v9;
	v5 =	vld.idx.msk [tilespmem:v5+s3+$0x0], $0xffff  }
0x43b: {  	v9 =	vld.idx.msk [tilespmem:v10+s3+$0x0], $0xffff;
	[tilespmem:s18+$0x9C80] =	vst v7;
	v7 =	vadd.s32 $0x10, v6  }
0x43c: {  	v10 =	vadd.s32 $0x2, v1;
	v8 =	vld.idx.msk [tilespmem:v8+s3+$0x0], $0xffff  }
0x43d: {  	[tilespmem:s19+$0xAB00] =	vst v3;
	v3 =	vadd.s32 $0x7, v0  }
0x43e: {  	v4 =	vld.idx.msk [tilespmem:v4+s3+$0x0], $0xffff  }
0x43f: {  	[tilespmem:s22+$0xB980] =	vst v5;
	v5 =	vadd.s32 $0xC, v2  }
0x440: {  	[tilespmem:s20+$0x9A80] =	vst v9;
	v7 =	vld.idx.msk [tilespmem:v7+s3+$0x0], $0xffff  }
0x441: {  	v9 =	vld.idx.msk [tilespmem:v10+s3+$0x0], $0xffff;
	[tilespmem:s18+$0xA900] =	vst v8;
	v8 =	vadd.s32 $0x11, v6  }
0x442: {  	s31 =	simm.s32 $0x440;
	v10 =	vadd.s32 $0x3, v1;
	v3 =	vld.idx.msk [tilespmem:v3+s3+$0x0], $0xffff  }
0x443: {  	v11 =	vld [tilespmem:s31+$0x0];
	[tilespmem:s19+$0xAB80] =	vst v4;
	v4 =	vadd.s32 $0x8, v0  }
0x444: {  	v5 =	vld.idx.msk [tilespmem:v5+s3+$0x0], $0xffff  }
0x445: {  	[tilespmem:s22+$0xBA00] =	vst v7;
	v7 =	vadd.s32 $0xD, v2  }
0x446: {  	[tilespmem:s20+$0x9B00] =	vst v9;
	v8 =	vld.idx.msk [tilespmem:v8+s3+$0x0], $0xffff  }
0x447: {  	v9 =	vld.idx.msk [tilespmem:v10+s3+$0x0], $0xffff;
	[tilespmem:s18+$0xA980] =	vst v3;
	v3 =	vadd.s32 $0x12, v6  }
0x448: {  	v10 =	vadd.s32 $0x4, v1;
	v4 =	vld.idx.msk [tilespmem:v4+s3+$0x0], $0xffff  }
0x449: {  	v12 =	vadd.s32 $0x9, v0;
	[tilespmem:s19+$0xAC00] =	vst v5;
	v5 =	vmul.u32 $0x21, v11  }
0x44a: {  	v7 =	vld.idx.msk [tilespmem:v7+s3+$0x0], $0xffff  }
0x44b: {  	vm13 =	vlt.u32 v11, $0x2;
	[tilespmem:s22+$0xBA80] =	vst v8;
	v5 =	vadd.s32 $0x2B5, v5;
	v8 =	vadd.s32 $0xE, v2  }
0x44c: {  	[tilespmem:s20+$0x9B80] =	vst v9;
	v9 =	vld.idx.msk [tilespmem:v3+s3+$0x0], $0xffff;
	v3 =	vnsel vm13, $0x294, v5  }
0x44d: {  	v5 =	vld.idx.msk [tilespmem:v10+s3+$0x0], $0xffff;
	[tilespmem:s18+$0xAA00] =	vst v4;
	v4 =	vadd.s32 $0x13, v6  }
0x44e: {  	v10 =	vadd.s32 $0x5, v1;
	v11 =	vld.idx.msk [tilespmem:v12+s3+$0x0], $0xffff  }
0x44f: {  	[tilespmem:s19+$0xAC80] =	vst v7;
	v7 =	vadd.s32 $0xA, v0  }
0x450: {  	v8 =	vld.idx.msk [tilespmem:v8+s3+$0x0], $0xffff  }
0x451: {  	v12 =	vld.idx.msk [tilespmem:v3+s3+$0x0], $0xffff;
	[tilespmem:s22+$0xBB00] =	vst v9;
	v9 =	vadd.s32 $0xF, v2  }
0x452: {  	[tilespmem:s20+$0x9C00] =	vst v5;
	v4 =	vld.idx.msk [tilespmem:v4+s3+$0x0], $0xffff;
	v5 =	vadd.s32 $0x1, v3  }
0x453: {  	s15 =	simm.s32 $0x40;
	s21 =	simm.s32 $0x200;
	v10 =	vld.idx.msk [tilespmem:v10+s3+$0x0], $0xffff;
	[tilespmem:s18+$0xAA80] =	vst v11;
	v11 =	vadd.s32 $0x14, v6  }
0x454: {  	s1 =	sand.u32 $0x70, s15;
	s15 =	sand.u32 $0xC00, s21;
	v13 =	vadd.s32 $0x6, v1;
	v7 =	vld.idx.msk [tilespmem:v7+s3+$0x0], $0xffff  }
0x455: {  	s21 =	sor.u32 s1, s15;
	[tilespmem:s19+$0xB900] =	vst v8;
	v8 =	vadd.s32 $0xB, v0  }
0x456: {  	[tilespmem:s21+$0x9A00] =	vst v12;
	v9 =	vld.idx.msk [tilespmem:v9+s3+$0x0], $0xffff  }
0x457: {  	v5 =	vld.idx.msk [tilespmem:v5+s3+$0x0], $0xffff;
	[tilespmem:s22+$0xBB80] =	vst v4;
	v4 =	vadd.s32 $0x10, v2  }
0x458: {  	[tilespmem:s20+$0x9C80] =	vst v10;
	v10 =	vld.idx.msk [tilespmem:v11+s3+$0x0], $0xffff;
	v11 =	vadd.s32 $0x2, v3  }
0x459: {  	v12 =	vld.idx.msk [tilespmem:v13+s3+$0x0], $0xffff;
	[tilespmem:s18+$0xAB00] =	vst v7;
	v7 =	vadd.s32 $0x15, v6  }
0x45a: {  	s23 =	simm.s32 $0x450;
	v13 =	vadd.s32 $0x7, v1;
	v8 =	vld.idx.msk [tilespmem:v8+s3+$0x0], $0xffff  }
0x45b: {  	v14 =	vld [tilespmem:s23+$0x0];
	[tilespmem:s19+$0xB980] =	vst v9;
	v9 =	vadd.s32 $0xC, v0  }
0x45c: {  	[tilespmem:s21+$0x9A80] =	vst v5;
	v4 =	vld.idx.msk [tilespmem:v4+s3+$0x0], $0xffff  }
0x45d: {  	v5 =	vld.idx.msk [tilespmem:v11+s3+$0x0], $0xffff;
	[tilespmem:s22+$0xBC00] =	vst v10;
	v10 =	vadd.s32 $0x11, v2  }
0x45e: {  	v11 =	vadd.s32 $0x3, v3;
	[tilespmem:s20+$0xA900] =	vst v12;
	v7 =	vld.idx.msk [tilespmem:v7+s3+$0x0], $0xffff  }
0x45f: {  	v12 =	vld.idx.msk [tilespmem:v13+s3+$0x0], $0xffff;
	[tilespmem:s18+$0xAB80] =	vst v8;
	v8 =	vadd.s32 $0x16, v6  }
0x460: {  	v13 =	vadd.s32 $0x8, v1;
	v9 =	vld.idx.msk [tilespmem:v9+s3+$0x0], $0xffff  }
0x461: {  	[tilespmem:s19+$0xBA00] =	vst v4;
	v4 =	vadd.s32 $0xD, v0  }
0x462: {  	[tilespmem:s21+$0x9B00] =	vst v5;
	v5 =	vld.idx.msk [tilespmem:v10+s3+$0x0], $0xffff  }
0x463: {  	v10 =	vld.idx.msk [tilespmem:v11+s3+$0x0], $0xffff;
	[tilespmem:s22+$0xBC80] =	vst v7;
	v7 =	vadd.s32 $0x12, v2  }
0x464: {  	v11 =	vadd.s32 $0x4, v3;
	[tilespmem:s20+$0xA980] =	vst v12;
	v8 =	vld.idx.msk [tilespmem:v8+s3+$0x0], $0xffff  }
0x465: {  	v12 =	vld.idx.msk [tilespmem:v13+s3+$0x0], $0xffff;
	[tilespmem:s18+$0xAC00] =	vst v9;
	v9 =	vadd.s32 $0x17, v6;
	v13 =	vmul.u32 $0x21, v14  }
0x466: {  	s24 =	simm.s32 $0x460;
	v15 =	vadd.s32 $0x9, v1;
	v16 =	vld.idx.msk [tilespmem:v4+s3+$0x0], $0xffff  }
0x467: {  	v17 =	vld [tilespmem:s24+$0x0];
	vm14 =	vlt.u32 v14, $0x2;
	[tilespmem:s19+$0xBA80] =	vst v5;
	v4 =	vadd.s32 $0x2B5, v13;
	v5 =	vadd.s32 $0xE, v0  }
0x468: {  	[tilespmem:s21+$0x9B80] =	vst v10;
	v7 =	vld.idx.msk [tilespmem:v7+s3+$0x0], $0xffff;
	v4 =	vnsel vm14, $0x294, v4  }
0x469: {  	v10 =	vld.idx.msk [tilespmem:v11+s3+$0x0], $0xffff;
	[tilespmem:s22+$0xC900] =	vst v8;
	v8 =	vadd.s32 $0x13, v2  }
0x46a: {  	v11 =	vadd.s32 $0x5, v3;
	[tilespmem:s20+$0xAA00] =	vst v12;
	v9 =	vld.idx.msk [tilespmem:v9+s3+$0x0], $0xffff  }
0x46b: {  	v13 =	vadd.s32 $0x18, v6;
	v12 =	vld.idx.msk [tilespmem:v15+s3+$0x0], $0xffff;
	[tilespmem:s18+$0xAC80] =	vst v16  }
0x46c: {  	v14 =	vadd.s32 $0xA, v1;
	v5 =	vld.idx.msk [tilespmem:v5+s3+$0x0], $0xffff  }
0x46d: {  	v15 =	vld.idx.msk [tilespmem:v4+s3+$0x0], $0xffff;
	[tilespmem:s19+$0xBB00] =	vst v7;
	v7 =	vadd.s32 $0xF, v0  }
0x46e: {  	[tilespmem:s21+$0x9C00] =	vst v10;
	v8 =	vld.idx.msk [tilespmem:v8+s3+$0x0], $0xffff;
	v10 =	vadd.s32 $0x1, v4  }
0x46f: {  	s25 =	simm.s32 $0x50;
	s26 =	simm.s32 $0x280;
	v11 =	vld.idx.msk [tilespmem:v11+s3+$0x0], $0xffff;
	[tilespmem:s22+$0xC980] =	vst v9;
	v9 =	vadd.s32 $0x14, v2  }
0x470: {  	s1 =	sand.u32 $0x70, s25;
	s15 =	sand.u32 $0xC00, s26;
	[tilespmem:s20+$0xAA80] =	vst v12;
	v12 =	vld.idx.msk [tilespmem:v13+s3+$0x0], $0xffff;
	v13 =	vadd.s32 $0x6, v3  }
0x471: {  	s23 =	sor.u32 s1, s15;
	v14 =	vld.idx.msk [tilespmem:v14+s3+$0x0], $0xffff;
	[tilespmem:s18+$0xB900] =	vst v5;
	v5 =	vadd.s32 $0x19, v6  }
0x472: {  	[tilespmem:s23+$0x9A00] =	vst v15;
	v15 =	vadd.s32 $0xB, v1;
	v7 =	vld.idx.msk [tilespmem:v7+s3+$0x0], $0xffff  }
0x473: {  	v10 =	vld.idx.msk [tilespmem:v10+s3+$0x0], $0xffff;
	[tilespmem:s19+$0xBB80] =	vst v8;
	v8 =	vadd.s32 $0x10, v0  }
0x474: {  	[tilespmem:s21+$0x9C80] =	vst v11;
	v9 =	vld.idx.msk [tilespmem:v9+s3+$0x0], $0xffff;
	v11 =	vadd.s32 $0x2, v4  }
0x475: {  	v13 =	vld.idx.msk [tilespmem:v13+s3+$0x0], $0xffff;
	[tilespmem:s22+$0xCA00] =	vst v12;
	v12 =	vadd.s32 $0x15, v2  }
0x476: {  	[tilespmem:s20+$0xAB00] =	vst v14;
	v5 =	vld.idx.msk [tilespmem:v5+s3+$0x0], $0xffff;
	v14 =	vadd.s32 $0x7, v3  }
0x477: {  	v15 =	vld.idx.msk [tilespmem:v15+s3+$0x0], $0xffff;
	[tilespmem:s18+$0xB980] =	vst v7;
	v7 =	vadd.s32 $0x1A, v6  }
0x478: {  	[tilespmem:s23+$0x9A80] =	vst v10;
	v10 =	vadd.s32 $0xC, v1;
	v8 =	vld.idx.msk [tilespmem:v8+s3+$0x0], $0xffff  }
0x479: {  	v11 =	vld.idx.msk [tilespmem:v11+s3+$0x0], $0xffff;
	[tilespmem:s19+$0xBC00] =	vst v9;
	v9 =	vadd.s32 $0x11, v0  }
0x47a: {  	[tilespmem:s21+$0xA900] =	vst v13;
	v12 =	vld.idx.msk [tilespmem:v12+s3+$0x0], $0xffff;
	v13 =	vadd.s32 $0x3, v4  }
0x47b: {  	v14 =	vld.idx.msk [tilespmem:v14+s3+$0x0], $0xffff;
	[tilespmem:s22+$0xCA80] =	vst v5;
	v5 =	vadd.s32 $0x16, v2  }
0x47c: {  	[tilespmem:s20+$0xAB80] =	vst v15;
	v7 =	vld.idx.msk [tilespmem:v7+s3+$0x0], $0xffff;
	v15 =	vadd.s32 $0x8, v3  }
0x47d: {  	v10 =	vld.idx.msk [tilespmem:v10+s3+$0x0], $0xffff;
	[tilespmem:s18+$0xBA00] =	vst v8  }
0x47e: {  	v8 =	vadd.s32 $0x1B, v6;
	[tilespmem:s23+$0x9B00] =	vst v11;
	v9 =	vld.idx.msk [tilespmem:v9+s3+$0x0], $0xffff  }
0x47f: {  	v11 =	vadd.s32 $0xD, v1;
	v13 =	vld.idx.msk [tilespmem:v13+s3+$0x0], $0xffff;
	[tilespmem:s19+$0xBC80] =	vst v12  }
0x480: {  	v12 =	vadd.s32 $0x12, v0;
	[tilespmem:s21+$0xA980] =	vst v14;
	v14 =	vld.idx.msk [tilespmem:v5+s3+$0x0], $0xffff  }
0x481: {  	s25 =	simm.s32 $0x470;
	v16 =	vadd.s32 $0x4, v4;
	v15 =	vld.idx.msk [tilespmem:v15+s3+$0x0], $0xffff;
	[tilespmem:s22+$0xCB00] =	vst v7  }
0x482: {  	v5 =	vmul.u32 $0x21, v17;
	v7 =	vld [tilespmem:s25+$0x0];
	[tilespmem:s20+$0xAC00] =	vst v10;
	v10 =	vadd.s32 $0x17, v2  }
0x483: {  	v18 =	vadd.s32 $0x9, v3;
	v8 =	vld.idx.msk [tilespmem:v8+s3+$0x0], $0xffff  }
0x484: {  	vm15 =	vlt.u32 v17, $0x2;
	v5 =	vadd.s32 $0x2B5, v5;
	v11 =	vld.idx.msk [tilespmem:v11+s3+$0x0], $0xffff;
	[tilespmem:s18+$0xBA80] =	vst v9;
	v9 =	vadd.s32 $0x1C, v6  }
0x485: {  	v5 =	vnsel vm15, $0x294, v5;
	[tilespmem:s23+$0x9B80] =	vst v13;
	v12 =	vld.idx.msk [tilespmem:v12+s3+$0x0], $0xffff  }
0x486: {  	v13 =	vadd.s32 $0xE, v1;
	v16 =	vld.idx.msk [tilespmem:v16+s3+$0x0], $0xffff;
	[tilespmem:s19+$0xC900] =	vst v14  }
0x487: {  	v14 =	vadd.s32 $0x13, v0;
	[tilespmem:s21+$0xAA00] =	vst v15;
	v10 =	vld.idx.msk [tilespmem:v10+s3+$0x0], $0xffff  }
0x488: {  	v15 =	vadd.s32 $0x5, v4;
	v17 =	vld.idx.msk [tilespmem:v18+s3+$0x0], $0xffff;
	[tilespmem:s22+$0xCB80] =	vst v8  }
0x489: {  	v8 =	vadd.s32 $0x18, v2;
	v9 =	vld.idx.msk [tilespmem:v9+s3+$0x0], $0xffff  }
0x48a: {  	[tilespmem:s20+$0xAC80] =	vst v11;
	v11 =	vadd.s32 $0xA, v3;
	v18 =	vld.idx.msk [tilespmem:v5+s3+$0x0], $0xffff  }
0x48b: {  	v13 =	vld.idx.msk [tilespmem:v13+s3+$0x0], $0xffff;
	[tilespmem:s18+$0xBB00] =	vst v12;
	v12 =	vadd.s32 $0x1D, v6  }
0x48c: {  	v19 =	vadd.s32 $0x1, v5;
	[tilespmem:s23+$0x9C00] =	vst v16;
	v14 =	vld.idx.msk [tilespmem:v14+s3+$0x0], $0xffff  }
0x48d: {  	s30 =	simm.s32 $0x60;
	s26 =	simm.s32 $0x300;
	v16 =	vadd.s32 $0xF, v1;
	v15 =	vld.idx.msk [tilespmem:v15+s3+$0x0], $0xffff;
	[tilespmem:s19+$0xC980] =	vst v10  }
0x48e: {  	s1 =	sand.u32 $0x70, s30;
	s31 =	sand.u32 $0xC00, s26;
	[tilespmem:s21+$0xAA80] =	vst v17;
	v10 =	vadd.s32 $0x14, v0;
	v8 =	vld.idx.msk [tilespmem:v8+s3+$0x0], $0xffff  }
0x48f: {  	s24 =	sor.u32 s1, s31;
	v17 =	vadd.s32 $0x6, v4;
	v11 =	vld.idx.msk [tilespmem:v11+s3+$0x0], $0xffff;
	[tilespmem:s22+$0xCC00] =	vst v9  }
0x490: {  	v9 =	vadd.s32 $0x19, v2;
	[tilespmem:s24+$0x9A00] =	vst v18;
	v12 =	vld.idx.msk [tilespmem:v12+s3+$0x0], $0xffff  }
0x491: {  	[tilespmem:s20+$0xB900] =	vst v13;
	v13 =	vadd.s32 $0xB, v3;
	v18 =	vld.idx.msk [tilespmem:v19+s3+$0x0], $0xffff  }
0x492: {  	v16 =	vld.idx.msk [tilespmem:v16+s3+$0x0], $0xffff;
	[tilespmem:s18+$0xBB80] =	vst v14;
	v14 =	vadd.s32 $0x1E, v6  }
0x493: {  	v19 =	vadd.s32 $0x2, v5;
	[tilespmem:s23+$0x9C80] =	vst v15;
	v10 =	vld.idx.msk [tilespmem:v10+s3+$0x0], $0xffff  }
0x494: {  	v15 =	vadd.s32 $0x10, v1;
	v17 =	vld.idx.msk [tilespmem:v17+s3+$0x0], $0xffff;
	[tilespmem:s19+$0xCA00] =	vst v8  }
0x495: {  	[tilespmem:s21+$0xAB00] =	vst v11;
	v8 =	vadd.s32 $0x15, v0;
	v9 =	vld.idx.msk [tilespmem:v9+s3+$0x0], $0xffff  }
0x496: {  	v11 =	vadd.s32 $0x7, v4;
	v20 =	vld.idx.msk [tilespmem:v13+s3+$0x0], $0xffff;
	[tilespmem:s22+$0xCC80] =	vst v12  }
0x497: {  	v12 =	vadd.s32 $0x1A, v2;
	[tilespmem:s24+$0x9A80] =	vst v18;
	v21 =	vld.idx.msk [tilespmem:v14+s3+$0x0], $0xffff  }
0x498: {  	[tilespmem:s20+$0xB980] =	vst v16;
	v14 =	vadd.s32 $0xC, v3;
	v19 =	vld.idx.msk [tilespmem:v19+s3+$0x0], $0xffff  }
0x499: {  	v6 =	vadd.s32 $0x1F, v6;
	v15 =	vld.idx.msk [tilespmem:v15+s3+$0x0], $0xffff;
	[tilespmem:s18+$0xBC00] =	vst v10  }
0x49a: {  	v22 =	vadd.s32 $0x11, v1;
	[tilespmem:s23+$0xA900] =	vst v17;
	v13 =	vld.idx.msk [tilespmem:v8+s3+$0x0], $0xffff  }
0x49b: {  	v18 =	vadd.s32 $0x3, v5;
	v16 =	vld.idx.msk [tilespmem:v11+s3+$0x0], $0xffff;
	[tilespmem:s19+$0xCA80] =	vst v9  }
0x49c: {  	[tilespmem:s21+$0xAB80] =	vst v20;
	v10 =	vld.idx.msk [tilespmem:v12+s3+$0x0], $0xffff;
	v12 =	vadd.s32 $0x16, v0  }
0x49d: {  	v17 =	vadd.s32 $0x8, v4;
	v14 =	vld.idx.msk [tilespmem:v14+s3+$0x0], $0xffff;
	[tilespmem:s22+$0xD900] =	vst v21  }
0x49e: {  	v8 =	vadd.s32 $0x1B, v2;
	[tilespmem:s20+$0xBA00] =	vst v15;
	v11 =	vld.idx.msk [tilespmem:v6+s3+$0x0], $0xffff  }
0x49f: {  	s28 =	simm.s32 $0x70;
	s29 =	simm.s32 $0x80;
	[tilespmem:s24+$0x9B00] =	vst v19;
	v15 =	vadd.s32 $0xD, v3;
	v9 =	vld.idx.msk [tilespmem:v22+s3+$0x0], $0xffff  }
.LBB3_6:
0x4a0: {  	p0 =	sne.s32 s29, $0x1F0;
	v6 =	vld.idx.msk [tilespmem:v18+s3+$0x0], $0xffff;
	[tilespmem:s18+$0xBC80] =	vst v13  }
0x4a1: {  	v13 =	vadd.s32 $0x12, v1;
	[tilespmem:s23+$0xA980] =	vst v16;
	v12 =	vld.idx.msk [tilespmem:v12+s3+$0x0], $0xffff  }
0x4a2: {  	v16 =	vadd.s32 $0x4, v5;
	v17 =	vld.idx.msk [tilespmem:v17+s3+$0x0], $0xffff;
	[tilespmem:s19+$0xCB00] =	vst v10  }
0x4a3: {  	v10 =	vadd.s32 $0x17, v0;
	[tilespmem:s21+$0xAC00] =	vst v14;
	v8 =	vld.idx.msk [tilespmem:v8+s3+$0x0], $0xffff  }
0x4a4: {  	s25 =	sadd.s32 $0x10, s25;
	v18 =	vadd.s32 $0x9, v4;
	v14 =	vmul.u32 $0x21, v7;
	v15 =	vld.idx.msk [tilespmem:v15+s3+$0x0], $0xffff;
	[tilespmem:s22+$0xD980] =	vst v11;
	s22 =	smov.u32 s19;
	s19 =	smov.u32 s18  }
0x4a5: {  	s18 =	smov.u32 s20;
	v11 =	vld [tilespmem:s25+$0x0];
	[tilespmem:s20+$0xBA80] =	vst v9;
	v9 =	vadd.s32 $0x1C, v2;
	s20 =	smov.u32 s21;
	s21 =	smov.u32 s23  }
0x4a6: {  	vm0 =	vlt.u32 v7, $0x2;
	v7 =	vadd.s32 $0x2B5, v14;
	s23 =	smov.u32 s24;
	[tilespmem:s24+$0x9B80] =	vst v6;
	v6 =	vadd.s32 $0xE, v3;
	v13 =	vld.idx.msk [tilespmem:v13+s3+$0x0], $0xffff  }
0x4a7: {  	v14 =	vnsel vm0, $0x294, v7;
	v16 =	vld.idx.msk [tilespmem:v16+s3+$0x0], $0xffff;
	[tilespmem:s19+$0xC900] =	vst v12  }
0x4a8: {  	v12 =	vadd.s32 $0x13, v1;
	[tilespmem:s21+$0xAA00] =	vst v17;
	v10 =	vld.idx.msk [tilespmem:v10+s3+$0x0], $0xffff  }
0x4a9: {  	v17 =	vadd.s32 $0x5, v5;
	v18 =	vld.idx.msk [tilespmem:v18+s3+$0x0], $0xffff;
	[tilespmem:s22+$0xCB80] =	vst v8  }
0x4aa: {  	v8 =	vadd.s32 $0x18, v0;
	[tilespmem:s20+$0xAC80] =	vst v15;
	v9 =	vld.idx.msk [tilespmem:v9+s3+$0x0], $0xffff;
	v7 =	vmov v11  }
0x4ab: {  	v11 =	vadd.s32 $0xA, v4;
	v6 =	vld.idx.msk [tilespmem:v6+s3+$0x0], $0xffff  }
0x4ac: {  	v15 =	vld.idx.msk [tilespmem:v14+s3+$0x0], $0xffff;
	[tilespmem:s18+$0xBB00] =	vst v13;
	v13 =	vadd.s32 $0x1D, v2  }
0x4ad: {  	[tilespmem:s23+$0x9C00] =	vst v16;
	v16 =	vadd.s32 $0xF, v3;
	v12 =	vld.idx.msk [tilespmem:v12+s3+$0x0], $0xffff  }
0x4ae: {  	v19 =	vadd.s32 $0x1, v14;
	v17 =	vld.idx.msk [tilespmem:v17+s3+$0x0], $0xffff;
	[tilespmem:s19+$0xC980] =	vst v10  }
0x4af: {  	s26 =	sadd.s32 $0x80, s26;
	v10 =	vadd.s32 $0x14, v1;
	[tilespmem:s21+$0xAA80] =	vst v18;
	v8 =	vld.idx.msk [tilespmem:v8+s3+$0x0], $0xffff  }
0x4b0: {  	s1 =	sand.u32 $0x70, s28;
	s28 =	smov.u32 s29;
	s15 =	sand.u32 $0xC00, s26;
	v18 =	vadd.s32 $0x6, v5;
	v11 =	vld.idx.msk [tilespmem:v11+s3+$0x0], $0xffff;
	[tilespmem:s22+$0xCC00] =	vst v9  }
0x4b1: {  	s24 =	sor.u32 s1, s15;
	[tilespmem:s20+$0xB900] =	vst v6;
	v6 =	vadd.s32 $0x19, v0;
	v9 =	vld.idx.msk [tilespmem:v13+s3+$0x0], $0xffff  }
0x4b2: {  	v13 =	vadd.s32 $0xB, v4;
	[tilespmem:s24+$0x9A00] =	vst v15;
	v15 =	vld.idx.msk [tilespmem:v16+s3+$0x0], $0xffff  }
0x4b3: {  	v16 =	vld.idx.msk [tilespmem:v19+s3+$0x0], $0xffff;
	[tilespmem:s18+$0xBB80] =	vst v12;
	v12 =	vadd.s32 $0x1E, v2  }
0x4b4: {  	[tilespmem:s23+$0x9C80] =	vst v17;
	v17 =	vadd.s32 $0x10, v3;
	v10 =	vld.idx.msk [tilespmem:v10+s3+$0x0], $0xffff  }
0x4b5: {  	v19 =	vadd.s32 $0x2, v14;
	v18 =	vld.idx.msk [tilespmem:v18+s3+$0x0], $0xffff;
	[tilespmem:s19+$0xCA00] =	vst v8  }
0x4b6: {  	v8 =	vadd.s32 $0x15, v1;
	[tilespmem:s21+$0xAB00] =	vst v11;
	v6 =	vld.idx.msk [tilespmem:v6+s3+$0x0], $0xffff  }
0x4b7: {  	v11 =	vadd.s32 $0x7, v5;
	v20 =	vld.idx.msk [tilespmem:v13+s3+$0x0], $0xffff;
	[tilespmem:s22+$0xCC80] =	vst v9  }
0x4b8: {  	v9 =	vadd.s32 $0x1A, v0;
	[tilespmem:s20+$0xB980] =	vst v15;
	v15 =	vld.idx.msk [tilespmem:v12+s3+$0x0], $0xffff  }
0x4b9: {  	v21 =	vadd.s32 $0xC, v4;
	[tilespmem:s24+$0x9A80] =	vst v16;
	v22 =	vld.idx.msk [tilespmem:v17+s3+$0x0], $0xffff  }
0x4ba: {  	v23 =	vadd.s32 $0x1F, v2;
	v2 =	vmovc v0;
	v0 =	vmovc v1;
	v1 =	vmov v3;
	v3 =	vmov v4;
	v19 =	vld.idx.msk [tilespmem:v19+s3+$0x0], $0xffff;
	[tilespmem:s18+$0xBC00] =	vst v10  }
0x4bb: {  	v4 =	vmov v5;
	v5 =	vmov v14;
	v24 =	vadd.s32 $0x11, v1;
	[tilespmem:s23+$0xA900] =	vst v18;
	v13 =	vld.idx.msk [tilespmem:v8+s3+$0x0], $0xffff  }
.Ltmp2:
0x4bc: {  	v18 =	vadd.s32 $0x3, v5;
	v16 =	vld.idx.msk [tilespmem:v11+s3+$0x0], $0xffff;
	[tilespmem:s19+$0xCA80] =	vst v6;
	(pc) =	sbr.rel @p0 .LBB3_6-.Ltmp2, $4  }
0x4bd: {  	v12 =	vadd.s32 $0x16, v0;
	[tilespmem:s21+$0xAB80] =	vst v20;
	v10 =	vld.idx.msk [tilespmem:v9+s3+$0x0], $0xffff  }
0x4be: {  	v17 =	vadd.s32 $0x8, v4;
	v14 =	vld.idx.msk [tilespmem:v21+s3+$0x0], $0xffff;
	[tilespmem:s22+$0xD900] =	vst v15  }
0x4bf: {  	v8 =	vadd.s32 $0x1B, v2;
	[tilespmem:s20+$0xBA00] =	vst v22;
	v11 =	vld.idx.msk [tilespmem:v23+s3+$0x0], $0xffff  }
0x4c0: {  	s29 =	sadd.s32 $0x10, s29;
	v15 =	vadd.s32 $0xD, v3;
	[tilespmem:s24+$0x9B00] =	vst v19;
	v9 =	vld.idx.msk [tilespmem:v24+s3+$0x0], $0xffff  }
0x4c1: {  	v6 =	vmul.u32 $0x21, v7;
	_ =	sdelay $0x1  }
0x4c2: {  	vm0 =	vlt.u32 v7, $0x2;
	v6 =	vadd.s32 $0x2B5, v6  }
0x4c3: {  	v6 =	vnsel vm0, $0x294, v6;
	_ =	sdelay $0x4  }
0x4c4: {  	v46 =	vld.idx.msk [tilespmem:v6+s3+$0x0], $0xffff  }
0x4c5: {  	v19 =	vadd.s32 $0x1, v6  }
0x4c6: {  	s1 =	sadd.s32 $0x80, s26  }
0x4c7: {  	s15 =	sand.u32 $0x70, s28;
	s1 =	sand.u32 $0xC00, s1  }
0x4c8: {  	s25 =	sor.u32 s15, s1  }
0x4c9: {  	[tilespmem:s25+$0x9A00] =	vst v46  }
0x4ca: {  	v7 =	vld.idx.msk [tilespmem:v19+s3+$0x0], $0xffff  }
0x4cb: {  	v47 =	vadd.s32 $0x2, v6;
	_ =	sdelay $0x3  }
0x4cc: {  	[tilespmem:s25+$0x9A80] =	vst v7  }
0x4cd: {  	v7 =	vld.idx.msk [tilespmem:v47+s3+$0x0], $0xffff  }
0x4ce: {  	v48 =	vadd.s32 $0x3, v6;
	_ =	sdelay $0x3  }
0x4cf: {  	v18 =	vld.idx.msk [tilespmem:v18+s3+$0x0], $0xffff;
	[tilespmem:s25+$0x9B00] =	vst v7  }
0x4d0: {  	v49 =	vadd.s32 $0x4, v5;
	v19 =	vld.idx.msk [tilespmem:v48+s3+$0x0], $0xffff  }
0x4d1: {  	v20 =	vadd.s32 $0x4, v6;
	_ =	sdelay $0x2  }
0x4d2: {  	[tilespmem:s24+$0x9B80] =	vst v18  }
0x4d3: {  	v7 =	vld.idx.msk [tilespmem:v49+s3+$0x0], $0xffff;
	[tilespmem:s25+$0x9B80] =	vst v19  }
0x4d4: {  	v50 =	vadd.s32 $0x5, v5;
	v19 =	vld.idx.msk [tilespmem:v20+s3+$0x0], $0xffff  }
0x4d5: {  	v51 =	vadd.s32 $0x5, v6;
	_ =	sdelay $0x2  }
0x4d6: {  	[tilespmem:s24+$0x9C00] =	vst v7  }
0x4d7: {  	v7 =	vld.idx.msk [tilespmem:v50+s3+$0x0], $0xffff;
	[tilespmem:s25+$0x9C00] =	vst v19  }
0x4d8: {  	v52 =	vadd.s32 $0x6, v5;
	v19 =	vld.idx.msk [tilespmem:v51+s3+$0x0], $0xffff  }
0x4d9: {  	v53 =	vadd.s32 $0x6, v6;
	_ =	sdelay $0x2  }
0x4da: {  	[tilespmem:s24+$0x9C80] =	vst v7  }
0x4db: {  	v7 =	vld.idx.msk [tilespmem:v52+s3+$0x0], $0xffff;
	[tilespmem:s25+$0x9C80] =	vst v19  }
0x4dc: {  	v54 =	vadd.s32 $0x7, v5;
	v19 =	vld.idx.msk [tilespmem:v53+s3+$0x0], $0xffff  }
0x4dd: {  	v55 =	vadd.s32 $0x7, v6;
	_ =	sdelay $0x2  }
0x4de: {  	[tilespmem:s24+$0xA900] =	vst v7  }
0x4df: {  	v7 =	vld.idx.msk [tilespmem:v54+s3+$0x0], $0xffff;
	[tilespmem:s25+$0xA900] =	vst v19  }
0x4e0: {  	v56 =	vadd.s32 $0x8, v5;
	v19 =	vld.idx.msk [tilespmem:v55+s3+$0x0], $0xffff  }
0x4e1: {  	v57 =	vadd.s32 $0x8, v6;
	_ =	sdelay $0x1  }
0x4e2: {  	[tilespmem:s23+$0xA980] =	vst v16  }
0x4e3: {  	v16 =	vld.idx.msk [tilespmem:v17+s3+$0x0], $0xffff;
	[tilespmem:s24+$0xA980] =	vst v7  }
0x4e4: {  	v58 =	vadd.s32 $0x9, v4;
	v59 =	vld.idx.msk [tilespmem:v56+s3+$0x0], $0xffff;
	[tilespmem:s25+$0xA980] =	vst v19  }
0x4e5: {  	v60 =	vadd.s32 $0x9, v5;
	v19 =	vld.idx.msk [tilespmem:v57+s3+$0x0], $0xffff  }
0x4e6: {  	v61 =	vadd.s32 $0x9, v6;
	_ =	sdelay $0x1  }
0x4e7: {  	[tilespmem:s23+$0xAA00] =	vst v16  }
0x4e8: {  	v7 =	vld.idx.msk [tilespmem:v58+s3+$0x0], $0xffff;
	[tilespmem:s24+$0xAA00] =	vst v59  }
0x4e9: {  	v62 =	vadd.s32 $0xA, v4;
	v17 =	vld.idx.msk [tilespmem:v60+s3+$0x0], $0xffff;
	[tilespmem:s25+$0xAA00] =	vst v19  }
0x4ea: {  	v63 =	vadd.s32 $0xA, v5;
	v19 =	vld.idx.msk [tilespmem:v61+s3+$0x0], $0xffff  }
0x4eb: {  	v24 =	vadd.s32 $0xA, v6;
	_ =	sdelay $0x1  }
0x4ec: {  	[tilespmem:s23+$0xAA80] =	vst v7  }
0x4ed: {  	v7 =	vld.idx.msk [tilespmem:v62+s3+$0x0], $0xffff;
	[tilespmem:s24+$0xAA80] =	vst v17  }
0x4ee: {  	v25 =	vadd.s32 $0xB, v4;
	v17 =	vld.idx.msk [tilespmem:v63+s3+$0x0], $0xffff;
	[tilespmem:s25+$0xAA80] =	vst v19  }
0x4ef: {  	v26 =	vadd.s32 $0xB, v5;
	v19 =	vld.idx.msk [tilespmem:v24+s3+$0x0], $0xffff  }
0x4f0: {  	v27 =	vadd.s32 $0xB, v6;
	_ =	sdelay $0x1  }
0x4f1: {  	[tilespmem:s23+$0xAB00] =	vst v7  }
0x4f2: {  	v7 =	vld.idx.msk [tilespmem:v25+s3+$0x0], $0xffff;
	[tilespmem:s24+$0xAB00] =	vst v17  }
0x4f3: {  	v28 =	vadd.s32 $0xC, v4;
	v17 =	vld.idx.msk [tilespmem:v26+s3+$0x0], $0xffff;
	[tilespmem:s25+$0xAB00] =	vst v19  }
0x4f4: {  	v29 =	vadd.s32 $0xC, v5;
	v19 =	vld.idx.msk [tilespmem:v27+s3+$0x0], $0xffff  }
0x4f5: {  	v30 =	vadd.s32 $0xC, v6;
	_ =	sdelay $0x1  }
0x4f6: {  	[tilespmem:s23+$0xAB80] =	vst v7  }
0x4f7: {  	v7 =	vld.idx.msk [tilespmem:v28+s3+$0x0], $0xffff;
	[tilespmem:s24+$0xAB80] =	vst v17  }
0x4f8: {  	v31 =	vadd.s32 $0xD, v4;
	v17 =	vld.idx.msk [tilespmem:v29+s3+$0x0], $0xffff;
	[tilespmem:s25+$0xAB80] =	vst v19  }
0x4f9: {  	v32 =	vadd.s32 $0xD, v5;
	v19 =	vld.idx.msk [tilespmem:v30+s3+$0x0], $0xffff  }
0x4fa: {  	v33 =	vadd.s32 $0xD, v6  }
0x4fb: {  	[tilespmem:s21+$0xAC00] =	vst v14  }
0x4fc: {  	v14 =	vld.idx.msk [tilespmem:v15+s3+$0x0], $0xffff;
	[tilespmem:s23+$0xAC00] =	vst v7  }
0x4fd: {  	v34 =	vadd.s32 $0xE, v3;
	v35 =	vld.idx.msk [tilespmem:v31+s3+$0x0], $0xffff;
	[tilespmem:s24+$0xAC00] =	vst v17  }
0x4fe: {  	v36 =	vadd.s32 $0xE, v4;
	v17 =	vld.idx.msk [tilespmem:v32+s3+$0x0], $0xffff;
	[tilespmem:s25+$0xAC00] =	vst v19  }
0x4ff: {  	v37 =	vadd.s32 $0xE, v5;
	v19 =	vld.idx.msk [tilespmem:v33+s3+$0x0], $0xffff  }
0x500: {  	v38 =	vadd.s32 $0xE, v6  }
0x501: {  	[tilespmem:s21+$0xAC80] =	vst v14  }
0x502: {  	v7 =	vld.idx.msk [tilespmem:v34+s3+$0x0], $0xffff;
	[tilespmem:s23+$0xAC80] =	vst v35  }
0x503: {  	v39 =	vadd.s32 $0xF, v3;
	v15 =	vld.idx.msk [tilespmem:v36+s3+$0x0], $0xffff;
	[tilespmem:s24+$0xAC80] =	vst v17  }
0x504: {  	v40 =	vadd.s32 $0xF, v4;
	v17 =	vld.idx.msk [tilespmem:v37+s3+$0x0], $0xffff;
	[tilespmem:s25+$0xAC80] =	vst v19  }
0x505: {  	v41 =	vadd.s32 $0xF, v5;
	v19 =	vld.idx.msk [tilespmem:v38+s3+$0x0], $0xffff  }
0x506: {  	v42 =	vadd.s32 $0xF, v6  }
0x507: {  	[tilespmem:s21+$0xB900] =	vst v7  }
0x508: {  	v7 =	vld.idx.msk [tilespmem:v39+s3+$0x0], $0xffff;
	[tilespmem:s23+$0xB900] =	vst v15  }
0x509: {  	v43 =	vadd.s32 $0x10, v3;
	v15 =	vld.idx.msk [tilespmem:v40+s3+$0x0], $0xffff;
	[tilespmem:s24+$0xB900] =	vst v17  }
0x50a: {  	v44 =	vadd.s32 $0x10, v4;
	v17 =	vld.idx.msk [tilespmem:v41+s3+$0x0], $0xffff;
	[tilespmem:s25+$0xB900] =	vst v19  }
0x50b: {  	v45 =	vadd.s32 $0x10, v5;
	v19 =	vld.idx.msk [tilespmem:v42+s3+$0x0], $0xffff  }
0x50c: {  	[tilespmem:s18+$0xBC80] =	vst v13;
	v46 =	vadd.s32 $0x10, v6  }
0x50d: {  	[tilespmem:s21+$0xB980] =	vst v7  }
0x50e: {  	v7 =	vld.idx.msk [tilespmem:v43+s3+$0x0], $0xffff;
	[tilespmem:s23+$0xB980] =	vst v15  }
0x50f: {  	v47 =	vadd.s32 $0x11, v3;
	v15 =	vld.idx.msk [tilespmem:v44+s3+$0x0], $0xffff;
	[tilespmem:s24+$0xB980] =	vst v17  }
0x510: {  	v48 =	vadd.s32 $0x11, v4;
	v17 =	vld.idx.msk [tilespmem:v45+s3+$0x0], $0xffff;
	[tilespmem:s25+$0xB980] =	vst v19  }
0x511: {  	[tilespmem:s19+$0xCB00] =	vst v10;
	v49 =	vadd.s32 $0x11, v5;
	v13 =	vld.idx.msk [tilespmem:v46+s3+$0x0], $0xffff  }
0x512: {  	[tilespmem:s22+$0xD980] =	vst v11;
	v50 =	vadd.s32 $0x11, v6  }
0x513: {  	v12 =	vld.idx.msk [tilespmem:v12+s3+$0x0], $0xffff;
	[tilespmem:s21+$0xBA00] =	vst v7  }
0x514: {  	v51 =	vadd.s32 $0x12, v1;
	v14 =	vld.idx.msk [tilespmem:v47+s3+$0x0], $0xffff;
	[tilespmem:s23+$0xBA00] =	vst v15  }
0x515: {  	v52 =	vadd.s32 $0x12, v3;
	v16 =	vld.idx.msk [tilespmem:v48+s3+$0x0], $0xffff;
	[tilespmem:s24+$0xBA00] =	vst v17  }
0x516: {  	v53 =	vadd.s32 $0x12, v4;
	v10 =	vld.idx.msk [tilespmem:v49+s3+$0x0], $0xffff;
	[tilespmem:s25+$0xBA00] =	vst v13  }
0x517: {  	[tilespmem:s20+$0xBA80] =	vst v9;
	v54 =	vadd.s32 $0x12, v5;
	v11 =	vld.idx.msk [tilespmem:v50+s3+$0x0], $0xffff  }
0x518: {  	v8 =	vld.idx.msk [tilespmem:v8+s3+$0x0], $0xffff;
	[tilespmem:s18+$0xC900] =	vst v12;
	v55 =	vadd.s32 $0x12, v6  }
0x519: {  	v56 =	vadd.s32 $0x17, v0;
	v7 =	vld.idx.msk [tilespmem:v51+s3+$0x0], $0xffff;
	[tilespmem:s21+$0xBA80] =	vst v14  }
0x51a: {  	v57 =	vadd.s32 $0x13, v1;
	v15 =	vld.idx.msk [tilespmem:v52+s3+$0x0], $0xffff;
	[tilespmem:s23+$0xBA80] =	vst v16  }
0x51b: {  	v58 =	vadd.s32 $0x13, v3;
	v17 =	vld.idx.msk [tilespmem:v53+s3+$0x0], $0xffff;
	[tilespmem:s24+$0xBA80] =	vst v10  }
0x51c: {  	v59 =	vadd.s32 $0x13, v4;
	v9 =	vld.idx.msk [tilespmem:v54+s3+$0x0], $0xffff;
	[tilespmem:s25+$0xBA80] =	vst v11  }
0x51d: {  	[tilespmem:s19+$0xCB80] =	vst v8;
	v60 =	vadd.s32 $0x13, v5;
	v11 =	vld.idx.msk [tilespmem:v55+s3+$0x0], $0xffff  }
0x51e: {  	v62 =	vadd.s32 $0x13, v6;
	v61 =	vld.idx.msk [tilespmem:v56+s3+$0x0], $0xffff;
	[tilespmem:s20+$0xBB00] =	vst v7  }
0x51f: {  	v63 =	vadd.s32 $0x1C, v2;
	v14 =	vld.idx.msk [tilespmem:v57+s3+$0x0], $0xffff;
	[tilespmem:s21+$0xBB00] =	vst v15  }
0x520: {  	v20 =	vadd.s32 $0x14, v1;
	v16 =	vld.idx.msk [tilespmem:v58+s3+$0x0], $0xffff;
	[tilespmem:s23+$0xBB00] =	vst v17  }
0x521: {  	v21 =	vadd.s32 $0x14, v3;
	v10 =	vld.idx.msk [tilespmem:v59+s3+$0x0], $0xffff;
	[tilespmem:s24+$0xBB00] =	vst v9  }
0x522: {  	v22 =	vadd.s32 $0x14, v4;
	v8 =	vld.idx.msk [tilespmem:v60+s3+$0x0], $0xffff;
	[tilespmem:s25+$0xBB00] =	vst v11  }
0x523: {  	v23 =	vadd.s32 $0x14, v5;
	[tilespmem:s18+$0xC980] =	vst v61;
	v7 =	vld.idx.msk [tilespmem:v62+s3+$0x0], $0xffff  }
0x524: {  	v25 =	vadd.s32 $0x14, v6;
	v24 =	vld.idx.msk [tilespmem:v63+s3+$0x0], $0xffff;
	[tilespmem:s20+$0xBB80] =	vst v14  }
0x525: {  	v26 =	vadd.s32 $0x18, v0;
	v15 =	vld.idx.msk [tilespmem:v20+s3+$0x0], $0xffff;
	[tilespmem:s21+$0xBB80] =	vst v16  }
0x526: {  	v27 =	vadd.s32 $0x15, v1;
	v17 =	vld.idx.msk [tilespmem:v21+s3+$0x0], $0xffff;
	[tilespmem:s23+$0xBB80] =	vst v10  }
0x527: {  	v28 =	vadd.s32 $0x15, v3;
	v9 =	vld.idx.msk [tilespmem:v22+s3+$0x0], $0xffff;
	[tilespmem:s24+$0xBB80] =	vst v8  }
0x528: {  	v29 =	vadd.s32 $0x15, v4;
	v11 =	vld.idx.msk [tilespmem:v23+s3+$0x0], $0xffff;
	[tilespmem:s25+$0xBB80] =	vst v7  }
0x529: {  	[tilespmem:s19+$0xCC00] =	vst v24;
	v30 =	vadd.s32 $0x15, v5;
	v31 =	vld.idx.msk [tilespmem:v25+s3+$0x0], $0xffff  }
0x52a: {  	v32 =	vld.idx.msk [tilespmem:v26+s3+$0x0], $0xffff;
	v33 =	vadd.s32 $0x15, v6;
	[tilespmem:s20+$0xBC00] =	vst v15  }
0x52b: {  	v34 =	vadd.s32 $0x1D, v2;
	v16 =	vld.idx.msk [tilespmem:v27+s3+$0x0], $0xffff;
	[tilespmem:s21+$0xBC00] =	vst v17  }
0x52c: {  	v35 =	vadd.s32 $0x16, v1;
	v10 =	vld.idx.msk [tilespmem:v28+s3+$0x0], $0xffff;
	[tilespmem:s23+$0xBC00] =	vst v9  }
0x52d: {  	v36 =	vadd.s32 $0x16, v3;
	v8 =	vld.idx.msk [tilespmem:v29+s3+$0x0], $0xffff;
	[tilespmem:s24+$0xBC00] =	vst v11  }
0x52e: {  	v37 =	vadd.s32 $0x16, v4;
	v7 =	vld.idx.msk [tilespmem:v30+s3+$0x0], $0xffff;
	[tilespmem:s25+$0xBC00] =	vst v31  }
0x52f: {  	[tilespmem:s18+$0xCA00] =	vst v32;
	v38 =	vadd.s32 $0x16, v5;
	v39 =	vld.idx.msk [tilespmem:v33+s3+$0x0], $0xffff  }
0x530: {  	v40 =	vld.idx.msk [tilespmem:v34+s3+$0x0], $0xffff;
	v41 =	vadd.s32 $0x16, v6;
	[tilespmem:s20+$0xBC80] =	vst v16  }
0x531: {  	v42 =	vadd.s32 $0x19, v0;
	v17 =	vld.idx.msk [tilespmem:v35+s3+$0x0], $0xffff;
	[tilespmem:s21+$0xBC80] =	vst v10  }
0x532: {  	v43 =	vadd.s32 $0x17, v1;
	v9 =	vld.idx.msk [tilespmem:v36+s3+$0x0], $0xffff;
	[tilespmem:s23+$0xBC80] =	vst v8  }
0x533: {  	v44 =	vadd.s32 $0x17, v3;
	v11 =	vld.idx.msk [tilespmem:v37+s3+$0x0], $0xffff;
	[tilespmem:s24+$0xBC80] =	vst v7  }
0x534: {  	v45 =	vadd.s32 $0x17, v4;
	v12 =	vld.idx.msk [tilespmem:v38+s3+$0x0], $0xffff;
	[tilespmem:s25+$0xBC80] =	vst v39  }
0x535: {  	[tilespmem:s19+$0xCC80] =	vst v40;
	v46 =	vadd.s32 $0x17, v5;
	v47 =	vld.idx.msk [tilespmem:v41+s3+$0x0], $0xffff  }
0x536: {  	v48 =	vld.idx.msk [tilespmem:v42+s3+$0x0], $0xffff;
	v49 =	vadd.s32 $0x17, v6;
	[tilespmem:s20+$0xC900] =	vst v17  }
0x537: {  	v58 =	vadd.s32 $0x1A, v0;
	v10 =	vld.idx.msk [tilespmem:v43+s3+$0x0], $0xffff;
	[tilespmem:s21+$0xC900] =	vst v9  }
0x538: {  	v51 =	vadd.s32 $0x18, v1;
	v8 =	vld.idx.msk [tilespmem:v44+s3+$0x0], $0xffff;
	[tilespmem:s23+$0xC900] =	vst v11  }
0x539: {  	v52 =	vadd.s32 $0x18, v3;
	v7 =	vld.idx.msk [tilespmem:v45+s3+$0x0], $0xffff;
	[tilespmem:s24+$0xC900] =	vst v12  }
0x53a: {  	v53 =	vadd.s32 $0x18, v4;
	v13 =	vld.idx.msk [tilespmem:v46+s3+$0x0], $0xffff;
	[tilespmem:s25+$0xC900] =	vst v47  }
0x53b: {  	[tilespmem:s18+$0xCA80] =	vst v48;
	v54 =	vadd.s32 $0x18, v5;
	v55 =	vld.idx.msk [tilespmem:v49+s3+$0x0], $0xffff  }
0x53c: {  	v57 =	vadd.s32 $0x18, v6;
	v63 =	vld.idx.msk [tilespmem:v58+s3+$0x0], $0xffff;
	[tilespmem:s20+$0xC980] =	vst v10  }
0x53d: {  	v50 =	vadd.s32 $0x1E, v2;
	v9 =	vld.idx.msk [tilespmem:v51+s3+$0x0], $0xffff;
	[tilespmem:s21+$0xC980] =	vst v8  }
0x53e: {  	v59 =	vadd.s32 $0x19, v1;
	v11 =	vld.idx.msk [tilespmem:v52+s3+$0x0], $0xffff;
	[tilespmem:s23+$0xC980] =	vst v7  }
0x53f: {  	v60 =	vadd.s32 $0x19, v3;
	v12 =	vld.idx.msk [tilespmem:v53+s3+$0x0], $0xffff;
	[tilespmem:s24+$0xC980] =	vst v13  }
0x540: {  	v61 =	vadd.s32 $0x19, v4;
	v14 =	vld.idx.msk [tilespmem:v54+s3+$0x0], $0xffff;
	[tilespmem:s25+$0xC980] =	vst v55  }
0x541: {  	[tilespmem:s18+$0xCB00] =	vst v63;
	v62 =	vadd.s32 $0x19, v5;
	v10 =	vld.idx.msk [tilespmem:v57+s3+$0x0], $0xffff  }
0x542: {  	v19 =	vadd.s32 $0x19, v6;
	v56 =	vld.idx.msk [tilespmem:v50+s3+$0x0], $0xffff;
	[tilespmem:s20+$0xCA00] =	vst v9  }
0x543: {  	v20 =	vadd.s32 $0x1F, v2;
	v8 =	vld.idx.msk [tilespmem:v59+s3+$0x0], $0xffff;
	[tilespmem:s21+$0xCA00] =	vst v11  }
0x544: {  	v21 =	vadd.s32 $0x1A, v1;
	v7 =	vld.idx.msk [tilespmem:v60+s3+$0x0], $0xffff;
	[tilespmem:s23+$0xCA00] =	vst v12  }
0x545: {  	v22 =	vadd.s32 $0x1A, v3;
	v13 =	vld.idx.msk [tilespmem:v61+s3+$0x0], $0xffff;
	[tilespmem:s24+$0xCA00] =	vst v14  }
0x546: {  	v23 =	vadd.s32 $0x1A, v4;
	v15 =	vld.idx.msk [tilespmem:v62+s3+$0x0], $0xffff;
	[tilespmem:s25+$0xCA00] =	vst v10  }
0x547: {  	v24 =	vadd.s32 $0x1A, v5;
	[tilespmem:s19+$0xD900] =	vst v56;
	v9 =	vld.idx.msk [tilespmem:v19+s3+$0x0], $0xffff  }
0x548: {  	v2 =	vld.idx.msk [tilespmem:v20+s3+$0x0], $0xffff;
	v25 =	vadd.s32 $0x1A, v6;
	[tilespmem:s20+$0xCA80] =	vst v8  }
0x549: {  	v26 =	vadd.s32 $0x1B, v0;
	v11 =	vld.idx.msk [tilespmem:v21+s3+$0x0], $0xffff;
	[tilespmem:s21+$0xCA80] =	vst v7  }
0x54a: {  	v27 =	vadd.s32 $0x1B, v1;
	v12 =	vld.idx.msk [tilespmem:v22+s3+$0x0], $0xffff;
	[tilespmem:s23+$0xCA80] =	vst v13  }
0x54b: {  	v28 =	vadd.s32 $0x1B, v3;
	v14 =	vld.idx.msk [tilespmem:v23+s3+$0x0], $0xffff;
	[tilespmem:s24+$0xCA80] =	vst v15  }
0x54c: {  	v29 =	vadd.s32 $0x1B, v4;
	v10 =	vld.idx.msk [tilespmem:v24+s3+$0x0], $0xffff;
	[tilespmem:s25+$0xCA80] =	vst v9  }
0x54d: {  	[tilespmem:s19+$0xD980] =	vst v2;
	v30 =	vadd.s32 $0x1B, v5;
	v8 =	vld.idx.msk [tilespmem:v25+s3+$0x0], $0xffff  }
0x54e: {  	v32 =	vadd.s32 $0x1B, v6;
	v31 =	vld.idx.msk [tilespmem:v26+s3+$0x0], $0xffff;
	[tilespmem:s20+$0xCB00] =	vst v11  }
0x54f: {  	v33 =	vadd.s32 $0x1C, v0;
	v7 =	vld.idx.msk [tilespmem:v27+s3+$0x0], $0xffff;
	[tilespmem:s21+$0xCB00] =	vst v12  }
0x550: {  	v34 =	vadd.s32 $0x1C, v1;
	v13 =	vld.idx.msk [tilespmem:v28+s3+$0x0], $0xffff;
	[tilespmem:s23+$0xCB00] =	vst v14  }
0x551: {  	v35 =	vadd.s32 $0x1C, v3;
	v15 =	vld.idx.msk [tilespmem:v29+s3+$0x0], $0xffff;
	[tilespmem:s24+$0xCB00] =	vst v10  }
0x552: {  	v36 =	vadd.s32 $0x1C, v4;
	v2 =	vld.idx.msk [tilespmem:v30+s3+$0x0], $0xffff;
	[tilespmem:s25+$0xCB00] =	vst v8  }
0x553: {  	v37 =	vadd.s32 $0x1C, v5;
	[tilespmem:s18+$0xCB80] =	vst v31;
	v38 =	vld.idx.msk [tilespmem:v32+s3+$0x0], $0xffff  }
0x554: {  	v40 =	vadd.s32 $0x1C, v6;
	v39 =	vld.idx.msk [tilespmem:v33+s3+$0x0], $0xffff;
	[tilespmem:s20+$0xCB80] =	vst v7  }
0x555: {  	v41 =	vadd.s32 $0x1D, v0;
	v12 =	vld.idx.msk [tilespmem:v34+s3+$0x0], $0xffff;
	[tilespmem:s21+$0xCB80] =	vst v13  }
0x556: {  	v42 =	vadd.s32 $0x1D, v1;
	v14 =	vld.idx.msk [tilespmem:v35+s3+$0x0], $0xffff;
	[tilespmem:s23+$0xCB80] =	vst v15  }
0x557: {  	v43 =	vadd.s32 $0x1D, v3;
	v10 =	vld.idx.msk [tilespmem:v36+s3+$0x0], $0xffff;
	[tilespmem:s24+$0xCB80] =	vst v2  }
0x558: {  	v44 =	vadd.s32 $0x1D, v4;
	v8 =	vld.idx.msk [tilespmem:v37+s3+$0x0], $0xffff;
	[tilespmem:s25+$0xCB80] =	vst v38  }
0x559: {  	v45 =	vadd.s32 $0x1D, v5;
	[tilespmem:s18+$0xCC00] =	vst v39;
	v7 =	vld.idx.msk [tilespmem:v40+s3+$0x0], $0xffff  }
0x55a: {  	v46 =	vadd.s32 $0x1D, v6;
	v11 =	vld.idx.msk [tilespmem:v41+s3+$0x0], $0xffff;
	[tilespmem:s20+$0xCC00] =	vst v12  }
0x55b: {  	v47 =	vadd.s32 $0x1E, v0;
	v13 =	vld.idx.msk [tilespmem:v42+s3+$0x0], $0xffff;
	[tilespmem:s21+$0xCC00] =	vst v14  }
0x55c: {  	v48 =	vadd.s32 $0x1E, v1;
	v15 =	vld.idx.msk [tilespmem:v43+s3+$0x0], $0xffff;
	[tilespmem:s23+$0xCC00] =	vst v10  }
0x55d: {  	v49 =	vadd.s32 $0x1E, v3;
	v2 =	vld.idx.msk [tilespmem:v44+s3+$0x0], $0xffff;
	[tilespmem:s24+$0xCC00] =	vst v8  }
0x55e: {  	v50 =	vadd.s32 $0x1E, v4;
	v9 =	vld.idx.msk [tilespmem:v45+s3+$0x0], $0xffff;
	[tilespmem:s25+$0xCC00] =	vst v7  }
0x55f: {  	v51 =	vadd.s32 $0x1E, v5;
	[tilespmem:s18+$0xCC80] =	vst v11;
	v52 =	vld.idx.msk [tilespmem:v46+s3+$0x0], $0xffff  }
0x560: {  	v54 =	vadd.s32 $0x1E, v6;
	v53 =	vld.idx.msk [tilespmem:v47+s3+$0x0], $0xffff;
	[tilespmem:s20+$0xCC80] =	vst v13  }
0x561: {  	v55 =	vadd.s32 $0x1F, v0;
	v14 =	vld.idx.msk [tilespmem:v48+s3+$0x0], $0xffff;
	[tilespmem:s21+$0xCC80] =	vst v15  }
0x562: {  	v56 =	vadd.s32 $0x1F, v1;
	v10 =	vld.idx.msk [tilespmem:v49+s3+$0x0], $0xffff;
	[tilespmem:s23+$0xCC80] =	vst v2  }
0x563: {  	v57 =	vadd.s32 $0x1F, v3;
	v58 =	vld.idx.msk [tilespmem:v50+s3+$0x0], $0xffff;
	[tilespmem:s24+$0xCC80] =	vst v9  }
0x564: {  	v59 =	vadd.s32 $0x1F, v4;
	v7 =	vld.idx.msk [tilespmem:v51+s3+$0x0], $0xffff;
	[tilespmem:s25+$0xCC80] =	vst v52  }
0x565: {  	v60 =	vadd.s32 $0x1F, v5;
	[tilespmem:s18+$0xD900] =	vst v53;
	v61 =	vld.idx.msk [tilespmem:v54+s3+$0x0], $0xffff  }
0x566: {  	v6 =	vadd.s32 $0x1F, v6;
	v0 =	vld.idx.msk [tilespmem:v55+s3+$0x0], $0xffff;
	[tilespmem:s20+$0xD900] =	vst v14  }
0x567: {  	v1 =	vld.idx.msk [tilespmem:v56+s3+$0x0], $0xffff;
	[tilespmem:s21+$0xD900] =	vst v10  }
0x568: {  	v2 =	vld.idx.msk [tilespmem:v57+s3+$0x0], $0xffff;
	[tilespmem:s23+$0xD900] =	vst v58  }
0x569: {  	v3 =	vld.idx.msk [tilespmem:v59+s3+$0x0], $0xffff;
	[tilespmem:s24+$0xD900] =	vst v7  }
0x56a: {  	v62 =	vld.idx.msk [tilespmem:v60+s3+$0x0], $0xffff;
	[tilespmem:s25+$0xD900] =	vst v61  }
0x56b: {  	[tilespmem:s18+$0xD980] =	vst v0;
	v63 =	vld.idx.msk [tilespmem:v6+s3+$0x0], $0xffff  }
0x56c: {  	[tilespmem:s20+$0xD980] =	vst v1  }
0x56d: {  	[tilespmem:s21+$0xD980] =	vst v2  }
0x56e: {  	[tilespmem:s23+$0xD980] =	vst v3  }
0x56f: {  	[tilespmem:s24+$0xD980] =	vst v62  }
0x570: {  	[tilespmem:s25+$0xD980] =	vst v63  }
0x571: {  	_ =	swait.ge [sflag:s0], $0x200  }
0x572: {  	[sflag:s0] =	ssyncset.done $0x0  }
0x573: {  	[sflag:s0] =	ssyncadd.s32 $0xFFFFFE00  }
0x574: {  	_ =	swait.ge [sflag:s0], $0x200  }
0x575: {  	[sflag:s0] =	ssyncset.done $0x0  }
0x576: {  	[sflag:s0] =	ssyncadd.s32 $0xFFFFFE00  }
0x577: {  	_ =	swait.ge [sflag:s0], $0x200  }
0x578: {  	[sflag:s0] =	ssyncset.done $0x0  }
0x579: {  	[sflag:s0] =	ssyncadd.s32 $0xFFFFFE00  }
0x57a: {  	_ =	swait.ge [sflag:s0], $0x200  }
0x57b: {  	[sflag:s0] =	ssyncset.done $0x0  }
0x57c: {  	[sflag:s0] =	ssyncadd.s32 $0xFFFFFE00  }
0x57d: {  	_ =	swait.ge [sflag:s0], $0x200  }
0x57e: {  	[sflag:s0] =	ssyncset.done $0x0  }
0x57f: {  	[sflag:s0] =	ssyncadd.s32 $0xFFFFFE00  }
0x580: {  	_ =	swait.ge [sflag:s0], $0x200  }
0x581: {  	[sflag:s0] =	ssyncset.done $0x0  }
0x582: {  	[sflag:s0] =	ssyncadd.s32 $0xFFFFFE00  }
0x583: {  	_ =	swait.ge [sflag:s0], $0x200  }
0x584: {  	[sflag:s0] =	ssyncset.done $0x0  }
0x585: {  	[sflag:s0] =	ssyncadd.s32 $0xFFFFFE00  }
0x586: {  	_ =	swait.ge [sflag:s0], $0x200  }
0x587: {  	[sflag:s0] =	ssyncset.done $0x0  }
0x588: {  	[sflag:s0] =	ssyncadd.s32 $0xFFFFFE00  }
0x589: {  	_ =	swait.ge [sflag:s0], $0x200  }
0x58a: {  	[sflag:s0] =	ssyncset.done $0x0  }
0x58b: {  	[sflag:s0] =	ssyncadd.s32 $0xFFFFFE00  }
0x58c: {  	_ =	swait.ge [sflag:s0], $0x200  }
0x58d: {  	[sflag:s0] =	ssyncset.done $0x0  }
0x58e: {  	s18 =	simm.s32 $0x8900;
	s30 =	rddreg [dreg:$0x14];
	[sflag:s0] =	ssyncadd.s32 $0xFFFFFE00  }
0x58f: {  	[hbm4b:s30+s4] =	stream.strided.scatter [tilespmem:s18], [sflag:$0x1], $0x6000, s5, s4, $0x38;
	[tilespmem:$0xE900] =	vst v63  }
0x590: {  	_ =	swait.ge [sflag:s0], $0x4000  }
0x591: {  	[sflag:s0] =	ssyncset.done $0x0  }
0x592: {  	[sflag:s0] =	ssyncadd.s32 $0xFFFFC000  }
0x593: {  	_ =	swait.ge [sflag:s0], $0x4000  }
0x594: {  	[sflag:s0] =	ssyncset.done $0x0  }
0x595: {  	[sflag:s0] =	ssyncadd.s32 $0xFFFFC000  }
0x596: {  	_ =	swait.ge [sflag:s0], $0x6000  }
0x597: {  	s6 =	sadd.s32 $0x1, s6;
	s31 =	rddreg [dreg:$0x15]  }
0x598: {  	p0 =	sne.s32 s6, s31  }
.Ltmp3:
0x599: {  	_ = 	snop;
	(pc) =	sbr.rel @p0 .LBB3_1-.Ltmp3, $3  }
0x59a: {  	_ =	sdelay $0x1  }
0x59b: {  	[sflag:s0] =	ssyncset.done $0x0  }
0x59c: {  	[sflag:s0] =	ssyncadd.s32 $0xFFFFA000  }
0x59d: {  	_ =	sfence.sel $0x180000  }
0x59e: {  	[bflag:$0x0] =	sbarrier.arrive $0xFFFF  }
0x59f: {  	_ =	strace $0x90000047  }
0x5a0: {  	s0 =	stileid.u32;
	[bflag:$0x2] =	sbarrier.arrive $0xFFFF  }
0x5a1: {  	p0 =	sne.s32 s0, $0x0;
	s0 =	rddreg [dreg:$0xe]  }
0x5a2: {  	s0 =	sadd.s32 @!p0 $0x100000, s0  }
0x5a3: {  	[sflag:s0] =	ssyncadd.tile.s32 @!p0 $0x1;
	_ =	shalt  }
.Lfunc_end3:
_tile_overlayer_lowered:
.L_overlay_start_3:
0x5a4: {  	(tag) =	ssettag $0x3  }
0x5a5: {  	s0 =	rddreg [dreg:$0x0];
	s2 =	stileid.u32  }
0x5a6: {  	s1 =	rddreg [dreg:$0x1];
	p0 =	sne.s32 s2, $0x0  }
0x5a7: {  	s3 =	rddreg [dreg:$0x2];
	[bflag:$0x3] =	sbarrier.arrive $0xFFFF;
	s2 =	simm.s32 @!p0 $0x1C02  }
0x5a8: {  	[timem:s3], [sflag:s2] =	dma.local @!p0 [hbm:s0], s1  }
0x5a9: {  	s0 =	simm.s32 @!p0 $0x2  }
0x5aa: {  	_ =	swait.ge @!p0 [sflag:s0], s1  }
0x5ab: {  	s1 =	ssub.s32 @!p0 $0x0, s1;
	[sflag:s0] =	ssyncset.done @!p0 $0x0  }
0x5ac: {  	[sflag:s0] =	ssyncadd.s32 @!p0 s1  }
0x5ad: {  	[bflag:$0x3] =	sbarrier.arrive $0xFFFF  }
0x5ae: {  	_ =	shalt  }

</sc_bundles>
